<compile_context>
chip_gen: v7x
topology: tpu7x:2x2x1
jax: 0.10.2.dev20260603
libtpu: 0.0.44.dev20260713+nightly
codegen_flags: <defaults>
</compile_context>

<pallas_src>
import functools

import jax
import jax.numpy as jnp
from jax import lax
from jax.experimental import pallas as pl
from jax.experimental.pallas import tpu as pltpu
from jax.experimental.pallas import tpu_sc as plsc

D = 128
N_GRID = 10000
N_MESH = 10000
E = 320000

_NC = 2
_NS = 16
_NW = _NC * _NS
_EPW = E // _NW
_CH = 80
_NCHUNK = _EPW // _CH
_NPAD = 10240
_STRIPE = _NPAD // _NS


def _silu(x):
    return x * jax.nn.sigmoid(x)


def _ln(y, g, bt):
    mu = jnp.mean(y, axis=-1, keepdims=True)
    yc = y - mu
    var = jnp.mean(yc * yc, axis=-1, keepdims=True)
    return yc * lax.rsqrt(var + 1e-5) * g + bt


def _full_spec(a):
    nd = a.ndim
    return pl.BlockSpec(a.shape, lambda i, _n=nd: (0,) * _n)


def _row_spec(rows, cols):
    return pl.BlockSpec((rows, cols), lambda i: (i, 0))



def _gm_body(xg, xm,
             gw1, gb1, gw2, gb2, gg, gbt, ws,
             mw1, mb1, mw2, mb2, mg, mbt, wd,
             g_ref, gs_ref, m_ref, md_ref):
    h = _silu(jnp.dot(xg[...], gw1[...], preferred_element_type=jnp.float32)
              + gb1[...])
    g = _ln(jnp.dot(h, gw2[...], preferred_element_type=jnp.float32)
            + gb2[...], gg[...], gbt[...])
    g_ref[...] = g
    gs_ref[...] = jnp.dot(g, ws[...], preferred_element_type=jnp.float32)
    hm = _silu(jnp.dot(xm[...], mw1[...], preferred_element_type=jnp.float32)
               + mb1[...])
    m = _ln(jnp.dot(hm, mw2[...], preferred_element_type=jnp.float32)
            + mb2[...], mg[...], mbt[...])
    m_ref[...] = m
    md_ref[...] = jnp.dot(m, wd[...], preferred_element_type=jnp.float32)


def _gout_body(g, nw1, nb1, nw2, nb2, ng, nbt, gout_ref):
    h2 = _silu(jnp.dot(g[...], nw1[...], preferred_element_type=jnp.float32)
               + nb1[...])
    y2 = jnp.dot(h2, nw2[...], preferred_element_type=jnp.float32) + nb2[...]
    gout_ref[...] = g[...] + _ln(y2, ng[...], nbt[...])


def _edge_body(eft, sump, ew1, eb1, ew2, eb2, eg, ebt,
               we, ib1, iw2, ib2, ig, ibt, eout_ref, enew_ref):
    h0pre = jax.lax.dot_general(
        eft[...], ew1[...], (((0,), (0,)), ((), ())),
        preferred_element_type=jnp.float32)
    h0 = _silu(h0pre + eb1[...])
    e = _ln(jnp.dot(h0, ew2[...], preferred_element_type=jnp.float32)
            + eb2[...], eg[...], ebt[...])
    pre = (jnp.dot(e, we[...], preferred_element_type=jnp.float32) + ib1[...]
           + sump[...])
    h = _silu(pre)
    en = _ln(jnp.dot(h, iw2[...], preferred_element_type=jnp.float32)
             + ib2[...], ig[...], ibt[...])
    enew_ref[...] = en
    eout_ref[...] = e + en


def _node_body(m, pa0, pa1, pb0, pb1, wa, wm, b1, w2, b2, gg, bt, mout_ref):
    agg = pa0[0] + pa1[0] + pb0[0] + pb1[0]
    h = _silu(jnp.dot(agg, wa[...], preferred_element_type=jnp.float32)
              + jnp.dot(m[...], wm[...], preferred_element_type=jnp.float32)
              + b1[...])
    mn = _ln(jnp.dot(h, w2[...], preferred_element_type=jnp.float32) + b2[...],
             gg[...], bt[...])
    mout_ref[...] = m[...] + mn


def _run_rows(body, grid_n, row_block, ins, outs, n_blocked=1):
    out_shape = tuple(jax.ShapeDtypeStruct((grid_n * row_block, c), dt)
                      for c, dt in outs)
    in_specs = [_row_spec(row_block, a.shape[-1]) if k < n_blocked
                else _full_spec(a) for k, a in enumerate(ins)]
    out_specs = tuple(_row_spec(row_block, c) for c, _ in outs)
    one = len(outs) == 1
    return pl.pallas_call(
        body,
        grid=(grid_n,),
        in_specs=in_specs,
        out_specs=out_specs[0] if one else out_specs,
        out_shape=out_shape[0] if one else out_shape,
    )(*ins)



@functools.lru_cache(maxsize=None)
def _build_sc_gather(nch):
    mesh = plsc.VectorSubcoreMesh(core_axis_name="c", subcore_axis_name="s")
    P = 4
    NRING = (nch // P) * P
    epw = nch * _CH

    @functools.partial(
        pl.kernel, mesh=mesh,
        out_type=jax.ShapeDtypeStruct((_NW * epw, D), jnp.float32),
        scratch_types=[pltpu.VMEM((nch, _CH), jnp.int32),
                       pltpu.VMEM((nch, _CH), jnp.int32)]
                      + [pltpu.VMEM((_CH, D), jnp.float32)] * (2 * P)
                      + [pltpu.SemaphoreType.DMA] * (3 * P),
    )
    def sc_gather(gs_hbm, md_hbm, idx0_hbm, idx1_hbm, sum_hbm,
                  idx0_v, idx1_v, *bufsems):
        ra = bufsems[0:P]
        rb = bufsems[P:2 * P]
        sga = bufsems[2 * P:3 * P]
        sgb = bufsems[3 * P:4 * P]
        sw = bufsems[4 * P:5 * P]
        wid = lax.axis_index("s") * _NC + lax.axis_index("c")
        pltpu.sync_copy(idx0_hbm.at[wid], idx0_v)
        pltpu.sync_copy(idx1_hbm.at[wid], idx1_v)

        def add_into(dst, src):
            def add_body(i, carry):
                for q in range(D // 16):
                    o = q * 16
                    dst[i, pl.ds(o, 16)] = (dst[i, pl.ds(o, 16)]
                                            + src[i, pl.ds(o, 16)])
                return carry
            lax.fori_loop(0, _CH, add_body, 0)

        def start(c, u):
            pltpu.async_copy(gs_hbm.at[idx0_v.at[c]], ra[u], sga[u])
            pltpu.async_copy(md_hbm.at[idx1_v.at[c]], rb[u], sgb[u])

        def wait_gather(c, u):
            pltpu.make_async_copy(gs_hbm.at[idx0_v.at[c]], ra[u],
                                  sga[u]).wait()
            pltpu.make_async_copy(md_hbm.at[idx1_v.at[c]], rb[u],
                                  sgb[u]).wait()

        for u in range(P):
            start(u, u)

        def body(k, carry):
            for u in range(P):
                c = P * k + u
                b = wid * epw + c * _CH
                wait_gather(c, u)
                add_into(ra[u], rb[u])
                pltpu.async_copy(ra[u], sum_hbm.at[pl.ds(b, _CH)], sw[u])
            for u in range(P):
                c = P * k + u
                cn = c + P
                b = wid * epw + c * _CH
                pltpu.make_async_copy(ra[u], sum_hbm.at[pl.ds(b, _CH)],
                                      sw[u]).wait()

                @pl.when(cn < NRING)
                def _():
                    start(cn, u)
            return carry

        lax.fori_loop(0, NRING // P, body, 0)
        for ct in range(NRING, nch):
            bt = wid * epw + ct * _CH
            start(ct, 0)
            wait_gather(ct, 0)
            add_into(ra[0], rb[0])
            pltpu.sync_copy(ra[0], sum_hbm.at[pl.ds(bt, _CH)])

    return sc_gather


@functools.lru_cache(maxsize=None)
def _build_sc_scatter(e0, nch):
    mesh = plsc.VectorSubcoreMesh(core_axis_name="c", subcore_axis_name="s")

    P = 3
    NRING = (nch // P) * P
    epw = nch * _CH

    @functools.partial(
        pl.kernel, mesh=mesh,
        out_type=jax.ShapeDtypeStruct((_NC, _NPAD, D), jnp.float32),
        scratch_types=[pltpu.VMEM((1, _CH), jnp.int32)] * P
                      + [pltpu.VMEM((_CH, D), jnp.float32)] * P
                      + [pltpu.VMEM_SHARED((_NPAD, D), jnp.float32)]
                      + [pltpu.SemaphoreType.DMA] * (3 * P),
    )
    def sc_scatter(enew_hbm, idx1_hbm, zeros_hbm, out_hbm, *rest):
        ibuf = rest[0:P]
        rbuf = rest[P:2 * P]
        acc_sh = rest[2 * P]
        sr = rest[2 * P + 1:3 * P + 1]
        si = rest[3 * P + 1:4 * P + 1]
        sa = rest[4 * P + 1:5 * P + 1]
        cid = lax.axis_index("c")
        sid = lax.axis_index("s")
        wid = sid * _NC + cid
        pltpu.sync_copy(zeros_hbm, acc_sh.at[pl.ds(sid * _STRIPE, _STRIPE)])
        plsc.subcore_barrier()

        def start_read(c, u):
            b = e0 + wid * epw + c * _CH
            pltpu.async_copy(enew_hbm.at[pl.ds(b, _CH)], rbuf[u], sr[u])

        def start_idx(c, u):
            pltpu.async_copy(idx1_hbm.at[wid].at[pl.ds(c, 1)], ibuf[u],
                             si[u])

        def wait_read(c, u):
            b = e0 + wid * epw + c * _CH
            pltpu.make_async_copy(enew_hbm.at[pl.ds(b, _CH)], rbuf[u],
                                  sr[u]).wait()
            pltpu.make_async_copy(idx1_hbm.at[wid].at[pl.ds(c, 1)], ibuf[u],
                                  si[u]).wait()

        for u in range(P):
            start_read(u, u)
            start_idx(u, u)

        def body(k, carry):
            for u in range(P):
                c = P * k + u
                wait_read(c, u)
                pltpu.async_copy(rbuf[u], acc_sh.at[ibuf[u].at[0]], sa[u],
                                 add=True)
            for u in range(P):
                c = P * k + u
                pltpu.make_async_copy(rbuf[u], acc_sh.at[ibuf[u].at[0]],
                                      sa[u]).wait()

                @pl.when(c + P < NRING)
                def _():
                    start_read(c + P, u)
                    start_idx(c + P, u)
            return carry

        lax.fori_loop(0, NRING // P, body, 0)
        for ct in range(NRING, nch):
            start_read(ct, 0)
            start_idx(ct, 0)
            wait_read(ct, 0)
            pltpu.sync_copy(rbuf[0], acc_sh.at[ibuf[0].at[0]], add=True)
        plsc.subcore_barrier()
        pltpu.sync_copy(acc_sh.at[pl.ds(sid * _STRIPE, _STRIPE)],
                        out_hbm.at[cid, pl.ds(sid * _STRIPE, _STRIPE)])

    return sc_scatter


def _sc_gather(gs, md, idx0, idx1, nch):
    return _build_sc_gather(nch)(gs, md, idx0, idx1)


def _sc_scatter(e_new, idx1, zeros, e0, nch):
    return _build_sc_scatter(e0, nch)(e_new, idx1, zeros)



def kernel(grid_nfeat, mesh_nfeat, edge_index, grid2mesh_efeat, params):
    p = params

    def vec(w, name):
        return w[name].reshape(1, -1)

    in_w1 = p["in_edge"]["W1"]
    w1e, w1s, w1d = in_w1[0:D], in_w1[D:2 * D], in_w1[2 * D:3 * D]
    in_node_w1 = p["in_node"]["W1"]
    wa, wm = in_node_w1[0:D], in_node_w1[D:2 * D]

    ge = p["grid_emb"]
    gn = p["grid_node"]
    me = p["mesh_emb"]
    g, gs, m, md = _run_rows(
        _gm_body, 25, 400,
        [grid_nfeat, mesh_nfeat,
         ge["W1"], vec(ge, "b1"), ge["W2"], vec(ge, "b2"),
         vec(ge, "g"), vec(ge, "bt"), w1s,
         me["W1"], vec(me, "b1"), me["W2"], vec(me, "b2"),
         vec(me, "g"), vec(me, "bt"), w1d],
        [(D, jnp.float32)] * 4, n_blocked=2)

    g_out = _run_rows(
        _gout_body, 25, 400,
        [g, gn["W1"], vec(gn, "b1"), gn["W2"], vec(gn, "b2"),
         vec(gn, "g"), vec(gn, "bt")],
        [(D, jnp.float32)])

    NCH_A = 57
    NCH_B = _NCHUNK - NCH_A
    EA = _NW * NCH_A * _CH
    idx0 = edge_index[0]
    idx1 = edge_index[1]
    i0a = idx0[:EA].reshape(_NW, NCH_A, _CH)
    i1a = idx1[:EA].reshape(_NW, NCH_A, _CH)
    i0b = idx0[EA:].reshape(_NW, NCH_B, _CH)
    i1b = idx1[EA:].reshape(_NW, NCH_B, _CH)

    sump_a = _sc_gather(gs, md, i0a, i1a, NCH_A)
    sump_b = _sc_gather(gs, md, i0b, i1b, NCH_B)

    ee = p["edge_emb"]
    ie = p["in_edge"]
    RE = 2560
    OFF = EA // RE
    eft = grid2mesh_efeat.T
    ew = [ee["W1"], vec(ee, "b1"), ee["W2"], vec(ee, "b2"),
          vec(ee, "g"), vec(ee, "bt"),
          w1e, vec(ie, "b1"), ie["W2"], vec(ie, "b2"),
          vec(ie, "g"), vec(ie, "bt")]
    eshape = (jax.ShapeDtypeStruct((E, D), jnp.float32),
              jax.ShapeDtypeStruct((E, D), jnp.float32))

    eins_a = [eft, sump_a] + ew
    e_out_a, e_new_a = pl.pallas_call(
        _edge_body,
        grid=(OFF,),
        in_specs=[pl.BlockSpec((4, RE), lambda i: (0, i)),
                  _row_spec(RE, D)] + [_full_spec(a) for a in ew],
        out_specs=(_row_spec(RE, D), _row_spec(RE, D)),
        out_shape=(jax.ShapeDtypeStruct((E, D), jnp.float32),
                   jax.ShapeDtypeStruct((EA, D), jnp.float32)),
    )(*eins_a)

    zeros = jnp.zeros((_STRIPE, D), jnp.float32)
    partials_a = _sc_scatter(e_new_a, i1a, zeros, 0, NCH_A)

    def _edge_body_b(eft, sump, *args):
        _edge_body(eft, sump, *args[:12], args[13], args[14])

    eins_b = [eft, sump_b] + ew + [e_out_a]
    e_out, e_new_b = pl.pallas_call(
        _edge_body_b,
        grid=(E // RE - OFF,),
        in_specs=[pl.BlockSpec((4, RE), lambda i: (0, i + OFF)),
                  _row_spec(RE, D)] + [_full_spec(a) for a in ew]
                 + [pl.BlockSpec(memory_space=pl.ANY)],
        out_specs=(pl.BlockSpec((RE, D), lambda i: (i + OFF, 0)),
                   _row_spec(RE, D)),
        out_shape=(jax.ShapeDtypeStruct((E, D), jnp.float32),
                   jax.ShapeDtypeStruct((E - EA, D), jnp.float32)),
        input_output_aliases={len(eins_b) - 1: 0},
    )(*eins_b)

    partials_b = _sc_scatter(e_new_b, i1b, zeros, 0, NCH_B)

    inn = p["in_node"]
    nins = [m, partials_a, partials_a, partials_b, partials_b,
            wa, wm, vec(inn, "b1"), inn["W2"],
            vec(inn, "b2"), vec(inn, "g"), vec(inn, "bt")]
    m_out = pl.pallas_call(
        _node_body,
        grid=(25,),
        in_specs=[_row_spec(400, D),
                  pl.BlockSpec((1, 400, D), lambda i: (0, i, 0)),
                  pl.BlockSpec((1, 400, D), lambda i: (1, i, 0)),
                  pl.BlockSpec((1, 400, D), lambda i: (0, i, 0)),
                  pl.BlockSpec((1, 400, D), lambda i: (1, i, 0))]
                 + [_full_spec(a) for a in nins[5:]],
        out_specs=_row_spec(400, D),
        out_shape=jax.ShapeDtypeStruct((N_MESH, D), jnp.float32),
    )(*nins)

    return (g_out, m_out, e_out)

# --- scband reference (transcript-rebuilt; emitter-appended) ---
"""Pipeline reference for scband-graph-cast-86303072846449 (READ-ONLY COPY).

The authoritative reference and input builder live on the scoring server;
editing this copy changes nothing except your own understanding.
"""

import jax, jax.numpy as jnp
import numpy as np

D = 128
H = 128
N_GRID = 10000
N_MESH = 10000
E = 320000

def _init_mlp(key, din, dh, dout):
    k1, k2 = jax.random.split(key)
    return {"W1": jax.random.normal(k1, (din, dh), dtype=jnp.float32) * 0.02,
            "b1": jnp.zeros((dh,), jnp.float32),
            "W2": jax.random.normal(k2, (dh, dout), dtype=jnp.float32) * 0.02,
            "b2": jnp.zeros((dout,), jnp.float32),
            "g": jnp.ones((dout,), jnp.float32),
            "bt": jnp.zeros((dout,), jnp.float32)}

def _layer_norm(x, g, b):
    mu = jnp.mean(x, axis=-1, keepdims=True)
    var = jnp.var(x, axis=-1, keepdims=True)
    return (x - mu) / jnp.sqrt(var + 1e-5) * g + b

def _mlp_ln(x, p):
    h = jax.nn.silu(x @ p["W1"] + p["b1"])
    y = h @ p["W2"] + p["b2"]
    return _layer_norm(y, p["g"], p["bt"])

def setup_inputs(seed: int = 0):
    key = jax.random.key(seed)
    ks = jax.random.split(key, 10)
    grid_nfeat = jax.random.normal(ks[0], (N_GRID, 474), dtype=jnp.float32)
    mesh_nfeat = jax.random.normal(ks[1], (N_MESH, 3), dtype=jnp.float32)
    edge_index = jax.random.randint(ks[2], (2, E), 0, N_GRID, dtype=jnp.int32)
    grid2mesh_efeat = jax.random.normal(ks[3], (E, 4), dtype=jnp.float32)
    params = {
        "grid_emb": _init_mlp(ks[4], 474, H, D),
        "mesh_emb": _init_mlp(ks[5], 3, H, D),
        "edge_emb": _init_mlp(ks[6], 4, H, D),
        "in_edge": _init_mlp(ks[7], 3 * D, H, D),
        "in_node": _init_mlp(ks[8], 2 * D, H, D),
        "grid_node": _init_mlp(ks[9], D, H, D),
    }
    return {"grid_nfeat": grid_nfeat, "mesh_nfeat": mesh_nfeat,
            "edge_index": edge_index, "grid2mesh_efeat": grid2mesh_efeat,
            "params": params}

def reference(grid_nfeat, mesh_nfeat, edge_index, grid2mesh_efeat, params):
    # GraphCast encoder: embed grid/mesh nodes and grid2mesh edges,
    # run one InteractionNetwork (grid -> mesh) with residuals,
    # then a grid node MLP with residual.
    g = _mlp_ln(grid_nfeat, params["grid_emb"])
    m = _mlp_ln(mesh_nfeat, params["mesh_emb"])
    e = _mlp_ln(grid2mesh_efeat, params["edge_emb"])
    src = jnp.take(g, edge_index[0], axis=0)
    dst = jnp.take(m, edge_index[1], axis=0)
    e_new = _mlp_ln(jnp.concatenate([e, src, dst], axis=-1), params["in_edge"])
    agg = jax.ops.segment_sum(e_new, edge_index[1], num_segments=N_MESH)
    m_new = _mlp_ln(jnp.concatenate([agg, m], axis=-1), params["in_node"])
    m_out = m + m_new
    e_out = e + e_new
    g_out = g + _mlp_ln(g, params["grid_node"])
    return (g_out, m_out, e_out)

if __name__ == "__main__":
    import jax
    _d = setup_inputs()
    print(jax.jit(kernel)(*tuple(_d.values())))

</pallas_src>

<mosaic_0001>
#map = affine_map<(d0, d1) -> (0, 0)>
#map1 = affine_map<(d0, d1) -> (0, 0, 0)>
module attributes {stable_mosaic.version = 14 : i64} {
  func.func @sc_gather(%arg0: i32, %arg1: i32, %arg2: memref<10000x128xf32, #tpu.memory_space<hbm>>, %arg3: memref<10000x128xf32, #tpu.memory_space<hbm>>, %arg4: memref<32x57x80xi32, #tpu.memory_space<hbm>>, %arg5: memref<32x57x80xi32, #tpu.memory_space<hbm>>, %arg6: memref<145920x128xf32, #tpu.memory_space<hbm>>, %arg7: memref<57x80xi32, #tpu.memory_space<vmem>>, %arg8: memref<57x80xi32, #tpu.memory_space<vmem>>, %arg9: memref<80x128xf32, #tpu.memory_space<vmem>>, %arg10: memref<80x128xf32, #tpu.memory_space<vmem>>, %arg11: memref<80x128xf32, #tpu.memory_space<vmem>>, %arg12: memref<80x128xf32, #tpu.memory_space<vmem>>, %arg13: memref<80x128xf32, #tpu.memory_space<vmem>>, %arg14: memref<80x128xf32, #tpu.memory_space<vmem>>, %arg15: memref<80x128xf32, #tpu.memory_space<vmem>>, %arg16: memref<80x128xf32, #tpu.memory_space<vmem>>, %arg17: memref<!tpu.dma_semaphore, #tpu.memory_space<semaphore_mem>>, %arg18: memref<!tpu.dma_semaphore, #tpu.memory_space<semaphore_mem>>, %arg19: memref<!tpu.dma_semaphore, #tpu.memory_space<semaphore_mem>>, %arg20: memref<!tpu.dma_semaphore, #tpu.memory_space<semaphore_mem>>, %arg21: memref<!tpu.dma_semaphore, #tpu.memory_space<semaphore_mem>>, %arg22: memref<!tpu.dma_semaphore, #tpu.memory_space<semaphore_mem>>, %arg23: memref<!tpu.dma_semaphore, #tpu.memory_space<semaphore_mem>>, %arg24: memref<!tpu.dma_semaphore, #tpu.memory_space<semaphore_mem>>, %arg25: memref<!tpu.dma_semaphore, #tpu.memory_space<semaphore_mem>>, %arg26: memref<!tpu.dma_semaphore, #tpu.memory_space<semaphore_mem>>, %arg27: memref<!tpu.dma_semaphore, #tpu.memory_space<semaphore_mem>>, %arg28: memref<!tpu.dma_semaphore, #tpu.memory_space<semaphore_mem>>) attributes {dimension_semantics = [#tpu.dimension_semantics<core_parallel>, #tpu.dimension_semantics<subcore_parallel>], iteration_bounds = array<i64: 2, 16>, scalar_prefetch = 0 : i64, scratch_operands = 22 : i64, tpu.core_type = #tpu.core_type<sc_vector_subcore>, window_params = [{transform_indices = #map}, {transform_indices = #map}, {transform_indices = #map1}, {transform_indices = #map1}, {transform_indices = #map}]} {
    %mul3A = arith.constant 2 : i32
    %mul3A_0 = arith.muli %arg1, %mul3A : i32
    %add3A = arith.addi %mul3A_0, %arg0 : i32
    "tpu.region"() ({
      %run_scoped3A = tpu.sem_alloc : memref<!tpu.dma_semaphore, #tpu.memory_space<semaphore_mem>>
      %dma_start3A_98 = arith.constant 0 : i32
      %dma_start3A_99 = arith.constant 0 : i32
      %dma_start3A_100 = tpu.memref_slice %arg4[%add3A, %dma_start3A_98, %dma_start3A_99] : memref<32x57x80xi32, #tpu.memory_space<hbm>> -> memref<1x57x80xi32, #tpu.memory_space<hbm>>
      %dma_start3A_101 = tpu.memref_squeeze %dma_start3A_100 : memref<1x57x80xi32, #tpu.memory_space<hbm>> -> memref<57x80xi32, #tpu.memory_space<hbm>>
      %dma_start3A_102 = arith.constant 0 : i32
      %dma_start3A_103 = arith.constant 0 : i32
      %dma_start3A_104 = tpu.memref_slice %arg4[%add3A, %dma_start3A_102, %dma_start3A_103] : memref<32x57x80xi32, #tpu.memory_space<hbm>> -> memref<1x57x80xi32, #tpu.memory_space<hbm>>
      %dma_start3A_105 = tpu.memref_squeeze %dma_start3A_104 : memref<1x57x80xi32, #tpu.memory_space<hbm>> -> memref<57x80xi32, #tpu.memory_space<hbm>>
      tpu.enqueue_dma source(%dma_start3A_105 : memref<57x80xi32, #tpu.memory_space<hbm>>) target(%arg7 : memref<57x80xi32, #tpu.memory_space<vmem>>) target_semaphore(%run_scoped3A : memref<!tpu.dma_semaphore, #tpu.memory_space<semaphore_mem>>)
      %dma_wait3A_106 = arith.constant 0 : i32
      %dma_wait3A_107 = arith.constant 0 : i32
      %dma_wait3A_108 = tpu.memref_slice %arg4[%add3A, %dma_wait3A_106, %dma_wait3A_107] : memref<32x57x80xi32, #tpu.memory_space<hbm>> -> memref<1x57x80xi32, #tpu.memory_space<hbm>>
      %dma_wait3A_109 = tpu.memref_squeeze %dma_wait3A_108 : memref<1x57x80xi32, #tpu.memory_space<hbm>> -> memref<57x80xi32, #tpu.memory_space<hbm>>
      %dma_wait3A_110 = arith.constant 0 : i32
      %dma_wait3A_111 = arith.constant 0 : i32
      %dma_wait3A_112 = tpu.memref_slice %arg4[%add3A, %dma_wait3A_110, %dma_wait3A_111] : memref<32x57x80xi32, #tpu.memory_space<hbm>> -> memref<1x57x80xi32, #tpu.memory_space<hbm>>
      %dma_wait3A_113 = tpu.memref_squeeze %dma_wait3A_112 : memref<1x57x80xi32, #tpu.memory_space<hbm>> -> memref<57x80xi32, #tpu.memory_space<hbm>>
      tpu.wait_dma2 semaphore(%run_scoped3A : memref<!tpu.dma_semaphore, #tpu.memory_space<semaphore_mem>>) src(%dma_wait3A_113 : memref<57x80xi32, #tpu.memory_space<hbm>>) dst(%arg7 : memref<57x80xi32, #tpu.memory_space<vmem>>)
      tpu.yield
    }) : () -> ()
    "tpu.region"() ({
      %run_scoped3A = tpu.sem_alloc : memref<!tpu.dma_semaphore, #tpu.memory_space<semaphore_mem>>
      %dma_start3A_98 = arith.constant 0 : i32
      %dma_start3A_99 = arith.constant 0 : i32
      %dma_start3A_100 = tpu.memref_slice %arg5[%add3A, %dma_start3A_98, %dma_start3A_99] : memref<32x57x80xi32, #tpu.memory_space<hbm>> -> memref<1x57x80xi32, #tpu.memory_space<hbm>>
      %dma_start3A_101 = tpu.memref_squeeze %dma_start3A_100 : memref<1x57x80xi32, #tpu.memory_space<hbm>> -> memref<57x80xi32, #tpu.memory_space<hbm>>
      %dma_start3A_102 = arith.constant 0 : i32
      %dma_start3A_103 = arith.constant 0 : i32
      %dma_start3A_104 = tpu.memref_slice %arg5[%add3A, %dma_start3A_102, %dma_start3A_103] : memref<32x57x80xi32, #tpu.memory_space<hbm>> -> memref<1x57x80xi32, #tpu.memory_space<hbm>>
      %dma_start3A_105 = tpu.memref_squeeze %dma_start3A_104 : memref<1x57x80xi32, #tpu.memory_space<hbm>> -> memref<57x80xi32, #tpu.memory_space<hbm>>
      tpu.enqueue_dma source(%dma_start3A_105 : memref<57x80xi32, #tpu.memory_space<hbm>>) target(%arg8 : memref<57x80xi32, #tpu.memory_space<vmem>>) target_semaphore(%run_scoped3A : memref<!tpu.dma_semaphore, #tpu.memory_space<semaphore_mem>>)
      %dma_wait3A_106 = arith.constant 0 : i32
      %dma_wait3A_107 = arith.constant 0 : i32
      %dma_wait3A_108 = tpu.memref_slice %arg5[%add3A, %dma_wait3A_106, %dma_wait3A_107] : memref<32x57x80xi32, #tpu.memory_space<hbm>> -> memref<1x57x80xi32, #tpu.memory_space<hbm>>
      %dma_wait3A_109 = tpu.memref_squeeze %dma_wait3A_108 : memref<1x57x80xi32, #tpu.memory_space<hbm>> -> memref<57x80xi32, #tpu.memory_space<hbm>>
      %dma_wait3A_110 = arith.constant 0 : i32
      %dma_wait3A_111 = arith.constant 0 : i32
      %dma_wait3A_112 = tpu.memref_slice %arg5[%add3A, %dma_wait3A_110, %dma_wait3A_111] : memref<32x57x80xi32, #tpu.memory_space<hbm>> -> memref<1x57x80xi32, #tpu.memory_space<hbm>>
      %dma_wait3A_113 = tpu.memref_squeeze %dma_wait3A_112 : memref<1x57x80xi32, #tpu.memory_space<hbm>> -> memref<57x80xi32, #tpu.memory_space<hbm>>
      tpu.wait_dma2 semaphore(%run_scoped3A : memref<!tpu.dma_semaphore, #tpu.memory_space<semaphore_mem>>) src(%dma_wait3A_113 : memref<57x80xi32, #tpu.memory_space<hbm>>) dst(%arg8 : memref<57x80xi32, #tpu.memory_space<vmem>>)
      tpu.yield
    }) : () -> ()
    %dma_start3A = arith.constant 0 : i32
    %dma_start3A_1 = arith.constant 0 : i32
    %dma_start3A_2 = tpu.memref_slice %arg7[%dma_start3A, %dma_start3A_1] : memref<57x80xi32, #tpu.memory_space<vmem>> -> memref<1x80xi32, #tpu.memory_space<vmem>>
    %dma_start3A_3 = tpu.memref_squeeze %dma_start3A_2 : memref<1x80xi32, #tpu.memory_space<vmem>> -> memref<80xi32, #tpu.memory_space<vmem>>
    %dma_start3A_4 = arith.constant 0 : i32
    %dma_start3A_5 = arith.constant 0 : i32
    %dma_start3A_6 = tpu.memref_slice %arg2[%dma_start3A_4, %dma_start3A_5] : memref<10000x128xf32, #tpu.memory_space<hbm>> -> memref<10000x128xf32, #tpu.memory_space<hbm>>
    tpu.enqueue_indirect_dma source(%dma_start3A_6 : memref<10000x128xf32, #tpu.memory_space<hbm>>) target(%arg9 : memref<80x128xf32, #tpu.memory_space<vmem>>) offsets(%dma_start3A_3 : memref<80xi32, #tpu.memory_space<vmem>>) semaphore(%arg17 : memref<!tpu.dma_semaphore, #tpu.memory_space<semaphore_mem>>)
    %dma_start3A_7 = arith.constant 0 : i32
    %dma_start3A_8 = arith.constant 0 : i32
    %dma_start3A_9 = tpu.memref_slice %arg8[%dma_start3A_7, %dma_start3A_8] : memref<57x80xi32, #tpu.memory_space<vmem>> -> memref<1x80xi32, #tpu.memory_space<vmem>>
    %dma_start3A_10 = tpu.memref_squeeze %dma_start3A_9 : memref<1x80xi32, #tpu.memory_space<vmem>> -> memref<80xi32, #tpu.memory_space<vmem>>
    %dma_start3A_11 = arith.constant 0 : i32
    %dma_start3A_12 = arith.constant 0 : i32
    %dma_start3A_13 = tpu.memref_slice %arg3[%dma_start3A_11, %dma_start3A_12] : memref<10000x128xf32, #tpu.memory_space<hbm>> -> memref<10000x128xf32, #tpu.memory_space<hbm>>
    tpu.enqueue_indirect_dma source(%dma_start3A_13 : memref<10000x128xf32, #tpu.memory_space<hbm>>) target(%arg13 : memref<80x128xf32, #tpu.memory_space<vmem>>) offsets(%dma_start3A_10 : memref<80xi32, #tpu.memory_space<vmem>>) semaphore(%arg21 : memref<!tpu.dma_semaphore, #tpu.memory_space<semaphore_mem>>)
    %dma_start3A_14 = arith.constant 1 : i32
    %dma_start3A_15 = arith.constant 0 : i32
    %dma_start3A_16 = tpu.memref_slice %arg7[%dma_start3A_14, %dma_start3A_15] : memref<57x80xi32, #tpu.memory_space<vmem>> -> memref<1x80xi32, #tpu.memory_space<vmem>>
    %dma_start3A_17 = tpu.memref_squeeze %dma_start3A_16 : memref<1x80xi32, #tpu.memory_space<vmem>> -> memref<80xi32, #tpu.memory_space<vmem>>
    %dma_start3A_18 = arith.constant 0 : i32
    %dma_start3A_19 = arith.constant 0 : i32
    %dma_start3A_20 = tpu.memref_slice %arg2[%dma_start3A_18, %dma_start3A_19] : memref<10000x128xf32, #tpu.memory_space<hbm>> -> memref<10000x128xf32, #tpu.memory_space<hbm>>
    tpu.enqueue_indirect_dma source(%dma_start3A_20 : memref<10000x128xf32, #tpu.memory_space<hbm>>) target(%arg10 : memref<80x128xf32, #tpu.memory_space<vmem>>) offsets(%dma_start3A_17 : memref<80xi32, #tpu.memory_space<vmem>>) semaphore(%arg18 : memref<!tpu.dma_semaphore, #tpu.memory_space<semaphore_mem>>)
    %dma_start3A_21 = arith.constant 1 : i32
    %dma_start3A_22 = arith.constant 0 : i32
    %dma_start3A_23 = tpu.memref_slice %arg8[%dma_start3A_21, %dma_start3A_22] : memref<57x80xi32, #tpu.memory_space<vmem>> -> memref<1x80xi32, #tpu.memory_space<vmem>>
    %dma_start3A_24 = tpu.memref_squeeze %dma_start3A_23 : memref<1x80xi32, #tpu.memory_space<vmem>> -> memref<80xi32, #tpu.memory_space<vmem>>
    %dma_start3A_25 = arith.constant 0 : i32
    %dma_start3A_26 = arith.constant 0 : i32
    %dma_start3A_27 = tpu.memref_slice %arg3[%dma_start3A_25, %dma_start3A_26] : memref<10000x128xf32, #tpu.memory_space<hbm>> -> memref<10000x128xf32, #tpu.memory_space<hbm>>
    tpu.enqueue_indirect_dma source(%dma_start3A_27 : memref<10000x128xf32, #tpu.memory_space<hbm>>) target(%arg14 : memref<80x128xf32, #tpu.memory_space<vmem>>) offsets(%dma_start3A_24 : memref<80xi32, #tpu.memory_space<vmem>>) semaphore(%arg22 : memref<!tpu.dma_semaphore, #tpu.memory_space<semaphore_mem>>)
    %dma_start3A_28 = arith.constant 2 : i32
    %dma_start3A_29 = arith.constant 0 : i32
    %dma_start3A_30 = tpu.memref_slice %arg7[%dma_start3A_28, %dma_start3A_29] : memref<57x80xi32, #tpu.memory_space<vmem>> -> memref<1x80xi32, #tpu.memory_space<vmem>>
    %dma_start3A_31 = tpu.memref_squeeze %dma_start3A_30 : memref<1x80xi32, #tpu.memory_space<vmem>> -> memref<80xi32, #tpu.memory_space<vmem>>
    %dma_start3A_32 = arith.constant 0 : i32
    %dma_start3A_33 = arith.constant 0 : i32
    %dma_start3A_34 = tpu.memref_slice %arg2[%dma_start3A_32, %dma_start3A_33] : memref<10000x128xf32, #tpu.memory_space<hbm>> -> memref<10000x128xf32, #tpu.memory_space<hbm>>
    tpu.enqueue_indirect_dma source(%dma_start3A_34 : memref<10000x128xf32, #tpu.memory_space<hbm>>) target(%arg11 : memref<80x128xf32, #tpu.memory_space<vmem>>) offsets(%dma_start3A_31 : memref<80xi32, #tpu.memory_space<vmem>>) semaphore(%arg19 : memref<!tpu.dma_semaphore, #tpu.memory_space<semaphore_mem>>)
    %dma_start3A_35 = arith.constant 2 : i32
    %dma_start3A_36 = arith.constant 0 : i32
    %dma_start3A_37 = tpu.memref_slice %arg8[%dma_start3A_35, %dma_start3A_36] : memref<57x80xi32, #tpu.memory_space<vmem>> -> memref<1x80xi32, #tpu.memory_space<vmem>>
    %dma_start3A_38 = tpu.memref_squeeze %dma_start3A_37 : memref<1x80xi32, #tpu.memory_space<vmem>> -> memref<80xi32, #tpu.memory_space<vmem>>
    %dma_start3A_39 = arith.constant 0 : i32
    %dma_start3A_40 = arith.constant 0 : i32
    %dma_start3A_41 = tpu.memref_slice %arg3[%dma_start3A_39, %dma_start3A_40] : memref<10000x128xf32, #tpu.memory_space<hbm>> -> memref<10000x128xf32, #tpu.memory_space<hbm>>
    tpu.enqueue_indirect_dma source(%dma_start3A_41 : memref<10000x128xf32, #tpu.memory_space<hbm>>) target(%arg15 : memref<80x128xf32, #tpu.memory_space<vmem>>) offsets(%dma_start3A_38 : memref<80xi32, #tpu.memory_space<vmem>>) semaphore(%arg23 : memref<!tpu.dma_semaphore, #tpu.memory_space<semaphore_mem>>)
    %dma_start3A_42 = arith.constant 3 : i32
    %dma_start3A_43 = arith.constant 0 : i32
    %dma_start3A_44 = tpu.memref_slice %arg7[%dma_start3A_42, %dma_start3A_43] : memref<57x80xi32, #tpu.memory_space<vmem>> -> memref<1x80xi32, #tpu.memory_space<vmem>>
    %dma_start3A_45 = tpu.memref_squeeze %dma_start3A_44 : memref<1x80xi32, #tpu.memory_space<vmem>> -> memref<80xi32, #tpu.memory_space<vmem>>
    %dma_start3A_46 = arith.constant 0 : i32
    %dma_start3A_47 = arith.constant 0 : i32
    %dma_start3A_48 = tpu.memref_slice %arg2[%dma_start3A_46, %dma_start3A_47] : memref<10000x128xf32, #tpu.memory_space<hbm>> -> memref<10000x128xf32, #tpu.memory_space<hbm>>
    tpu.enqueue_indirect_dma source(%dma_start3A_48 : memref<10000x128xf32, #tpu.memory_space<hbm>>) target(%arg12 : memref<80x128xf32, #tpu.memory_space<vmem>>) offsets(%dma_start3A_45 : memref<80xi32, #tpu.memory_space<vmem>>) semaphore(%arg20 : memref<!tpu.dma_semaphore, #tpu.memory_space<semaphore_mem>>)
    %dma_start3A_49 = arith.constant 3 : i32
    %dma_start3A_50 = arith.constant 0 : i32
    %dma_start3A_51 = tpu.memref_slice %arg8[%dma_start3A_49, %dma_start3A_50] : memref<57x80xi32, #tpu.memory_space<vmem>> -> memref<1x80xi32, #tpu.memory_space<vmem>>
    %dma_start3A_52 = tpu.memref_squeeze %dma_start3A_51 : memref<1x80xi32, #tpu.memory_space<vmem>> -> memref<80xi32, #tpu.memory_space<vmem>>
    %dma_start3A_53 = arith.constant 0 : i32
    %dma_start3A_54 = arith.constant 0 : i32
    %dma_start3A_55 = tpu.memref_slice %arg3[%dma_start3A_53, %dma_start3A_54] : memref<10000x128xf32, #tpu.memory_space<hbm>> -> memref<10000x128xf32, #tpu.memory_space<hbm>>
    tpu.enqueue_indirect_dma source(%dma_start3A_55 : memref<10000x128xf32, #tpu.memory_space<hbm>>) target(%arg16 : memref<80x128xf32, #tpu.memory_space<vmem>>) offsets(%dma_start3A_52 : memref<80xi32, #tpu.memory_space<vmem>>) semaphore(%arg24 : memref<!tpu.dma_semaphore, #tpu.memory_space<semaphore_mem>>)
    %scan3A = arith.constant 0 : i32
    %scan3A_56 = arith.constant 0 : i32
    %scan3A_57 = arith.constant 14 : i32
    %scan3A_58 = arith.addi %scan3A_56, %scan3A_57 : i32
    %scan3A_59 = arith.constant 1 : i32
    scf.for %scan3A_98 = %scan3A_56 to %scan3A_58 step %scan3A_59  : i32 {
      %mul3A_99 = arith.constant 4 : i32
      %mul3A_100 = arith.muli %mul3A_99, %scan3A_98 : i32
      %add3A_101 = arith.constant 0 : i32
      %add3A_102 = arith.addi %mul3A_100, %add3A_101 : i32
      %mul3A_103 = arith.constant 4560 : i32
      %mul3A_104 = arith.muli %add3A, %mul3A_103 : i32
      %mul3A_105 = arith.constant 80 : i32
      %mul3A_106 = arith.muli %add3A_102, %mul3A_105 : i32
      %add3A_107 = arith.addi %mul3A_104, %mul3A_106 : i32
      %dma_wait3A_108 = arith.constant 0 : i32
      %dma_wait3A_109 = tpu.memref_slice %arg7[%add3A_102, %dma_wait3A_108] : memref<57x80xi32, #tpu.memory_space<vmem>> -> memref<1x80xi32, #tpu.memory_space<vmem>>
      %dma_wait3A_110 = tpu.memref_squeeze %dma_wait3A_109 : memref<1x80xi32, #tpu.memory_space<vmem>> -> memref<80xi32, #tpu.memory_space<vmem>>
      %dma_wait3A_111 = arith.constant 0 : i32
      %dma_wait3A_112 = arith.constant 0 : i32
      %dma_wait3A_113 = tpu.memref_slice %arg2[%dma_wait3A_111, %dma_wait3A_112] : memref<10000x128xf32, #tpu.memory_space<hbm>> -> memref<10000x128xf32, #tpu.memory_space<hbm>>
      tpu.wait_indirect_dma semaphore(%arg17 : memref<!tpu.dma_semaphore, #tpu.memory_space<semaphore_mem>>) src(%dma_wait3A_113 : memref<10000x128xf32, #tpu.memory_space<hbm>>) dst(%arg9 : memref<80x128xf32, #tpu.memory_space<vmem>>)
      %dma_wait3A_114 = arith.constant 0 : i32
      %dma_wait3A_115 = tpu.memref_slice %arg8[%add3A_102, %dma_wait3A_114] : memref<57x80xi32, #tpu.memory_space<vmem>> -> memref<1x80xi32, #tpu.memory_space<vmem>>
      %dma_wait3A_116 = tpu.memref_squeeze %dma_wait3A_115 : memref<1x80xi32, #tpu.memory_space<vmem>> -> memref<80xi32, #tpu.memory_space<vmem>>
      %dma_wait3A_117 = arith.constant 0 : i32
      %dma_wait3A_118 = arith.constant 0 : i32
      %dma_wait3A_119 = tpu.memref_slice %arg3[%dma_wait3A_117, %dma_wait3A_118] : memref<10000x128xf32, #tpu.memory_space<hbm>> -> memref<10000x128xf32, #tpu.memory_space<hbm>>
      tpu.wait_indirect_dma semaphore(%arg21 : memref<!tpu.dma_semaphore, #tpu.memory_space<semaphore_mem>>) src(%dma_wait3A_119 : memref<10000x128xf32, #tpu.memory_space<hbm>>) dst(%arg13 : memref<80x128xf32, #tpu.memory_space<vmem>>)
      %scan3A_120 = arith.constant 0 : i32
      %scan3A_121 = arith.constant 0 : i32
      %scan3A_122 = arith.constant 80 : i32
      %scan3A_123 = arith.addi %scan3A_121, %scan3A_122 : i32
      %scan3A_124 = arith.constant 1 : i32
      scf.for %scan3A_300 = %scan3A_121 to %scan3A_123 step %scan3A_124  : i32 {
        %get3A = arith.index_cast %scan3A_300 : i32 to index
        %get3A_301 = arith.constant 0 : index
        %get3A_302 = tpu.vector_load %arg9[%get3A, %get3A_301] {strides = array<i32>} : memref<80x128xf32, #tpu.memory_space<vmem>>, vector<1x16xf32>,
        %get3A_303 = vector.shape_cast %get3A_302 : vector<1x16xf32> to vector<16xf32>
        %get3A_304 = arith.index_cast %scan3A_300 : i32 to index
        %get3A_305 = arith.constant 0 : index
        %get3A_306 = tpu.vector_load %arg13[%get3A_304, %get3A_305] {strides = array<i32>} : memref<80x128xf32, #tpu.memory_space<vmem>>, vector<1x16xf32>,
        %get3A_307 = vector.shape_cast %get3A_306 : vector<1x16xf32> to vector<16xf32>
        %add3A_308 = arith.addf %get3A_303, %get3A_307 : vector<16xf32>
        %swap3A = arith.index_cast %scan3A_300 : i32 to index
        %swap3A_309 = arith.constant 0 : index
        %swap3A_310 = tpu.vector_load %arg9[%swap3A, %swap3A_309] {strides = array<i32>} : memref<80x128xf32, #tpu.memory_space<vmem>>, vector<1x16xf32>,
        %swap3A_311 = vector.shape_cast %swap3A_310 : vector<1x16xf32> to vector<16xf32>
        %swap3A_312 = vector.shape_cast %add3A_308 : vector<16xf32> to vector<1x16xf32>
        tpu.vector_store %arg9[%swap3A, %swap3A_309], %swap3A_312 {strides = array<i32>} : memref<80x128xf32, #tpu.memory_space<vmem>>, vector<1x16xf32>,
        %get3A_313 = arith.index_cast %scan3A_300 : i32 to index
        %get3A_314 = arith.constant 16 : index
        %get3A_315 = tpu.vector_load %arg9[%get3A_313, %get3A_314] {strides = array<i32>} : memref<80x128xf32, #tpu.memory_space<vmem>>, vector<1x16xf32>,
        %get3A_316 = vector.shape_cast %get3A_315 : vector<1x16xf32> to vector<16xf32>
        %get3A_317 = arith.index_cast %scan3A_300 : i32 to index
        %get3A_318 = arith.constant 16 : index
        %get3A_319 = tpu.vector_load %arg13[%get3A_317, %get3A_318] {strides = array<i32>} : memref<80x128xf32, #tpu.memory_space<vmem>>, vector<1x16xf32>,
        %get3A_320 = vector.shape_cast %get3A_319 : vector<1x16xf32> to vector<16xf32>
        %add3A_321 = arith.addf %get3A_316, %get3A_320 : vector<16xf32>
        %swap3A_322 = arith.index_cast %scan3A_300 : i32 to index
        %swap3A_323 = arith.constant 16 : index
        %swap3A_324 = tpu.vector_load %arg9[%swap3A_322, %swap3A_323] {strides = array<i32>} : memref<80x128xf32, #tpu.memory_space<vmem>>, vector<1x16xf32>,
        %swap3A_325 = vector.shape_cast %swap3A_324 : vector<1x16xf32> to vector<16xf32>
        %swap3A_326 = vector.shape_cast %add3A_321 : vector<16xf32> to vector<1x16xf32>
        tpu.vector_store %arg9[%swap3A_322, %swap3A_323], %swap3A_326 {strides = array<i32>} : memref<80x128xf32, #tpu.memory_space<vmem>>, vector<1x16xf32>,
        %get3A_327 = arith.index_cast %scan3A_300 : i32 to index
        %get3A_328 = arith.constant 32 : index
        %get3A_329 = tpu.vector_load %arg9[%get3A_327, %get3A_328] {strides = array<i32>} : memref<80x128xf32, #tpu.memory_space<vmem>>, vector<1x16xf32>,
        %get3A_330 = vector.shape_cast %get3A_329 : vector<1x16xf32> to vector<16xf32>
        %get3A_331 = arith.index_cast %scan3A_300 : i32 to index
        %get3A_332 = arith.constant 32 : index
        %get3A_333 = tpu.vector_load %arg13[%get3A_331, %get3A_332] {strides = array<i32>} : memref<80x128xf32, #tpu.memory_space<vmem>>, vector<1x16xf32>,
        %get3A_334 = vector.shape_cast %get3A_333 : vector<1x16xf32> to vector<16xf32>
        %add3A_335 = arith.addf %get3A_330, %get3A_334 : vector<16xf32>
        %swap3A_336 = arith.index_cast %scan3A_300 : i32 to index
        %swap3A_337 = arith.constant 32 : index
        %swap3A_338 = tpu.vector_load %arg9[%swap3A_336, %swap3A_337] {strides = array<i32>} : memref<80x128xf32, #tpu.memory_space<vmem>>, vector<1x16xf32>,
        %swap3A_339 = vector.shape_cast %swap3A_338 : vector<1x16xf32> to vector<16xf32>
        %swap3A_340 = vector.shape_cast %add3A_335 : vector<16xf32> to vector<1x16xf32>
        tpu.vector_store %arg9[%swap3A_336, %swap3A_337], %swap3A_340 {strides = array<i32>} : memref<80x128xf32, #tpu.memory_space<vmem>>, vector<1x16xf32>,
        %get3A_341 = arith.index_cast %scan3A_300 : i32 to index
        %get3A_342 = arith.constant 48 : index
        %get3A_343 = tpu.vector_load %arg9[%get3A_341, %get3A_342] {strides = array<i32>} : memref<80x128xf32, #tpu.memory_space<vmem>>, vector<1x16xf32>,
        %get3A_344 = vector.shape_cast %get3A_343 : vector<1x16xf32> to vector<16xf32>
        %get3A_345 = arith.index_cast %scan3A_300 : i32 to index
        %get3A_346 = arith.constant 48 : index
        %get3A_347 = tpu.vector_load %arg13[%get3A_345, %get3A_346] {strides = array<i32>} : memref<80x128xf32, #tpu.memory_space<vmem>>, vector<1x16xf32>,
        %get3A_348 = vector.shape_cast %get3A_347 : vector<1x16xf32> to vector<16xf32>
        %add3A_349 = arith.addf %get3A_344, %get3A_348 : vector<16xf32>
        %swap3A_350 = arith.index_cast %scan3A_300 : i32 to index
        %swap3A_351 = arith.constant 48 : index
        %swap3A_352 = tpu.vector_load %arg9[%swap3A_350, %swap3A_351] {strides = array<i32>} : memref<80x128xf32, #tpu.memory_space<vmem>>, vector<1x16xf32>,
        %swap3A_353 = vector.shape_cast %swap3A_352 : vector<1x16xf32> to vector<16xf32>
        %swap3A_354 = vector.shape_cast %add3A_349 : vector<16xf32> to vector<1x16xf32>
        tpu.vector_store %arg9[%swap3A_350, %swap3A_351], %swap3A_354 {strides = array<i32>} : memref<80x128xf32, #tpu.memory_space<vmem>>, vector<1x16xf32>,
        %get3A_355 = arith.index_cast %scan3A_300 : i32 to index
        %get3A_356 = arith.constant 64 : index
        %get3A_357 = tpu.vector_load %arg9[%get3A_355, %get3A_356] {strides = array<i32>} : memref<80x128xf32, #tpu.memory_space<vmem>>, vector<1x16xf32>,
        %get3A_358 = vector.shape_cast %get3A_357 : vector<1x16xf32> to vector<16xf32>
        %get3A_359 = arith.index_cast %scan3A_300 : i32 to index
        %get3A_360 = arith.constant 64 : index
        %get3A_361 = tpu.vector_load %arg13[%get3A_359, %get3A_360] {strides = array<i32>} : memref<80x128xf32, #tpu.memory_space<vmem>>, vector<1x16xf32>,
        %get3A_362 = vector.shape_cast %get3A_361 : vector<1x16xf32> to vector<16xf32>
        %add3A_363 = arith.addf %get3A_358, %get3A_362 : vector<16xf32>
        %swap3A_364 = arith.index_cast %scan3A_300 : i32 to index
        %swap3A_365 = arith.constant 64 : index
        %swap3A_366 = tpu.vector_load %arg9[%swap3A_364, %swap3A_365] {strides = array<i32>} : memref<80x128xf32, #tpu.memory_space<vmem>>, vector<1x16xf32>,
        %swap3A_367 = vector.shape_cast %swap3A_366 : vector<1x16xf32> to vector<16xf32>
        %swap3A_368 = vector.shape_cast %add3A_363 : vector<16xf32> to vector<1x16xf32>
        tpu.vector_store %arg9[%swap3A_364, %swap3A_365], %swap3A_368 {strides = array<i32>} : memref<80x128xf32, #tpu.memory_space<vmem>>, vector<1x16xf32>,
        %get3A_369 = arith.index_cast %scan3A_300 : i32 to index
        %get3A_370 = arith.constant 80 : index
        %get3A_371 = tpu.vector_load %arg9[%get3A_369, %get3A_370] {strides = array<i32>} : memref<80x128xf32, #tpu.memory_space<vmem>>, vector<1x16xf32>,
        %get3A_372 = vector.shape_cast %get3A_371 : vector<1x16xf32> to vector<16xf32>
        %get3A_373 = arith.index_cast %scan3A_300 : i32 to index
        %get3A_374 = arith.constant 80 : index
        %get3A_375 = tpu.vector_load %arg13[%get3A_373, %get3A_374] {strides = array<i32>} : memref<80x128xf32, #tpu.memory_space<vmem>>, vector<1x16xf32>,
        %get3A_376 = vector.shape_cast %get3A_375 : vector<1x16xf32> to vector<16xf32>
        %add3A_377 = arith.addf %get3A_372, %get3A_376 : vector<16xf32>
        %swap3A_378 = arith.index_cast %scan3A_300 : i32 to index
        %swap3A_379 = arith.constant 80 : index
        %swap3A_380 = tpu.vector_load %arg9[%swap3A_378, %swap3A_379] {strides = array<i32>} : memref<80x128xf32, #tpu.memory_space<vmem>>, vector<1x16xf32>,
        %swap3A_381 = vector.shape_cast %swap3A_380 : vector<1x16xf32> to vector<16xf32>
        %swap3A_382 = vector.shape_cast %add3A_377 : vector<16xf32> to vector<1x16xf32>
        tpu.vector_store %arg9[%swap3A_378, %swap3A_379], %swap3A_382 {strides = array<i32>} : memref<80x128xf32, #tpu.memory_space<vmem>>, vector<1x16xf32>,
        %get3A_383 = arith.index_cast %scan3A_300 : i32 to index
        %get3A_384 = arith.constant 96 : index
        %get3A_385 = tpu.vector_load %arg9[%get3A_383, %get3A_384] {strides = array<i32>} : memref<80x128xf32, #tpu.memory_space<vmem>>, vector<1x16xf32>,
        %get3A_386 = vector.shape_cast %get3A_385 : vector<1x16xf32> to vector<16xf32>
        %get3A_387 = arith.index_cast %scan3A_300 : i32 to index
        %get3A_388 = arith.constant 96 : index
        %get3A_389 = tpu.vector_load %arg13[%get3A_387, %get3A_388] {strides = array<i32>} : memref<80x128xf32, #tpu.memory_space<vmem>>, vector<1x16xf32>,
        %get3A_390 = vector.shape_cast %get3A_389 : vector<1x16xf32> to vector<16xf32>
        %add3A_391 = arith.addf %get3A_386, %get3A_390 : vector<16xf32>
        %swap3A_392 = arith.index_cast %scan3A_300 : i32 to index
        %swap3A_393 = arith.constant 96 : index
        %swap3A_394 = tpu.vector_load %arg9[%swap3A_392, %swap3A_393] {strides = array<i32>} : memref<80x128xf32, #tpu.memory_space<vmem>>, vector<1x16xf32>,
        %swap3A_395 = vector.shape_cast %swap3A_394 : vector<1x16xf32> to vector<16xf32>
        %swap3A_396 = vector.shape_cast %add3A_391 : vector<16xf32> to vector<1x16xf32>
        tpu.vector_store %arg9[%swap3A_392, %swap3A_393], %swap3A_396 {strides = array<i32>} : memref<80x128xf32, #tpu.memory_space<vmem>>, vector<1x16xf32>,
        %get3A_397 = arith.index_cast %scan3A_300 : i32 to index
        %get3A_398 = arith.constant 112 : index
        %get3A_399 = tpu.vector_load %arg9[%get3A_397, %get3A_398] {strides = array<i32>} : memref<80x128xf32, #tpu.memory_space<vmem>>, vector<1x16xf32>,
        %get3A_400 = vector.shape_cast %get3A_399 : vector<1x16xf32> to vector<16xf32>
        %get3A_401 = arith.index_cast %scan3A_300 : i32 to index
        %get3A_402 = arith.constant 112 : index
        %get3A_403 = tpu.vector_load %arg13[%get3A_401, %get3A_402] {strides = array<i32>} : memref<80x128xf32, #tpu.memory_space<vmem>>, vector<1x16xf32>,
        %get3A_404 = vector.shape_cast %get3A_403 : vector<1x16xf32> to vector<16xf32>
        %add3A_405 = arith.addf %get3A_400, %get3A_404 : vector<16xf32>
        %swap3A_406 = arith.index_cast %scan3A_300 : i32 to index
        %swap3A_407 = arith.constant 112 : index
        %swap3A_408 = tpu.vector_load %arg9[%swap3A_406, %swap3A_407] {strides = array<i32>} : memref<80x128xf32, #tpu.memory_space<vmem>>, vector<1x16xf32>,
        %swap3A_409 = vector.shape_cast %swap3A_408 : vector<1x16xf32> to vector<16xf32>
        %swap3A_410 = vector.shape_cast %add3A_405 : vector<16xf32> to vector<1x16xf32>
        tpu.vector_store %arg9[%swap3A_406, %swap3A_407], %swap3A_410 {strides = array<i32>} : memref<80x128xf32, #tpu.memory_space<vmem>>, vector<1x16xf32>,
      }
      %scan3A_125 = arith.constant 80 : i32
      %dma_start3A_126 = arith.constant 0 : i32
      %dma_start3A_127 = tpu.memref_slice %arg6[%add3A_107, %dma_start3A_126] : memref<145920x128xf32, #tpu.memory_space<hbm>> -> memref<80x128xf32, #tpu.memory_space<hbm>>
      %dma_start3A_128 = arith.constant 0 : i32
      %dma_start3A_129 = tpu.memref_slice %arg6[%add3A_107, %dma_start3A_128] : memref<145920x128xf32, #tpu.memory_space<hbm>> -> memref<80x128xf32, #tpu.memory_space<hbm>>
      tpu.enqueue_dma source(%arg9 : memref<80x128xf32, #tpu.memory_space<vmem>>) target(%dma_start3A_129 : memref<80x128xf32, #tpu.memory_space<hbm>>) target_semaphore(%arg25 : memref<!tpu.dma_semaphore, #tpu.memory_space<semaphore_mem>>)
      %mul3A_130 = arith.constant 4 : i32
      %mul3A_131 = arith.muli %mul3A_130, %scan3A_98 : i32
      %add3A_132 = arith.constant 1 : i32
      %add3A_133 = arith.addi %mul3A_131, %add3A_132 : i32
      %mul3A_134 = arith.constant 4560 : i32
      %mul3A_135 = arith.muli %add3A, %mul3A_134 : i32
      %mul3A_136 = arith.constant 80 : i32
      %mul3A_137 = arith.muli %add3A_133, %mul3A_136 : i32
      %add3A_138 = arith.addi %mul3A_135, %mul3A_137 : i32
      %dma_wait3A_139 = arith.constant 0 : i32
      %dma_wait3A_140 = tpu.memref_slice %arg7[%add3A_133, %dma_wait3A_139] : memref<57x80xi32, #tpu.memory_space<vmem>> -> memref<1x80xi32, #tpu.memory_space<vmem>>
      %dma_wait3A_141 = tpu.memref_squeeze %dma_wait3A_140 : memref<1x80xi32, #tpu.memory_space<vmem>> -> memref<80xi32, #tpu.memory_space<vmem>>
      %dma_wait3A_142 = arith.constant 0 : i32
      %dma_wait3A_143 = arith.constant 0 : i32
      %dma_wait3A_144 = tpu.memref_slice %arg2[%dma_wait3A_142, %dma_wait3A_143] : memref<10000x128xf32, #tpu.memory_space<hbm>> -> memref<10000x128xf32, #tpu.memory_space<hbm>>
      tpu.wait_indirect_dma semaphore(%arg18 : memref<!tpu.dma_semaphore, #tpu.memory_space<semaphore_mem>>) src(%dma_wait3A_144 : memref<10000x128xf32, #tpu.memory_space<hbm>>) dst(%arg10 : memref<80x128xf32, #tpu.memory_space<vmem>>)
      %dma_wait3A_145 = arith.constant 0 : i32
      %dma_wait3A_146 = tpu.memref_slice %arg8[%add3A_133, %dma_wait3A_145] : memref<57x80xi32, #tpu.memory_space<vmem>> -> memref<1x80xi32, #tpu.memory_space<vmem>>
      %dma_wait3A_147 = tpu.memref_squeeze %dma_wait3A_146 : memref<1x80xi32, #tpu.memory_space<vmem>> -> memref<80xi32, #tpu.memory_space<vmem>>
      %dma_wait3A_148 = arith.constant 0 : i32
      %dma_wait3A_149 = arith.constant 0 : i32
      %dma_wait3A_150 = tpu.memref_slice %arg3[%dma_wait3A_148, %dma_wait3A_149] : memref<10000x128xf32, #tpu.memory_space<hbm>> -> memref<10000x128xf32, #tpu.memory_space<hbm>>
      tpu.wait_indirect_dma semaphore(%arg22 : memref<!tpu.dma_semaphore, #tpu.memory_space<semaphore_mem>>) src(%dma_wait3A_150 : memref<10000x128xf32, #tpu.memory_space<hbm>>) dst(%arg14 : memref<80x128xf32, #tpu.memory_space<vmem>>)
      %scan3A_151 = arith.constant 0 : i32
      %scan3A_152 = arith.constant 0 : i32
      %scan3A_153 = arith.constant 80 : i32
      %scan3A_154 = arith.addi %scan3A_152, %scan3A_153 : i32
      %scan3A_155 = arith.constant 1 : i32
      scf.for %scan3A_300 = %scan3A_152 to %scan3A_154 step %scan3A_155  : i32 {
        %get3A = arith.index_cast %scan3A_300 : i32 to index
        %get3A_301 = arith.constant 0 : index
        %get3A_302 = tpu.vector_load %arg10[%get3A, %get3A_301] {strides = array<i32>} : memref<80x128xf32, #tpu.memory_space<vmem>>, vector<1x16xf32>,
        %get3A_303 = vector.shape_cast %get3A_302 : vector<1x16xf32> to vector<16xf32>
        %get3A_304 = arith.index_cast %scan3A_300 : i32 to index
        %get3A_305 = arith.constant 0 : index
        %get3A_306 = tpu.vector_load %arg14[%get3A_304, %get3A_305] {strides = array<i32>} : memref<80x128xf32, #tpu.memory_space<vmem>>, vector<1x16xf32>,
        %get3A_307 = vector.shape_cast %get3A_306 : vector<1x16xf32> to vector<16xf32>
        %add3A_308 = arith.addf %get3A_303, %get3A_307 : vector<16xf32>
        %swap3A = arith.index_cast %scan3A_300 : i32 to index
        %swap3A_309 = arith.constant 0 : index
        %swap3A_310 = tpu.vector_load %arg10[%swap3A, %swap3A_309] {strides = array<i32>} : memref<80x128xf32, #tpu.memory_space<vmem>>, vector<1x16xf32>,
        %swap3A_311 = vector.shape_cast %swap3A_310 : vector<1x16xf32> to vector<16xf32>
        %swap3A_312 = vector.shape_cast %add3A_308 : vector<16xf32> to vector<1x16xf32>
        tpu.vector_store %arg10[%swap3A, %swap3A_309], %swap3A_312 {strides = array<i32>} : memref<80x128xf32, #tpu.memory_space<vmem>>, vector<1x16xf32>,
        %get3A_313 = arith.index_cast %scan3A_300 : i32 to index
        %get3A_314 = arith.constant 16 : index
        %get3A_315 = tpu.vector_load %arg10[%get3A_313, %get3A_314] {strides = array<i32>} : memref<80x128xf32, #tpu.memory_space<vmem>>, vector<1x16xf32>,
        %get3A_316 = vector.shape_cast %get3A_315 : vector<1x16xf32> to vector<16xf32>
        %get3A_317 = arith.index_cast %scan3A_300 : i32 to index
        %get3A_318 = arith.constant 16 : index
        %get3A_319 = tpu.vector_load %arg14[%get3A_317, %get3A_318] {strides = array<i32>} : memref<80x128xf32, #tpu.memory_space<vmem>>, vector<1x16xf32>,
        %get3A_320 = vector.shape_cast %get3A_319 : vector<1x16xf32> to vector<16xf32>
        %add3A_321 = arith.addf %get3A_316, %get3A_320 : vector<16xf32>
        %swap3A_322 = arith.index_cast %scan3A_300 : i32 to index
        %swap3A_323 = arith.constant 16 : index
        %swap3A_324 = tpu.vector_load %arg10[%swap3A_322, %swap3A_323] {strides = array<i32>} : memref<80x128xf32, #tpu.memory_space<vmem>>, vector<1x16xf32>,
        %swap3A_325 = vector.shape_cast %swap3A_324 : vector<1x16xf32> to vector<16xf32>
        %swap3A_326 = vector.shape_cast %add3A_321 : vector<16xf32> to vector<1x16xf32>
        tpu.vector_store %arg10[%swap3A_322, %swap3A_323], %swap3A_326 {strides = array<i32>} : memref<80x128xf32, #tpu.memory_space<vmem>>, vector<1x16xf32>,
        %get3A_327 = arith.index_cast %scan3A_300 : i32 to index
        %get3A_328 = arith.constant 32 : index
        %get3A_329 = tpu.vector_load %arg10[%get3A_327, %get3A_328] {strides = array<i32>} : memref<80x128xf32, #tpu.memory_space<vmem>>, vector<1x16xf32>,
        %get3A_330 = vector.shape_cast %get3A_329 : vector<1x16xf32> to vector<16xf32>
        %get3A_331 = arith.index_cast %scan3A_300 : i32 to index
        %get3A_332 = arith.constant 32 : index
        %get3A_333 = tpu.vector_load %arg14[%get3A_331, %get3A_332] {strides = array<i32>} : memref<80x128xf32, #tpu.memory_space<vmem>>, vector<1x16xf32>,
        %get3A_334 = vector.shape_cast %get3A_333 : vector<1x16xf32> to vector<16xf32>
        %add3A_335 = arith.addf %get3A_330, %get3A_334 : vector<16xf32>
        %swap3A_336 = arith.index_cast %scan3A_300 : i32 to index
        %swap3A_337 = arith.constant 32 : index
        %swap3A_338 = tpu.vector_load %arg10[%swap3A_336, %swap3A_337] {strides = array<i32>} : memref<80x128xf32, #tpu.memory_space<vmem>>, vector<1x16xf32>,
        %swap3A_339 = vector.shape_cast %swap3A_338 : vector<1x16xf32> to vector<16xf32>
        %swap3A_340 = vector.shape_cast %add3A_335 : vector<16xf32> to vector<1x16xf32>
        tpu.vector_store %arg10[%swap3A_336, %swap3A_337], %swap3A_340 {strides = array<i32>} : memref<80x128xf32, #tpu.memory_space<vmem>>, vector<1x16xf32>,
        %get3A_341 = arith.index_cast %scan3A_300 : i32 to index
        %get3A_342 = arith.constant 48 : index
        %get3A_343 = tpu.vector_load %arg10[%get3A_341, %get3A_342] {strides = array<i32>} : memref<80x128xf32, #tpu.memory_space<vmem>>, vector<1x16xf32>,
        %get3A_344 = vector.shape_cast %get3A_343 : vector<1x16xf32> to vector<16xf32>
        %get3A_345 = arith.index_cast %scan3A_300 : i32 to index
        %get3A_346 = arith.constant 48 : index
        %get3A_347 = tpu.vector_load %arg14[%get3A_345, %get3A_346] {strides = array<i32>} : memref<80x128xf32, #tpu.memory_space<vmem>>, vector<1x16xf32>,
        %get3A_348 = vector.shape_cast %get3A_347 : vector<1x16xf32> to vector<16xf32>
        %add3A_349 = arith.addf %get3A_344, %get3A_348 : vector<16xf32>
        %swap3A_350 = arith.index_cast %scan3A_300 : i32 to index
        %swap3A_351 = arith.constant 48 : index
        %swap3A_352 = tpu.vector_load %arg10[%swap3A_350, %swap3A_351] {strides = array<i32>} : memref<80x128xf32, #tpu.memory_space<vmem>>, vector<1x16xf32>,
        %swap3A_353 = vector.shape_cast %swap3A_352 : vector<1x16xf32> to vector<16xf32>
        %swap3A_354 = vector.shape_cast %add3A_349 : vector<16xf32> to vector<1x16xf32>
        tpu.vector_store %arg10[%swap3A_350, %swap3A_351], %swap3A_354 {strides = array<i32>} : memref<80x128xf32, #tpu.memory_space<vmem>>, vector<1x16xf32>,
        %get3A_355 = arith.index_cast %scan3A_300 : i32 to index
        %get3A_356 = arith.constant 64 : index
        %get3A_357 = tpu.vector_load %arg10[%get3A_355, %get3A_356] {strides = array<i32>} : memref<80x128xf32, #tpu.memory_space<vmem>>, vector<1x16xf32>,
        %get3A_358 = vector.shape_cast %get3A_357 : vector<1x16xf32> to vector<16xf32>
        %get3A_359 = arith.index_cast %scan3A_300 : i32 to index
        %get3A_360 = arith.constant 64 : index
        %get3A_361 = tpu.vector_load %arg14[%get3A_359, %get3A_360] {strides = array<i32>} : memref<80x128xf32, #tpu.memory_space<vmem>>, vector<1x16xf32>,
        %get3A_362 = vector.shape_cast %get3A_361 : vector<1x16xf32> to vector<16xf32>
        %add3A_363 = arith.addf %get3A_358, %get3A_362 : vector<16xf32>
        %swap3A_364 = arith.index_cast %scan3A_300 : i32 to index
        %swap3A_365 = arith.constant 64 : index
        %swap3A_366 = tpu.vector_load %arg10[%swap3A_364, %swap3A_365] {strides = array<i32>} : memref<80x128xf32, #tpu.memory_space<vmem>>, vector<1x16xf32>,
        %swap3A_367 = vector.shape_cast %swap3A_366 : vector<1x16xf32> to vector<16xf32>
        %swap3A_368 = vector.shape_cast %add3A_363 : vector<16xf32> to vector<1x16xf32>
        tpu.vector_store %arg10[%swap3A_364, %swap3A_365], %swap3A_368 {strides = array<i32>} : memref<80x128xf32, #tpu.memory_space<vmem>>, vector<1x16xf32>,
        %get3A_369 = arith.index_cast %scan3A_300 : i32 to index
        %get3A_370 = arith.constant 80 : index
        %get3A_371 = tpu.vector_load %arg10[%get3A_369, %get3A_370] {strides = array<i32>} : memref<80x128xf32, #tpu.memory_space<vmem>>, vector<1x16xf32>,
        %get3A_372 = vector.shape_cast %get3A_371 : vector<1x16xf32> to vector<16xf32>
        %get3A_373 = arith.index_cast %scan3A_300 : i32 to index
        %get3A_374 = arith.constant 80 : index
        %get3A_375 = tpu.vector_load %arg14[%get3A_373, %get3A_374] {strides = array<i32>} : memref<80x128xf32, #tpu.memory_space<vmem>>, vector<1x16xf32>,
        %get3A_376 = vector.shape_cast %get3A_375 : vector<1x16xf32> to vector<16xf32>
        %add3A_377 = arith.addf %get3A_372, %get3A_376 : vector<16xf32>
        %swap3A_378 = arith.index_cast %scan3A_300 : i32 to index
        %swap3A_379 = arith.constant 80 : index
        %swap3A_380 = tpu.vector_load %arg10[%swap3A_378, %swap3A_379] {strides = array<i32>} : memref<80x128xf32, #tpu.memory_space<vmem>>, vector<1x16xf32>,
        %swap3A_381 = vector.shape_cast %swap3A_380 : vector<1x16xf32> to vector<16xf32>
        %swap3A_382 = vector.shape_cast %add3A_377 : vector<16xf32> to vector<1x16xf32>
        tpu.vector_store %arg10[%swap3A_378, %swap3A_379], %swap3A_382 {strides = array<i32>} : memref<80x128xf32, #tpu.memory_space<vmem>>, vector<1x16xf32>,
        %get3A_383 = arith.index_cast %scan3A_300 : i32 to index
        %get3A_384 = arith.constant 96 : index
        %get3A_385 = tpu.vector_load %arg10[%get3A_383, %get3A_384] {strides = array<i32>} : memref<80x128xf32, #tpu.memory_space<vmem>>, vector<1x16xf32>,
        %get3A_386 = vector.shape_cast %get3A_385 : vector<1x16xf32> to vector<16xf32>
        %get3A_387 = arith.index_cast %scan3A_300 : i32 to index
        %get3A_388 = arith.constant 96 : index
        %get3A_389 = tpu.vector_load %arg14[%get3A_387, %get3A_388] {strides = array<i32>} : memref<80x128xf32, #tpu.memory_space<vmem>>, vector<1x16xf32>,
        %get3A_390 = vector.shape_cast %get3A_389 : vector<1x16xf32> to vector<16xf32>
        %add3A_391 = arith.addf %get3A_386, %get3A_390 : vector<16xf32>
        %swap3A_392 = arith.index_cast %scan3A_300 : i32 to index
        %swap3A_393 = arith.constant 96 : index
        %swap3A_394 = tpu.vector_load %arg10[%swap3A_392, %swap3A_393] {strides = array<i32>} : memref<80x128xf32, #tpu.memory_space<vmem>>, vector<1x16xf32>,
        %swap3A_395 = vector.shape_cast %swap3A_394 : vector<1x16xf32> to vector<16xf32>
        %swap3A_396 = vector.shape_cast %add3A_391 : vector<16xf32> to vector<1x16xf32>
        tpu.vector_store %arg10[%swap3A_392, %swap3A_393], %swap3A_396 {strides = array<i32>} : memref<80x128xf32, #tpu.memory_space<vmem>>, vector<1x16xf32>,
        %get3A_397 = arith.index_cast %scan3A_300 : i32 to index
        %get3A_398 = arith.constant 112 : index
        %get3A_399 = tpu.vector_load %arg10[%get3A_397, %get3A_398] {strides = array<i32>} : memref<80x128xf32, #tpu.memory_space<vmem>>, vector<1x16xf32>,
        %get3A_400 = vector.shape_cast %get3A_399 : vector<1x16xf32> to vector<16xf32>
        %get3A_401 = arith.index_cast %scan3A_300 : i32 to index
        %get3A_402 = arith.constant 112 : index
        %get3A_403 = tpu.vector_load %arg14[%get3A_401, %get3A_402] {strides = array<i32>} : memref<80x128xf32, #tpu.memory_space<vmem>>, vector<1x16xf32>,
        %get3A_404 = vector.shape_cast %get3A_403 : vector<1x16xf32> to vector<16xf32>
        %add3A_405 = arith.addf %get3A_400, %get3A_404 : vector<16xf32>
        %swap3A_406 = arith.index_cast %scan3A_300 : i32 to index
        %swap3A_407 = arith.constant 112 : index
        %swap3A_408 = tpu.vector_load %arg10[%swap3A_406, %swap3A_407] {strides = array<i32>} : memref<80x128xf32, #tpu.memory_space<vmem>>, vector<1x16xf32>,
        %swap3A_409 = vector.shape_cast %swap3A_408 : vector<1x16xf32> to vector<16xf32>
        %swap3A_410 = vector.shape_cast %add3A_405 : vector<16xf32> to vector<1x16xf32>
        tpu.vector_store %arg10[%swap3A_406, %swap3A_407], %swap3A_410 {strides = array<i32>} : memref<80x128xf32, #tpu.memory_space<vmem>>, vector<1x16xf32>,
      }
      %scan3A_156 = arith.constant 80 : i32
      %dma_start3A_157 = arith.constant 0 : i32
      %dma_start3A_158 = tpu.memref_slice %arg6[%add3A_138, %dma_start3A_157] : memref<145920x128xf32, #tpu.memory_space<hbm>> -> memref<80x128xf32, #tpu.memory_space<hbm>>
      %dma_start3A_159 = arith.constant 0 : i32
      %dma_start3A_160 = tpu.memref_slice %arg6[%add3A_138, %dma_start3A_159] : memref<145920x128xf32, #tpu.memory_space<hbm>> -> memref<80x128xf32, #tpu.memory_space<hbm>>
      tpu.enqueue_dma source(%arg10 : memref<80x128xf32, #tpu.memory_space<vmem>>) target(%dma_start3A_160 : memref<80x128xf32, #tpu.memory_space<hbm>>) target_semaphore(%arg26 : memref<!tpu.dma_semaphore, #tpu.memory_space<semaphore_mem>>)
      %mul3A_161 = arith.constant 4 : i32
      %mul3A_162 = arith.muli %mul3A_161, %scan3A_98 : i32
      %add3A_163 = arith.constant 2 : i32
      %add3A_164 = arith.addi %mul3A_162, %add3A_163 : i32
      %mul3A_165 = arith.constant 4560 : i32
      %mul3A_166 = arith.muli %add3A, %mul3A_165 : i32
      %mul3A_167 = arith.constant 80 : i32
      %mul3A_168 = arith.muli %add3A_164, %mul3A_167 : i32
      %add3A_169 = arith.addi %mul3A_166, %mul3A_168 : i32
      %dma_wait3A_170 = arith.constant 0 : i32
      %dma_wait3A_171 = tpu.memref_slice %arg7[%add3A_164, %dma_wait3A_170] : memref<57x80xi32, #tpu.memory_space<vmem>> -> memref<1x80xi32, #tpu.memory_space<vmem>>
      %dma_wait3A_172 = tpu.memref_squeeze %dma_wait3A_171 : memref<1x80xi32, #tpu.memory_space<vmem>> -> memref<80xi32, #tpu.memory_space<vmem>>
      %dma_wait3A_173 = arith.constant 0 : i32
      %dma_wait3A_174 = arith.constant 0 : i32
      %dma_wait3A_175 = tpu.memref_slice %arg2[%dma_wait3A_173, %dma_wait3A_174] : memref<10000x128xf32, #tpu.memory_space<hbm>> -> memref<10000x128xf32, #tpu.memory_space<hbm>>
      tpu.wait_indirect_dma semaphore(%arg19 : memref<!tpu.dma_semaphore, #tpu.memory_space<semaphore_mem>>) src(%dma_wait3A_175 : memref<10000x128xf32, #tpu.memory_space<hbm>>) dst(%arg11 : memref<80x128xf32, #tpu.memory_space<vmem>>)
      %dma_wait3A_176 = arith.constant 0 : i32
      %dma_wait3A_177 = tpu.memref_slice %arg8[%add3A_164, %dma_wait3A_176] : memref<57x80xi32, #tpu.memory_space<vmem>> -> memref<1x80xi32, #tpu.memory_space<vmem>>
      %dma_wait3A_178 = tpu.memref_squeeze %dma_wait3A_177 : memref<1x80xi32, #tpu.memory_space<vmem>> -> memref<80xi32, #tpu.memory_space<vmem>>
      %dma_wait3A_179 = arith.constant 0 : i32
      %dma_wait3A_180 = arith.constant 0 : i32
      %dma_wait3A_181 = tpu.memref_slice %arg3[%dma_wait3A_179, %dma_wait3A_180] : memref<10000x128xf32, #tpu.memory_space<hbm>> -> memref<10000x128xf32, #tpu.memory_space<hbm>>
      tpu.wait_indirect_dma semaphore(%arg23 : memref<!tpu.dma_semaphore, #tpu.memory_space<semaphore_mem>>) src(%dma_wait3A_181 : memref<10000x128xf32, #tpu.memory_space<hbm>>) dst(%arg15 : memref<80x128xf32, #tpu.memory_space<vmem>>)
      %scan3A_182 = arith.constant 0 : i32
      %scan3A_183 = arith.constant 0 : i32
      %scan3A_184 = arith.constant 80 : i32
      %scan3A_185 = arith.addi %scan3A_183, %scan3A_184 : i32
      %scan3A_186 = arith.constant 1 : i32
      scf.for %scan3A_300 = %scan3A_183 to %scan3A_185 step %scan3A_186  : i32 {
        %get3A = arith.index_cast %scan3A_300 : i32 to index
        %get3A_301 = arith.constant 0 : index
        %get3A_302 = tpu.vector_load %arg11[%get3A, %get3A_301] {strides = array<i32>} : memref<80x128xf32, #tpu.memory_space<vmem>>, vector<1x16xf32>,
        %get3A_303 = vector.shape_cast %get3A_302 : vector<1x16xf32> to vector<16xf32>
        %get3A_304 = arith.index_cast %scan3A_300 : i32 to index
        %get3A_305 = arith.constant 0 : index
        %get3A_306 = tpu.vector_load %arg15[%get3A_304, %get3A_305] {strides = array<i32>} : memref<80x128xf32, #tpu.memory_space<vmem>>, vector<1x16xf32>,
        %get3A_307 = vector.shape_cast %get3A_306 : vector<1x16xf32> to vector<16xf32>
        %add3A_308 = arith.addf %get3A_303, %get3A_307 : vector<16xf32>
        %swap3A = arith.index_cast %scan3A_300 : i32 to index
        %swap3A_309 = arith.constant 0 : index
        %swap3A_310 = tpu.vector_load %arg11[%swap3A, %swap3A_309] {strides = array<i32>} : memref<80x128xf32, #tpu.memory_space<vmem>>, vector<1x16xf32>,
        %swap3A_311 = vector.shape_cast %swap3A_310 : vector<1x16xf32> to vector<16xf32>
        %swap3A_312 = vector.shape_cast %add3A_308 : vector<16xf32> to vector<1x16xf32>
        tpu.vector_store %arg11[%swap3A, %swap3A_309], %swap3A_312 {strides = array<i32>} : memref<80x128xf32, #tpu.memory_space<vmem>>, vector<1x16xf32>,
        %get3A_313 = arith.index_cast %scan3A_300 : i32 to index
        %get3A_314 = arith.constant 16 : index
        %get3A_315 = tpu.vector_load %arg11[%get3A_313, %get3A_314] {strides = array<i32>} : memref<80x128xf32, #tpu.memory_space<vmem>>, vector<1x16xf32>,
        %get3A_316 = vector.shape_cast %get3A_315 : vector<1x16xf32> to vector<16xf32>
        %get3A_317 = arith.index_cast %scan3A_300 : i32 to index
        %get3A_318 = arith.constant 16 : index
        %get3A_319 = tpu.vector_load %arg15[%get3A_317, %get3A_318] {strides = array<i32>} : memref<80x128xf32, #tpu.memory_space<vmem>>, vector<1x16xf32>,
        %get3A_320 = vector.shape_cast %get3A_319 : vector<1x16xf32> to vector<16xf32>
        %add3A_321 = arith.addf %get3A_316, %get3A_320 : vector<16xf32>
        %swap3A_322 = arith.index_cast %scan3A_300 : i32 to index
        %swap3A_323 = arith.constant 16 : index
        %swap3A_324 = tpu.vector_load %arg11[%swap3A_322, %swap3A_323] {strides = array<i32>} : memref<80x128xf32, #tpu.memory_space<vmem>>, vector<1x16xf32>,
        %swap3A_325 = vector.shape_cast %swap3A_324 : vector<1x16xf32> to vector<16xf32>
        %swap3A_326 = vector.shape_cast %add3A_321 : vector<16xf32> to vector<1x16xf32>
        tpu.vector_store %arg11[%swap3A_322, %swap3A_323], %swap3A_326 {strides = array<i32>} : memref<80x128xf32, #tpu.memory_space<vmem>>, vector<1x16xf32>,
        %get3A_327 = arith.index_cast %scan3A_300 : i32 to index
        %get3A_328 = arith.constant 32 : index
        %get3A_329 = tpu.vector_load %arg11[%get3A_327, %get3A_328] {strides = array<i32>} : memref<80x128xf32, #tpu.memory_space<vmem>>, vector<1x16xf32>,
        %get3A_330 = vector.shape_cast %get3A_329 : vector<1x16xf32> to vector<16xf32>
        %get3A_331 = arith.index_cast %scan3A_300 : i32 to index
        %get3A_332 = arith.constant 32 : index
        %get3A_333 = tpu.vector_load %arg15[%get3A_331, %get3A_332] {strides = array<i32>} : memref<80x128xf32, #tpu.memory_space<vmem>>, vector<1x16xf32>,
        %get3A_334 = vector.shape_cast %get3A_333 : vector<1x16xf32> to vector<16xf32>
        %add3A_335 = arith.addf %get3A_330, %get3A_334 : vector<16xf32>
        %swap3A_336 = arith.index_cast %scan3A_300 : i32 to index
        %swap3A_337 = arith.constant 32 : index
        %swap3A_338 = tpu.vector_load %arg11[%swap3A_336, %swap3A_337] {strides = array<i32>} : memref<80x128xf32, #tpu.memory_space<vmem>>, vector<1x16xf32>,
        %swap3A_339 = vector.shape_cast %swap3A_338 : vector<1x16xf32> to vector<16xf32>
        %swap3A_340 = vector.shape_cast %add3A_335 : vector<16xf32> to vector<1x16xf32>
        tpu.vector_store %arg11[%swap3A_336, %swap3A_337], %swap3A_340 {strides = array<i32>} : memref<80x128xf32, #tpu.memory_space<vmem>>, vector<1x16xf32>,
        %get3A_341 = arith.index_cast %scan3A_300 : i32 to index
        %get3A_342 = arith.constant 48 : index
        %get3A_343 = tpu.vector_load %arg11[%get3A_341, %get3A_342] {strides = array<i32>} : memref<80x128xf32, #tpu.memory_space<vmem>>, vector<1x16xf32>,
        %get3A_344 = vector.shape_cast %get3A_343 : vector<1x16xf32> to vector<16xf32>
        %get3A_345 = arith.index_cast %scan3A_300 : i32 to index
        %get3A_346 = arith.constant 48 : index
        %get3A_347 = tpu.vector_load %arg15[%get3A_345, %get3A_346] {strides = array<i32>} : memref<80x128xf32, #tpu.memory_space<vmem>>, vector<1x16xf32>,
        %get3A_348 = vector.shape_cast %get3A_347 : vector<1x16xf32> to vector<16xf32>
        %add3A_349 = arith.addf %get3A_344, %get3A_348 : vector<16xf32>
        %swap3A_350 = arith.index_cast %scan3A_300 : i32 to index
        %swap3A_351 = arith.constant 48 : index
        %swap3A_352 = tpu.vector_load %arg11[%swap3A_350, %swap3A_351] {strides = array<i32>} : memref<80x128xf32, #tpu.memory_space<vmem>>, vector<1x16xf32>,
        %swap3A_353 = vector.shape_cast %swap3A_352 : vector<1x16xf32> to vector<16xf32>
        %swap3A_354 = vector.shape_cast %add3A_349 : vector<16xf32> to vector<1x16xf32>
        tpu.vector_store %arg11[%swap3A_350, %swap3A_351], %swap3A_354 {strides = array<i32>} : memref<80x128xf32, #tpu.memory_space<vmem>>, vector<1x16xf32>,
        %get3A_355 = arith.index_cast %scan3A_300 : i32 to index
        %get3A_356 = arith.constant 64 : index
        %get3A_357 = tpu.vector_load %arg11[%get3A_355, %get3A_356] {strides = array<i32>} : memref<80x128xf32, #tpu.memory_space<vmem>>, vector<1x16xf32>,
        %get3A_358 = vector.shape_cast %get3A_357 : vector<1x16xf32> to vector<16xf32>
        %get3A_359 = arith.index_cast %scan3A_300 : i32 to index
        %get3A_360 = arith.constant 64 : index
        %get3A_361 = tpu.vector_load %arg15[%get3A_359, %get3A_360] {strides = array<i32>} : memref<80x128xf32, #tpu.memory_space<vmem>>, vector<1x16xf32>,
        %get3A_362 = vector.shape_cast %get3A_361 : vector<1x16xf32> to vector<16xf32>
        %add3A_363 = arith.addf %get3A_358, %get3A_362 : vector<16xf32>
        %swap3A_364 = arith.index_cast %scan3A_300 : i32 to index
        %swap3A_365 = arith.constant 64 : index
        %swap3A_366 = tpu.vector_load %arg11[%swap3A_364, %swap3A_365] {strides = array<i32>} : memref<80x128xf32, #tpu.memory_space<vmem>>, vector<1x16xf32>,
        %swap3A_367 = vector.shape_cast %swap3A_366 : vector<1x16xf32> to vector<16xf32>
        %swap3A_368 = vector.shape_cast %add3A_363 : vector<16xf32> to vector<1x16xf32>
        tpu.vector_store %arg11[%swap3A_364, %swap3A_365], %swap3A_368 {strides = array<i32>} : memref<80x128xf32, #tpu.memory_space<vmem>>, vector<1x16xf32>,
        %get3A_369 = arith.index_cast %scan3A_300 : i32 to index
        %get3A_370 = arith.constant 80 : index
        %get3A_371 = tpu.vector_load %arg11[%get3A_369, %get3A_370] {strides = array<i32>} : memref<80x128xf32, #tpu.memory_space<vmem>>, vector<1x16xf32>,
        %get3A_372 = vector.shape_cast %get3A_371 : vector<1x16xf32> to vector<16xf32>
        %get3A_373 = arith.index_cast %scan3A_300 : i32 to index
        %get3A_374 = arith.constant 80 : index
        %get3A_375 = tpu.vector_load %arg15[%get3A_373, %get3A_374] {strides = array<i32>} : memref<80x128xf32, #tpu.memory_space<vmem>>, vector<1x16xf32>,
        %get3A_376 = vector.shape_cast %get3A_375 : vector<1x16xf32> to vector<16xf32>
        %add3A_377 = arith.addf %get3A_372, %get3A_376 : vector<16xf32>
        %swap3A_378 = arith.index_cast %scan3A_300 : i32 to index
        %swap3A_379 = arith.constant 80 : index
        %swap3A_380 = tpu.vector_load %arg11[%swap3A_378, %swap3A_379] {strides = array<i32>} : memref<80x128xf32, #tpu.memory_space<vmem>>, vector<1x16xf32>,
        %swap3A_381 = vector.shape_cast %swap3A_380 : vector<1x16xf32> to vector<16xf32>
        %swap3A_382 = vector.shape_cast %add3A_377 : vector<16xf32> to vector<1x16xf32>
        tpu.vector_store %arg11[%swap3A_378, %swap3A_379], %swap3A_382 {strides = array<i32>} : memref<80x128xf32, #tpu.memory_space<vmem>>, vector<1x16xf32>,
        %get3A_383 = arith.index_cast %scan3A_300 : i32 to index
        %get3A_384 = arith.constant 96 : index
        %get3A_385 = tpu.vector_load %arg11[%get3A_383, %get3A_384] {strides = array<i32>} : memref<80x128xf32, #tpu.memory_space<vmem>>, vector<1x16xf32>,
        %get3A_386 = vector.shape_cast %get3A_385 : vector<1x16xf32> to vector<16xf32>
        %get3A_387 = arith.index_cast %scan3A_300 : i32 to index
        %get3A_388 = arith.constant 96 : index
        %get3A_389 = tpu.vector_load %arg15[%get3A_387, %get3A_388] {strides = array<i32>} : memref<80x128xf32, #tpu.memory_space<vmem>>, vector<1x16xf32>,
        %get3A_390 = vector.shape_cast %get3A_389 : vector<1x16xf32> to vector<16xf32>
        %add3A_391 = arith.addf %get3A_386, %get3A_390 : vector<16xf32>
        %swap3A_392 = arith.index_cast %scan3A_300 : i32 to index
        %swap3A_393 = arith.constant 96 : index
        %swap3A_394 = tpu.vector_load %arg11[%swap3A_392, %swap3A_393] {strides = array<i32>} : memref<80x128xf32, #tpu.memory_space<vmem>>, vector<1x16xf32>,
        %swap3A_395 = vector.shape_cast %swap3A_394 : vector<1x16xf32> to vector<16xf32>
        %swap3A_396 = vector.shape_cast %add3A_391 : vector<16xf32> to vector<1x16xf32>
        tpu.vector_store %arg11[%swap3A_392, %swap3A_393], %swap3A_396 {strides = array<i32>} : memref<80x128xf32, #tpu.memory_space<vmem>>, vector<1x16xf32>,
        %get3A_397 = arith.index_cast %scan3A_300 : i32 to index
        %get3A_398 = arith.constant 112 : index
        %get3A_399 = tpu.vector_load %arg11[%get3A_397, %get3A_398] {strides = array<i32>} : memref<80x128xf32, #tpu.memory_space<vmem>>, vector<1x16xf32>,
        %get3A_400 = vector.shape_cast %get3A_399 : vector<1x16xf32> to vector<16xf32>
        %get3A_401 = arith.index_cast %scan3A_300 : i32 to index
        %get3A_402 = arith.constant 112 : index
        %get3A_403 = tpu.vector_load %arg15[%get3A_401, %get3A_402] {strides = array<i32>} : memref<80x128xf32, #tpu.memory_space<vmem>>, vector<1x16xf32>,
        %get3A_404 = vector.shape_cast %get3A_403 : vector<1x16xf32> to vector<16xf32>
        %add3A_405 = arith.addf %get3A_400, %get3A_404 : vector<16xf32>
        %swap3A_406 = arith.index_cast %scan3A_300 : i32 to index
        %swap3A_407 = arith.constant 112 : index
        %swap3A_408 = tpu.vector_load %arg11[%swap3A_406, %swap3A_407] {strides = array<i32>} : memref<80x128xf32, #tpu.memory_space<vmem>>, vector<1x16xf32>,
        %swap3A_409 = vector.shape_cast %swap3A_408 : vector<1x16xf32> to vector<16xf32>
        %swap3A_410 = vector.shape_cast %add3A_405 : vector<16xf32> to vector<1x16xf32>
        tpu.vector_store %arg11[%swap3A_406, %swap3A_407], %swap3A_410 {strides = array<i32>} : memref<80x128xf32, #tpu.memory_space<vmem>>, vector<1x16xf32>,
      }
      %scan3A_187 = arith.constant 80 : i32
      %dma_start3A_188 = arith.constant 0 : i32
      %dma_start3A_189 = tpu.memref_slice %arg6[%add3A_169, %dma_start3A_188] : memref<145920x128xf32, #tpu.memory_space<hbm>> -> memref<80x128xf32, #tpu.memory_space<hbm>>
      %dma_start3A_190 = arith.constant 0 : i32
      %dma_start3A_191 = tpu.memref_slice %arg6[%add3A_169, %dma_start3A_190] : memref<145920x128xf32, #tpu.memory_space<hbm>> -> memref<80x128xf32, #tpu.memory_space<hbm>>
      tpu.enqueue_dma source(%arg11 : memref<80x128xf32, #tpu.memory_space<vmem>>) target(%dma_start3A_191 : memref<80x128xf32, #tpu.memory_space<hbm>>) target_semaphore(%arg27 : memref<!tpu.dma_semaphore, #tpu.memory_space<semaphore_mem>>)
      %mul3A_192 = arith.constant 4 : i32
      %mul3A_193 = arith.muli %mul3A_192, %scan3A_98 : i32
      %add3A_194 = arith.constant 3 : i32
      %add3A_195 = arith.addi %mul3A_193, %add3A_194 : i32
      %mul3A_196 = arith.constant 4560 : i32
      %mul3A_197 = arith.muli %add3A, %mul3A_196 : i32
      %mul3A_198 = arith.constant 80 : i32
      %mul3A_199 = arith.muli %add3A_195, %mul3A_198 : i32
      %add3A_200 = arith.addi %mul3A_197, %mul3A_199 : i32
      %dma_wait3A_201 = arith.constant 0 : i32
      %dma_wait3A_202 = tpu.memref_slice %arg7[%add3A_195, %dma_wait3A_201] : memref<57x80xi32, #tpu.memory_space<vmem>> -> memref<1x80xi32, #tpu.memory_space<vmem>>
      %dma_wait3A_203 = tpu.memref_squeeze %dma_wait3A_202 : memref<1x80xi32, #tpu.memory_space<vmem>> -> memref<80xi32, #tpu.memory_space<vmem>>
      %dma_wait3A_204 = arith.constant 0 : i32
      %dma_wait3A_205 = arith.constant 0 : i32
      %dma_wait3A_206 = tpu.memref_slice %arg2[%dma_wait3A_204, %dma_wait3A_205] : memref<10000x128xf32, #tpu.memory_space<hbm>> -> memref<10000x128xf32, #tpu.memory_space<hbm>>
      tpu.wait_indirect_dma semaphore(%arg20 : memref<!tpu.dma_semaphore, #tpu.memory_space<semaphore_mem>>) src(%dma_wait3A_206 : memref<10000x128xf32, #tpu.memory_space<hbm>>) dst(%arg12 : memref<80x128xf32, #tpu.memory_space<vmem>>)
      %dma_wait3A_207 = arith.constant 0 : i32
      %dma_wait3A_208 = tpu.memref_slice %arg8[%add3A_195, %dma_wait3A_207] : memref<57x80xi32, #tpu.memory_space<vmem>> -> memref<1x80xi32, #tpu.memory_space<vmem>>
      %dma_wait3A_209 = tpu.memref_squeeze %dma_wait3A_208 : memref<1x80xi32, #tpu.memory_space<vmem>> -> memref<80xi32, #tpu.memory_space<vmem>>
      %dma_wait3A_210 = arith.constant 0 : i32
      %dma_wait3A_211 = arith.constant 0 : i32
      %dma_wait3A_212 = tpu.memref_slice %arg3[%dma_wait3A_210, %dma_wait3A_211] : memref<10000x128xf32, #tpu.memory_space<hbm>> -> memref<10000x128xf32, #tpu.memory_space<hbm>>
      tpu.wait_indirect_dma semaphore(%arg24 : memref<!tpu.dma_semaphore, #tpu.memory_space<semaphore_mem>>) src(%dma_wait3A_212 : memref<10000x128xf32, #tpu.memory_space<hbm>>) dst(%arg16 : memref<80x128xf32, #tpu.memory_space<vmem>>)
      %scan3A_213 = arith.constant 0 : i32
      %scan3A_214 = arith.constant 0 : i32
      %scan3A_215 = arith.constant 80 : i32
      %scan3A_216 = arith.addi %scan3A_214, %scan3A_215 : i32
      %scan3A_217 = arith.constant 1 : i32
      scf.for %scan3A_300 = %scan3A_214 to %scan3A_216 step %scan3A_217  : i32 {
        %get3A = arith.index_cast %scan3A_300 : i32 to index
        %get3A_301 = arith.constant 0 : index
        %get3A_302 = tpu.vector_load %arg12[%get3A, %get3A_301] {strides = array<i32>} : memref<80x128xf32, #tpu.memory_space<vmem>>, vector<1x16xf32>,
        %get3A_303 = vector.shape_cast %get3A_302 : vector<1x16xf32> to vector<16xf32>
        %get3A_304 = arith.index_cast %scan3A_300 : i32 to index
        %get3A_305 = arith.constant 0 : index
        %get3A_306 = tpu.vector_load %arg16[%get3A_304, %get3A_305] {strides = array<i32>} : memref<80x128xf32, #tpu.memory_space<vmem>>, vector<1x16xf32>,
        %get3A_307 = vector.shape_cast %get3A_306 : vector<1x16xf32> to vector<16xf32>
        %add3A_308 = arith.addf %get3A_303, %get3A_307 : vector<16xf32>
        %swap3A = arith.index_cast %scan3A_300 : i32 to index
        %swap3A_309 = arith.constant 0 : index
        %swap3A_310 = tpu.vector_load %arg12[%swap3A, %swap3A_309] {strides = array<i32>} : memref<80x128xf32, #tpu.memory_space<vmem>>, vector<1x16xf32>,
        %swap3A_311 = vector.shape_cast %swap3A_310 : vector<1x16xf32> to vector<16xf32>
        %swap3A_312 = vector.shape_cast %add3A_308 : vector<16xf32> to vector<1x16xf32>
        tpu.vector_store %arg12[%swap3A, %swap3A_309], %swap3A_312 {strides = array<i32>} : memref<80x128xf32, #tpu.memory_space<vmem>>, vector<1x16xf32>,
        %get3A_313 = arith.index_cast %scan3A_300 : i32 to index
        %get3A_314 = arith.constant 16 : index
        %get3A_315 = tpu.vector_load %arg12[%get3A_313, %get3A_314] {strides = array<i32>} : memref<80x128xf32, #tpu.memory_space<vmem>>, vector<1x16xf32>,
        %get3A_316 = vector.shape_cast %get3A_315 : vector<1x16xf32> to vector<16xf32>
        %get3A_317 = arith.index_cast %scan3A_300 : i32 to index
        %get3A_318 = arith.constant 16 : index
        %get3A_319 = tpu.vector_load %arg16[%get3A_317, %get3A_318] {strides = array<i32>} : memref<80x128xf32, #tpu.memory_space<vmem>>, vector<1x16xf32>,
        %get3A_320 = vector.shape_cast %get3A_319 : vector<1x16xf32> to vector<16xf32>
        %add3A_321 = arith.addf %get3A_316, %get3A_320 : vector<16xf32>
        %swap3A_322 = arith.index_cast %scan3A_300 : i32 to index
        %swap3A_323 = arith.constant 16 : index
        %swap3A_324 = tpu.vector_load %arg12[%swap3A_322, %swap3A_323] {strides = array<i32>} : memref<80x128xf32, #tpu.memory_space<vmem>>, vector<1x16xf32>,
        %swap3A_325 = vector.shape_cast %swap3A_324 : vector<1x16xf32> to vector<16xf32>
        %swap3A_326 = vector.shape_cast %add3A_321 : vector<16xf32> to vector<1x16xf32>
        tpu.vector_store %arg12[%swap3A_322, %swap3A_323], %swap3A_326 {strides = array<i32>} : memref<80x128xf32, #tpu.memory_space<vmem>>, vector<1x16xf32>,
        %get3A_327 = arith.index_cast %scan3A_300 : i32 to index
        %get3A_328 = arith.constant 32 : index
        %get3A_329 = tpu.vector_load %arg12[%get3A_327, %get3A_328] {strides = array<i32>} : memref<80x128xf32, #tpu.memory_space<vmem>>, vector<1x16xf32>,
        %get3A_330 = vector.shape_cast %get3A_329 : vector<1x16xf32> to vector<16xf32>
        %get3A_331 = arith.index_cast %scan3A_300 : i32 to index
        %get3A_332 = arith.constant 32 : index
        %get3A_333 = tpu.vector_load %arg16[%get3A_331, %get3A_332] {strides = array<i32>} : memref<80x128xf32, #tpu.memory_space<vmem>>, vector<1x16xf32>,
        %get3A_334 = vector.shape_cast %get3A_333 : vector<1x16xf32> to vector<16xf32>
        %add3A_335 = arith.addf %get3A_330, %get3A_334 : vector<16xf32>
        %swap3A_336 = arith.index_cast %scan3A_300 : i32 to index
        %swap3A_337 = arith.constant 32 : index
        %swap3A_338 = tpu.vector_load %arg12[%swap3A_336, %swap3A_337] {strides = array<i32>} : memref<80x128xf32, #tpu.memory_space<vmem>>, vector<1x16xf32>,
        %swap3A_339 = vector.shape_cast %swap3A_338 : vector<1x16xf32> to vector<16xf32>
        %swap3A_340 = vector.shape_cast %add3A_335 : vector<16xf32> to vector<1x16xf32>
        tpu.vector_store %arg12[%swap3A_336, %swap3A_337], %swap3A_340 {strides = array<i32>} : memref<80x128xf32, #tpu.memory_space<vmem>>, vector<1x16xf32>,
        %get3A_341 = arith.index_cast %scan3A_300 : i32 to index
        %get3A_342 = arith.constant 48 : index
        %get3A_343 = tpu.vector_load %arg12[%get3A_341, %get3A_342] {strides = array<i32>} : memref<80x128xf32, #tpu.memory_space<vmem>>, vector<1x16xf32>,
        %get3A_344 = vector.shape_cast %get3A_343 : vector<1x16xf32> to vector<16xf32>
        %get3A_345 = arith.index_cast %scan3A_300 : i32 to index
        %get3A_346 = arith.constant 48 : index
        %get3A_347 = tpu.vector_load %arg16[%get3A_345, %get3A_346] {strides = array<i32>} : memref<80x128xf32, #tpu.memory_space<vmem>>, vector<1x16xf32>,
        %get3A_348 = vector.shape_cast %get3A_347 : vector<1x16xf32> to vector<16xf32>
        %add3A_349 = arith.addf %get3A_344, %get3A_348 : vector<16xf32>
        %swap3A_350 = arith.index_cast %scan3A_300 : i32 to index
        %swap3A_351 = arith.constant 48 : index
        %swap3A_352 = tpu.vector_load %arg12[%swap3A_350, %swap3A_351] {strides = array<i32>} : memref<80x128xf32, #tpu.memory_space<vmem>>, vector<1x16xf32>,
        %swap3A_353 = vector.shape_cast %swap3A_352 : vector<1x16xf32> to vector<16xf32>
        %swap3A_354 = vector.shape_cast %add3A_349 : vector<16xf32> to vector<1x16xf32>
        tpu.vector_store %arg12[%swap3A_350, %swap3A_351], %swap3A_354 {strides = array<i32>} : memref<80x128xf32, #tpu.memory_space<vmem>>, vector<1x16xf32>,
        %get3A_355 = arith.index_cast %scan3A_300 : i32 to index
        %get3A_356 = arith.constant 64 : index
        %get3A_357 = tpu.vector_load %arg12[%get3A_355, %get3A_356] {strides = array<i32>} : memref<80x128xf32, #tpu.memory_space<vmem>>, vector<1x16xf32>,
        %get3A_358 = vector.shape_cast %get3A_357 : vector<1x16xf32> to vector<16xf32>
        %get3A_359 = arith.index_cast %scan3A_300 : i32 to index
        %get3A_360 = arith.constant 64 : index
        %get3A_361 = tpu.vector_load %arg16[%get3A_359, %get3A_360] {strides = array<i32>} : memref<80x128xf32, #tpu.memory_space<vmem>>, vector<1x16xf32>,
        %get3A_362 = vector.shape_cast %get3A_361 : vector<1x16xf32> to vector<16xf32>
        %add3A_363 = arith.addf %get3A_358, %get3A_362 : vector<16xf32>
        %swap3A_364 = arith.index_cast %scan3A_300 : i32 to index
        %swap3A_365 = arith.constant 64 : index
        %swap3A_366 = tpu.vector_load %arg12[%swap3A_364, %swap3A_365] {strides = array<i32>} : memref<80x128xf32, #tpu.memory_space<vmem>>, vector<1x16xf32>,
        %swap3A_367 = vector.shape_cast %swap3A_366 : vector<1x16xf32> to vector<16xf32>
        %swap3A_368 = vector.shape_cast %add3A_363 : vector<16xf32> to vector<1x16xf32>
        tpu.vector_store %arg12[%swap3A_364, %swap3A_365], %swap3A_368 {strides = array<i32>} : memref<80x128xf32, #tpu.memory_space<vmem>>, vector<1x16xf32>,
        %get3A_369 = arith.index_cast %scan3A_300 : i32 to index
        %get3A_370 = arith.constant 80 : index
        %get3A_371 = tpu.vector_load %arg12[%get3A_369, %get3A_370] {strides = array<i32>} : memref<80x128xf32, #tpu.memory_space<vmem>>, vector<1x16xf32>,
        %get3A_372 = vector.shape_cast %get3A_371 : vector<1x16xf32> to vector<16xf32>
        %get3A_373 = arith.index_cast %scan3A_300 : i32 to index
        %get3A_374 = arith.constant 80 : index
        %get3A_375 = tpu.vector_load %arg16[%get3A_373, %get3A_374] {strides = array<i32>} : memref<80x128xf32, #tpu.memory_space<vmem>>, vector<1x16xf32>,
        %get3A_376 = vector.shape_cast %get3A_375 : vector<1x16xf32> to vector<16xf32>
        %add3A_377 = arith.addf %get3A_372, %get3A_376 : vector<16xf32>
        %swap3A_378 = arith.index_cast %scan3A_300 : i32 to index
        %swap3A_379 = arith.constant 80 : index
        %swap3A_380 = tpu.vector_load %arg12[%swap3A_378, %swap3A_379] {strides = array<i32>} : memref<80x128xf32, #tpu.memory_space<vmem>>, vector<1x16xf32>,
        %swap3A_381 = vector.shape_cast %swap3A_380 : vector<1x16xf32> to vector<16xf32>
        %swap3A_382 = vector.shape_cast %add3A_377 : vector<16xf32> to vector<1x16xf32>
        tpu.vector_store %arg12[%swap3A_378, %swap3A_379], %swap3A_382 {strides = array<i32>} : memref<80x128xf32, #tpu.memory_space<vmem>>, vector<1x16xf32>,
        %get3A_383 = arith.index_cast %scan3A_300 : i32 to index
        %get3A_384 = arith.constant 96 : index
        %get3A_385 = tpu.vector_load %arg12[%get3A_383, %get3A_384] {strides = array<i32>} : memref<80x128xf32, #tpu.memory_space<vmem>>, vector<1x16xf32>,
        %get3A_386 = vector.shape_cast %get3A_385 : vector<1x16xf32> to vector<16xf32>
        %get3A_387 = arith.index_cast %scan3A_300 : i32 to index
        %get3A_388 = arith.constant 96 : index
        %get3A_389 = tpu.vector_load %arg16[%get3A_387, %get3A_388] {strides = array<i32>} : memref<80x128xf32, #tpu.memory_space<vmem>>, vector<1x16xf32>,
        %get3A_390 = vector.shape_cast %get3A_389 : vector<1x16xf32> to vector<16xf32>
        %add3A_391 = arith.addf %get3A_386, %get3A_390 : vector<16xf32>
        %swap3A_392 = arith.index_cast %scan3A_300 : i32 to index
        %swap3A_393 = arith.constant 96 : index
        %swap3A_394 = tpu.vector_load %arg12[%swap3A_392, %swap3A_393] {strides = array<i32>} : memref<80x128xf32, #tpu.memory_space<vmem>>, vector<1x16xf32>,
        %swap3A_395 = vector.shape_cast %swap3A_394 : vector<1x16xf32> to vector<16xf32>
        %swap3A_396 = vector.shape_cast %add3A_391 : vector<16xf32> to vector<1x16xf32>
        tpu.vector_store %arg12[%swap3A_392, %swap3A_393], %swap3A_396 {strides = array<i32>} : memref<80x128xf32, #tpu.memory_space<vmem>>, vector<1x16xf32>,
        %get3A_397 = arith.index_cast %scan3A_300 : i32 to index
        %get3A_398 = arith.constant 112 : index
        %get3A_399 = tpu.vector_load %arg12[%get3A_397, %get3A_398] {strides = array<i32>} : memref<80x128xf32, #tpu.memory_space<vmem>>, vector<1x16xf32>,
        %get3A_400 = vector.shape_cast %get3A_399 : vector<1x16xf32> to vector<16xf32>
        %get3A_401 = arith.index_cast %scan3A_300 : i32 to index
        %get3A_402 = arith.constant 112 : index
        %get3A_403 = tpu.vector_load %arg16[%get3A_401, %get3A_402] {strides = array<i32>} : memref<80x128xf32, #tpu.memory_space<vmem>>, vector<1x16xf32>,
        %get3A_404 = vector.shape_cast %get3A_403 : vector<1x16xf32> to vector<16xf32>
        %add3A_405 = arith.addf %get3A_400, %get3A_404 : vector<16xf32>
        %swap3A_406 = arith.index_cast %scan3A_300 : i32 to index
        %swap3A_407 = arith.constant 112 : index
        %swap3A_408 = tpu.vector_load %arg12[%swap3A_406, %swap3A_407] {strides = array<i32>} : memref<80x128xf32, #tpu.memory_space<vmem>>, vector<1x16xf32>,
        %swap3A_409 = vector.shape_cast %swap3A_408 : vector<1x16xf32> to vector<16xf32>
        %swap3A_410 = vector.shape_cast %add3A_405 : vector<16xf32> to vector<1x16xf32>
        tpu.vector_store %arg12[%swap3A_406, %swap3A_407], %swap3A_410 {strides = array<i32>} : memref<80x128xf32, #tpu.memory_space<vmem>>, vector<1x16xf32>,
      }
      %scan3A_218 = arith.constant 80 : i32
      %dma_start3A_219 = arith.constant 0 : i32
      %dma_start3A_220 = tpu.memref_slice %arg6[%add3A_200, %dma_start3A_219] : memref<145920x128xf32, #tpu.memory_space<hbm>> -> memref<80x128xf32, #tpu.memory_space<hbm>>
      %dma_start3A_221 = arith.constant 0 : i32
      %dma_start3A_222 = tpu.memref_slice %arg6[%add3A_200, %dma_start3A_221] : memref<145920x128xf32, #tpu.memory_space<hbm>> -> memref<80x128xf32, #tpu.memory_space<hbm>>
      tpu.enqueue_dma source(%arg12 : memref<80x128xf32, #tpu.memory_space<vmem>>) target(%dma_start3A_222 : memref<80x128xf32, #tpu.memory_space<hbm>>) target_semaphore(%arg28 : memref<!tpu.dma_semaphore, #tpu.memory_space<semaphore_mem>>)
      %mul3A_223 = arith.constant 4 : i32
      %mul3A_224 = arith.muli %mul3A_223, %scan3A_98 : i32
      %add3A_225 = arith.constant 0 : i32
      %add3A_226 = arith.addi %mul3A_224, %add3A_225 : i32
      %add3A_227 = arith.constant 4 : i32
      %add3A_228 = arith.addi %add3A_226, %add3A_227 : i32
      %mul3A_229 = arith.constant 4560 : i32
      %mul3A_230 = arith.muli %add3A, %mul3A_229 : i32
      %mul3A_231 = arith.constant 80 : i32
      %mul3A_232 = arith.muli %add3A_226, %mul3A_231 : i32
      %add3A_233 = arith.addi %mul3A_230, %mul3A_232 : i32
      %dma_wait3A_234 = arith.constant 0 : i32
      %dma_wait3A_235 = tpu.memref_slice %arg6[%add3A_233, %dma_wait3A_234] : memref<145920x128xf32, #tpu.memory_space<hbm>> -> memref<80x128xf32, #tpu.memory_space<hbm>>
      %dma_wait3A_236 = arith.constant 0 : i32
      %dma_wait3A_237 = tpu.memref_slice %arg6[%add3A_233, %dma_wait3A_236] : memref<145920x128xf32, #tpu.memory_space<hbm>> -> memref<80x128xf32, #tpu.memory_space<hbm>>
      tpu.wait_dma2 semaphore(%arg25 : memref<!tpu.dma_semaphore, #tpu.memory_space<semaphore_mem>>) src(%arg9 : memref<80x128xf32, #tpu.memory_space<vmem>>) dst(%dma_wait3A_237 : memref<80x128xf32, #tpu.memory_space<hbm>>)
      %lt3A = arith.constant 56 : i32
      %lt3A_238 = arith.cmpi slt, %add3A_228, %lt3A : i32
      %convert_element_type3A = arith.extui %lt3A_238 : i1 to i32
      %cond3A = arith.constant 0 : i32
      %cond3A_239 = arith.cmpi ne, %convert_element_type3A, %cond3A : i32
      scf.if %cond3A_239 {
        %dma_start3A_300 = arith.constant 0 : i32
        %dma_start3A_301 = tpu.memref_slice %arg7[%add3A_228, %dma_start3A_300] : memref<57x80xi32, #tpu.memory_space<vmem>> -> memref<1x80xi32, #tpu.memory_space<vmem>>
        %dma_start3A_302 = tpu.memref_squeeze %dma_start3A_301 : memref<1x80xi32, #tpu.memory_space<vmem>> -> memref<80xi32, #tpu.memory_space<vmem>>
        %dma_start3A_303 = arith.constant 0 : i32
        %dma_start3A_304 = arith.constant 0 : i32
        %dma_start3A_305 = tpu.memref_slice %arg2[%dma_start3A_303, %dma_start3A_304] : memref<10000x128xf32, #tpu.memory_space<hbm>> -> memref<10000x128xf32, #tpu.memory_space<hbm>>
        tpu.enqueue_indirect_dma source(%dma_start3A_305 : memref<10000x128xf32, #tpu.memory_space<hbm>>) target(%arg9 : memref<80x128xf32, #tpu.memory_space<vmem>>) offsets(%dma_start3A_302 : memref<80xi32, #tpu.memory_space<vmem>>) semaphore(%arg17 : memref<!tpu.dma_semaphore, #tpu.memory_space<semaphore_mem>>)
        %dma_start3A_306 = arith.constant 0 : i32
        %dma_start3A_307 = tpu.memref_slice %arg8[%add3A_228, %dma_start3A_306] : memref<57x80xi32, #tpu.memory_space<vmem>> -> memref<1x80xi32, #tpu.memory_space<vmem>>
        %dma_start3A_308 = tpu.memref_squeeze %dma_start3A_307 : memref<1x80xi32, #tpu.memory_space<vmem>> -> memref<80xi32, #tpu.memory_space<vmem>>
        %dma_start3A_309 = arith.constant 0 : i32
        %dma_start3A_310 = arith.constant 0 : i32
        %dma_start3A_311 = tpu.memref_slice %arg3[%dma_start3A_309, %dma_start3A_310] : memref<10000x128xf32, #tpu.memory_space<hbm>> -> memref<10000x128xf32, #tpu.memory_space<hbm>>
        tpu.enqueue_indirect_dma source(%dma_start3A_311 : memref<10000x128xf32, #tpu.memory_space<hbm>>) target(%arg13 : memref<80x128xf32, #tpu.memory_space<vmem>>) offsets(%dma_start3A_308 : memref<80xi32, #tpu.memory_space<vmem>>) semaphore(%arg21 : memref<!tpu.dma_semaphore, #tpu.memory_space<semaphore_mem>>)
      } else {
      }
      %mul3A_240 = arith.constant 4 : i32
      %mul3A_241 = arith.muli %mul3A_240, %scan3A_98 : i32
      %add3A_242 = arith.constant 1 : i32
      %add3A_243 = arith.addi %mul3A_241, %add3A_242 : i32
      %add3A_244 = arith.constant 4 : i32
      %add3A_245 = arith.addi %add3A_243, %add3A_244 : i32
      %mul3A_246 = arith.constant 4560 : i32
      %mul3A_247 = arith.muli %add3A, %mul3A_246 : i32
      %mul3A_248 = arith.constant 80 : i32
      %mul3A_249 = arith.muli %add3A_243, %mul3A_248 : i32
      %add3A_250 = arith.addi %mul3A_247, %mul3A_249 : i32
      %dma_wait3A_251 = arith.constant 0 : i32
      %dma_wait3A_252 = tpu.memref_slice %arg6[%add3A_250, %dma_wait3A_251] : memref<145920x128xf32, #tpu.memory_space<hbm>> -> memref<80x128xf32, #tpu.memory_space<hbm>>
      %dma_wait3A_253 = arith.constant 0 : i32
      %dma_wait3A_254 = tpu.memref_slice %arg6[%add3A_250, %dma_wait3A_253] : memref<145920x128xf32, #tpu.memory_space<hbm>> -> memref<80x128xf32, #tpu.memory_space<hbm>>
      tpu.wait_dma2 semaphore(%arg26 : memref<!tpu.dma_semaphore, #tpu.memory_space<semaphore_mem>>) src(%arg10 : memref<80x128xf32, #tpu.memory_space<vmem>>) dst(%dma_wait3A_254 : memref<80x128xf32, #tpu.memory_space<hbm>>)
      %lt3A_255 = arith.constant 56 : i32
      %lt3A_256 = arith.cmpi slt, %add3A_245, %lt3A_255 : i32
      %convert_element_type3A_257 = arith.extui %lt3A_256 : i1 to i32
      %cond3A_258 = arith.constant 0 : i32
      %cond3A_259 = arith.cmpi ne, %convert_element_type3A_257, %cond3A_258 : i32
      scf.if %cond3A_259 {
        %dma_start3A_300 = arith.constant 0 : i32
        %dma_start3A_301 = tpu.memref_slice %arg7[%add3A_245, %dma_start3A_300] : memref<57x80xi32, #tpu.memory_space<vmem>> -> memref<1x80xi32, #tpu.memory_space<vmem>>
        %dma_start3A_302 = tpu.memref_squeeze %dma_start3A_301 : memref<1x80xi32, #tpu.memory_space<vmem>> -> memref<80xi32, #tpu.memory_space<vmem>>
        %dma_start3A_303 = arith.constant 0 : i32
        %dma_start3A_304 = arith.constant 0 : i32
        %dma_start3A_305 = tpu.memref_slice %arg2[%dma_start3A_303, %dma_start3A_304] : memref<10000x128xf32, #tpu.memory_space<hbm>> -> memref<10000x128xf32, #tpu.memory_space<hbm>>
        tpu.enqueue_indirect_dma source(%dma_start3A_305 : memref<10000x128xf32, #tpu.memory_space<hbm>>) target(%arg10 : memref<80x128xf32, #tpu.memory_space<vmem>>) offsets(%dma_start3A_302 : memref<80xi32, #tpu.memory_space<vmem>>) semaphore(%arg18 : memref<!tpu.dma_semaphore, #tpu.memory_space<semaphore_mem>>)
        %dma_start3A_306 = arith.constant 0 : i32
        %dma_start3A_307 = tpu.memref_slice %arg8[%add3A_245, %dma_start3A_306] : memref<57x80xi32, #tpu.memory_space<vmem>> -> memref<1x80xi32, #tpu.memory_space<vmem>>
        %dma_start3A_308 = tpu.memref_squeeze %dma_start3A_307 : memref<1x80xi32, #tpu.memory_space<vmem>> -> memref<80xi32, #tpu.memory_space<vmem>>
        %dma_start3A_309 = arith.constant 0 : i32
        %dma_start3A_310 = arith.constant 0 : i32
        %dma_start3A_311 = tpu.memref_slice %arg3[%dma_start3A_309, %dma_start3A_310] : memref<10000x128xf32, #tpu.memory_space<hbm>> -> memref<10000x128xf32, #tpu.memory_space<hbm>>
        tpu.enqueue_indirect_dma source(%dma_start3A_311 : memref<10000x128xf32, #tpu.memory_space<hbm>>) target(%arg14 : memref<80x128xf32, #tpu.memory_space<vmem>>) offsets(%dma_start3A_308 : memref<80xi32, #tpu.memory_space<vmem>>) semaphore(%arg22 : memref<!tpu.dma_semaphore, #tpu.memory_space<semaphore_mem>>)
      } else {
      }
      %mul3A_260 = arith.constant 4 : i32
      %mul3A_261 = arith.muli %mul3A_260, %scan3A_98 : i32
      %add3A_262 = arith.constant 2 : i32
      %add3A_263 = arith.addi %mul3A_261, %add3A_262 : i32
      %add3A_264 = arith.constant 4 : i32
      %add3A_265 = arith.addi %add3A_263, %add3A_264 : i32
      %mul3A_266 = arith.constant 4560 : i32
      %mul3A_267 = arith.muli %add3A, %mul3A_266 : i32
      %mul3A_268 = arith.constant 80 : i32
      %mul3A_269 = arith.muli %add3A_263, %mul3A_268 : i32
      %add3A_270 = arith.addi %mul3A_267, %mul3A_269 : i32
      %dma_wait3A_271 = arith.constant 0 : i32
      %dma_wait3A_272 = tpu.memref_slice %arg6[%add3A_270, %dma_wait3A_271] : memref<145920x128xf32, #tpu.memory_space<hbm>> -> memref<80x128xf32, #tpu.memory_space<hbm>>
      %dma_wait3A_273 = arith.constant 0 : i32
      %dma_wait3A_274 = tpu.memref_slice %arg6[%add3A_270, %dma_wait3A_273] : memref<145920x128xf32, #tpu.memory_space<hbm>> -> memref<80x128xf32, #tpu.memory_space<hbm>>
      tpu.wait_dma2 semaphore(%arg27 : memref<!tpu.dma_semaphore, #tpu.memory_space<semaphore_mem>>) src(%arg11 : memref<80x128xf32, #tpu.memory_space<vmem>>) dst(%dma_wait3A_274 : memref<80x128xf32, #tpu.memory_space<hbm>>)
      %lt3A_275 = arith.constant 56 : i32
      %lt3A_276 = arith.cmpi slt, %add3A_265, %lt3A_275 : i32
      %convert_element_type3A_277 = arith.extui %lt3A_276 : i1 to i32
      %cond3A_278 = arith.constant 0 : i32
      %cond3A_279 = arith.cmpi ne, %convert_element_type3A_277, %cond3A_278 : i32
      scf.if %cond3A_279 {
        %dma_start3A_300 = arith.constant 0 : i32
        %dma_start3A_301 = tpu.memref_slice %arg7[%add3A_265, %dma_start3A_300] : memref<57x80xi32, #tpu.memory_space<vmem>> -> memref<1x80xi32, #tpu.memory_space<vmem>>
        %dma_start3A_302 = tpu.memref_squeeze %dma_start3A_301 : memref<1x80xi32, #tpu.memory_space<vmem>> -> memref<80xi32, #tpu.memory_space<vmem>>
        %dma_start3A_303 = arith.constant 0 : i32
        %dma_start3A_304 = arith.constant 0 : i32
        %dma_start3A_305 = tpu.memref_slice %arg2[%dma_start3A_303, %dma_start3A_304] : memref<10000x128xf32, #tpu.memory_space<hbm>> -> memref<10000x128xf32, #tpu.memory_space<hbm>>
        tpu.enqueue_indirect_dma source(%dma_start3A_305 : memref<10000x128xf32, #tpu.memory_space<hbm>>) target(%arg11 : memref<80x128xf32, #tpu.memory_space<vmem>>) offsets(%dma_start3A_302 : memref<80xi32, #tpu.memory_space<vmem>>) semaphore(%arg19 : memref<!tpu.dma_semaphore, #tpu.memory_space<semaphore_mem>>)
        %dma_start3A_306 = arith.constant 0 : i32
        %dma_start3A_307 = tpu.memref_slice %arg8[%add3A_265, %dma_start3A_306] : memref<57x80xi32, #tpu.memory_space<vmem>> -> memref<1x80xi32, #tpu.memory_space<vmem>>
        %dma_start3A_308 = tpu.memref_squeeze %dma_start3A_307 : memref<1x80xi32, #tpu.memory_space<vmem>> -> memref<80xi32, #tpu.memory_space<vmem>>
        %dma_start3A_309 = arith.constant 0 : i32
        %dma_start3A_310 = arith.constant 0 : i32
        %dma_start3A_311 = tpu.memref_slice %arg3[%dma_start3A_309, %dma_start3A_310] : memref<10000x128xf32, #tpu.memory_space<hbm>> -> memref<10000x128xf32, #tpu.memory_space<hbm>>
        tpu.enqueue_indirect_dma source(%dma_start3A_311 : memref<10000x128xf32, #tpu.memory_space<hbm>>) target(%arg15 : memref<80x128xf32, #tpu.memory_space<vmem>>) offsets(%dma_start3A_308 : memref<80xi32, #tpu.memory_space<vmem>>) semaphore(%arg23 : memref<!tpu.dma_semaphore, #tpu.memory_space<semaphore_mem>>)
      } else {
      }
      %mul3A_280 = arith.constant 4 : i32
      %mul3A_281 = arith.muli %mul3A_280, %scan3A_98 : i32
      %add3A_282 = arith.constant 3 : i32
      %add3A_283 = arith.addi %mul3A_281, %add3A_282 : i32
      %add3A_284 = arith.constant 4 : i32
      %add3A_285 = arith.addi %add3A_283, %add3A_284 : i32
      %mul3A_286 = arith.constant 4560 : i32
      %mul3A_287 = arith.muli %add3A, %mul3A_286 : i32
      %mul3A_288 = arith.constant 80 : i32
      %mul3A_289 = arith.muli %add3A_283, %mul3A_288 : i32
      %add3A_290 = arith.addi %mul3A_287, %mul3A_289 : i32
      %dma_wait3A_291 = arith.constant 0 : i32
      %dma_wait3A_292 = tpu.memref_slice %arg6[%add3A_290, %dma_wait3A_291] : memref<145920x128xf32, #tpu.memory_space<hbm>> -> memref<80x128xf32, #tpu.memory_space<hbm>>
      %dma_wait3A_293 = arith.constant 0 : i32
      %dma_wait3A_294 = tpu.memref_slice %arg6[%add3A_290, %dma_wait3A_293] : memref<145920x128xf32, #tpu.memory_space<hbm>> -> memref<80x128xf32, #tpu.memory_space<hbm>>
      tpu.wait_dma2 semaphore(%arg28 : memref<!tpu.dma_semaphore, #tpu.memory_space<semaphore_mem>>) src(%arg12 : memref<80x128xf32, #tpu.memory_space<vmem>>) dst(%dma_wait3A_294 : memref<80x128xf32, #tpu.memory_space<hbm>>)
      %lt3A_295 = arith.constant 56 : i32
      %lt3A_296 = arith.cmpi slt, %add3A_285, %lt3A_295 : i32
      %convert_element_type3A_297 = arith.extui %lt3A_296 : i1 to i32
      %cond3A_298 = arith.constant 0 : i32
      %cond3A_299 = arith.cmpi ne, %convert_element_type3A_297, %cond3A_298 : i32
      scf.if %cond3A_299 {
        %dma_start3A_300 = arith.constant 0 : i32
        %dma_start3A_301 = tpu.memref_slice %arg7[%add3A_285, %dma_start3A_300] : memref<57x80xi32, #tpu.memory_space<vmem>> -> memref<1x80xi32, #tpu.memory_space<vmem>>
        %dma_start3A_302 = tpu.memref_squeeze %dma_start3A_301 : memref<1x80xi32, #tpu.memory_space<vmem>> -> memref<80xi32, #tpu.memory_space<vmem>>
        %dma_start3A_303 = arith.constant 0 : i32
        %dma_start3A_304 = arith.constant 0 : i32
        %dma_start3A_305 = tpu.memref_slice %arg2[%dma_start3A_303, %dma_start3A_304] : memref<10000x128xf32, #tpu.memory_space<hbm>> -> memref<10000x128xf32, #tpu.memory_space<hbm>>
        tpu.enqueue_indirect_dma source(%dma_start3A_305 : memref<10000x128xf32, #tpu.memory_space<hbm>>) target(%arg12 : memref<80x128xf32, #tpu.memory_space<vmem>>) offsets(%dma_start3A_302 : memref<80xi32, #tpu.memory_space<vmem>>) semaphore(%arg20 : memref<!tpu.dma_semaphore, #tpu.memory_space<semaphore_mem>>)
        %dma_start3A_306 = arith.constant 0 : i32
        %dma_start3A_307 = tpu.memref_slice %arg8[%add3A_285, %dma_start3A_306] : memref<57x80xi32, #tpu.memory_space<vmem>> -> memref<1x80xi32, #tpu.memory_space<vmem>>
        %dma_start3A_308 = tpu.memref_squeeze %dma_start3A_307 : memref<1x80xi32, #tpu.memory_space<vmem>> -> memref<80xi32, #tpu.memory_space<vmem>>
        %dma_start3A_309 = arith.constant 0 : i32
        %dma_start3A_310 = arith.constant 0 : i32
        %dma_start3A_311 = tpu.memref_slice %arg3[%dma_start3A_309, %dma_start3A_310] : memref<10000x128xf32, #tpu.memory_space<hbm>> -> memref<10000x128xf32, #tpu.memory_space<hbm>>
        tpu.enqueue_indirect_dma source(%dma_start3A_311 : memref<10000x128xf32, #tpu.memory_space<hbm>>) target(%arg16 : memref<80x128xf32, #tpu.memory_space<vmem>>) offsets(%dma_start3A_308 : memref<80xi32, #tpu.memory_space<vmem>>) semaphore(%arg24 : memref<!tpu.dma_semaphore, #tpu.memory_space<semaphore_mem>>)
      } else {
      }
    }
    %scan3A_60 = arith.constant 14 : i32
    %mul3A_61 = arith.constant 4560 : i32
    %mul3A_62 = arith.muli %add3A, %mul3A_61 : i32
    %add3A_63 = arith.constant 4480 : i32
    %add3A_64 = arith.addi %mul3A_62, %add3A_63 : i32
    %dma_start3A_65 = arith.constant 56 : i32
    %dma_start3A_66 = arith.constant 0 : i32
    %dma_start3A_67 = tpu.memref_slice %arg7[%dma_start3A_65, %dma_start3A_66] : memref<57x80xi32, #tpu.memory_space<vmem>> -> memref<1x80xi32, #tpu.memory_space<vmem>>
    %dma_start3A_68 = tpu.memref_squeeze %dma_start3A_67 : memref<1x80xi32, #tpu.memory_space<vmem>> -> memref<80xi32, #tpu.memory_space<vmem>>
    %dma_start3A_69 = arith.constant 0 : i32
    %dma_start3A_70 = arith.constant 0 : i32
    %dma_start3A_71 = tpu.memref_slice %arg2[%dma_start3A_69, %dma_start3A_70] : memref<10000x128xf32, #tpu.memory_space<hbm>> -> memref<10000x128xf32, #tpu.memory_space<hbm>>
    tpu.enqueue_indirect_dma source(%dma_start3A_71 : memref<10000x128xf32, #tpu.memory_space<hbm>>) target(%arg9 : memref<80x128xf32, #tpu.memory_space<vmem>>) offsets(%dma_start3A_68 : memref<80xi32, #tpu.memory_space<vmem>>) semaphore(%arg17 : memref<!tpu.dma_semaphore, #tpu.memory_space<semaphore_mem>>)
    %dma_start3A_72 = arith.constant 56 : i32
    %dma_start3A_73 = arith.constant 0 : i32
    %dma_start3A_74 = tpu.memref_slice %arg8[%dma_start3A_72, %dma_start3A_73] : memref<57x80xi32, #tpu.memory_space<vmem>> -> memref<1x80xi32, #tpu.memory_space<vmem>>
    %dma_start3A_75 = tpu.memref_squeeze %dma_start3A_74 : memref<1x80xi32, #tpu.memory_space<vmem>> -> memref<80xi32, #tpu.memory_space<vmem>>
    %dma_start3A_76 = arith.constant 0 : i32
    %dma_start3A_77 = arith.constant 0 : i32
    %dma_start3A_78 = tpu.memref_slice %arg3[%dma_start3A_76, %dma_start3A_77] : memref<10000x128xf32, #tpu.memory_space<hbm>> -> memref<10000x128xf32, #tpu.memory_space<hbm>>
    tpu.enqueue_indirect_dma source(%dma_start3A_78 : memref<10000x128xf32, #tpu.memory_space<hbm>>) target(%arg13 : memref<80x128xf32, #tpu.memory_space<vmem>>) offsets(%dma_start3A_75 : memref<80xi32, #tpu.memory_space<vmem>>) semaphore(%arg21 : memref<!tpu.dma_semaphore, #tpu.memory_space<semaphore_mem>>)
    %dma_wait3A = arith.constant 56 : i32
    %dma_wait3A_79 = arith.constant 0 : i32
    %dma_wait3A_80 = tpu.memref_slice %arg7[%dma_wait3A, %dma_wait3A_79] : memref<57x80xi32, #tpu.memory_space<vmem>> -> memref<1x80xi32, #tpu.memory_space<vmem>>
    %dma_wait3A_81 = tpu.memref_squeeze %dma_wait3A_80 : memref<1x80xi32, #tpu.memory_space<vmem>> -> memref<80xi32, #tpu.memory_space<vmem>>
    %dma_wait3A_82 = arith.constant 0 : i32
    %dma_wait3A_83 = arith.constant 0 : i32
    %dma_wait3A_84 = tpu.memref_slice %arg2[%dma_wait3A_82, %dma_wait3A_83] : memref<10000x128xf32, #tpu.memory_space<hbm>> -> memref<10000x128xf32, #tpu.memory_space<hbm>>
    tpu.wait_indirect_dma semaphore(%arg17 : memref<!tpu.dma_semaphore, #tpu.memory_space<semaphore_mem>>) src(%dma_wait3A_84 : memref<10000x128xf32, #tpu.memory_space<hbm>>) dst(%arg9 : memref<80x128xf32, #tpu.memory_space<vmem>>)
    %dma_wait3A_85 = arith.constant 56 : i32
    %dma_wait3A_86 = arith.constant 0 : i32
    %dma_wait3A_87 = tpu.memref_slice %arg8[%dma_wait3A_85, %dma_wait3A_86] : memref<57x80xi32, #tpu.memory_space<vmem>> -> memref<1x80xi32, #tpu.memory_space<vmem>>
    %dma_wait3A_88 = tpu.memref_squeeze %dma_wait3A_87 : memref<1x80xi32, #tpu.memory_space<vmem>> -> memref<80xi32, #tpu.memory_space<vmem>>
    %dma_wait3A_89 = arith.constant 0 : i32
    %dma_wait3A_90 = arith.constant 0 : i32
    %dma_wait3A_91 = tpu.memref_slice %arg3[%dma_wait3A_89, %dma_wait3A_90] : memref<10000x128xf32, #tpu.memory_space<hbm>> -> memref<10000x128xf32, #tpu.memory_space<hbm>>
    tpu.wait_indirect_dma semaphore(%arg21 : memref<!tpu.dma_semaphore, #tpu.memory_space<semaphore_mem>>) src(%dma_wait3A_91 : memref<10000x128xf32, #tpu.memory_space<hbm>>) dst(%arg13 : memref<80x128xf32, #tpu.memory_space<vmem>>)
    %scan3A_92 = arith.constant 0 : i32
    %scan3A_93 = arith.constant 0 : i32
    %scan3A_94 = arith.constant 80 : i32
    %scan3A_95 = arith.addi %scan3A_93, %scan3A_94 : i32
    %scan3A_96 = arith.constant 1 : i32
    scf.for %scan3A_98 = %scan3A_93 to %scan3A_95 step %scan3A_96  : i32 {
      %get3A = arith.index_cast %scan3A_98 : i32 to index
      %get3A_99 = arith.constant 0 : index
      %get3A_100 = tpu.vector_load %arg9[%get3A, %get3A_99] {strides = array<i32>} : memref<80x128xf32, #tpu.memory_space<vmem>>, vector<1x16xf32>,
      %get3A_101 = vector.shape_cast %get3A_100 : vector<1x16xf32> to vector<16xf32>
      %get3A_102 = arith.index_cast %scan3A_98 : i32 to index
      %get3A_103 = arith.constant 0 : index
      %get3A_104 = tpu.vector_load %arg13[%get3A_102, %get3A_103] {strides = array<i32>} : memref<80x128xf32, #tpu.memory_space<vmem>>, vector<1x16xf32>,
      %get3A_105 = vector.shape_cast %get3A_104 : vector<1x16xf32> to vector<16xf32>
      %add3A_106 = arith.addf %get3A_101, %get3A_105 : vector<16xf32>
      %swap3A = arith.index_cast %scan3A_98 : i32 to index
      %swap3A_107 = arith.constant 0 : index
      %swap3A_108 = tpu.vector_load %arg9[%swap3A, %swap3A_107] {strides = array<i32>} : memref<80x128xf32, #tpu.memory_space<vmem>>, vector<1x16xf32>,
      %swap3A_109 = vector.shape_cast %swap3A_108 : vector<1x16xf32> to vector<16xf32>
      %swap3A_110 = vector.shape_cast %add3A_106 : vector<16xf32> to vector<1x16xf32>
      tpu.vector_store %arg9[%swap3A, %swap3A_107], %swap3A_110 {strides = array<i32>} : memref<80x128xf32, #tpu.memory_space<vmem>>, vector<1x16xf32>,
      %get3A_111 = arith.index_cast %scan3A_98 : i32 to index
      %get3A_112 = arith.constant 16 : index
      %get3A_113 = tpu.vector_load %arg9[%get3A_111, %get3A_112] {strides = array<i32>} : memref<80x128xf32, #tpu.memory_space<vmem>>, vector<1x16xf32>,
      %get3A_114 = vector.shape_cast %get3A_113 : vector<1x16xf32> to vector<16xf32>
      %get3A_115 = arith.index_cast %scan3A_98 : i32 to index
      %get3A_116 = arith.constant 16 : index
      %get3A_117 = tpu.vector_load %arg13[%get3A_115, %get3A_116] {strides = array<i32>} : memref<80x128xf32, #tpu.memory_space<vmem>>, vector<1x16xf32>,
      %get3A_118 = vector.shape_cast %get3A_117 : vector<1x16xf32> to vector<16xf32>
      %add3A_119 = arith.addf %get3A_114, %get3A_118 : vector<16xf32>
      %swap3A_120 = arith.index_cast %scan3A_98 : i32 to index
      %swap3A_121 = arith.constant 16 : index
      %swap3A_122 = tpu.vector_load %arg9[%swap3A_120, %swap3A_121] {strides = array<i32>} : memref<80x128xf32, #tpu.memory_space<vmem>>, vector<1x16xf32>,
      %swap3A_123 = vector.shape_cast %swap3A_122 : vector<1x16xf32> to vector<16xf32>
      %swap3A_124 = vector.shape_cast %add3A_119 : vector<16xf32> to vector<1x16xf32>
      tpu.vector_store %arg9[%swap3A_120, %swap3A_121], %swap3A_124 {strides = array<i32>} : memref<80x128xf32, #tpu.memory_space<vmem>>, vector<1x16xf32>,
      %get3A_125 = arith.index_cast %scan3A_98 : i32 to index
      %get3A_126 = arith.constant 32 : index
      %get3A_127 = tpu.vector_load %arg9[%get3A_125, %get3A_126] {strides = array<i32>} : memref<80x128xf32, #tpu.memory_space<vmem>>, vector<1x16xf32>,
      %get3A_128 = vector.shape_cast %get3A_127 : vector<1x16xf32> to vector<16xf32>
      %get3A_129 = arith.index_cast %scan3A_98 : i32 to index
      %get3A_130 = arith.constant 32 : index
      %get3A_131 = tpu.vector_load %arg13[%get3A_129, %get3A_130] {strides = array<i32>} : memref<80x128xf32, #tpu.memory_space<vmem>>, vector<1x16xf32>,
      %get3A_132 = vector.shape_cast %get3A_131 : vector<1x16xf32> to vector<16xf32>
      %add3A_133 = arith.addf %get3A_128, %get3A_132 : vector<16xf32>
      %swap3A_134 = arith.index_cast %scan3A_98 : i32 to index
      %swap3A_135 = arith.constant 32 : index
      %swap3A_136 = tpu.vector_load %arg9[%swap3A_134, %swap3A_135] {strides = array<i32>} : memref<80x128xf32, #tpu.memory_space<vmem>>, vector<1x16xf32>,
      %swap3A_137 = vector.shape_cast %swap3A_136 : vector<1x16xf32> to vector<16xf32>
      %swap3A_138 = vector.shape_cast %add3A_133 : vector<16xf32> to vector<1x16xf32>
      tpu.vector_store %arg9[%swap3A_134, %swap3A_135], %swap3A_138 {strides = array<i32>} : memref<80x128xf32, #tpu.memory_space<vmem>>, vector<1x16xf32>,
      %get3A_139 = arith.index_cast %scan3A_98 : i32 to index
      %get3A_140 = arith.constant 48 : index
      %get3A_141 = tpu.vector_load %arg9[%get3A_139, %get3A_140] {strides = array<i32>} : memref<80x128xf32, #tpu.memory_space<vmem>>, vector<1x16xf32>,
      %get3A_142 = vector.shape_cast %get3A_141 : vector<1x16xf32> to vector<16xf32>
      %get3A_143 = arith.index_cast %scan3A_98 : i32 to index
      %get3A_144 = arith.constant 48 : index
      %get3A_145 = tpu.vector_load %arg13[%get3A_143, %get3A_144] {strides = array<i32>} : memref<80x128xf32, #tpu.memory_space<vmem>>, vector<1x16xf32>,
      %get3A_146 = vector.shape_cast %get3A_145 : vector<1x16xf32> to vector<16xf32>
      %add3A_147 = arith.addf %get3A_142, %get3A_146 : vector<16xf32>
      %swap3A_148 = arith.index_cast %scan3A_98 : i32 to index
      %swap3A_149 = arith.constant 48 : index
      %swap3A_150 = tpu.vector_load %arg9[%swap3A_148, %swap3A_149] {strides = array<i32>} : memref<80x128xf32, #tpu.memory_space<vmem>>, vector<1x16xf32>,
      %swap3A_151 = vector.shape_cast %swap3A_150 : vector<1x16xf32> to vector<16xf32>
      %swap3A_152 = vector.shape_cast %add3A_147 : vector<16xf32> to vector<1x16xf32>
      tpu.vector_store %arg9[%swap3A_148, %swap3A_149], %swap3A_152 {strides = array<i32>} : memref<80x128xf32, #tpu.memory_space<vmem>>, vector<1x16xf32>,
      %get3A_153 = arith.index_cast %scan3A_98 : i32 to index
      %get3A_154 = arith.constant 64 : index
      %get3A_155 = tpu.vector_load %arg9[%get3A_153, %get3A_154] {strides = array<i32>} : memref<80x128xf32, #tpu.memory_space<vmem>>, vector<1x16xf32>,
      %get3A_156 = vector.shape_cast %get3A_155 : vector<1x16xf32> to vector<16xf32>
      %get3A_157 = arith.index_cast %scan3A_98 : i32 to index
      %get3A_158 = arith.constant 64 : index
      %get3A_159 = tpu.vector_load %arg13[%get3A_157, %get3A_158] {strides = array<i32>} : memref<80x128xf32, #tpu.memory_space<vmem>>, vector<1x16xf32>,
      %get3A_160 = vector.shape_cast %get3A_159 : vector<1x16xf32> to vector<16xf32>
      %add3A_161 = arith.addf %get3A_156, %get3A_160 : vector<16xf32>
      %swap3A_162 = arith.index_cast %scan3A_98 : i32 to index
      %swap3A_163 = arith.constant 64 : index
      %swap3A_164 = tpu.vector_load %arg9[%swap3A_162, %swap3A_163] {strides = array<i32>} : memref<80x128xf32, #tpu.memory_space<vmem>>, vector<1x16xf32>,
      %swap3A_165 = vector.shape_cast %swap3A_164 : vector<1x16xf32> to vector<16xf32>
      %swap3A_166 = vector.shape_cast %add3A_161 : vector<16xf32> to vector<1x16xf32>
      tpu.vector_store %arg9[%swap3A_162, %swap3A_163], %swap3A_166 {strides = array<i32>} : memref<80x128xf32, #tpu.memory_space<vmem>>, vector<1x16xf32>,
      %get3A_167 = arith.index_cast %scan3A_98 : i32 to index
      %get3A_168 = arith.constant 80 : index
      %get3A_169 = tpu.vector_load %arg9[%get3A_167, %get3A_168] {strides = array<i32>} : memref<80x128xf32, #tpu.memory_space<vmem>>, vector<1x16xf32>,
      %get3A_170 = vector.shape_cast %get3A_169 : vector<1x16xf32> to vector<16xf32>
      %get3A_171 = arith.index_cast %scan3A_98 : i32 to index
      %get3A_172 = arith.constant 80 : index
      %get3A_173 = tpu.vector_load %arg13[%get3A_171, %get3A_172] {strides = array<i32>} : memref<80x128xf32, #tpu.memory_space<vmem>>, vector<1x16xf32>,
      %get3A_174 = vector.shape_cast %get3A_173 : vector<1x16xf32> to vector<16xf32>
      %add3A_175 = arith.addf %get3A_170, %get3A_174 : vector<16xf32>
      %swap3A_176 = arith.index_cast %scan3A_98 : i32 to index
      %swap3A_177 = arith.constant 80 : index
      %swap3A_178 = tpu.vector_load %arg9[%swap3A_176, %swap3A_177] {strides = array<i32>} : memref<80x128xf32, #tpu.memory_space<vmem>>, vector<1x16xf32>,
      %swap3A_179 = vector.shape_cast %swap3A_178 : vector<1x16xf32> to vector<16xf32>
      %swap3A_180 = vector.shape_cast %add3A_175 : vector<16xf32> to vector<1x16xf32>
      tpu.vector_store %arg9[%swap3A_176, %swap3A_177], %swap3A_180 {strides = array<i32>} : memref<80x128xf32, #tpu.memory_space<vmem>>, vector<1x16xf32>,
      %get3A_181 = arith.index_cast %scan3A_98 : i32 to index
      %get3A_182 = arith.constant 96 : index
      %get3A_183 = tpu.vector_load %arg9[%get3A_181, %get3A_182] {strides = array<i32>} : memref<80x128xf32, #tpu.memory_space<vmem>>, vector<1x16xf32>,
      %get3A_184 = vector.shape_cast %get3A_183 : vector<1x16xf32> to vector<16xf32>
      %get3A_185 = arith.index_cast %scan3A_98 : i32 to index
      %get3A_186 = arith.constant 96 : index
      %get3A_187 = tpu.vector_load %arg13[%get3A_185, %get3A_186] {strides = array<i32>} : memref<80x128xf32, #tpu.memory_space<vmem>>, vector<1x16xf32>,
      %get3A_188 = vector.shape_cast %get3A_187 : vector<1x16xf32> to vector<16xf32>
      %add3A_189 = arith.addf %get3A_184, %get3A_188 : vector<16xf32>
      %swap3A_190 = arith.index_cast %scan3A_98 : i32 to index
      %swap3A_191 = arith.constant 96 : index
      %swap3A_192 = tpu.vector_load %arg9[%swap3A_190, %swap3A_191] {strides = array<i32>} : memref<80x128xf32, #tpu.memory_space<vmem>>, vector<1x16xf32>,
      %swap3A_193 = vector.shape_cast %swap3A_192 : vector<1x16xf32> to vector<16xf32>
      %swap3A_194 = vector.shape_cast %add3A_189 : vector<16xf32> to vector<1x16xf32>
      tpu.vector_store %arg9[%swap3A_190, %swap3A_191], %swap3A_194 {strides = array<i32>} : memref<80x128xf32, #tpu.memory_space<vmem>>, vector<1x16xf32>,
      %get3A_195 = arith.index_cast %scan3A_98 : i32 to index
      %get3A_196 = arith.constant 112 : index
      %get3A_197 = tpu.vector_load %arg9[%get3A_195, %get3A_196] {strides = array<i32>} : memref<80x128xf32, #tpu.memory_space<vmem>>, vector<1x16xf32>,
      %get3A_198 = vector.shape_cast %get3A_197 : vector<1x16xf32> to vector<16xf32>
      %get3A_199 = arith.index_cast %scan3A_98 : i32 to index
      %get3A_200 = arith.constant 112 : index
      %get3A_201 = tpu.vector_load %arg13[%get3A_199, %get3A_200] {strides = array<i32>} : memref<80x128xf32, #tpu.memory_space<vmem>>, vector<1x16xf32>,
      %get3A_202 = vector.shape_cast %get3A_201 : vector<1x16xf32> to vector<16xf32>
      %add3A_203 = arith.addf %get3A_198, %get3A_202 : vector<16xf32>
      %swap3A_204 = arith.index_cast %scan3A_98 : i32 to index
      %swap3A_205 = arith.constant 112 : index
      %swap3A_206 = tpu.vector_load %arg9[%swap3A_204, %swap3A_205] {strides = array<i32>} : memref<80x128xf32, #tpu.memory_space<vmem>>, vector<1x16xf32>,
      %swap3A_207 = vector.shape_cast %swap3A_206 : vector<1x16xf32> to vector<16xf32>
      %swap3A_208 = vector.shape_cast %add3A_203 : vector<16xf32> to vector<1x16xf32>
      tpu.vector_store %arg9[%swap3A_204, %swap3A_205], %swap3A_208 {strides = array<i32>} : memref<80x128xf32, #tpu.memory_space<vmem>>, vector<1x16xf32>,
    }
    %scan3A_97 = arith.constant 80 : i32
    "tpu.region"() ({
      %run_scoped3A = tpu.sem_alloc : memref<!tpu.dma_semaphore, #tpu.memory_space<semaphore_mem>>
      %dma_start3A_98 = arith.constant 0 : i32
      %dma_start3A_99 = tpu.memref_slice %arg6[%add3A_64, %dma_start3A_98] : memref<145920x128xf32, #tpu.memory_space<hbm>> -> memref<80x128xf32, #tpu.memory_space<hbm>>
      %dma_start3A_100 = arith.constant 0 : i32
      %dma_start3A_101 = tpu.memref_slice %arg6[%add3A_64, %dma_start3A_100] : memref<145920x128xf32, #tpu.memory_space<hbm>> -> memref<80x128xf32, #tpu.memory_space<hbm>>
      tpu.enqueue_dma source(%arg9 : memref<80x128xf32, #tpu.memory_space<vmem>>) target(%dma_start3A_101 : memref<80x128xf32, #tpu.memory_space<hbm>>) target_semaphore(%run_scoped3A : memref<!tpu.dma_semaphore, #tpu.memory_space<semaphore_mem>>)
      %dma_wait3A_102 = arith.constant 0 : i32
      %dma_wait3A_103 = tpu.memref_slice %arg6[%add3A_64, %dma_wait3A_102] : memref<145920x128xf32, #tpu.memory_space<hbm>> -> memref<80x128xf32, #tpu.memory_space<hbm>>
      %dma_wait3A_104 = arith.constant 0 : i32
      %dma_wait3A_105 = tpu.memref_slice %arg6[%add3A_64, %dma_wait3A_104] : memref<145920x128xf32, #tpu.memory_space<hbm>> -> memref<80x128xf32, #tpu.memory_space<hbm>>
      tpu.wait_dma2 semaphore(%run_scoped3A : memref<!tpu.dma_semaphore, #tpu.memory_space<semaphore_mem>>) src(%arg9 : memref<80x128xf32, #tpu.memory_space<vmem>>) dst(%dma_wait3A_105 : memref<80x128xf32, #tpu.memory_space<hbm>>)
      tpu.yield
    }) : () -> ()
    return
  }
}

#map = affine_map<(d0, d1) -> (0, 0)>
#map1 = affine_map<(d0, d1) -> (0, 0, 0)>
module attributes {stable_mosaic.version = 14 : i64} {
  func.func @sc_gather(%arg0: i32, %arg1: i32, %arg2: memref<10000x128xf32, #tpu.memory_space<hbm>>, %arg3: memref<10000x128xf32, #tpu.memory_space<hbm>>, %arg4: memref<32x68x80xi32, #tpu.memory_space<hbm>>, %arg5: memref<32x68x80xi32, #tpu.memory_space<hbm>>, %arg6: memref<174080x128xf32, #tpu.memory_space<hbm>>, %arg7: memref<68x80xi32, #tpu.memory_space<vmem>>, %arg8: memref<68x80xi32, #tpu.memory_space<vmem>>, %arg9: memref<80x128xf32, #tpu.memory_space<vmem>>, %arg10: memref<80x128xf32, #tpu.memory_space<vmem>>, %arg11: memref<80x128xf32, #tpu.memory_space<vmem>>, %arg12: memref<80x128xf32, #tpu.memory_space<vmem>>, %arg13: memref<80x128xf32, #tpu.memory_space<vmem>>, %arg14: memref<80x128xf32, #tpu.memory_space<vmem>>, %arg15: memref<80x128xf32, #tpu.memory_space<vmem>>, %arg16: memref<80x128xf32, #tpu.memory_space<vmem>>, %arg17: memref<!tpu.dma_semaphore, #tpu.memory_space<semaphore_mem>>, %arg18: memref<!tpu.dma_semaphore, #tpu.memory_space<semaphore_mem>>, %arg19: memref<!tpu.dma_semaphore, #tpu.memory_space<semaphore_mem>>, %arg20: memref<!tpu.dma_semaphore, #tpu.memory_space<semaphore_mem>>, %arg21: memref<!tpu.dma_semaphore, #tpu.memory_space<semaphore_mem>>, %arg22: memref<!tpu.dma_semaphore, #tpu.memory_space<semaphore_mem>>, %arg23: memref<!tpu.dma_semaphore, #tpu.memory_space<semaphore_mem>>, %arg24: memref<!tpu.dma_semaphore, #tpu.memory_space<semaphore_mem>>, %arg25: memref<!tpu.dma_semaphore, #tpu.memory_space<semaphore_mem>>, %arg26: memref<!tpu.dma_semaphore, #tpu.memory_space<semaphore_mem>>, %arg27: memref<!tpu.dma_semaphore, #tpu.memory_space<semaphore_mem>>, %arg28: memref<!tpu.dma_semaphore, #tpu.memory_space<semaphore_mem>>) attributes {dimension_semantics = [#tpu.dimension_semantics<core_parallel>, #tpu.dimension_semantics<subcore_parallel>], iteration_bounds = array<i64: 2, 16>, scalar_prefetch = 0 : i64, scratch_operands = 22 : i64, tpu.core_type = #tpu.core_type<sc_vector_subcore>, window_params = [{transform_indices = #map}, {transform_indices = #map}, {transform_indices = #map1}, {transform_indices = #map1}, {transform_indices = #map}]} {
    %mul3A = arith.constant 2 : i32
    %mul3A_0 = arith.muli %arg1, %mul3A : i32
    %add3A = arith.addi %mul3A_0, %arg0 : i32
    "tpu.region"() ({
      %run_scoped3A = tpu.sem_alloc : memref<!tpu.dma_semaphore, #tpu.memory_space<semaphore_mem>>
      %dma_start3A_61 = arith.constant 0 : i32
      %dma_start3A_62 = arith.constant 0 : i32
      %dma_start3A_63 = tpu.memref_slice %arg4[%add3A, %dma_start3A_61, %dma_start3A_62] : memref<32x68x80xi32, #tpu.memory_space<hbm>> -> memref<1x68x80xi32, #tpu.memory_space<hbm>>
      %dma_start3A_64 = tpu.memref_squeeze %dma_start3A_63 : memref<1x68x80xi32, #tpu.memory_space<hbm>> -> memref<68x80xi32, #tpu.memory_space<hbm>>
      %dma_start3A_65 = arith.constant 0 : i32
      %dma_start3A_66 = arith.constant 0 : i32
      %dma_start3A_67 = tpu.memref_slice %arg4[%add3A, %dma_start3A_65, %dma_start3A_66] : memref<32x68x80xi32, #tpu.memory_space<hbm>> -> memref<1x68x80xi32, #tpu.memory_space<hbm>>
      %dma_start3A_68 = tpu.memref_squeeze %dma_start3A_67 : memref<1x68x80xi32, #tpu.memory_space<hbm>> -> memref<68x80xi32, #tpu.memory_space<hbm>>
      tpu.enqueue_dma source(%dma_start3A_68 : memref<68x80xi32, #tpu.memory_space<hbm>>) target(%arg7 : memref<68x80xi32, #tpu.memory_space<vmem>>) target_semaphore(%run_scoped3A : memref<!tpu.dma_semaphore, #tpu.memory_space<semaphore_mem>>)
      %dma_wait3A = arith.constant 0 : i32
      %dma_wait3A_69 = arith.constant 0 : i32
      %dma_wait3A_70 = tpu.memref_slice %arg4[%add3A, %dma_wait3A, %dma_wait3A_69] : memref<32x68x80xi32, #tpu.memory_space<hbm>> -> memref<1x68x80xi32, #tpu.memory_space<hbm>>
      %dma_wait3A_71 = tpu.memref_squeeze %dma_wait3A_70 : memref<1x68x80xi32, #tpu.memory_space<hbm>> -> memref<68x80xi32, #tpu.memory_space<hbm>>
      %dma_wait3A_72 = arith.constant 0 : i32
      %dma_wait3A_73 = arith.constant 0 : i32
      %dma_wait3A_74 = tpu.memref_slice %arg4[%add3A, %dma_wait3A_72, %dma_wait3A_73] : memref<32x68x80xi32, #tpu.memory_space<hbm>> -> memref<1x68x80xi32, #tpu.memory_space<hbm>>
      %dma_wait3A_75 = tpu.memref_squeeze %dma_wait3A_74 : memref<1x68x80xi32, #tpu.memory_space<hbm>> -> memref<68x80xi32, #tpu.memory_space<hbm>>
      tpu.wait_dma2 semaphore(%run_scoped3A : memref<!tpu.dma_semaphore, #tpu.memory_space<semaphore_mem>>) src(%dma_wait3A_75 : memref<68x80xi32, #tpu.memory_space<hbm>>) dst(%arg7 : memref<68x80xi32, #tpu.memory_space<vmem>>)
      tpu.yield
    }) : () -> ()
    "tpu.region"() ({
      %run_scoped3A = tpu.sem_alloc : memref<!tpu.dma_semaphore, #tpu.memory_space<semaphore_mem>>
      %dma_start3A_61 = arith.constant 0 : i32
      %dma_start3A_62 = arith.constant 0 : i32
      %dma_start3A_63 = tpu.memref_slice %arg5[%add3A, %dma_start3A_61, %dma_start3A_62] : memref<32x68x80xi32, #tpu.memory_space<hbm>> -> memref<1x68x80xi32, #tpu.memory_space<hbm>>
      %dma_start3A_64 = tpu.memref_squeeze %dma_start3A_63 : memref<1x68x80xi32, #tpu.memory_space<hbm>> -> memref<68x80xi32, #tpu.memory_space<hbm>>
      %dma_start3A_65 = arith.constant 0 : i32
      %dma_start3A_66 = arith.constant 0 : i32
      %dma_start3A_67 = tpu.memref_slice %arg5[%add3A, %dma_start3A_65, %dma_start3A_66] : memref<32x68x80xi32, #tpu.memory_space<hbm>> -> memref<1x68x80xi32, #tpu.memory_space<hbm>>
      %dma_start3A_68 = tpu.memref_squeeze %dma_start3A_67 : memref<1x68x80xi32, #tpu.memory_space<hbm>> -> memref<68x80xi32, #tpu.memory_space<hbm>>
      tpu.enqueue_dma source(%dma_start3A_68 : memref<68x80xi32, #tpu.memory_space<hbm>>) target(%arg8 : memref<68x80xi32, #tpu.memory_space<vmem>>) target_semaphore(%run_scoped3A : memref<!tpu.dma_semaphore, #tpu.memory_space<semaphore_mem>>)
      %dma_wait3A = arith.constant 0 : i32
      %dma_wait3A_69 = arith.constant 0 : i32
      %dma_wait3A_70 = tpu.memref_slice %arg5[%add3A, %dma_wait3A, %dma_wait3A_69] : memref<32x68x80xi32, #tpu.memory_space<hbm>> -> memref<1x68x80xi32, #tpu.memory_space<hbm>>
      %dma_wait3A_71 = tpu.memref_squeeze %dma_wait3A_70 : memref<1x68x80xi32, #tpu.memory_space<hbm>> -> memref<68x80xi32, #tpu.memory_space<hbm>>
      %dma_wait3A_72 = arith.constant 0 : i32
      %dma_wait3A_73 = arith.constant 0 : i32
      %dma_wait3A_74 = tpu.memref_slice %arg5[%add3A, %dma_wait3A_72, %dma_wait3A_73] : memref<32x68x80xi32, #tpu.memory_space<hbm>> -> memref<1x68x80xi32, #tpu.memory_space<hbm>>
      %dma_wait3A_75 = tpu.memref_squeeze %dma_wait3A_74 : memref<1x68x80xi32, #tpu.memory_space<hbm>> -> memref<68x80xi32, #tpu.memory_space<hbm>>
      tpu.wait_dma2 semaphore(%run_scoped3A : memref<!tpu.dma_semaphore, #tpu.memory_space<semaphore_mem>>) src(%dma_wait3A_75 : memref<68x80xi32, #tpu.memory_space<hbm>>) dst(%arg8 : memref<68x80xi32, #tpu.memory_space<vmem>>)
      tpu.yield
    }) : () -> ()
    %dma_start3A = arith.constant 0 : i32
    %dma_start3A_1 = arith.constant 0 : i32
    %dma_start3A_2 = tpu.memref_slice %arg7[%dma_start3A, %dma_start3A_1] : memref<68x80xi32, #tpu.memory_space<vmem>> -> memref<1x80xi32, #tpu.memory_space<vmem>>
    %dma_start3A_3 = tpu.memref_squeeze %dma_start3A_2 : memref<1x80xi32, #tpu.memory_space<vmem>> -> memref<80xi32, #tpu.memory_space<vmem>>
    %dma_start3A_4 = arith.constant 0 : i32
    %dma_start3A_5 = arith.constant 0 : i32
    %dma_start3A_6 = tpu.memref_slice %arg2[%dma_start3A_4, %dma_start3A_5] : memref<10000x128xf32, #tpu.memory_space<hbm>> -> memref<10000x128xf32, #tpu.memory_space<hbm>>
    tpu.enqueue_indirect_dma source(%dma_start3A_6 : memref<10000x128xf32, #tpu.memory_space<hbm>>) target(%arg9 : memref<80x128xf32, #tpu.memory_space<vmem>>) offsets(%dma_start3A_3 : memref<80xi32, #tpu.memory_space<vmem>>) semaphore(%arg17 : memref<!tpu.dma_semaphore, #tpu.memory_space<semaphore_mem>>)
    %dma_start3A_7 = arith.constant 0 : i32
    %dma_start3A_8 = arith.constant 0 : i32
    %dma_start3A_9 = tpu.memref_slice %arg8[%dma_start3A_7, %dma_start3A_8] : memref<68x80xi32, #tpu.memory_space<vmem>> -> memref<1x80xi32, #tpu.memory_space<vmem>>
    %dma_start3A_10 = tpu.memref_squeeze %dma_start3A_9 : memref<1x80xi32, #tpu.memory_space<vmem>> -> memref<80xi32, #tpu.memory_space<vmem>>
    %dma_start3A_11 = arith.constant 0 : i32
    %dma_start3A_12 = arith.constant 0 : i32
    %dma_start3A_13 = tpu.memref_slice %arg3[%dma_start3A_11, %dma_start3A_12] : memref<10000x128xf32, #tpu.memory_space<hbm>> -> memref<10000x128xf32, #tpu.memory_space<hbm>>
    tpu.enqueue_indirect_dma source(%dma_start3A_13 : memref<10000x128xf32, #tpu.memory_space<hbm>>) target(%arg13 : memref<80x128xf32, #tpu.memory_space<vmem>>) offsets(%dma_start3A_10 : memref<80xi32, #tpu.memory_space<vmem>>) semaphore(%arg21 : memref<!tpu.dma_semaphore, #tpu.memory_space<semaphore_mem>>)
    %dma_start3A_14 = arith.constant 1 : i32
    %dma_start3A_15 = arith.constant 0 : i32
    %dma_start3A_16 = tpu.memref_slice %arg7[%dma_start3A_14, %dma_start3A_15] : memref<68x80xi32, #tpu.memory_space<vmem>> -> memref<1x80xi32, #tpu.memory_space<vmem>>
    %dma_start3A_17 = tpu.memref_squeeze %dma_start3A_16 : memref<1x80xi32, #tpu.memory_space<vmem>> -> memref<80xi32, #tpu.memory_space<vmem>>
    %dma_start3A_18 = arith.constant 0 : i32
    %dma_start3A_19 = arith.constant 0 : i32
    %dma_start3A_20 = tpu.memref_slice %arg2[%dma_start3A_18, %dma_start3A_19] : memref<10000x128xf32, #tpu.memory_space<hbm>> -> memref<10000x128xf32, #tpu.memory_space<hbm>>
    tpu.enqueue_indirect_dma source(%dma_start3A_20 : memref<10000x128xf32, #tpu.memory_space<hbm>>) target(%arg10 : memref<80x128xf32, #tpu.memory_space<vmem>>) offsets(%dma_start3A_17 : memref<80xi32, #tpu.memory_space<vmem>>) semaphore(%arg18 : memref<!tpu.dma_semaphore, #tpu.memory_space<semaphore_mem>>)
    %dma_start3A_21 = arith.constant 1 : i32
    %dma_start3A_22 = arith.constant 0 : i32
    %dma_start3A_23 = tpu.memref_slice %arg8[%dma_start3A_21, %dma_start3A_22] : memref<68x80xi32, #tpu.memory_space<vmem>> -> memref<1x80xi32, #tpu.memory_space<vmem>>
    %dma_start3A_24 = tpu.memref_squeeze %dma_start3A_23 : memref<1x80xi32, #tpu.memory_space<vmem>> -> memref<80xi32, #tpu.memory_space<vmem>>
    %dma_start3A_25 = arith.constant 0 : i32
    %dma_start3A_26 = arith.constant 0 : i32
    %dma_start3A_27 = tpu.memref_slice %arg3[%dma_start3A_25, %dma_start3A_26] : memref<10000x128xf32, #tpu.memory_space<hbm>> -> memref<10000x128xf32, #tpu.memory_space<hbm>>
    tpu.enqueue_indirect_dma source(%dma_start3A_27 : memref<10000x128xf32, #tpu.memory_space<hbm>>) target(%arg14 : memref<80x128xf32, #tpu.memory_space<vmem>>) offsets(%dma_start3A_24 : memref<80xi32, #tpu.memory_space<vmem>>) semaphore(%arg22 : memref<!tpu.dma_semaphore, #tpu.memory_space<semaphore_mem>>)
    %dma_start3A_28 = arith.constant 2 : i32
    %dma_start3A_29 = arith.constant 0 : i32
    %dma_start3A_30 = tpu.memref_slice %arg7[%dma_start3A_28, %dma_start3A_29] : memref<68x80xi32, #tpu.memory_space<vmem>> -> memref<1x80xi32, #tpu.memory_space<vmem>>
    %dma_start3A_31 = tpu.memref_squeeze %dma_start3A_30 : memref<1x80xi32, #tpu.memory_space<vmem>> -> memref<80xi32, #tpu.memory_space<vmem>>
    %dma_start3A_32 = arith.constant 0 : i32
    %dma_start3A_33 = arith.constant 0 : i32
    %dma_start3A_34 = tpu.memref_slice %arg2[%dma_start3A_32, %dma_start3A_33] : memref<10000x128xf32, #tpu.memory_space<hbm>> -> memref<10000x128xf32, #tpu.memory_space<hbm>>
    tpu.enqueue_indirect_dma source(%dma_start3A_34 : memref<10000x128xf32, #tpu.memory_space<hbm>>) target(%arg11 : memref<80x128xf32, #tpu.memory_space<vmem>>) offsets(%dma_start3A_31 : memref<80xi32, #tpu.memory_space<vmem>>) semaphore(%arg19 : memref<!tpu.dma_semaphore, #tpu.memory_space<semaphore_mem>>)
    %dma_start3A_35 = arith.constant 2 : i32
    %dma_start3A_36 = arith.constant 0 : i32
    %dma_start3A_37 = tpu.memref_slice %arg8[%dma_start3A_35, %dma_start3A_36] : memref<68x80xi32, #tpu.memory_space<vmem>> -> memref<1x80xi32, #tpu.memory_space<vmem>>
    %dma_start3A_38 = tpu.memref_squeeze %dma_start3A_37 : memref<1x80xi32, #tpu.memory_space<vmem>> -> memref<80xi32, #tpu.memory_space<vmem>>
    %dma_start3A_39 = arith.constant 0 : i32
    %dma_start3A_40 = arith.constant 0 : i32
    %dma_start3A_41 = tpu.memref_slice %arg3[%dma_start3A_39, %dma_start3A_40] : memref<10000x128xf32, #tpu.memory_space<hbm>> -> memref<10000x128xf32, #tpu.memory_space<hbm>>
    tpu.enqueue_indirect_dma source(%dma_start3A_41 : memref<10000x128xf32, #tpu.memory_space<hbm>>) target(%arg15 : memref<80x128xf32, #tpu.memory_space<vmem>>) offsets(%dma_start3A_38 : memref<80xi32, #tpu.memory_space<vmem>>) semaphore(%arg23 : memref<!tpu.dma_semaphore, #tpu.memory_space<semaphore_mem>>)
    %dma_start3A_42 = arith.constant 3 : i32
    %dma_start3A_43 = arith.constant 0 : i32
    %dma_start3A_44 = tpu.memref_slice %arg7[%dma_start3A_42, %dma_start3A_43] : memref<68x80xi32, #tpu.memory_space<vmem>> -> memref<1x80xi32, #tpu.memory_space<vmem>>
    %dma_start3A_45 = tpu.memref_squeeze %dma_start3A_44 : memref<1x80xi32, #tpu.memory_space<vmem>> -> memref<80xi32, #tpu.memory_space<vmem>>
    %dma_start3A_46 = arith.constant 0 : i32
    %dma_start3A_47 = arith.constant 0 : i32
    %dma_start3A_48 = tpu.memref_slice %arg2[%dma_start3A_46, %dma_start3A_47] : memref<10000x128xf32, #tpu.memory_space<hbm>> -> memref<10000x128xf32, #tpu.memory_space<hbm>>
    tpu.enqueue_indirect_dma source(%dma_start3A_48 : memref<10000x128xf32, #tpu.memory_space<hbm>>) target(%arg12 : memref<80x128xf32, #tpu.memory_space<vmem>>) offsets(%dma_start3A_45 : memref<80xi32, #tpu.memory_space<vmem>>) semaphore(%arg20 : memref<!tpu.dma_semaphore, #tpu.memory_space<semaphore_mem>>)
    %dma_start3A_49 = arith.constant 3 : i32
    %dma_start3A_50 = arith.constant 0 : i32
    %dma_start3A_51 = tpu.memref_slice %arg8[%dma_start3A_49, %dma_start3A_50] : memref<68x80xi32, #tpu.memory_space<vmem>> -> memref<1x80xi32, #tpu.memory_space<vmem>>
    %dma_start3A_52 = tpu.memref_squeeze %dma_start3A_51 : memref<1x80xi32, #tpu.memory_space<vmem>> -> memref<80xi32, #tpu.memory_space<vmem>>
    %dma_start3A_53 = arith.constant 0 : i32
    %dma_start3A_54 = arith.constant 0 : i32
    %dma_start3A_55 = tpu.memref_slice %arg3[%dma_start3A_53, %dma_start3A_54] : memref<10000x128xf32, #tpu.memory_space<hbm>> -> memref<10000x128xf32, #tpu.memory_space<hbm>>
    tpu.enqueue_indirect_dma source(%dma_start3A_55 : memref<10000x128xf32, #tpu.memory_space<hbm>>) target(%arg16 : memref<80x128xf32, #tpu.memory_space<vmem>>) offsets(%dma_start3A_52 : memref<80xi32, #tpu.memory_space<vmem>>) semaphore(%arg24 : memref<!tpu.dma_semaphore, #tpu.memory_space<semaphore_mem>>)
    %scan3A = arith.constant 0 : i32
    %scan3A_56 = arith.constant 0 : i32
    %scan3A_57 = arith.constant 17 : i32
    %scan3A_58 = arith.addi %scan3A_56, %scan3A_57 : i32
    %scan3A_59 = arith.constant 1 : i32
    scf.for %scan3A_61 = %scan3A_56 to %scan3A_58 step %scan3A_59  : i32 {
      %mul3A_62 = arith.constant 4 : i32
      %mul3A_63 = arith.muli %mul3A_62, %scan3A_61 : i32
      %add3A_64 = arith.constant 0 : i32
      %add3A_65 = arith.addi %mul3A_63, %add3A_64 : i32
      %mul3A_66 = arith.constant 5440 : i32
      %mul3A_67 = arith.muli %add3A, %mul3A_66 : i32
      %mul3A_68 = arith.constant 80 : i32
      %mul3A_69 = arith.muli %add3A_65, %mul3A_68 : i32
      %add3A_70 = arith.addi %mul3A_67, %mul3A_69 : i32
      %dma_wait3A = arith.constant 0 : i32
      %dma_wait3A_71 = tpu.memref_slice %arg7[%add3A_65, %dma_wait3A] : memref<68x80xi32, #tpu.memory_space<vmem>> -> memref<1x80xi32, #tpu.memory_space<vmem>>
      %dma_wait3A_72 = tpu.memref_squeeze %dma_wait3A_71 : memref<1x80xi32, #tpu.memory_space<vmem>> -> memref<80xi32, #tpu.memory_space<vmem>>
      %dma_wait3A_73 = arith.constant 0 : i32
      %dma_wait3A_74 = arith.constant 0 : i32
      %dma_wait3A_75 = tpu.memref_slice %arg2[%dma_wait3A_73, %dma_wait3A_74] : memref<10000x128xf32, #tpu.memory_space<hbm>> -> memref<10000x128xf32, #tpu.memory_space<hbm>>
      tpu.wait_indirect_dma semaphore(%arg17 : memref<!tpu.dma_semaphore, #tpu.memory_space<semaphore_mem>>) src(%dma_wait3A_75 : memref<10000x128xf32, #tpu.memory_space<hbm>>) dst(%arg9 : memref<80x128xf32, #tpu.memory_space<vmem>>)
      %dma_wait3A_76 = arith.constant 0 : i32
      %dma_wait3A_77 = tpu.memref_slice %arg8[%add3A_65, %dma_wait3A_76] : memref<68x80xi32, #tpu.memory_space<vmem>> -> memref<1x80xi32, #tpu.memory_space<vmem>>
      %dma_wait3A_78 = tpu.memref_squeeze %dma_wait3A_77 : memref<1x80xi32, #tpu.memory_space<vmem>> -> memref<80xi32, #tpu.memory_space<vmem>>
      %dma_wait3A_79 = arith.constant 0 : i32
      %dma_wait3A_80 = arith.constant 0 : i32
      %dma_wait3A_81 = tpu.memref_slice %arg3[%dma_wait3A_79, %dma_wait3A_80] : memref<10000x128xf32, #tpu.memory_space<hbm>> -> memref<10000x128xf32, #tpu.memory_space<hbm>>
      tpu.wait_indirect_dma semaphore(%arg21 : memref<!tpu.dma_semaphore, #tpu.memory_space<semaphore_mem>>) src(%dma_wait3A_81 : memref<10000x128xf32, #tpu.memory_space<hbm>>) dst(%arg13 : memref<80x128xf32, #tpu.memory_space<vmem>>)
      %scan3A_82 = arith.constant 0 : i32
      %scan3A_83 = arith.constant 0 : i32
      %scan3A_84 = arith.constant 80 : i32
      %scan3A_85 = arith.addi %scan3A_83, %scan3A_84 : i32
      %scan3A_86 = arith.constant 1 : i32
      scf.for %scan3A_262 = %scan3A_83 to %scan3A_85 step %scan3A_86  : i32 {
        %get3A = arith.index_cast %scan3A_262 : i32 to index
        %get3A_263 = arith.constant 0 : index
        %get3A_264 = tpu.vector_load %arg9[%get3A, %get3A_263] {strides = array<i32>} : memref<80x128xf32, #tpu.memory_space<vmem>>, vector<1x16xf32>,
        %get3A_265 = vector.shape_cast %get3A_264 : vector<1x16xf32> to vector<16xf32>
        %get3A_266 = arith.index_cast %scan3A_262 : i32 to index
        %get3A_267 = arith.constant 0 : index
        %get3A_268 = tpu.vector_load %arg13[%get3A_266, %get3A_267] {strides = array<i32>} : memref<80x128xf32, #tpu.memory_space<vmem>>, vector<1x16xf32>,
        %get3A_269 = vector.shape_cast %get3A_268 : vector<1x16xf32> to vector<16xf32>
        %add3A_270 = arith.addf %get3A_265, %get3A_269 : vector<16xf32>
        %swap3A = arith.index_cast %scan3A_262 : i32 to index
        %swap3A_271 = arith.constant 0 : index
        %swap3A_272 = tpu.vector_load %arg9[%swap3A, %swap3A_271] {strides = array<i32>} : memref<80x128xf32, #tpu.memory_space<vmem>>, vector<1x16xf32>,
        %swap3A_273 = vector.shape_cast %swap3A_272 : vector<1x16xf32> to vector<16xf32>
        %swap3A_274 = vector.shape_cast %add3A_270 : vector<16xf32> to vector<1x16xf32>
        tpu.vector_store %arg9[%swap3A, %swap3A_271], %swap3A_274 {strides = array<i32>} : memref<80x128xf32, #tpu.memory_space<vmem>>, vector<1x16xf32>,
        %get3A_275 = arith.index_cast %scan3A_262 : i32 to index
        %get3A_276 = arith.constant 16 : index
        %get3A_277 = tpu.vector_load %arg9[%get3A_275, %get3A_276] {strides = array<i32>} : memref<80x128xf32, #tpu.memory_space<vmem>>, vector<1x16xf32>,
        %get3A_278 = vector.shape_cast %get3A_277 : vector<1x16xf32> to vector<16xf32>
        %get3A_279 = arith.index_cast %scan3A_262 : i32 to index
        %get3A_280 = arith.constant 16 : index
        %get3A_281 = tpu.vector_load %arg13[%get3A_279, %get3A_280] {strides = array<i32>} : memref<80x128xf32, #tpu.memory_space<vmem>>, vector<1x16xf32>,
        %get3A_282 = vector.shape_cast %get3A_281 : vector<1x16xf32> to vector<16xf32>
        %add3A_283 = arith.addf %get3A_278, %get3A_282 : vector<16xf32>
        %swap3A_284 = arith.index_cast %scan3A_262 : i32 to index
        %swap3A_285 = arith.constant 16 : index
        %swap3A_286 = tpu.vector_load %arg9[%swap3A_284, %swap3A_285] {strides = array<i32>} : memref<80x128xf32, #tpu.memory_space<vmem>>, vector<1x16xf32>,
        %swap3A_287 = vector.shape_cast %swap3A_286 : vector<1x16xf32> to vector<16xf32>
        %swap3A_288 = vector.shape_cast %add3A_283 : vector<16xf32> to vector<1x16xf32>
        tpu.vector_store %arg9[%swap3A_284, %swap3A_285], %swap3A_288 {strides = array<i32>} : memref<80x128xf32, #tpu.memory_space<vmem>>, vector<1x16xf32>,
        %get3A_289 = arith.index_cast %scan3A_262 : i32 to index
        %get3A_290 = arith.constant 32 : index
        %get3A_291 = tpu.vector_load %arg9[%get3A_289, %get3A_290] {strides = array<i32>} : memref<80x128xf32, #tpu.memory_space<vmem>>, vector<1x16xf32>,
        %get3A_292 = vector.shape_cast %get3A_291 : vector<1x16xf32> to vector<16xf32>
        %get3A_293 = arith.index_cast %scan3A_262 : i32 to index
        %get3A_294 = arith.constant 32 : index
        %get3A_295 = tpu.vector_load %arg13[%get3A_293, %get3A_294] {strides = array<i32>} : memref<80x128xf32, #tpu.memory_space<vmem>>, vector<1x16xf32>,
        %get3A_296 = vector.shape_cast %get3A_295 : vector<1x16xf32> to vector<16xf32>
        %add3A_297 = arith.addf %get3A_292, %get3A_296 : vector<16xf32>
        %swap3A_298 = arith.index_cast %scan3A_262 : i32 to index
        %swap3A_299 = arith.constant 32 : index
        %swap3A_300 = tpu.vector_load %arg9[%swap3A_298, %swap3A_299] {strides = array<i32>} : memref<80x128xf32, #tpu.memory_space<vmem>>, vector<1x16xf32>,
        %swap3A_301 = vector.shape_cast %swap3A_300 : vector<1x16xf32> to vector<16xf32>
        %swap3A_302 = vector.shape_cast %add3A_297 : vector<16xf32> to vector<1x16xf32>
        tpu.vector_store %arg9[%swap3A_298, %swap3A_299], %swap3A_302 {strides = array<i32>} : memref<80x128xf32, #tpu.memory_space<vmem>>, vector<1x16xf32>,
        %get3A_303 = arith.index_cast %scan3A_262 : i32 to index
        %get3A_304 = arith.constant 48 : index
        %get3A_305 = tpu.vector_load %arg9[%get3A_303, %get3A_304] {strides = array<i32>} : memref<80x128xf32, #tpu.memory_space<vmem>>, vector<1x16xf32>,
        %get3A_306 = vector.shape_cast %get3A_305 : vector<1x16xf32> to vector<16xf32>
        %get3A_307 = arith.index_cast %scan3A_262 : i32 to index
        %get3A_308 = arith.constant 48 : index
        %get3A_309 = tpu.vector_load %arg13[%get3A_307, %get3A_308] {strides = array<i32>} : memref<80x128xf32, #tpu.memory_space<vmem>>, vector<1x16xf32>,
        %get3A_310 = vector.shape_cast %get3A_309 : vector<1x16xf32> to vector<16xf32>
        %add3A_311 = arith.addf %get3A_306, %get3A_310 : vector<16xf32>
        %swap3A_312 = arith.index_cast %scan3A_262 : i32 to index
        %swap3A_313 = arith.constant 48 : index
        %swap3A_314 = tpu.vector_load %arg9[%swap3A_312, %swap3A_313] {strides = array<i32>} : memref<80x128xf32, #tpu.memory_space<vmem>>, vector<1x16xf32>,
        %swap3A_315 = vector.shape_cast %swap3A_314 : vector<1x16xf32> to vector<16xf32>
        %swap3A_316 = vector.shape_cast %add3A_311 : vector<16xf32> to vector<1x16xf32>
        tpu.vector_store %arg9[%swap3A_312, %swap3A_313], %swap3A_316 {strides = array<i32>} : memref<80x128xf32, #tpu.memory_space<vmem>>, vector<1x16xf32>,
        %get3A_317 = arith.index_cast %scan3A_262 : i32 to index
        %get3A_318 = arith.constant 64 : index
        %get3A_319 = tpu.vector_load %arg9[%get3A_317, %get3A_318] {strides = array<i32>} : memref<80x128xf32, #tpu.memory_space<vmem>>, vector<1x16xf32>,
        %get3A_320 = vector.shape_cast %get3A_319 : vector<1x16xf32> to vector<16xf32>
        %get3A_321 = arith.index_cast %scan3A_262 : i32 to index
        %get3A_322 = arith.constant 64 : index
        %get3A_323 = tpu.vector_load %arg13[%get3A_321, %get3A_322] {strides = array<i32>} : memref<80x128xf32, #tpu.memory_space<vmem>>, vector<1x16xf32>,
        %get3A_324 = vector.shape_cast %get3A_323 : vector<1x16xf32> to vector<16xf32>
        %add3A_325 = arith.addf %get3A_320, %get3A_324 : vector<16xf32>
        %swap3A_326 = arith.index_cast %scan3A_262 : i32 to index
        %swap3A_327 = arith.constant 64 : index
        %swap3A_328 = tpu.vector_load %arg9[%swap3A_326, %swap3A_327] {strides = array<i32>} : memref<80x128xf32, #tpu.memory_space<vmem>>, vector<1x16xf32>,
        %swap3A_329 = vector.shape_cast %swap3A_328 : vector<1x16xf32> to vector<16xf32>
        %swap3A_330 = vector.shape_cast %add3A_325 : vector<16xf32> to vector<1x16xf32>
        tpu.vector_store %arg9[%swap3A_326, %swap3A_327], %swap3A_330 {strides = array<i32>} : memref<80x128xf32, #tpu.memory_space<vmem>>, vector<1x16xf32>,
        %get3A_331 = arith.index_cast %scan3A_262 : i32 to index
        %get3A_332 = arith.constant 80 : index
        %get3A_333 = tpu.vector_load %arg9[%get3A_331, %get3A_332] {strides = array<i32>} : memref<80x128xf32, #tpu.memory_space<vmem>>, vector<1x16xf32>,
        %get3A_334 = vector.shape_cast %get3A_333 : vector<1x16xf32> to vector<16xf32>
        %get3A_335 = arith.index_cast %scan3A_262 : i32 to index
        %get3A_336 = arith.constant 80 : index
        %get3A_337 = tpu.vector_load %arg13[%get3A_335, %get3A_336] {strides = array<i32>} : memref<80x128xf32, #tpu.memory_space<vmem>>, vector<1x16xf32>,
        %get3A_338 = vector.shape_cast %get3A_337 : vector<1x16xf32> to vector<16xf32>
        %add3A_339 = arith.addf %get3A_334, %get3A_338 : vector<16xf32>
        %swap3A_340 = arith.index_cast %scan3A_262 : i32 to index
        %swap3A_341 = arith.constant 80 : index
        %swap3A_342 = tpu.vector_load %arg9[%swap3A_340, %swap3A_341] {strides = array<i32>} : memref<80x128xf32, #tpu.memory_space<vmem>>, vector<1x16xf32>,
        %swap3A_343 = vector.shape_cast %swap3A_342 : vector<1x16xf32> to vector<16xf32>
        %swap3A_344 = vector.shape_cast %add3A_339 : vector<16xf32> to vector<1x16xf32>
        tpu.vector_store %arg9[%swap3A_340, %swap3A_341], %swap3A_344 {strides = array<i32>} : memref<80x128xf32, #tpu.memory_space<vmem>>, vector<1x16xf32>,
        %get3A_345 = arith.index_cast %scan3A_262 : i32 to index
        %get3A_346 = arith.constant 96 : index
        %get3A_347 = tpu.vector_load %arg9[%get3A_345, %get3A_346] {strides = array<i32>} : memref<80x128xf32, #tpu.memory_space<vmem>>, vector<1x16xf32>,
        %get3A_348 = vector.shape_cast %get3A_347 : vector<1x16xf32> to vector<16xf32>
        %get3A_349 = arith.index_cast %scan3A_262 : i32 to index
        %get3A_350 = arith.constant 96 : index
        %get3A_351 = tpu.vector_load %arg13[%get3A_349, %get3A_350] {strides = array<i32>} : memref<80x128xf32, #tpu.memory_space<vmem>>, vector<1x16xf32>,
        %get3A_352 = vector.shape_cast %get3A_351 : vector<1x16xf32> to vector<16xf32>
        %add3A_353 = arith.addf %get3A_348, %get3A_352 : vector<16xf32>
        %swap3A_354 = arith.index_cast %scan3A_262 : i32 to index
        %swap3A_355 = arith.constant 96 : index
        %swap3A_356 = tpu.vector_load %arg9[%swap3A_354, %swap3A_355] {strides = array<i32>} : memref<80x128xf32, #tpu.memory_space<vmem>>, vector<1x16xf32>,
        %swap3A_357 = vector.shape_cast %swap3A_356 : vector<1x16xf32> to vector<16xf32>
        %swap3A_358 = vector.shape_cast %add3A_353 : vector<16xf32> to vector<1x16xf32>
        tpu.vector_store %arg9[%swap3A_354, %swap3A_355], %swap3A_358 {strides = array<i32>} : memref<80x128xf32, #tpu.memory_space<vmem>>, vector<1x16xf32>,
        %get3A_359 = arith.index_cast %scan3A_262 : i32 to index
        %get3A_360 = arith.constant 112 : index
        %get3A_361 = tpu.vector_load %arg9[%get3A_359, %get3A_360] {strides = array<i32>} : memref<80x128xf32, #tpu.memory_space<vmem>>, vector<1x16xf32>,
        %get3A_362 = vector.shape_cast %get3A_361 : vector<1x16xf32> to vector<16xf32>
        %get3A_363 = arith.index_cast %scan3A_262 : i32 to index
        %get3A_364 = arith.constant 112 : index
        %get3A_365 = tpu.vector_load %arg13[%get3A_363, %get3A_364] {strides = array<i32>} : memref<80x128xf32, #tpu.memory_space<vmem>>, vector<1x16xf32>,
        %get3A_366 = vector.shape_cast %get3A_365 : vector<1x16xf32> to vector<16xf32>
        %add3A_367 = arith.addf %get3A_362, %get3A_366 : vector<16xf32>
        %swap3A_368 = arith.index_cast %scan3A_262 : i32 to index
        %swap3A_369 = arith.constant 112 : index
        %swap3A_370 = tpu.vector_load %arg9[%swap3A_368, %swap3A_369] {strides = array<i32>} : memref<80x128xf32, #tpu.memory_space<vmem>>, vector<1x16xf32>,
        %swap3A_371 = vector.shape_cast %swap3A_370 : vector<1x16xf32> to vector<16xf32>
        %swap3A_372 = vector.shape_cast %add3A_367 : vector<16xf32> to vector<1x16xf32>
        tpu.vector_store %arg9[%swap3A_368, %swap3A_369], %swap3A_372 {strides = array<i32>} : memref<80x128xf32, #tpu.memory_space<vmem>>, vector<1x16xf32>,
      }
      %scan3A_87 = arith.constant 80 : i32
      %dma_start3A_88 = arith.constant 0 : i32
      %dma_start3A_89 = tpu.memref_slice %arg6[%add3A_70, %dma_start3A_88] : memref<174080x128xf32, #tpu.memory_space<hbm>> -> memref<80x128xf32, #tpu.memory_space<hbm>>
      %dma_start3A_90 = arith.constant 0 : i32
      %dma_start3A_91 = tpu.memref_slice %arg6[%add3A_70, %dma_start3A_90] : memref<174080x128xf32, #tpu.memory_space<hbm>> -> memref<80x128xf32, #tpu.memory_space<hbm>>
      tpu.enqueue_dma source(%arg9 : memref<80x128xf32, #tpu.memory_space<vmem>>) target(%dma_start3A_91 : memref<80x128xf32, #tpu.memory_space<hbm>>) target_semaphore(%arg25 : memref<!tpu.dma_semaphore, #tpu.memory_space<semaphore_mem>>)
      %mul3A_92 = arith.constant 4 : i32
      %mul3A_93 = arith.muli %mul3A_92, %scan3A_61 : i32
      %add3A_94 = arith.constant 1 : i32
      %add3A_95 = arith.addi %mul3A_93, %add3A_94 : i32
      %mul3A_96 = arith.constant 5440 : i32
      %mul3A_97 = arith.muli %add3A, %mul3A_96 : i32
      %mul3A_98 = arith.constant 80 : i32
      %mul3A_99 = arith.muli %add3A_95, %mul3A_98 : i32
      %add3A_100 = arith.addi %mul3A_97, %mul3A_99 : i32
      %dma_wait3A_101 = arith.constant 0 : i32
      %dma_wait3A_102 = tpu.memref_slice %arg7[%add3A_95, %dma_wait3A_101] : memref<68x80xi32, #tpu.memory_space<vmem>> -> memref<1x80xi32, #tpu.memory_space<vmem>>
      %dma_wait3A_103 = tpu.memref_squeeze %dma_wait3A_102 : memref<1x80xi32, #tpu.memory_space<vmem>> -> memref<80xi32, #tpu.memory_space<vmem>>
      %dma_wait3A_104 = arith.constant 0 : i32
      %dma_wait3A_105 = arith.constant 0 : i32
      %dma_wait3A_106 = tpu.memref_slice %arg2[%dma_wait3A_104, %dma_wait3A_105] : memref<10000x128xf32, #tpu.memory_space<hbm>> -> memref<10000x128xf32, #tpu.memory_space<hbm>>
      tpu.wait_indirect_dma semaphore(%arg18 : memref<!tpu.dma_semaphore, #tpu.memory_space<semaphore_mem>>) src(%dma_wait3A_106 : memref<10000x128xf32, #tpu.memory_space<hbm>>) dst(%arg10 : memref<80x128xf32, #tpu.memory_space<vmem>>)
      %dma_wait3A_107 = arith.constant 0 : i32
      %dma_wait3A_108 = tpu.memref_slice %arg8[%add3A_95, %dma_wait3A_107] : memref<68x80xi32, #tpu.memory_space<vmem>> -> memref<1x80xi32, #tpu.memory_space<vmem>>
      %dma_wait3A_109 = tpu.memref_squeeze %dma_wait3A_108 : memref<1x80xi32, #tpu.memory_space<vmem>> -> memref<80xi32, #tpu.memory_space<vmem>>
      %dma_wait3A_110 = arith.constant 0 : i32
      %dma_wait3A_111 = arith.constant 0 : i32
      %dma_wait3A_112 = tpu.memref_slice %arg3[%dma_wait3A_110, %dma_wait3A_111] : memref<10000x128xf32, #tpu.memory_space<hbm>> -> memref<10000x128xf32, #tpu.memory_space<hbm>>
      tpu.wait_indirect_dma semaphore(%arg22 : memref<!tpu.dma_semaphore, #tpu.memory_space<semaphore_mem>>) src(%dma_wait3A_112 : memref<10000x128xf32, #tpu.memory_space<hbm>>) dst(%arg14 : memref<80x128xf32, #tpu.memory_space<vmem>>)
      %scan3A_113 = arith.constant 0 : i32
      %scan3A_114 = arith.constant 0 : i32
      %scan3A_115 = arith.constant 80 : i32
      %scan3A_116 = arith.addi %scan3A_114, %scan3A_115 : i32
      %scan3A_117 = arith.constant 1 : i32
      scf.for %scan3A_262 = %scan3A_114 to %scan3A_116 step %scan3A_117  : i32 {
        %get3A = arith.index_cast %scan3A_262 : i32 to index
        %get3A_263 = arith.constant 0 : index
        %get3A_264 = tpu.vector_load %arg10[%get3A, %get3A_263] {strides = array<i32>} : memref<80x128xf32, #tpu.memory_space<vmem>>, vector<1x16xf32>,
        %get3A_265 = vector.shape_cast %get3A_264 : vector<1x16xf32> to vector<16xf32>
        %get3A_266 = arith.index_cast %scan3A_262 : i32 to index
        %get3A_267 = arith.constant 0 : index
        %get3A_268 = tpu.vector_load %arg14[%get3A_266, %get3A_267] {strides = array<i32>} : memref<80x128xf32, #tpu.memory_space<vmem>>, vector<1x16xf32>,
        %get3A_269 = vector.shape_cast %get3A_268 : vector<1x16xf32> to vector<16xf32>
        %add3A_270 = arith.addf %get3A_265, %get3A_269 : vector<16xf32>
        %swap3A = arith.index_cast %scan3A_262 : i32 to index
        %swap3A_271 = arith.constant 0 : index
        %swap3A_272 = tpu.vector_load %arg10[%swap3A, %swap3A_271] {strides = array<i32>} : memref<80x128xf32, #tpu.memory_space<vmem>>, vector<1x16xf32>,
        %swap3A_273 = vector.shape_cast %swap3A_272 : vector<1x16xf32> to vector<16xf32>
        %swap3A_274 = vector.shape_cast %add3A_270 : vector<16xf32> to vector<1x16xf32>
        tpu.vector_store %arg10[%swap3A, %swap3A_271], %swap3A_274 {strides = array<i32>} : memref<80x128xf32, #tpu.memory_space<vmem>>, vector<1x16xf32>,
        %get3A_275 = arith.index_cast %scan3A_262 : i32 to index
        %get3A_276 = arith.constant 16 : index
        %get3A_277 = tpu.vector_load %arg10[%get3A_275, %get3A_276] {strides = array<i32>} : memref<80x128xf32, #tpu.memory_space<vmem>>, vector<1x16xf32>,
        %get3A_278 = vector.shape_cast %get3A_277 : vector<1x16xf32> to vector<16xf32>
        %get3A_279 = arith.index_cast %scan3A_262 : i32 to index
        %get3A_280 = arith.constant 16 : index
        %get3A_281 = tpu.vector_load %arg14[%get3A_279, %get3A_280] {strides = array<i32>} : memref<80x128xf32, #tpu.memory_space<vmem>>, vector<1x16xf32>,
        %get3A_282 = vector.shape_cast %get3A_281 : vector<1x16xf32> to vector<16xf32>
        %add3A_283 = arith.addf %get3A_278, %get3A_282 : vector<16xf32>
        %swap3A_284 = arith.index_cast %scan3A_262 : i32 to index
        %swap3A_285 = arith.constant 16 : index
        %swap3A_286 = tpu.vector_load %arg10[%swap3A_284, %swap3A_285] {strides = array<i32>} : memref<80x128xf32, #tpu.memory_space<vmem>>, vector<1x16xf32>,
        %swap3A_287 = vector.shape_cast %swap3A_286 : vector<1x16xf32> to vector<16xf32>
        %swap3A_288 = vector.shape_cast %add3A_283 : vector<16xf32> to vector<1x16xf32>
        tpu.vector_store %arg10[%swap3A_284, %swap3A_285], %swap3A_288 {strides = array<i32>} : memref<80x128xf32, #tpu.memory_space<vmem>>, vector<1x16xf32>,
        %get3A_289 = arith.index_cast %scan3A_262 : i32 to index
        %get3A_290 = arith.constant 32 : index
        %get3A_291 = tpu.vector_load %arg10[%get3A_289, %get3A_290] {strides = array<i32>} : memref<80x128xf32, #tpu.memory_space<vmem>>, vector<1x16xf32>,
        %get3A_292 = vector.shape_cast %get3A_291 : vector<1x16xf32> to vector<16xf32>
        %get3A_293 = arith.index_cast %scan3A_262 : i32 to index
        %get3A_294 = arith.constant 32 : index
        %get3A_295 = tpu.vector_load %arg14[%get3A_293, %get3A_294] {strides = array<i32>} : memref<80x128xf32, #tpu.memory_space<vmem>>, vector<1x16xf32>,
        %get3A_296 = vector.shape_cast %get3A_295 : vector<1x16xf32> to vector<16xf32>
        %add3A_297 = arith.addf %get3A_292, %get3A_296 : vector<16xf32>
        %swap3A_298 = arith.index_cast %scan3A_262 : i32 to index
        %swap3A_299 = arith.constant 32 : index
        %swap3A_300 = tpu.vector_load %arg10[%swap3A_298, %swap3A_299] {strides = array<i32>} : memref<80x128xf32, #tpu.memory_space<vmem>>, vector<1x16xf32>,
        %swap3A_301 = vector.shape_cast %swap3A_300 : vector<1x16xf32> to vector<16xf32>
        %swap3A_302 = vector.shape_cast %add3A_297 : vector<16xf32> to vector<1x16xf32>
        tpu.vector_store %arg10[%swap3A_298, %swap3A_299], %swap3A_302 {strides = array<i32>} : memref<80x128xf32, #tpu.memory_space<vmem>>, vector<1x16xf32>,
        %get3A_303 = arith.index_cast %scan3A_262 : i32 to index
        %get3A_304 = arith.constant 48 : index
        %get3A_305 = tpu.vector_load %arg10[%get3A_303, %get3A_304] {strides = array<i32>} : memref<80x128xf32, #tpu.memory_space<vmem>>, vector<1x16xf32>,
        %get3A_306 = vector.shape_cast %get3A_305 : vector<1x16xf32> to vector<16xf32>
        %get3A_307 = arith.index_cast %scan3A_262 : i32 to index
        %get3A_308 = arith.constant 48 : index
        %get3A_309 = tpu.vector_load %arg14[%get3A_307, %get3A_308] {strides = array<i32>} : memref<80x128xf32, #tpu.memory_space<vmem>>, vector<1x16xf32>,
        %get3A_310 = vector.shape_cast %get3A_309 : vector<1x16xf32> to vector<16xf32>
        %add3A_311 = arith.addf %get3A_306, %get3A_310 : vector<16xf32>
        %swap3A_312 = arith.index_cast %scan3A_262 : i32 to index
        %swap3A_313 = arith.constant 48 : index
        %swap3A_314 = tpu.vector_load %arg10[%swap3A_312, %swap3A_313] {strides = array<i32>} : memref<80x128xf32, #tpu.memory_space<vmem>>, vector<1x16xf32>,
        %swap3A_315 = vector.shape_cast %swap3A_314 : vector<1x16xf32> to vector<16xf32>
        %swap3A_316 = vector.shape_cast %add3A_311 : vector<16xf32> to vector<1x16xf32>
        tpu.vector_store %arg10[%swap3A_312, %swap3A_313], %swap3A_316 {strides = array<i32>} : memref<80x128xf32, #tpu.memory_space<vmem>>, vector<1x16xf32>,
        %get3A_317 = arith.index_cast %scan3A_262 : i32 to index
        %get3A_318 = arith.constant 64 : index
        %get3A_319 = tpu.vector_load %arg10[%get3A_317, %get3A_318] {strides = array<i32>} : memref<80x128xf32, #tpu.memory_space<vmem>>, vector<1x16xf32>,
        %get3A_320 = vector.shape_cast %get3A_319 : vector<1x16xf32> to vector<16xf32>
        %get3A_321 = arith.index_cast %scan3A_262 : i32 to index
        %get3A_322 = arith.constant 64 : index
        %get3A_323 = tpu.vector_load %arg14[%get3A_321, %get3A_322] {strides = array<i32>} : memref<80x128xf32, #tpu.memory_space<vmem>>, vector<1x16xf32>,
        %get3A_324 = vector.shape_cast %get3A_323 : vector<1x16xf32> to vector<16xf32>
        %add3A_325 = arith.addf %get3A_320, %get3A_324 : vector<16xf32>
        %swap3A_326 = arith.index_cast %scan3A_262 : i32 to index
        %swap3A_327 = arith.constant 64 : index
        %swap3A_328 = tpu.vector_load %arg10[%swap3A_326, %swap3A_327] {strides = array<i32>} : memref<80x128xf32, #tpu.memory_space<vmem>>, vector<1x16xf32>,
        %swap3A_329 = vector.shape_cast %swap3A_328 : vector<1x16xf32> to vector<16xf32>
        %swap3A_330 = vector.shape_cast %add3A_325 : vector<16xf32> to vector<1x16xf32>
        tpu.vector_store %arg10[%swap3A_326, %swap3A_327], %swap3A_330 {strides = array<i32>} : memref<80x128xf32, #tpu.memory_space<vmem>>, vector<1x16xf32>,
        %get3A_331 = arith.index_cast %scan3A_262 : i32 to index
        %get3A_332 = arith.constant 80 : index
        %get3A_333 = tpu.vector_load %arg10[%get3A_331, %get3A_332] {strides = array<i32>} : memref<80x128xf32, #tpu.memory_space<vmem>>, vector<1x16xf32>,
        %get3A_334 = vector.shape_cast %get3A_333 : vector<1x16xf32> to vector<16xf32>
        %get3A_335 = arith.index_cast %scan3A_262 : i32 to index
        %get3A_336 = arith.constant 80 : index
        %get3A_337 = tpu.vector_load %arg14[%get3A_335, %get3A_336] {strides = array<i32>} : memref<80x128xf32, #tpu.memory_space<vmem>>, vector<1x16xf32>,
        %get3A_338 = vector.shape_cast %get3A_337 : vector<1x16xf32> to vector<16xf32>
        %add3A_339 = arith.addf %get3A_334, %get3A_338 : vector<16xf32>
        %swap3A_340 = arith.index_cast %scan3A_262 : i32 to index
        %swap3A_341 = arith.constant 80 : index
        %swap3A_342 = tpu.vector_load %arg10[%swap3A_340, %swap3A_341] {strides = array<i32>} : memref<80x128xf32, #tpu.memory_space<vmem>>, vector<1x16xf32>,
        %swap3A_343 = vector.shape_cast %swap3A_342 : vector<1x16xf32> to vector<16xf32>
        %swap3A_344 = vector.shape_cast %add3A_339 : vector<16xf32> to vector<1x16xf32>
        tpu.vector_store %arg10[%swap3A_340, %swap3A_341], %swap3A_344 {strides = array<i32>} : memref<80x128xf32, #tpu.memory_space<vmem>>, vector<1x16xf32>,
        %get3A_345 = arith.index_cast %scan3A_262 : i32 to index
        %get3A_346 = arith.constant 96 : index
        %get3A_347 = tpu.vector_load %arg10[%get3A_345, %get3A_346] {strides = array<i32>} : memref<80x128xf32, #tpu.memory_space<vmem>>, vector<1x16xf32>,
        %get3A_348 = vector.shape_cast %get3A_347 : vector<1x16xf32> to vector<16xf32>
        %get3A_349 = arith.index_cast %scan3A_262 : i32 to index
        %get3A_350 = arith.constant 96 : index
        %get3A_351 = tpu.vector_load %arg14[%get3A_349, %get3A_350] {strides = array<i32>} : memref<80x128xf32, #tpu.memory_space<vmem>>, vector<1x16xf32>,
        %get3A_352 = vector.shape_cast %get3A_351 : vector<1x16xf32> to vector<16xf32>
        %add3A_353 = arith.addf %get3A_348, %get3A_352 : vector<16xf32>
        %swap3A_354 = arith.index_cast %scan3A_262 : i32 to index
        %swap3A_355 = arith.constant 96 : index
        %swap3A_356 = tpu.vector_load %arg10[%swap3A_354, %swap3A_355] {strides = array<i32>} : memref<80x128xf32, #tpu.memory_space<vmem>>, vector<1x16xf32>,
        %swap3A_357 = vector.shape_cast %swap3A_356 : vector<1x16xf32> to vector<16xf32>
        %swap3A_358 = vector.shape_cast %add3A_353 : vector<16xf32> to vector<1x16xf32>
        tpu.vector_store %arg10[%swap3A_354, %swap3A_355], %swap3A_358 {strides = array<i32>} : memref<80x128xf32, #tpu.memory_space<vmem>>, vector<1x16xf32>,
        %get3A_359 = arith.index_cast %scan3A_262 : i32 to index
        %get3A_360 = arith.constant 112 : index
        %get3A_361 = tpu.vector_load %arg10[%get3A_359, %get3A_360] {strides = array<i32>} : memref<80x128xf32, #tpu.memory_space<vmem>>, vector<1x16xf32>,
        %get3A_362 = vector.shape_cast %get3A_361 : vector<1x16xf32> to vector<16xf32>
        %get3A_363 = arith.index_cast %scan3A_262 : i32 to index
        %get3A_364 = arith.constant 112 : index
        %get3A_365 = tpu.vector_load %arg14[%get3A_363, %get3A_364] {strides = array<i32>} : memref<80x128xf32, #tpu.memory_space<vmem>>, vector<1x16xf32>,
        %get3A_366 = vector.shape_cast %get3A_365 : vector<1x16xf32> to vector<16xf32>
        %add3A_367 = arith.addf %get3A_362, %get3A_366 : vector<16xf32>
        %swap3A_368 = arith.index_cast %scan3A_262 : i32 to index
        %swap3A_369 = arith.constant 112 : index
        %swap3A_370 = tpu.vector_load %arg10[%swap3A_368, %swap3A_369] {strides = array<i32>} : memref<80x128xf32, #tpu.memory_space<vmem>>, vector<1x16xf32>,
        %swap3A_371 = vector.shape_cast %swap3A_370 : vector<1x16xf32> to vector<16xf32>
        %swap3A_372 = vector.shape_cast %add3A_367 : vector<16xf32> to vector<1x16xf32>
        tpu.vector_store %arg10[%swap3A_368, %swap3A_369], %swap3A_372 {strides = array<i32>} : memref<80x128xf32, #tpu.memory_space<vmem>>, vector<1x16xf32>,
      }
      %scan3A_118 = arith.constant 80 : i32
      %dma_start3A_119 = arith.constant 0 : i32
      %dma_start3A_120 = tpu.memref_slice %arg6[%add3A_100, %dma_start3A_119] : memref<174080x128xf32, #tpu.memory_space<hbm>> -> memref<80x128xf32, #tpu.memory_space<hbm>>
      %dma_start3A_121 = arith.constant 0 : i32
      %dma_start3A_122 = tpu.memref_slice %arg6[%add3A_100, %dma_start3A_121] : memref<174080x128xf32, #tpu.memory_space<hbm>> -> memref<80x128xf32, #tpu.memory_space<hbm>>
      tpu.enqueue_dma source(%arg10 : memref<80x128xf32, #tpu.memory_space<vmem>>) target(%dma_start3A_122 : memref<80x128xf32, #tpu.memory_space<hbm>>) target_semaphore(%arg26 : memref<!tpu.dma_semaphore, #tpu.memory_space<semaphore_mem>>)
      %mul3A_123 = arith.constant 4 : i32
      %mul3A_124 = arith.muli %mul3A_123, %scan3A_61 : i32
      %add3A_125 = arith.constant 2 : i32
      %add3A_126 = arith.addi %mul3A_124, %add3A_125 : i32
      %mul3A_127 = arith.constant 5440 : i32
      %mul3A_128 = arith.muli %add3A, %mul3A_127 : i32
      %mul3A_129 = arith.constant 80 : i32
      %mul3A_130 = arith.muli %add3A_126, %mul3A_129 : i32
      %add3A_131 = arith.addi %mul3A_128, %mul3A_130 : i32
      %dma_wait3A_132 = arith.constant 0 : i32
      %dma_wait3A_133 = tpu.memref_slice %arg7[%add3A_126, %dma_wait3A_132] : memref<68x80xi32, #tpu.memory_space<vmem>> -> memref<1x80xi32, #tpu.memory_space<vmem>>
      %dma_wait3A_134 = tpu.memref_squeeze %dma_wait3A_133 : memref<1x80xi32, #tpu.memory_space<vmem>> -> memref<80xi32, #tpu.memory_space<vmem>>
      %dma_wait3A_135 = arith.constant 0 : i32
      %dma_wait3A_136 = arith.constant 0 : i32
      %dma_wait3A_137 = tpu.memref_slice %arg2[%dma_wait3A_135, %dma_wait3A_136] : memref<10000x128xf32, #tpu.memory_space<hbm>> -> memref<10000x128xf32, #tpu.memory_space<hbm>>
      tpu.wait_indirect_dma semaphore(%arg19 : memref<!tpu.dma_semaphore, #tpu.memory_space<semaphore_mem>>) src(%dma_wait3A_137 : memref<10000x128xf32, #tpu.memory_space<hbm>>) dst(%arg11 : memref<80x128xf32, #tpu.memory_space<vmem>>)
      %dma_wait3A_138 = arith.constant 0 : i32
      %dma_wait3A_139 = tpu.memref_slice %arg8[%add3A_126, %dma_wait3A_138] : memref<68x80xi32, #tpu.memory_space<vmem>> -> memref<1x80xi32, #tpu.memory_space<vmem>>
      %dma_wait3A_140 = tpu.memref_squeeze %dma_wait3A_139 : memref<1x80xi32, #tpu.memory_space<vmem>> -> memref<80xi32, #tpu.memory_space<vmem>>
      %dma_wait3A_141 = arith.constant 0 : i32
      %dma_wait3A_142 = arith.constant 0 : i32
      %dma_wait3A_143 = tpu.memref_slice %arg3[%dma_wait3A_141, %dma_wait3A_142] : memref<10000x128xf32, #tpu.memory_space<hbm>> -> memref<10000x128xf32, #tpu.memory_space<hbm>>
      tpu.wait_indirect_dma semaphore(%arg23 : memref<!tpu.dma_semaphore, #tpu.memory_space<semaphore_mem>>) src(%dma_wait3A_143 : memref<10000x128xf32, #tpu.memory_space<hbm>>) dst(%arg15 : memref<80x128xf32, #tpu.memory_space<vmem>>)
      %scan3A_144 = arith.constant 0 : i32
      %scan3A_145 = arith.constant 0 : i32
      %scan3A_146 = arith.constant 80 : i32
      %scan3A_147 = arith.addi %scan3A_145, %scan3A_146 : i32
      %scan3A_148 = arith.constant 1 : i32
      scf.for %scan3A_262 = %scan3A_145 to %scan3A_147 step %scan3A_148  : i32 {
        %get3A = arith.index_cast %scan3A_262 : i32 to index
        %get3A_263 = arith.constant 0 : index
        %get3A_264 = tpu.vector_load %arg11[%get3A, %get3A_263] {strides = array<i32>} : memref<80x128xf32, #tpu.memory_space<vmem>>, vector<1x16xf32>,
        %get3A_265 = vector.shape_cast %get3A_264 : vector<1x16xf32> to vector<16xf32>
        %get3A_266 = arith.index_cast %scan3A_262 : i32 to index
        %get3A_267 = arith.constant 0 : index
        %get3A_268 = tpu.vector_load %arg15[%get3A_266, %get3A_267] {strides = array<i32>} : memref<80x128xf32, #tpu.memory_space<vmem>>, vector<1x16xf32>,
        %get3A_269 = vector.shape_cast %get3A_268 : vector<1x16xf32> to vector<16xf32>
        %add3A_270 = arith.addf %get3A_265, %get3A_269 : vector<16xf32>
        %swap3A = arith.index_cast %scan3A_262 : i32 to index
        %swap3A_271 = arith.constant 0 : index
        %swap3A_272 = tpu.vector_load %arg11[%swap3A, %swap3A_271] {strides = array<i32>} : memref<80x128xf32, #tpu.memory_space<vmem>>, vector<1x16xf32>,
        %swap3A_273 = vector.shape_cast %swap3A_272 : vector<1x16xf32> to vector<16xf32>
        %swap3A_274 = vector.shape_cast %add3A_270 : vector<16xf32> to vector<1x16xf32>
        tpu.vector_store %arg11[%swap3A, %swap3A_271], %swap3A_274 {strides = array<i32>} : memref<80x128xf32, #tpu.memory_space<vmem>>, vector<1x16xf32>,
        %get3A_275 = arith.index_cast %scan3A_262 : i32 to index
        %get3A_276 = arith.constant 16 : index
        %get3A_277 = tpu.vector_load %arg11[%get3A_275, %get3A_276] {strides = array<i32>} : memref<80x128xf32, #tpu.memory_space<vmem>>, vector<1x16xf32>,
        %get3A_278 = vector.shape_cast %get3A_277 : vector<1x16xf32> to vector<16xf32>
        %get3A_279 = arith.index_cast %scan3A_262 : i32 to index
        %get3A_280 = arith.constant 16 : index
        %get3A_281 = tpu.vector_load %arg15[%get3A_279, %get3A_280] {strides = array<i32>} : memref<80x128xf32, #tpu.memory_space<vmem>>, vector<1x16xf32>,
        %get3A_282 = vector.shape_cast %get3A_281 : vector<1x16xf32> to vector<16xf32>
        %add3A_283 = arith.addf %get3A_278, %get3A_282 : vector<16xf32>
        %swap3A_284 = arith.index_cast %scan3A_262 : i32 to index
        %swap3A_285 = arith.constant 16 : index
        %swap3A_286 = tpu.vector_load %arg11[%swap3A_284, %swap3A_285] {strides = array<i32>} : memref<80x128xf32, #tpu.memory_space<vmem>>, vector<1x16xf32>,
        %swap3A_287 = vector.shape_cast %swap3A_286 : vector<1x16xf32> to vector<16xf32>
        %swap3A_288 = vector.shape_cast %add3A_283 : vector<16xf32> to vector<1x16xf32>
        tpu.vector_store %arg11[%swap3A_284, %swap3A_285], %swap3A_288 {strides = array<i32>} : memref<80x128xf32, #tpu.memory_space<vmem>>, vector<1x16xf32>,
        %get3A_289 = arith.index_cast %scan3A_262 : i32 to index
        %get3A_290 = arith.constant 32 : index
        %get3A_291 = tpu.vector_load %arg11[%get3A_289, %get3A_290] {strides = array<i32>} : memref<80x128xf32, #tpu.memory_space<vmem>>, vector<1x16xf32>,
        %get3A_292 = vector.shape_cast %get3A_291 : vector<1x16xf32> to vector<16xf32>
        %get3A_293 = arith.index_cast %scan3A_262 : i32 to index
        %get3A_294 = arith.constant 32 : index
        %get3A_295 = tpu.vector_load %arg15[%get3A_293, %get3A_294] {strides = array<i32>} : memref<80x128xf32, #tpu.memory_space<vmem>>, vector<1x16xf32>,
        %get3A_296 = vector.shape_cast %get3A_295 : vector<1x16xf32> to vector<16xf32>
        %add3A_297 = arith.addf %get3A_292, %get3A_296 : vector<16xf32>
        %swap3A_298 = arith.index_cast %scan3A_262 : i32 to index
        %swap3A_299 = arith.constant 32 : index
        %swap3A_300 = tpu.vector_load %arg11[%swap3A_298, %swap3A_299] {strides = array<i32>} : memref<80x128xf32, #tpu.memory_space<vmem>>, vector<1x16xf32>,
        %swap3A_301 = vector.shape_cast %swap3A_300 : vector<1x16xf32> to vector<16xf32>
        %swap3A_302 = vector.shape_cast %add3A_297 : vector<16xf32> to vector<1x16xf32>
        tpu.vector_store %arg11[%swap3A_298, %swap3A_299], %swap3A_302 {strides = array<i32>} : memref<80x128xf32, #tpu.memory_space<vmem>>, vector<1x16xf32>,
        %get3A_303 = arith.index_cast %scan3A_262 : i32 to index
        %get3A_304 = arith.constant 48 : index
        %get3A_305 = tpu.vector_load %arg11[%get3A_303, %get3A_304] {strides = array<i32>} : memref<80x128xf32, #tpu.memory_space<vmem>>, vector<1x16xf32>,
        %get3A_306 = vector.shape_cast %get3A_305 : vector<1x16xf32> to vector<16xf32>
        %get3A_307 = arith.index_cast %scan3A_262 : i32 to index
        %get3A_308 = arith.constant 48 : index
        %get3A_309 = tpu.vector_load %arg15[%get3A_307, %get3A_308] {strides = array<i32>} : memref<80x128xf32, #tpu.memory_space<vmem>>, vector<1x16xf32>,
        %get3A_310 = vector.shape_cast %get3A_309 : vector<1x16xf32> to vector<16xf32>
        %add3A_311 = arith.addf %get3A_306, %get3A_310 : vector<16xf32>
        %swap3A_312 = arith.index_cast %scan3A_262 : i32 to index
        %swap3A_313 = arith.constant 48 : index
        %swap3A_314 = tpu.vector_load %arg11[%swap3A_312, %swap3A_313] {strides = array<i32>} : memref<80x128xf32, #tpu.memory_space<vmem>>, vector<1x16xf32>,
        %swap3A_315 = vector.shape_cast %swap3A_314 : vector<1x16xf32> to vector<16xf32>
        %swap3A_316 = vector.shape_cast %add3A_311 : vector<16xf32> to vector<1x16xf32>
        tpu.vector_store %arg11[%swap3A_312, %swap3A_313], %swap3A_316 {strides = array<i32>} : memref<80x128xf32, #tpu.memory_space<vmem>>, vector<1x16xf32>,
        %get3A_317 = arith.index_cast %scan3A_262 : i32 to index
        %get3A_318 = arith.constant 64 : index
        %get3A_319 = tpu.vector_load %arg11[%get3A_317, %get3A_318] {strides = array<i32>} : memref<80x128xf32, #tpu.memory_space<vmem>>, vector<1x16xf32>,
        %get3A_320 = vector.shape_cast %get3A_319 : vector<1x16xf32> to vector<16xf32>
        %get3A_321 = arith.index_cast %scan3A_262 : i32 to index
        %get3A_322 = arith.constant 64 : index
        %get3A_323 = tpu.vector_load %arg15[%get3A_321, %get3A_322] {strides = array<i32>} : memref<80x128xf32, #tpu.memory_space<vmem>>, vector<1x16xf32>,
        %get3A_324 = vector.shape_cast %get3A_323 : vector<1x16xf32> to vector<16xf32>
        %add3A_325 = arith.addf %get3A_320, %get3A_324 : vector<16xf32>
        %swap3A_326 = arith.index_cast %scan3A_262 : i32 to index
        %swap3A_327 = arith.constant 64 : index
        %swap3A_328 = tpu.vector_load %arg11[%swap3A_326, %swap3A_327] {strides = array<i32>} : memref<80x128xf32, #tpu.memory_space<vmem>>, vector<1x16xf32>,
        %swap3A_329 = vector.shape_cast %swap3A_328 : vector<1x16xf32> to vector<16xf32>
        %swap3A_330 = vector.shape_cast %add3A_325 : vector<16xf32> to vector<1x16xf32>
        tpu.vector_store %arg11[%swap3A_326, %swap3A_327], %swap3A_330 {strides = array<i32>} : memref<80x128xf32, #tpu.memory_space<vmem>>, vector<1x16xf32>,
        %get3A_331 = arith.index_cast %scan3A_262 : i32 to index
        %get3A_332 = arith.constant 80 : index
        %get3A_333 = tpu.vector_load %arg11[%get3A_331, %get3A_332] {strides = array<i32>} : memref<80x128xf32, #tpu.memory_space<vmem>>, vector<1x16xf32>,
        %get3A_334 = vector.shape_cast %get3A_333 : vector<1x16xf32> to vector<16xf32>
        %get3A_335 = arith.index_cast %scan3A_262 : i32 to index
        %get3A_336 = arith.constant 80 : index
        %get3A_337 = tpu.vector_load %arg15[%get3A_335, %get3A_336] {strides = array<i32>} : memref<80x128xf32, #tpu.memory_space<vmem>>, vector<1x16xf32>,
        %get3A_338 = vector.shape_cast %get3A_337 : vector<1x16xf32> to vector<16xf32>
        %add3A_339 = arith.addf %get3A_334, %get3A_338 : vector<16xf32>
        %swap3A_340 = arith.index_cast %scan3A_262 : i32 to index
        %swap3A_341 = arith.constant 80 : index
        %swap3A_342 = tpu.vector_load %arg11[%swap3A_340, %swap3A_341] {strides = array<i32>} : memref<80x128xf32, #tpu.memory_space<vmem>>, vector<1x16xf32>,
        %swap3A_343 = vector.shape_cast %swap3A_342 : vector<1x16xf32> to vector<16xf32>
        %swap3A_344 = vector.shape_cast %add3A_339 : vector<16xf32> to vector<1x16xf32>
        tpu.vector_store %arg11[%swap3A_340, %swap3A_341], %swap3A_344 {strides = array<i32>} : memref<80x128xf32, #tpu.memory_space<vmem>>, vector<1x16xf32>,
        %get3A_345 = arith.index_cast %scan3A_262 : i32 to index
        %get3A_346 = arith.constant 96 : index
        %get3A_347 = tpu.vector_load %arg11[%get3A_345, %get3A_346] {strides = array<i32>} : memref<80x128xf32, #tpu.memory_space<vmem>>, vector<1x16xf32>,
        %get3A_348 = vector.shape_cast %get3A_347 : vector<1x16xf32> to vector<16xf32>
        %get3A_349 = arith.index_cast %scan3A_262 : i32 to index
        %get3A_350 = arith.constant 96 : index
        %get3A_351 = tpu.vector_load %arg15[%get3A_349, %get3A_350] {strides = array<i32>} : memref<80x128xf32, #tpu.memory_space<vmem>>, vector<1x16xf32>,
        %get3A_352 = vector.shape_cast %get3A_351 : vector<1x16xf32> to vector<16xf32>
        %add3A_353 = arith.addf %get3A_348, %get3A_352 : vector<16xf32>
        %swap3A_354 = arith.index_cast %scan3A_262 : i32 to index
        %swap3A_355 = arith.constant 96 : index
        %swap3A_356 = tpu.vector_load %arg11[%swap3A_354, %swap3A_355] {strides = array<i32>} : memref<80x128xf32, #tpu.memory_space<vmem>>, vector<1x16xf32>,
        %swap3A_357 = vector.shape_cast %swap3A_356 : vector<1x16xf32> to vector<16xf32>
        %swap3A_358 = vector.shape_cast %add3A_353 : vector<16xf32> to vector<1x16xf32>
        tpu.vector_store %arg11[%swap3A_354, %swap3A_355], %swap3A_358 {strides = array<i32>} : memref<80x128xf32, #tpu.memory_space<vmem>>, vector<1x16xf32>,
        %get3A_359 = arith.index_cast %scan3A_262 : i32 to index
        %get3A_360 = arith.constant 112 : index
        %get3A_361 = tpu.vector_load %arg11[%get3A_359, %get3A_360] {strides = array<i32>} : memref<80x128xf32, #tpu.memory_space<vmem>>, vector<1x16xf32>,
        %get3A_362 = vector.shape_cast %get3A_361 : vector<1x16xf32> to vector<16xf32>
        %get3A_363 = arith.index_cast %scan3A_262 : i32 to index
        %get3A_364 = arith.constant 112 : index
        %get3A_365 = tpu.vector_load %arg15[%get3A_363, %get3A_364] {strides = array<i32>} : memref<80x128xf32, #tpu.memory_space<vmem>>, vector<1x16xf32>,
        %get3A_366 = vector.shape_cast %get3A_365 : vector<1x16xf32> to vector<16xf32>
        %add3A_367 = arith.addf %get3A_362, %get3A_366 : vector<16xf32>
        %swap3A_368 = arith.index_cast %scan3A_262 : i32 to index
        %swap3A_369 = arith.constant 112 : index
        %swap3A_370 = tpu.vector_load %arg11[%swap3A_368, %swap3A_369] {strides = array<i32>} : memref<80x128xf32, #tpu.memory_space<vmem>>, vector<1x16xf32>,
        %swap3A_371 = vector.shape_cast %swap3A_370 : vector<1x16xf32> to vector<16xf32>
        %swap3A_372 = vector.shape_cast %add3A_367 : vector<16xf32> to vector<1x16xf32>
        tpu.vector_store %arg11[%swap3A_368, %swap3A_369], %swap3A_372 {strides = array<i32>} : memref<80x128xf32, #tpu.memory_space<vmem>>, vector<1x16xf32>,
      }
      %scan3A_149 = arith.constant 80 : i32
      %dma_start3A_150 = arith.constant 0 : i32
      %dma_start3A_151 = tpu.memref_slice %arg6[%add3A_131, %dma_start3A_150] : memref<174080x128xf32, #tpu.memory_space<hbm>> -> memref<80x128xf32, #tpu.memory_space<hbm>>
      %dma_start3A_152 = arith.constant 0 : i32
      %dma_start3A_153 = tpu.memref_slice %arg6[%add3A_131, %dma_start3A_152] : memref<174080x128xf32, #tpu.memory_space<hbm>> -> memref<80x128xf32, #tpu.memory_space<hbm>>
      tpu.enqueue_dma source(%arg11 : memref<80x128xf32, #tpu.memory_space<vmem>>) target(%dma_start3A_153 : memref<80x128xf32, #tpu.memory_space<hbm>>) target_semaphore(%arg27 : memref<!tpu.dma_semaphore, #tpu.memory_space<semaphore_mem>>)
      %mul3A_154 = arith.constant 4 : i32
      %mul3A_155 = arith.muli %mul3A_154, %scan3A_61 : i32
      %add3A_156 = arith.constant 3 : i32
      %add3A_157 = arith.addi %mul3A_155, %add3A_156 : i32
      %mul3A_158 = arith.constant 5440 : i32
      %mul3A_159 = arith.muli %add3A, %mul3A_158 : i32
      %mul3A_160 = arith.constant 80 : i32
      %mul3A_161 = arith.muli %add3A_157, %mul3A_160 : i32
      %add3A_162 = arith.addi %mul3A_159, %mul3A_161 : i32
      %dma_wait3A_163 = arith.constant 0 : i32
      %dma_wait3A_164 = tpu.memref_slice %arg7[%add3A_157, %dma_wait3A_163] : memref<68x80xi32, #tpu.memory_space<vmem>> -> memref<1x80xi32, #tpu.memory_space<vmem>>
      %dma_wait3A_165 = tpu.memref_squeeze %dma_wait3A_164 : memref<1x80xi32, #tpu.memory_space<vmem>> -> memref<80xi32, #tpu.memory_space<vmem>>
      %dma_wait3A_166 = arith.constant 0 : i32
      %dma_wait3A_167 = arith.constant 0 : i32
      %dma_wait3A_168 = tpu.memref_slice %arg2[%dma_wait3A_166, %dma_wait3A_167] : memref<10000x128xf32, #tpu.memory_space<hbm>> -> memref<10000x128xf32, #tpu.memory_space<hbm>>
      tpu.wait_indirect_dma semaphore(%arg20 : memref<!tpu.dma_semaphore, #tpu.memory_space<semaphore_mem>>) src(%dma_wait3A_168 : memref<10000x128xf32, #tpu.memory_space<hbm>>) dst(%arg12 : memref<80x128xf32, #tpu.memory_space<vmem>>)
      %dma_wait3A_169 = arith.constant 0 : i32
      %dma_wait3A_170 = tpu.memref_slice %arg8[%add3A_157, %dma_wait3A_169] : memref<68x80xi32, #tpu.memory_space<vmem>> -> memref<1x80xi32, #tpu.memory_space<vmem>>
      %dma_wait3A_171 = tpu.memref_squeeze %dma_wait3A_170 : memref<1x80xi32, #tpu.memory_space<vmem>> -> memref<80xi32, #tpu.memory_space<vmem>>
      %dma_wait3A_172 = arith.constant 0 : i32
      %dma_wait3A_173 = arith.constant 0 : i32
      %dma_wait3A_174 = tpu.memref_slice %arg3[%dma_wait3A_172, %dma_wait3A_173] : memref<10000x128xf32, #tpu.memory_space<hbm>> -> memref<10000x128xf32, #tpu.memory_space<hbm>>
      tpu.wait_indirect_dma semaphore(%arg24 : memref<!tpu.dma_semaphore, #tpu.memory_space<semaphore_mem>>) src(%dma_wait3A_174 : memref<10000x128xf32, #tpu.memory_space<hbm>>) dst(%arg16 : memref<80x128xf32, #tpu.memory_space<vmem>>)
      %scan3A_175 = arith.constant 0 : i32
      %scan3A_176 = arith.constant 0 : i32
      %scan3A_177 = arith.constant 80 : i32
      %scan3A_178 = arith.addi %scan3A_176, %scan3A_177 : i32
      %scan3A_179 = arith.constant 1 : i32
      scf.for %scan3A_262 = %scan3A_176 to %scan3A_178 step %scan3A_179  : i32 {
        %get3A = arith.index_cast %scan3A_262 : i32 to index
        %get3A_263 = arith.constant 0 : index
        %get3A_264 = tpu.vector_load %arg12[%get3A, %get3A_263] {strides = array<i32>} : memref<80x128xf32, #tpu.memory_space<vmem>>, vector<1x16xf32>,
        %get3A_265 = vector.shape_cast %get3A_264 : vector<1x16xf32> to vector<16xf32>
        %get3A_266 = arith.index_cast %scan3A_262 : i32 to index
        %get3A_267 = arith.constant 0 : index
        %get3A_268 = tpu.vector_load %arg16[%get3A_266, %get3A_267] {strides = array<i32>} : memref<80x128xf32, #tpu.memory_space<vmem>>, vector<1x16xf32>,
        %get3A_269 = vector.shape_cast %get3A_268 : vector<1x16xf32> to vector<16xf32>
        %add3A_270 = arith.addf %get3A_265, %get3A_269 : vector<16xf32>
        %swap3A = arith.index_cast %scan3A_262 : i32 to index
        %swap3A_271 = arith.constant 0 : index
        %swap3A_272 = tpu.vector_load %arg12[%swap3A, %swap3A_271] {strides = array<i32>} : memref<80x128xf32, #tpu.memory_space<vmem>>, vector<1x16xf32>,
        %swap3A_273 = vector.shape_cast %swap3A_272 : vector<1x16xf32> to vector<16xf32>
        %swap3A_274 = vector.shape_cast %add3A_270 : vector<16xf32> to vector<1x16xf32>
        tpu.vector_store %arg12[%swap3A, %swap3A_271], %swap3A_274 {strides = array<i32>} : memref<80x128xf32, #tpu.memory_space<vmem>>, vector<1x16xf32>,
        %get3A_275 = arith.index_cast %scan3A_262 : i32 to index
        %get3A_276 = arith.constant 16 : index
        %get3A_277 = tpu.vector_load %arg12[%get3A_275, %get3A_276] {strides = array<i32>} : memref<80x128xf32, #tpu.memory_space<vmem>>, vector<1x16xf32>,
        %get3A_278 = vector.shape_cast %get3A_277 : vector<1x16xf32> to vector<16xf32>
        %get3A_279 = arith.index_cast %scan3A_262 : i32 to index
        %get3A_280 = arith.constant 16 : index
        %get3A_281 = tpu.vector_load %arg16[%get3A_279, %get3A_280] {strides = array<i32>} : memref<80x128xf32, #tpu.memory_space<vmem>>, vector<1x16xf32>,
        %get3A_282 = vector.shape_cast %get3A_281 : vector<1x16xf32> to vector<16xf32>
        %add3A_283 = arith.addf %get3A_278, %get3A_282 : vector<16xf32>
        %swap3A_284 = arith.index_cast %scan3A_262 : i32 to index
        %swap3A_285 = arith.constant 16 : index
        %swap3A_286 = tpu.vector_load %arg12[%swap3A_284, %swap3A_285] {strides = array<i32>} : memref<80x128xf32, #tpu.memory_space<vmem>>, vector<1x16xf32>,
        %swap3A_287 = vector.shape_cast %swap3A_286 : vector<1x16xf32> to vector<16xf32>
        %swap3A_288 = vector.shape_cast %add3A_283 : vector<16xf32> to vector<1x16xf32>
        tpu.vector_store %arg12[%swap3A_284, %swap3A_285], %swap3A_288 {strides = array<i32>} : memref<80x128xf32, #tpu.memory_space<vmem>>, vector<1x16xf32>,
        %get3A_289 = arith.index_cast %scan3A_262 : i32 to index
        %get3A_290 = arith.constant 32 : index
        %get3A_291 = tpu.vector_load %arg12[%get3A_289, %get3A_290] {strides = array<i32>} : memref<80x128xf32, #tpu.memory_space<vmem>>, vector<1x16xf32>,
        %get3A_292 = vector.shape_cast %get3A_291 : vector<1x16xf32> to vector<16xf32>
        %get3A_293 = arith.index_cast %scan3A_262 : i32 to index
        %get3A_294 = arith.constant 32 : index
        %get3A_295 = tpu.vector_load %arg16[%get3A_293, %get3A_294] {strides = array<i32>} : memref<80x128xf32, #tpu.memory_space<vmem>>, vector<1x16xf32>,
        %get3A_296 = vector.shape_cast %get3A_295 : vector<1x16xf32> to vector<16xf32>
        %add3A_297 = arith.addf %get3A_292, %get3A_296 : vector<16xf32>
        %swap3A_298 = arith.index_cast %scan3A_262 : i32 to index
        %swap3A_299 = arith.constant 32 : index
        %swap3A_300 = tpu.vector_load %arg12[%swap3A_298, %swap3A_299] {strides = array<i32>} : memref<80x128xf32, #tpu.memory_space<vmem>>, vector<1x16xf32>,
        %swap3A_301 = vector.shape_cast %swap3A_300 : vector<1x16xf32> to vector<16xf32>
        %swap3A_302 = vector.shape_cast %add3A_297 : vector<16xf32> to vector<1x16xf32>
        tpu.vector_store %arg12[%swap3A_298, %swap3A_299], %swap3A_302 {strides = array<i32>} : memref<80x128xf32, #tpu.memory_space<vmem>>, vector<1x16xf32>,
        %get3A_303 = arith.index_cast %scan3A_262 : i32 to index
        %get3A_304 = arith.constant 48 : index
        %get3A_305 = tpu.vector_load %arg12[%get3A_303, %get3A_304] {strides = array<i32>} : memref<80x128xf32, #tpu.memory_space<vmem>>, vector<1x16xf32>,
        %get3A_306 = vector.shape_cast %get3A_305 : vector<1x16xf32> to vector<16xf32>
        %get3A_307 = arith.index_cast %scan3A_262 : i32 to index
        %get3A_308 = arith.constant 48 : index
        %get3A_309 = tpu.vector_load %arg16[%get3A_307, %get3A_308] {strides = array<i32>} : memref<80x128xf32, #tpu.memory_space<vmem>>, vector<1x16xf32>,
        %get3A_310 = vector.shape_cast %get3A_309 : vector<1x16xf32> to vector<16xf32>
        %add3A_311 = arith.addf %get3A_306, %get3A_310 : vector<16xf32>
        %swap3A_312 = arith.index_cast %scan3A_262 : i32 to index
        %swap3A_313 = arith.constant 48 : index
        %swap3A_314 = tpu.vector_load %arg12[%swap3A_312, %swap3A_313] {strides = array<i32>} : memref<80x128xf32, #tpu.memory_space<vmem>>, vector<1x16xf32>,
        %swap3A_315 = vector.shape_cast %swap3A_314 : vector<1x16xf32> to vector<16xf32>
        %swap3A_316 = vector.shape_cast %add3A_311 : vector<16xf32> to vector<1x16xf32>
        tpu.vector_store %arg12[%swap3A_312, %swap3A_313], %swap3A_316 {strides = array<i32>} : memref<80x128xf32, #tpu.memory_space<vmem>>, vector<1x16xf32>,
        %get3A_317 = arith.index_cast %scan3A_262 : i32 to index
        %get3A_318 = arith.constant 64 : index
        %get3A_319 = tpu.vector_load %arg12[%get3A_317, %get3A_318] {strides = array<i32>} : memref<80x128xf32, #tpu.memory_space<vmem>>, vector<1x16xf32>,
        %get3A_320 = vector.shape_cast %get3A_319 : vector<1x16xf32> to vector<16xf32>
        %get3A_321 = arith.index_cast %scan3A_262 : i32 to index
        %get3A_322 = arith.constant 64 : index
        %get3A_323 = tpu.vector_load %arg16[%get3A_321, %get3A_322] {strides = array<i32>} : memref<80x128xf32, #tpu.memory_space<vmem>>, vector<1x16xf32>,
        %get3A_324 = vector.shape_cast %get3A_323 : vector<1x16xf32> to vector<16xf32>
        %add3A_325 = arith.addf %get3A_320, %get3A_324 : vector<16xf32>
        %swap3A_326 = arith.index_cast %scan3A_262 : i32 to index
        %swap3A_327 = arith.constant 64 : index
        %swap3A_328 = tpu.vector_load %arg12[%swap3A_326, %swap3A_327] {strides = array<i32>} : memref<80x128xf32, #tpu.memory_space<vmem>>, vector<1x16xf32>,
        %swap3A_329 = vector.shape_cast %swap3A_328 : vector<1x16xf32> to vector<16xf32>
        %swap3A_330 = vector.shape_cast %add3A_325 : vector<16xf32> to vector<1x16xf32>
        tpu.vector_store %arg12[%swap3A_326, %swap3A_327], %swap3A_330 {strides = array<i32>} : memref<80x128xf32, #tpu.memory_space<vmem>>, vector<1x16xf32>,
        %get3A_331 = arith.index_cast %scan3A_262 : i32 to index
        %get3A_332 = arith.constant 80 : index
        %get3A_333 = tpu.vector_load %arg12[%get3A_331, %get3A_332] {strides = array<i32>} : memref<80x128xf32, #tpu.memory_space<vmem>>, vector<1x16xf32>,
        %get3A_334 = vector.shape_cast %get3A_333 : vector<1x16xf32> to vector<16xf32>
        %get3A_335 = arith.index_cast %scan3A_262 : i32 to index
        %get3A_336 = arith.constant 80 : index
        %get3A_337 = tpu.vector_load %arg16[%get3A_335, %get3A_336] {strides = array<i32>} : memref<80x128xf32, #tpu.memory_space<vmem>>, vector<1x16xf32>,
        %get3A_338 = vector.shape_cast %get3A_337 : vector<1x16xf32> to vector<16xf32>
        %add3A_339 = arith.addf %get3A_334, %get3A_338 : vector<16xf32>
        %swap3A_340 = arith.index_cast %scan3A_262 : i32 to index
        %swap3A_341 = arith.constant 80 : index
        %swap3A_342 = tpu.vector_load %arg12[%swap3A_340, %swap3A_341] {strides = array<i32>} : memref<80x128xf32, #tpu.memory_space<vmem>>, vector<1x16xf32>,
        %swap3A_343 = vector.shape_cast %swap3A_342 : vector<1x16xf32> to vector<16xf32>
        %swap3A_344 = vector.shape_cast %add3A_339 : vector<16xf32> to vector<1x16xf32>
        tpu.vector_store %arg12[%swap3A_340, %swap3A_341], %swap3A_344 {strides = array<i32>} : memref<80x128xf32, #tpu.memory_space<vmem>>, vector<1x16xf32>,
        %get3A_345 = arith.index_cast %scan3A_262 : i32 to index
        %get3A_346 = arith.constant 96 : index
        %get3A_347 = tpu.vector_load %arg12[%get3A_345, %get3A_346] {strides = array<i32>} : memref<80x128xf32, #tpu.memory_space<vmem>>, vector<1x16xf32>,
        %get3A_348 = vector.shape_cast %get3A_347 : vector<1x16xf32> to vector<16xf32>
        %get3A_349 = arith.index_cast %scan3A_262 : i32 to index
        %get3A_350 = arith.constant 96 : index
        %get3A_351 = tpu.vector_load %arg16[%get3A_349, %get3A_350] {strides = array<i32>} : memref<80x128xf32, #tpu.memory_space<vmem>>, vector<1x16xf32>,
        %get3A_352 = vector.shape_cast %get3A_351 : vector<1x16xf32> to vector<16xf32>
        %add3A_353 = arith.addf %get3A_348, %get3A_352 : vector<16xf32>
        %swap3A_354 = arith.index_cast %scan3A_262 : i32 to index
        %swap3A_355 = arith.constant 96 : index
        %swap3A_356 = tpu.vector_load %arg12[%swap3A_354, %swap3A_355] {strides = array<i32>} : memref<80x128xf32, #tpu.memory_space<vmem>>, vector<1x16xf32>,
        %swap3A_357 = vector.shape_cast %swap3A_356 : vector<1x16xf32> to vector<16xf32>
        %swap3A_358 = vector.shape_cast %add3A_353 : vector<16xf32> to vector<1x16xf32>
        tpu.vector_store %arg12[%swap3A_354, %swap3A_355], %swap3A_358 {strides = array<i32>} : memref<80x128xf32, #tpu.memory_space<vmem>>, vector<1x16xf32>,
        %get3A_359 = arith.index_cast %scan3A_262 : i32 to index
        %get3A_360 = arith.constant 112 : index
        %get3A_361 = tpu.vector_load %arg12[%get3A_359, %get3A_360] {strides = array<i32>} : memref<80x128xf32, #tpu.memory_space<vmem>>, vector<1x16xf32>,
        %get3A_362 = vector.shape_cast %get3A_361 : vector<1x16xf32> to vector<16xf32>
        %get3A_363 = arith.index_cast %scan3A_262 : i32 to index
        %get3A_364 = arith.constant 112 : index
        %get3A_365 = tpu.vector_load %arg16[%get3A_363, %get3A_364] {strides = array<i32>} : memref<80x128xf32, #tpu.memory_space<vmem>>, vector<1x16xf32>,
        %get3A_366 = vector.shape_cast %get3A_365 : vector<1x16xf32> to vector<16xf32>
        %add3A_367 = arith.addf %get3A_362, %get3A_366 : vector<16xf32>
        %swap3A_368 = arith.index_cast %scan3A_262 : i32 to index
        %swap3A_369 = arith.constant 112 : index
        %swap3A_370 = tpu.vector_load %arg12[%swap3A_368, %swap3A_369] {strides = array<i32>} : memref<80x128xf32, #tpu.memory_space<vmem>>, vector<1x16xf32>,
        %swap3A_371 = vector.shape_cast %swap3A_370 : vector<1x16xf32> to vector<16xf32>
        %swap3A_372 = vector.shape_cast %add3A_367 : vector<16xf32> to vector<1x16xf32>
        tpu.vector_store %arg12[%swap3A_368, %swap3A_369], %swap3A_372 {strides = array<i32>} : memref<80x128xf32, #tpu.memory_space<vmem>>, vector<1x16xf32>,
      }
      %scan3A_180 = arith.constant 80 : i32
      %dma_start3A_181 = arith.constant 0 : i32
      %dma_start3A_182 = tpu.memref_slice %arg6[%add3A_162, %dma_start3A_181] : memref<174080x128xf32, #tpu.memory_space<hbm>> -> memref<80x128xf32, #tpu.memory_space<hbm>>
      %dma_start3A_183 = arith.constant 0 : i32
      %dma_start3A_184 = tpu.memref_slice %arg6[%add3A_162, %dma_start3A_183] : memref<174080x128xf32, #tpu.memory_space<hbm>> -> memref<80x128xf32, #tpu.memory_space<hbm>>
      tpu.enqueue_dma source(%arg12 : memref<80x128xf32, #tpu.memory_space<vmem>>) target(%dma_start3A_184 : memref<80x128xf32, #tpu.memory_space<hbm>>) target_semaphore(%arg28 : memref<!tpu.dma_semaphore, #tpu.memory_space<semaphore_mem>>)
      %mul3A_185 = arith.constant 4 : i32
      %mul3A_186 = arith.muli %mul3A_185, %scan3A_61 : i32
      %add3A_187 = arith.constant 0 : i32
      %add3A_188 = arith.addi %mul3A_186, %add3A_187 : i32
      %add3A_189 = arith.constant 4 : i32
      %add3A_190 = arith.addi %add3A_188, %add3A_189 : i32
      %mul3A_191 = arith.constant 5440 : i32
      %mul3A_192 = arith.muli %add3A, %mul3A_191 : i32
      %mul3A_193 = arith.constant 80 : i32
      %mul3A_194 = arith.muli %add3A_188, %mul3A_193 : i32
      %add3A_195 = arith.addi %mul3A_192, %mul3A_194 : i32
      %dma_wait3A_196 = arith.constant 0 : i32
      %dma_wait3A_197 = tpu.memref_slice %arg6[%add3A_195, %dma_wait3A_196] : memref<174080x128xf32, #tpu.memory_space<hbm>> -> memref<80x128xf32, #tpu.memory_space<hbm>>
      %dma_wait3A_198 = arith.constant 0 : i32
      %dma_wait3A_199 = tpu.memref_slice %arg6[%add3A_195, %dma_wait3A_198] : memref<174080x128xf32, #tpu.memory_space<hbm>> -> memref<80x128xf32, #tpu.memory_space<hbm>>
      tpu.wait_dma2 semaphore(%arg25 : memref<!tpu.dma_semaphore, #tpu.memory_space<semaphore_mem>>) src(%arg9 : memref<80x128xf32, #tpu.memory_space<vmem>>) dst(%dma_wait3A_199 : memref<80x128xf32, #tpu.memory_space<hbm>>)
      %lt3A = arith.constant 68 : i32
      %lt3A_200 = arith.cmpi slt, %add3A_190, %lt3A : i32
      %convert_element_type3A = arith.extui %lt3A_200 : i1 to i32
      %cond3A = arith.constant 0 : i32
      %cond3A_201 = arith.cmpi ne, %convert_element_type3A, %cond3A : i32
      scf.if %cond3A_201 {
        %dma_start3A_262 = arith.constant 0 : i32
        %dma_start3A_263 = tpu.memref_slice %arg7[%add3A_190, %dma_start3A_262] : memref<68x80xi32, #tpu.memory_space<vmem>> -> memref<1x80xi32, #tpu.memory_space<vmem>>
        %dma_start3A_264 = tpu.memref_squeeze %dma_start3A_263 : memref<1x80xi32, #tpu.memory_space<vmem>> -> memref<80xi32, #tpu.memory_space<vmem>>
        %dma_start3A_265 = arith.constant 0 : i32
        %dma_start3A_266 = arith.constant 0 : i32
        %dma_start3A_267 = tpu.memref_slice %arg2[%dma_start3A_265, %dma_start3A_266] : memref<10000x128xf32, #tpu.memory_space<hbm>> -> memref<10000x128xf32, #tpu.memory_space<hbm>>
        tpu.enqueue_indirect_dma source(%dma_start3A_267 : memref<10000x128xf32, #tpu.memory_space<hbm>>) target(%arg9 : memref<80x128xf32, #tpu.memory_space<vmem>>) offsets(%dma_start3A_264 : memref<80xi32, #tpu.memory_space<vmem>>) semaphore(%arg17 : memref<!tpu.dma_semaphore, #tpu.memory_space<semaphore_mem>>)
        %dma_start3A_268 = arith.constant 0 : i32
        %dma_start3A_269 = tpu.memref_slice %arg8[%add3A_190, %dma_start3A_268] : memref<68x80xi32, #tpu.memory_space<vmem>> -> memref<1x80xi32, #tpu.memory_space<vmem>>
        %dma_start3A_270 = tpu.memref_squeeze %dma_start3A_269 : memref<1x80xi32, #tpu.memory_space<vmem>> -> memref<80xi32, #tpu.memory_space<vmem>>
        %dma_start3A_271 = arith.constant 0 : i32
        %dma_start3A_272 = arith.constant 0 : i32
        %dma_start3A_273 = tpu.memref_slice %arg3[%dma_start3A_271, %dma_start3A_272] : memref<10000x128xf32, #tpu.memory_space<hbm>> -> memref<10000x128xf32, #tpu.memory_space<hbm>>
        tpu.enqueue_indirect_dma source(%dma_start3A_273 : memref<10000x128xf32, #tpu.memory_space<hbm>>) target(%arg13 : memref<80x128xf32, #tpu.memory_space<vmem>>) offsets(%dma_start3A_270 : memref<80xi32, #tpu.memory_space<vmem>>) semaphore(%arg21 : memref<!tpu.dma_semaphore, #tpu.memory_space<semaphore_mem>>)
      } else {
      }
      %mul3A_202 = arith.constant 4 : i32
      %mul3A_203 = arith.muli %mul3A_202, %scan3A_61 : i32
      %add3A_204 = arith.constant 1 : i32
      %add3A_205 = arith.addi %mul3A_203, %add3A_204 : i32
      %add3A_206 = arith.constant 4 : i32
      %add3A_207 = arith.addi %add3A_205, %add3A_206 : i32
      %mul3A_208 = arith.constant 5440 : i32
      %mul3A_209 = arith.muli %add3A, %mul3A_208 : i32
      %mul3A_210 = arith.constant 80 : i32
      %mul3A_211 = arith.muli %add3A_205, %mul3A_210 : i32
      %add3A_212 = arith.addi %mul3A_209, %mul3A_211 : i32
      %dma_wait3A_213 = arith.constant 0 : i32
      %dma_wait3A_214 = tpu.memref_slice %arg6[%add3A_212, %dma_wait3A_213] : memref<174080x128xf32, #tpu.memory_space<hbm>> -> memref<80x128xf32, #tpu.memory_space<hbm>>
      %dma_wait3A_215 = arith.constant 0 : i32
      %dma_wait3A_216 = tpu.memref_slice %arg6[%add3A_212, %dma_wait3A_215] : memref<174080x128xf32, #tpu.memory_space<hbm>> -> memref<80x128xf32, #tpu.memory_space<hbm>>
      tpu.wait_dma2 semaphore(%arg26 : memref<!tpu.dma_semaphore, #tpu.memory_space<semaphore_mem>>) src(%arg10 : memref<80x128xf32, #tpu.memory_space<vmem>>) dst(%dma_wait3A_216 : memref<80x128xf32, #tpu.memory_space<hbm>>)
      %lt3A_217 = arith.constant 68 : i32
      %lt3A_218 = arith.cmpi slt, %add3A_207, %lt3A_217 : i32
      %convert_element_type3A_219 = arith.extui %lt3A_218 : i1 to i32
      %cond3A_220 = arith.constant 0 : i32
      %cond3A_221 = arith.cmpi ne, %convert_element_type3A_219, %cond3A_220 : i32
      scf.if %cond3A_221 {
        %dma_start3A_262 = arith.constant 0 : i32
        %dma_start3A_263 = tpu.memref_slice %arg7[%add3A_207, %dma_start3A_262] : memref<68x80xi32, #tpu.memory_space<vmem>> -> memref<1x80xi32, #tpu.memory_space<vmem>>
        %dma_start3A_264 = tpu.memref_squeeze %dma_start3A_263 : memref<1x80xi32, #tpu.memory_space<vmem>> -> memref<80xi32, #tpu.memory_space<vmem>>
        %dma_start3A_265 = arith.constant 0 : i32
        %dma_start3A_266 = arith.constant 0 : i32
        %dma_start3A_267 = tpu.memref_slice %arg2[%dma_start3A_265, %dma_start3A_266] : memref<10000x128xf32, #tpu.memory_space<hbm>> -> memref<10000x128xf32, #tpu.memory_space<hbm>>
        tpu.enqueue_indirect_dma source(%dma_start3A_267 : memref<10000x128xf32, #tpu.memory_space<hbm>>) target(%arg10 : memref<80x128xf32, #tpu.memory_space<vmem>>) offsets(%dma_start3A_264 : memref<80xi32, #tpu.memory_space<vmem>>) semaphore(%arg18 : memref<!tpu.dma_semaphore, #tpu.memory_space<semaphore_mem>>)
        %dma_start3A_268 = arith.constant 0 : i32
        %dma_start3A_269 = tpu.memref_slice %arg8[%add3A_207, %dma_start3A_268] : memref<68x80xi32, #tpu.memory_space<vmem>> -> memref<1x80xi32, #tpu.memory_space<vmem>>
        %dma_start3A_270 = tpu.memref_squeeze %dma_start3A_269 : memref<1x80xi32, #tpu.memory_space<vmem>> -> memref<80xi32, #tpu.memory_space<vmem>>
        %dma_start3A_271 = arith.constant 0 : i32
        %dma_start3A_272 = arith.constant 0 : i32
        %dma_start3A_273 = tpu.memref_slice %arg3[%dma_start3A_271, %dma_start3A_272] : memref<10000x128xf32, #tpu.memory_space<hbm>> -> memref<10000x128xf32, #tpu.memory_space<hbm>>
        tpu.enqueue_indirect_dma source(%dma_start3A_273 : memref<10000x128xf32, #tpu.memory_space<hbm>>) target(%arg14 : memref<80x128xf32, #tpu.memory_space<vmem>>) offsets(%dma_start3A_270 : memref<80xi32, #tpu.memory_space<vmem>>) semaphore(%arg22 : memref<!tpu.dma_semaphore, #tpu.memory_space<semaphore_mem>>)
      } else {
      }
      %mul3A_222 = arith.constant 4 : i32
      %mul3A_223 = arith.muli %mul3A_222, %scan3A_61 : i32
      %add3A_224 = arith.constant 2 : i32
      %add3A_225 = arith.addi %mul3A_223, %add3A_224 : i32
      %add3A_226 = arith.constant 4 : i32
      %add3A_227 = arith.addi %add3A_225, %add3A_226 : i32
      %mul3A_228 = arith.constant 5440 : i32
      %mul3A_229 = arith.muli %add3A, %mul3A_228 : i32
      %mul3A_230 = arith.constant 80 : i32
      %mul3A_231 = arith.muli %add3A_225, %mul3A_230 : i32
      %add3A_232 = arith.addi %mul3A_229, %mul3A_231 : i32
      %dma_wait3A_233 = arith.constant 0 : i32
      %dma_wait3A_234 = tpu.memref_slice %arg6[%add3A_232, %dma_wait3A_233] : memref<174080x128xf32, #tpu.memory_space<hbm>> -> memref<80x128xf32, #tpu.memory_space<hbm>>
      %dma_wait3A_235 = arith.constant 0 : i32
      %dma_wait3A_236 = tpu.memref_slice %arg6[%add3A_232, %dma_wait3A_235] : memref<174080x128xf32, #tpu.memory_space<hbm>> -> memref<80x128xf32, #tpu.memory_space<hbm>>
      tpu.wait_dma2 semaphore(%arg27 : memref<!tpu.dma_semaphore, #tpu.memory_space<semaphore_mem>>) src(%arg11 : memref<80x128xf32, #tpu.memory_space<vmem>>) dst(%dma_wait3A_236 : memref<80x128xf32, #tpu.memory_space<hbm>>)
      %lt3A_237 = arith.constant 68 : i32
      %lt3A_238 = arith.cmpi slt, %add3A_227, %lt3A_237 : i32
      %convert_element_type3A_239 = arith.extui %lt3A_238 : i1 to i32
      %cond3A_240 = arith.constant 0 : i32
      %cond3A_241 = arith.cmpi ne, %convert_element_type3A_239, %cond3A_240 : i32
      scf.if %cond3A_241 {
        %dma_start3A_262 = arith.constant 0 : i32
        %dma_start3A_263 = tpu.memref_slice %arg7[%add3A_227, %dma_start3A_262] : memref<68x80xi32, #tpu.memory_space<vmem>> -> memref<1x80xi32, #tpu.memory_space<vmem>>
        %dma_start3A_264 = tpu.memref_squeeze %dma_start3A_263 : memref<1x80xi32, #tpu.memory_space<vmem>> -> memref<80xi32, #tpu.memory_space<vmem>>
        %dma_start3A_265 = arith.constant 0 : i32
        %dma_start3A_266 = arith.constant 0 : i32
        %dma_start3A_267 = tpu.memref_slice %arg2[%dma_start3A_265, %dma_start3A_266] : memref<10000x128xf32, #tpu.memory_space<hbm>> -> memref<10000x128xf32, #tpu.memory_space<hbm>>
        tpu.enqueue_indirect_dma source(%dma_start3A_267 : memref<10000x128xf32, #tpu.memory_space<hbm>>) target(%arg11 : memref<80x128xf32, #tpu.memory_space<vmem>>) offsets(%dma_start3A_264 : memref<80xi32, #tpu.memory_space<vmem>>) semaphore(%arg19 : memref<!tpu.dma_semaphore, #tpu.memory_space<semaphore_mem>>)
        %dma_start3A_268 = arith.constant 0 : i32
        %dma_start3A_269 = tpu.memref_slice %arg8[%add3A_227, %dma_start3A_268] : memref<68x80xi32, #tpu.memory_space<vmem>> -> memref<1x80xi32, #tpu.memory_space<vmem>>
        %dma_start3A_270 = tpu.memref_squeeze %dma_start3A_269 : memref<1x80xi32, #tpu.memory_space<vmem>> -> memref<80xi32, #tpu.memory_space<vmem>>
        %dma_start3A_271 = arith.constant 0 : i32
        %dma_start3A_272 = arith.constant 0 : i32
        %dma_start3A_273 = tpu.memref_slice %arg3[%dma_start3A_271, %dma_start3A_272] : memref<10000x128xf32, #tpu.memory_space<hbm>> -> memref<10000x128xf32, #tpu.memory_space<hbm>>
        tpu.enqueue_indirect_dma source(%dma_start3A_273 : memref<10000x128xf32, #tpu.memory_space<hbm>>) target(%arg15 : memref<80x128xf32, #tpu.memory_space<vmem>>) offsets(%dma_start3A_270 : memref<80xi32, #tpu.memory_space<vmem>>) semaphore(%arg23 : memref<!tpu.dma_semaphore, #tpu.memory_space<semaphore_mem>>)
      } else {
      }
      %mul3A_242 = arith.constant 4 : i32
      %mul3A_243 = arith.muli %mul3A_242, %scan3A_61 : i32
      %add3A_244 = arith.constant 3 : i32
      %add3A_245 = arith.addi %mul3A_243, %add3A_244 : i32
      %add3A_246 = arith.constant 4 : i32
      %add3A_247 = arith.addi %add3A_245, %add3A_246 : i32
      %mul3A_248 = arith.constant 5440 : i32
      %mul3A_249 = arith.muli %add3A, %mul3A_248 : i32
      %mul3A_250 = arith.constant 80 : i32
      %mul3A_251 = arith.muli %add3A_245, %mul3A_250 : i32
      %add3A_252 = arith.addi %mul3A_249, %mul3A_251 : i32
      %dma_wait3A_253 = arith.constant 0 : i32
      %dma_wait3A_254 = tpu.memref_slice %arg6[%add3A_252, %dma_wait3A_253] : memref<174080x128xf32, #tpu.memory_space<hbm>> -> memref<80x128xf32, #tpu.memory_space<hbm>>
      %dma_wait3A_255 = arith.constant 0 : i32
      %dma_wait3A_256 = tpu.memref_slice %arg6[%add3A_252, %dma_wait3A_255] : memref<174080x128xf32, #tpu.memory_space<hbm>> -> memref<80x128xf32, #tpu.memory_space<hbm>>
      tpu.wait_dma2 semaphore(%arg28 : memref<!tpu.dma_semaphore, #tpu.memory_space<semaphore_mem>>) src(%arg12 : memref<80x128xf32, #tpu.memory_space<vmem>>) dst(%dma_wait3A_256 : memref<80x128xf32, #tpu.memory_space<hbm>>)
      %lt3A_257 = arith.constant 68 : i32
      %lt3A_258 = arith.cmpi slt, %add3A_247, %lt3A_257 : i32
      %convert_element_type3A_259 = arith.extui %lt3A_258 : i1 to i32
      %cond3A_260 = arith.constant 0 : i32
      %cond3A_261 = arith.cmpi ne, %convert_element_type3A_259, %cond3A_260 : i32
      scf.if %cond3A_261 {
        %dma_start3A_262 = arith.constant 0 : i32
        %dma_start3A_263 = tpu.memref_slice %arg7[%add3A_247, %dma_start3A_262] : memref<68x80xi32, #tpu.memory_space<vmem>> -> memref<1x80xi32, #tpu.memory_space<vmem>>
        %dma_start3A_264 = tpu.memref_squeeze %dma_start3A_263 : memref<1x80xi32, #tpu.memory_space<vmem>> -> memref<80xi32, #tpu.memory_space<vmem>>
        %dma_start3A_265 = arith.constant 0 : i32
        %dma_start3A_266 = arith.constant 0 : i32
        %dma_start3A_267 = tpu.memref_slice %arg2[%dma_start3A_265, %dma_start3A_266] : memref<10000x128xf32, #tpu.memory_space<hbm>> -> memref<10000x128xf32, #tpu.memory_space<hbm>>
        tpu.enqueue_indirect_dma source(%dma_start3A_267 : memref<10000x128xf32, #tpu.memory_space<hbm>>) target(%arg12 : memref<80x128xf32, #tpu.memory_space<vmem>>) offsets(%dma_start3A_264 : memref<80xi32, #tpu.memory_space<vmem>>) semaphore(%arg20 : memref<!tpu.dma_semaphore, #tpu.memory_space<semaphore_mem>>)
        %dma_start3A_268 = arith.constant 0 : i32
        %dma_start3A_269 = tpu.memref_slice %arg8[%add3A_247, %dma_start3A_268] : memref<68x80xi32, #tpu.memory_space<vmem>> -> memref<1x80xi32, #tpu.memory_space<vmem>>
        %dma_start3A_270 = tpu.memref_squeeze %dma_start3A_269 : memref<1x80xi32, #tpu.memory_space<vmem>> -> memref<80xi32, #tpu.memory_space<vmem>>
        %dma_start3A_271 = arith.constant 0 : i32
        %dma_start3A_272 = arith.constant 0 : i32
        %dma_start3A_273 = tpu.memref_slice %arg3[%dma_start3A_271, %dma_start3A_272] : memref<10000x128xf32, #tpu.memory_space<hbm>> -> memref<10000x128xf32, #tpu.memory_space<hbm>>
        tpu.enqueue_indirect_dma source(%dma_start3A_273 : memref<10000x128xf32, #tpu.memory_space<hbm>>) target(%arg16 : memref<80x128xf32, #tpu.memory_space<vmem>>) offsets(%dma_start3A_270 : memref<80xi32, #tpu.memory_space<vmem>>) semaphore(%arg24 : memref<!tpu.dma_semaphore, #tpu.memory_space<semaphore_mem>>)
      } else {
      }
    }
    %scan3A_60 = arith.constant 17 : i32
    return
  }
}

#map = affine_map<(d0, d1) -> (0, 0)>
#map1 = affine_map<(d0, d1) -> (0, 0, 0)>
module attributes {stable_mosaic.version = 14 : i64} {
  func.func @sc_scatter(%arg0: i32, %arg1: i32, %arg2: memref<145920x128xf32, #tpu.memory_space<hbm>>, %arg3: memref<32x57x80xi32, #tpu.memory_space<hbm>>, %arg4: memref<640x128xf32, #tpu.memory_space<hbm>>, %arg5: memref<2x10240x128xf32, #tpu.memory_space<hbm>>, %arg6: memref<1x80xi32, #tpu.memory_space<vmem>>, %arg7: memref<1x80xi32, #tpu.memory_space<vmem>>, %arg8: memref<1x80xi32, #tpu.memory_space<vmem>>, %arg9: memref<80x128xf32, #tpu.memory_space<vmem>>, %arg10: memref<80x128xf32, #tpu.memory_space<vmem>>, %arg11: memref<80x128xf32, #tpu.memory_space<vmem>>, %arg12: memref<10240x128xf32, #tpu.memory_space<vmem_shared>>, %arg13: memref<!tpu.dma_semaphore, #tpu.memory_space<semaphore_mem>>, %arg14: memref<!tpu.dma_semaphore, #tpu.memory_space<semaphore_mem>>, %arg15: memref<!tpu.dma_semaphore, #tpu.memory_space<semaphore_mem>>, %arg16: memref<!tpu.dma_semaphore, #tpu.memory_space<semaphore_mem>>, %arg17: memref<!tpu.dma_semaphore, #tpu.memory_space<semaphore_mem>>, %arg18: memref<!tpu.dma_semaphore, #tpu.memory_space<semaphore_mem>>, %arg19: memref<!tpu.dma_semaphore, #tpu.memory_space<semaphore_mem>>, %arg20: memref<!tpu.dma_semaphore, #tpu.memory_space<semaphore_mem>>, %arg21: memref<!tpu.dma_semaphore, #tpu.memory_space<semaphore_mem>>) attributes {dimension_semantics = [#tpu.dimension_semantics<core_parallel>, #tpu.dimension_semantics<subcore_parallel>], iteration_bounds = array<i64: 2, 16>, scalar_prefetch = 0 : i64, scratch_operands = 16 : i64, tpu.core_type = #tpu.core_type<sc_vector_subcore>, window_params = [{transform_indices = #map}, {transform_indices = #map1}, {transform_indices = #map}, {transform_indices = #map1}]} {
    %mul3A = arith.constant 2 : i32
    %mul3A_0 = arith.muli %arg1, %mul3A : i32
    %add3A = arith.addi %mul3A_0, %arg0 : i32
    %mul3A_1 = arith.constant 640 : i32
    %mul3A_2 = arith.muli %arg1, %mul3A_1 : i32
    "tpu.region"() ({
      %run_scoped3A = tpu.sem_alloc : memref<!tpu.dma_semaphore, #tpu.memory_space<semaphore_mem>>
      %dma_start3A_84 = arith.constant 0 : i32
      %dma_start3A_85 = tpu.memref_slice %arg12[%mul3A_2, %dma_start3A_84] : memref<10240x128xf32, #tpu.memory_space<vmem_shared>> -> memref<640x128xf32, #tpu.memory_space<vmem_shared>>
      tpu.enqueue_dma source(%arg4 : memref<640x128xf32, #tpu.memory_space<hbm>>) target(%dma_start3A_85 : memref<640x128xf32, #tpu.memory_space<vmem_shared>>) target_semaphore(%run_scoped3A : memref<!tpu.dma_semaphore, #tpu.memory_space<semaphore_mem>>)
      %dma_wait3A = arith.constant 0 : i32
      %dma_wait3A_86 = tpu.memref_slice %arg12[%mul3A_2, %dma_wait3A] : memref<10240x128xf32, #tpu.memory_space<vmem_shared>> -> memref<640x128xf32, #tpu.memory_space<vmem_shared>>
      tpu.wait_dma2 semaphore(%run_scoped3A : memref<!tpu.dma_semaphore, #tpu.memory_space<semaphore_mem>>) src(%arg4 : memref<640x128xf32, #tpu.memory_space<hbm>>) dst(%dma_wait3A_86 : memref<640x128xf32, #tpu.memory_space<vmem_shared>>)
      tpu.yield
    }) : () -> ()
    %barrier3A = arith.constant 0 : index
    tpu.barrier barrier_id(%barrier3A)
    %mul3A_3 = arith.constant 4560 : i32
    %mul3A_4 = arith.muli %add3A, %mul3A_3 : i32
    %add3A_5 = arith.constant 0 : i32
    %add3A_6 = arith.addi %add3A_5, %mul3A_4 : i32
    %add3A_7 = arith.constant 0 : i32
    %add3A_8 = arith.addi %add3A_6, %add3A_7 : i32
    %dma_start3A = arith.constant 0 : i32
    %dma_start3A_9 = tpu.memref_slice %arg2[%add3A_8, %dma_start3A] : memref<145920x128xf32, #tpu.memory_space<hbm>> -> memref<80x128xf32, #tpu.memory_space<hbm>>
    %dma_start3A_10 = arith.constant 0 : i32
    %dma_start3A_11 = tpu.memref_slice %arg2[%add3A_8, %dma_start3A_10] : memref<145920x128xf32, #tpu.memory_space<hbm>> -> memref<80x128xf32, #tpu.memory_space<hbm>>
    tpu.enqueue_dma source(%dma_start3A_11 : memref<80x128xf32, #tpu.memory_space<hbm>>) target(%arg9 : memref<80x128xf32, #tpu.memory_space<vmem>>) target_semaphore(%arg13 : memref<!tpu.dma_semaphore, #tpu.memory_space<semaphore_mem>>)
    %dma_start3A_12 = arith.constant 0 : i32
    %dma_start3A_13 = arith.constant 0 : i32
    %dma_start3A_14 = tpu.memref_slice %arg3[%add3A, %dma_start3A_12, %dma_start3A_13] : memref<32x57x80xi32, #tpu.memory_space<hbm>> -> memref<1x57x80xi32, #tpu.memory_space<hbm>>
    %dma_start3A_15 = tpu.memref_squeeze %dma_start3A_14 : memref<1x57x80xi32, #tpu.memory_space<hbm>> -> memref<57x80xi32, #tpu.memory_space<hbm>>
    %dma_start3A_16 = arith.constant 0 : i32
    %dma_start3A_17 = arith.constant 0 : i32
    %dma_start3A_18 = tpu.memref_slice %dma_start3A_15[%dma_start3A_16, %dma_start3A_17] : memref<57x80xi32, #tpu.memory_space<hbm>> -> memref<1x80xi32, #tpu.memory_space<hbm>>
    %dma_start3A_19 = arith.constant 0 : i32
    %dma_start3A_20 = arith.constant 0 : i32
    %dma_start3A_21 = tpu.memref_slice %arg3[%add3A, %dma_start3A_19, %dma_start3A_20] : memref<32x57x80xi32, #tpu.memory_space<hbm>> -> memref<1x57x80xi32, #tpu.memory_space<hbm>>
    %dma_start3A_22 = tpu.memref_squeeze %dma_start3A_21 : memref<1x57x80xi32, #tpu.memory_space<hbm>> -> memref<57x80xi32, #tpu.memory_space<hbm>>
    %dma_start3A_23 = arith.constant 0 : i32
    %dma_start3A_24 = arith.constant 0 : i32
    %dma_start3A_25 = tpu.memref_slice %dma_start3A_22[%dma_start3A_23, %dma_start3A_24] : memref<57x80xi32, #tpu.memory_space<hbm>> -> memref<1x80xi32, #tpu.memory_space<hbm>>
    tpu.enqueue_dma source(%dma_start3A_25 : memref<1x80xi32, #tpu.memory_space<hbm>>) target(%arg6 : memref<1x80xi32, #tpu.memory_space<vmem>>) target_semaphore(%arg16 : memref<!tpu.dma_semaphore, #tpu.memory_space<semaphore_mem>>)
    %mul3A_26 = arith.constant 4560 : i32
    %mul3A_27 = arith.muli %add3A, %mul3A_26 : i32
    %add3A_28 = arith.constant 0 : i32
    %add3A_29 = arith.addi %add3A_28, %mul3A_27 : i32
    %add3A_30 = arith.constant 80 : i32
    %add3A_31 = arith.addi %add3A_29, %add3A_30 : i32
    %dma_start3A_32 = arith.constant 0 : i32
    %dma_start3A_33 = tpu.memref_slice %arg2[%add3A_31, %dma_start3A_32] : memref<145920x128xf32, #tpu.memory_space<hbm>> -> memref<80x128xf32, #tpu.memory_space<hbm>>
    %dma_start3A_34 = arith.constant 0 : i32
    %dma_start3A_35 = tpu.memref_slice %arg2[%add3A_31, %dma_start3A_34] : memref<145920x128xf32, #tpu.memory_space<hbm>> -> memref<80x128xf32, #tpu.memory_space<hbm>>
    tpu.enqueue_dma source(%dma_start3A_35 : memref<80x128xf32, #tpu.memory_space<hbm>>) target(%arg10 : memref<80x128xf32, #tpu.memory_space<vmem>>) target_semaphore(%arg14 : memref<!tpu.dma_semaphore, #tpu.memory_space<semaphore_mem>>)
    %dma_start3A_36 = arith.constant 0 : i32
    %dma_start3A_37 = arith.constant 0 : i32
    %dma_start3A_38 = tpu.memref_slice %arg3[%add3A, %dma_start3A_36, %dma_start3A_37] : memref<32x57x80xi32, #tpu.memory_space<hbm>> -> memref<1x57x80xi32, #tpu.memory_space<hbm>>
    %dma_start3A_39 = tpu.memref_squeeze %dma_start3A_38 : memref<1x57x80xi32, #tpu.memory_space<hbm>> -> memref<57x80xi32, #tpu.memory_space<hbm>>
    %dma_start3A_40 = arith.constant 1 : i32
    %dma_start3A_41 = arith.constant 0 : i32
    %dma_start3A_42 = tpu.memref_slice %dma_start3A_39[%dma_start3A_40, %dma_start3A_41] : memref<57x80xi32, #tpu.memory_space<hbm>> -> memref<1x80xi32, #tpu.memory_space<hbm>>
    %dma_start3A_43 = arith.constant 0 : i32
    %dma_start3A_44 = arith.constant 0 : i32
    %dma_start3A_45 = tpu.memref_slice %arg3[%add3A, %dma_start3A_43, %dma_start3A_44] : memref<32x57x80xi32, #tpu.memory_space<hbm>> -> memref<1x57x80xi32, #tpu.memory_space<hbm>>
    %dma_start3A_46 = tpu.memref_squeeze %dma_start3A_45 : memref<1x57x80xi32, #tpu.memory_space<hbm>> -> memref<57x80xi32, #tpu.memory_space<hbm>>
    %dma_start3A_47 = arith.constant 1 : i32
    %dma_start3A_48 = arith.constant 0 : i32
    %dma_start3A_49 = tpu.memref_slice %dma_start3A_46[%dma_start3A_47, %dma_start3A_48] : memref<57x80xi32, #tpu.memory_space<hbm>> -> memref<1x80xi32, #tpu.memory_space<hbm>>
    tpu.enqueue_dma source(%dma_start3A_49 : memref<1x80xi32, #tpu.memory_space<hbm>>) target(%arg7 : memref<1x80xi32, #tpu.memory_space<vmem>>) target_semaphore(%arg17 : memref<!tpu.dma_semaphore, #tpu.memory_space<semaphore_mem>>)
    %mul3A_50 = arith.constant 4560 : i32
    %mul3A_51 = arith.muli %add3A, %mul3A_50 : i32
    %add3A_52 = arith.constant 0 : i32
    %add3A_53 = arith.addi %add3A_52, %mul3A_51 : i32
    %add3A_54 = arith.constant 160 : i32
    %add3A_55 = arith.addi %add3A_53, %add3A_54 : i32
    %dma_start3A_56 = arith.constant 0 : i32
    %dma_start3A_57 = tpu.memref_slice %arg2[%add3A_55, %dma_start3A_56] : memref<145920x128xf32, #tpu.memory_space<hbm>> -> memref<80x128xf32, #tpu.memory_space<hbm>>
    %dma_start3A_58 = arith.constant 0 : i32
    %dma_start3A_59 = tpu.memref_slice %arg2[%add3A_55, %dma_start3A_58] : memref<145920x128xf32, #tpu.memory_space<hbm>> -> memref<80x128xf32, #tpu.memory_space<hbm>>
    tpu.enqueue_dma source(%dma_start3A_59 : memref<80x128xf32, #tpu.memory_space<hbm>>) target(%arg11 : memref<80x128xf32, #tpu.memory_space<vmem>>) target_semaphore(%arg15 : memref<!tpu.dma_semaphore, #tpu.memory_space<semaphore_mem>>)
    %dma_start3A_60 = arith.constant 0 : i32
    %dma_start3A_61 = arith.constant 0 : i32
    %dma_start3A_62 = tpu.memref_slice %arg3[%add3A, %dma_start3A_60, %dma_start3A_61] : memref<32x57x80xi32, #tpu.memory_space<hbm>> -> memref<1x57x80xi32, #tpu.memory_space<hbm>>
    %dma_start3A_63 = tpu.memref_squeeze %dma_start3A_62 : memref<1x57x80xi32, #tpu.memory_space<hbm>> -> memref<57x80xi32, #tpu.memory_space<hbm>>
    %dma_start3A_64 = arith.constant 2 : i32
    %dma_start3A_65 = arith.constant 0 : i32
    %dma_start3A_66 = tpu.memref_slice %dma_start3A_63[%dma_start3A_64, %dma_start3A_65] : memref<57x80xi32, #tpu.memory_space<hbm>> -> memref<1x80xi32, #tpu.memory_space<hbm>>
    %dma_start3A_67 = arith.constant 0 : i32
    %dma_start3A_68 = arith.constant 0 : i32
    %dma_start3A_69 = tpu.memref_slice %arg3[%add3A, %dma_start3A_67, %dma_start3A_68] : memref<32x57x80xi32, #tpu.memory_space<hbm>> -> memref<1x57x80xi32, #tpu.memory_space<hbm>>
    %dma_start3A_70 = tpu.memref_squeeze %dma_start3A_69 : memref<1x57x80xi32, #tpu.memory_space<hbm>> -> memref<57x80xi32, #tpu.memory_space<hbm>>
    %dma_start3A_71 = arith.constant 2 : i32
    %dma_start3A_72 = arith.constant 0 : i32
    %dma_start3A_73 = tpu.memref_slice %dma_start3A_70[%dma_start3A_71, %dma_start3A_72] : memref<57x80xi32, #tpu.memory_space<hbm>> -> memref<1x80xi32, #tpu.memory_space<hbm>>
    tpu.enqueue_dma source(%dma_start3A_73 : memref<1x80xi32, #tpu.memory_space<hbm>>) target(%arg8 : memref<1x80xi32, #tpu.memory_space<vmem>>) target_semaphore(%arg18 : memref<!tpu.dma_semaphore, #tpu.memory_space<semaphore_mem>>)
    %scan3A = arith.constant 0 : i32
    %scan3A_74 = arith.constant 0 : i32
    %scan3A_75 = arith.constant 19 : i32
    %scan3A_76 = arith.addi %scan3A_74, %scan3A_75 : i32
    %scan3A_77 = arith.constant 1 : i32
    scf.for %scan3A_84 = %scan3A_74 to %scan3A_76 step %scan3A_77  : i32 {
      %mul3A_85 = arith.constant 3 : i32
      %mul3A_86 = arith.muli %mul3A_85, %scan3A_84 : i32
      %add3A_87 = arith.constant 0 : i32
      %add3A_88 = arith.addi %mul3A_86, %add3A_87 : i32
      %mul3A_89 = arith.constant 4560 : i32
      %mul3A_90 = arith.muli %add3A, %mul3A_89 : i32
      %add3A_91 = arith.constant 0 : i32
      %add3A_92 = arith.addi %add3A_91, %mul3A_90 : i32
      %mul3A_93 = arith.constant 80 : i32
      %mul3A_94 = arith.muli %add3A_88, %mul3A_93 : i32
      %add3A_95 = arith.addi %add3A_92, %mul3A_94 : i32
      %dma_wait3A = arith.constant 0 : i32
      %dma_wait3A_96 = tpu.memref_slice %arg2[%add3A_95, %dma_wait3A] : memref<145920x128xf32, #tpu.memory_space<hbm>> -> memref<80x128xf32, #tpu.memory_space<hbm>>
      %dma_wait3A_97 = arith.constant 0 : i32
      %dma_wait3A_98 = tpu.memref_slice %arg2[%add3A_95, %dma_wait3A_97] : memref<145920x128xf32, #tpu.memory_space<hbm>> -> memref<80x128xf32, #tpu.memory_space<hbm>>
      tpu.wait_dma2 semaphore(%arg13 : memref<!tpu.dma_semaphore, #tpu.memory_space<semaphore_mem>>) src(%dma_wait3A_98 : memref<80x128xf32, #tpu.memory_space<hbm>>) dst(%arg9 : memref<80x128xf32, #tpu.memory_space<vmem>>)
      %dma_wait3A_99 = arith.constant 0 : i32
      %dma_wait3A_100 = arith.constant 0 : i32
      %dma_wait3A_101 = tpu.memref_slice %arg3[%add3A, %dma_wait3A_99, %dma_wait3A_100] : memref<32x57x80xi32, #tpu.memory_space<hbm>> -> memref<1x57x80xi32, #tpu.memory_space<hbm>>
      %dma_wait3A_102 = tpu.memref_squeeze %dma_wait3A_101 : memref<1x57x80xi32, #tpu.memory_space<hbm>> -> memref<57x80xi32, #tpu.memory_space<hbm>>
      %dma_wait3A_103 = arith.constant 0 : i32
      %dma_wait3A_104 = tpu.memref_slice %dma_wait3A_102[%add3A_88, %dma_wait3A_103] : memref<57x80xi32, #tpu.memory_space<hbm>> -> memref<1x80xi32, #tpu.memory_space<hbm>>
      %dma_wait3A_105 = arith.constant 0 : i32
      %dma_wait3A_106 = arith.constant 0 : i32
      %dma_wait3A_107 = tpu.memref_slice %arg3[%add3A, %dma_wait3A_105, %dma_wait3A_106] : memref<32x57x80xi32, #tpu.memory_space<hbm>> -> memref<1x57x80xi32, #tpu.memory_space<hbm>>
      %dma_wait3A_108 = tpu.memref_squeeze %dma_wait3A_107 : memref<1x57x80xi32, #tpu.memory_space<hbm>> -> memref<57x80xi32, #tpu.memory_space<hbm>>
      %dma_wait3A_109 = arith.constant 0 : i32
      %dma_wait3A_110 = tpu.memref_slice %dma_wait3A_108[%add3A_88, %dma_wait3A_109] : memref<57x80xi32, #tpu.memory_space<hbm>> -> memref<1x80xi32, #tpu.memory_space<hbm>>
      tpu.wait_dma2 semaphore(%arg16 : memref<!tpu.dma_semaphore, #tpu.memory_space<semaphore_mem>>) src(%dma_wait3A_110 : memref<1x80xi32, #tpu.memory_space<hbm>>) dst(%arg6 : memref<1x80xi32, #tpu.memory_space<vmem>>)
      %dma_start3A_111 = arith.constant 0 : i32
      %dma_start3A_112 = arith.constant 0 : i32
      %dma_start3A_113 = tpu.memref_slice %arg6[%dma_start3A_111, %dma_start3A_112] : memref<1x80xi32, #tpu.memory_space<vmem>> -> memref<1x80xi32, #tpu.memory_space<vmem>>
      %dma_start3A_114 = tpu.memref_squeeze %dma_start3A_113 : memref<1x80xi32, #tpu.memory_space<vmem>> -> memref<80xi32, #tpu.memory_space<vmem>>
      %dma_start3A_115 = arith.constant 0 : i32
      %dma_start3A_116 = arith.constant 0 : i32
      %dma_start3A_117 = tpu.memref_slice %arg12[%dma_start3A_115, %dma_start3A_116] : memref<10240x128xf32, #tpu.memory_space<vmem_shared>> -> memref<10240x128xf32, #tpu.memory_space<vmem_shared>>
      tpu.enqueue_indirect_dma source(%arg9 : memref<80x128xf32, #tpu.memory_space<vmem>>) target(%dma_start3A_117 : memref<10240x128xf32, #tpu.memory_space<vmem_shared>>) offsets(%dma_start3A_114 : memref<80xi32, #tpu.memory_space<vmem>>) semaphore(%arg19 : memref<!tpu.dma_semaphore, #tpu.memory_space<semaphore_mem>>) {add = true}
      %mul3A_118 = arith.constant 3 : i32
      %mul3A_119 = arith.muli %mul3A_118, %scan3A_84 : i32
      %add3A_120 = arith.constant 1 : i32
      %add3A_121 = arith.addi %mul3A_119, %add3A_120 : i32
      %mul3A_122 = arith.constant 4560 : i32
      %mul3A_123 = arith.muli %add3A, %mul3A_122 : i32
      %add3A_124 = arith.constant 0 : i32
      %add3A_125 = arith.addi %add3A_124, %mul3A_123 : i32
      %mul3A_126 = arith.constant 80 : i32
      %mul3A_127 = arith.muli %add3A_121, %mul3A_126 : i32
      %add3A_128 = arith.addi %add3A_125, %mul3A_127 : i32
      %dma_wait3A_129 = arith.constant 0 : i32
      %dma_wait3A_130 = tpu.memref_slice %arg2[%add3A_128, %dma_wait3A_129] : memref<145920x128xf32, #tpu.memory_space<hbm>> -> memref<80x128xf32, #tpu.memory_space<hbm>>
      %dma_wait3A_131 = arith.constant 0 : i32
      %dma_wait3A_132 = tpu.memref_slice %arg2[%add3A_128, %dma_wait3A_131] : memref<145920x128xf32, #tpu.memory_space<hbm>> -> memref<80x128xf32, #tpu.memory_space<hbm>>
      tpu.wait_dma2 semaphore(%arg14 : memref<!tpu.dma_semaphore, #tpu.memory_space<semaphore_mem>>) src(%dma_wait3A_132 : memref<80x128xf32, #tpu.memory_space<hbm>>) dst(%arg10 : memref<80x128xf32, #tpu.memory_space<vmem>>)
      %dma_wait3A_133 = arith.constant 0 : i32
      %dma_wait3A_134 = arith.constant 0 : i32
      %dma_wait3A_135 = tpu.memref_slice %arg3[%add3A, %dma_wait3A_133, %dma_wait3A_134] : memref<32x57x80xi32, #tpu.memory_space<hbm>> -> memref<1x57x80xi32, #tpu.memory_space<hbm>>
      %dma_wait3A_136 = tpu.memref_squeeze %dma_wait3A_135 : memref<1x57x80xi32, #tpu.memory_space<hbm>> -> memref<57x80xi32, #tpu.memory_space<hbm>>
      %dma_wait3A_137 = arith.constant 0 : i32
      %dma_wait3A_138 = tpu.memref_slice %dma_wait3A_136[%add3A_121, %dma_wait3A_137] : memref<57x80xi32, #tpu.memory_space<hbm>> -> memref<1x80xi32, #tpu.memory_space<hbm>>
      %dma_wait3A_139 = arith.constant 0 : i32
      %dma_wait3A_140 = arith.constant 0 : i32
      %dma_wait3A_141 = tpu.memref_slice %arg3[%add3A, %dma_wait3A_139, %dma_wait3A_140] : memref<32x57x80xi32, #tpu.memory_space<hbm>> -> memref<1x57x80xi32, #tpu.memory_space<hbm>>
      %dma_wait3A_142 = tpu.memref_squeeze %dma_wait3A_141 : memref<1x57x80xi32, #tpu.memory_space<hbm>> -> memref<57x80xi32, #tpu.memory_space<hbm>>
      %dma_wait3A_143 = arith.constant 0 : i32
      %dma_wait3A_144 = tpu.memref_slice %dma_wait3A_142[%add3A_121, %dma_wait3A_143] : memref<57x80xi32, #tpu.memory_space<hbm>> -> memref<1x80xi32, #tpu.memory_space<hbm>>
      tpu.wait_dma2 semaphore(%arg17 : memref<!tpu.dma_semaphore, #tpu.memory_space<semaphore_mem>>) src(%dma_wait3A_144 : memref<1x80xi32, #tpu.memory_space<hbm>>) dst(%arg7 : memref<1x80xi32, #tpu.memory_space<vmem>>)
      %dma_start3A_145 = arith.constant 0 : i32
      %dma_start3A_146 = arith.constant 0 : i32
      %dma_start3A_147 = tpu.memref_slice %arg7[%dma_start3A_145, %dma_start3A_146] : memref<1x80xi32, #tpu.memory_space<vmem>> -> memref<1x80xi32, #tpu.memory_space<vmem>>
      %dma_start3A_148 = tpu.memref_squeeze %dma_start3A_147 : memref<1x80xi32, #tpu.memory_space<vmem>> -> memref<80xi32, #tpu.memory_space<vmem>>
      %dma_start3A_149 = arith.constant 0 : i32
      %dma_start3A_150 = arith.constant 0 : i32
      %dma_start3A_151 = tpu.memref_slice %arg12[%dma_start3A_149, %dma_start3A_150] : memref<10240x128xf32, #tpu.memory_space<vmem_shared>> -> memref<10240x128xf32, #tpu.memory_space<vmem_shared>>
      tpu.enqueue_indirect_dma source(%arg10 : memref<80x128xf32, #tpu.memory_space<vmem>>) target(%dma_start3A_151 : memref<10240x128xf32, #tpu.memory_space<vmem_shared>>) offsets(%dma_start3A_148 : memref<80xi32, #tpu.memory_space<vmem>>) semaphore(%arg20 : memref<!tpu.dma_semaphore, #tpu.memory_space<semaphore_mem>>) {add = true}
      %mul3A_152 = arith.constant 3 : i32
      %mul3A_153 = arith.muli %mul3A_152, %scan3A_84 : i32
      %add3A_154 = arith.constant 2 : i32
      %add3A_155 = arith.addi %mul3A_153, %add3A_154 : i32
      %mul3A_156 = arith.constant 4560 : i32
      %mul3A_157 = arith.muli %add3A, %mul3A_156 : i32
      %add3A_158 = arith.constant 0 : i32
      %add3A_159 = arith.addi %add3A_158, %mul3A_157 : i32
      %mul3A_160 = arith.constant 80 : i32
      %mul3A_161 = arith.muli %add3A_155, %mul3A_160 : i32
      %add3A_162 = arith.addi %add3A_159, %mul3A_161 : i32
      %dma_wait3A_163 = arith.constant 0 : i32
      %dma_wait3A_164 = tpu.memref_slice %arg2[%add3A_162, %dma_wait3A_163] : memref<145920x128xf32, #tpu.memory_space<hbm>> -> memref<80x128xf32, #tpu.memory_space<hbm>>
      %dma_wait3A_165 = arith.constant 0 : i32
      %dma_wait3A_166 = tpu.memref_slice %arg2[%add3A_162, %dma_wait3A_165] : memref<145920x128xf32, #tpu.memory_space<hbm>> -> memref<80x128xf32, #tpu.memory_space<hbm>>
      tpu.wait_dma2 semaphore(%arg15 : memref<!tpu.dma_semaphore, #tpu.memory_space<semaphore_mem>>) src(%dma_wait3A_166 : memref<80x128xf32, #tpu.memory_space<hbm>>) dst(%arg11 : memref<80x128xf32, #tpu.memory_space<vmem>>)
      %dma_wait3A_167 = arith.constant 0 : i32
      %dma_wait3A_168 = arith.constant 0 : i32
      %dma_wait3A_169 = tpu.memref_slice %arg3[%add3A, %dma_wait3A_167, %dma_wait3A_168] : memref<32x57x80xi32, #tpu.memory_space<hbm>> -> memref<1x57x80xi32, #tpu.memory_space<hbm>>
      %dma_wait3A_170 = tpu.memref_squeeze %dma_wait3A_169 : memref<1x57x80xi32, #tpu.memory_space<hbm>> -> memref<57x80xi32, #tpu.memory_space<hbm>>
      %dma_wait3A_171 = arith.constant 0 : i32
      %dma_wait3A_172 = tpu.memref_slice %dma_wait3A_170[%add3A_155, %dma_wait3A_171] : memref<57x80xi32, #tpu.memory_space<hbm>> -> memref<1x80xi32, #tpu.memory_space<hbm>>
      %dma_wait3A_173 = arith.constant 0 : i32
      %dma_wait3A_174 = arith.constant 0 : i32
      %dma_wait3A_175 = tpu.memref_slice %arg3[%add3A, %dma_wait3A_173, %dma_wait3A_174] : memref<32x57x80xi32, #tpu.memory_space<hbm>> -> memref<1x57x80xi32, #tpu.memory_space<hbm>>
      %dma_wait3A_176 = tpu.memref_squeeze %dma_wait3A_175 : memref<1x57x80xi32, #tpu.memory_space<hbm>> -> memref<57x80xi32, #tpu.memory_space<hbm>>
      %dma_wait3A_177 = arith.constant 0 : i32
      %dma_wait3A_178 = tpu.memref_slice %dma_wait3A_176[%add3A_155, %dma_wait3A_177] : memref<57x80xi32, #tpu.memory_space<hbm>> -> memref<1x80xi32, #tpu.memory_space<hbm>>
      tpu.wait_dma2 semaphore(%arg18 : memref<!tpu.dma_semaphore, #tpu.memory_space<semaphore_mem>>) src(%dma_wait3A_178 : memref<1x80xi32, #tpu.memory_space<hbm>>) dst(%arg8 : memref<1x80xi32, #tpu.memory_space<vmem>>)
      %dma_start3A_179 = arith.constant 0 : i32
      %dma_start3A_180 = arith.constant 0 : i32
      %dma_start3A_181 = tpu.memref_slice %arg8[%dma_start3A_179, %dma_start3A_180] : memref<1x80xi32, #tpu.memory_space<vmem>> -> memref<1x80xi32, #tpu.memory_space<vmem>>
      %dma_start3A_182 = tpu.memref_squeeze %dma_start3A_181 : memref<1x80xi32, #tpu.memory_space<vmem>> -> memref<80xi32, #tpu.memory_space<vmem>>
      %dma_start3A_183 = arith.constant 0 : i32
      %dma_start3A_184 = arith.constant 0 : i32
      %dma_start3A_185 = tpu.memref_slice %arg12[%dma_start3A_183, %dma_start3A_184] : memref<10240x128xf32, #tpu.memory_space<vmem_shared>> -> memref<10240x128xf32, #tpu.memory_space<vmem_shared>>
      tpu.enqueue_indirect_dma source(%arg11 : memref<80x128xf32, #tpu.memory_space<vmem>>) target(%dma_start3A_185 : memref<10240x128xf32, #tpu.memory_space<vmem_shared>>) offsets(%dma_start3A_182 : memref<80xi32, #tpu.memory_space<vmem>>) semaphore(%arg21 : memref<!tpu.dma_semaphore, #tpu.memory_space<semaphore_mem>>) {add = true}
      %mul3A_186 = arith.constant 3 : i32
      %mul3A_187 = arith.muli %mul3A_186, %scan3A_84 : i32
      %add3A_188 = arith.constant 0 : i32
      %add3A_189 = arith.addi %mul3A_187, %add3A_188 : i32
      %dma_wait3A_190 = arith.constant 0 : i32
      %dma_wait3A_191 = arith.constant 0 : i32
      %dma_wait3A_192 = tpu.memref_slice %arg6[%dma_wait3A_190, %dma_wait3A_191] : memref<1x80xi32, #tpu.memory_space<vmem>> -> memref<1x80xi32, #tpu.memory_space<vmem>>
      %dma_wait3A_193 = tpu.memref_squeeze %dma_wait3A_192 : memref<1x80xi32, #tpu.memory_space<vmem>> -> memref<80xi32, #tpu.memory_space<vmem>>
      %dma_wait3A_194 = arith.constant 0 : i32
      %dma_wait3A_195 = arith.constant 0 : i32
      %dma_wait3A_196 = tpu.memref_slice %arg12[%dma_wait3A_194, %dma_wait3A_195] : memref<10240x128xf32, #tpu.memory_space<vmem_shared>> -> memref<10240x128xf32, #tpu.memory_space<vmem_shared>>
      tpu.wait_indirect_dma semaphore(%arg19 : memref<!tpu.dma_semaphore, #tpu.memory_space<semaphore_mem>>) src(%arg9 : memref<80x128xf32, #tpu.memory_space<vmem>>) dst(%dma_wait3A_196 : memref<10240x128xf32, #tpu.memory_space<vmem_shared>>)
      %add3A_197 = arith.constant 3 : i32
      %add3A_198 = arith.addi %add3A_189, %add3A_197 : i32
      %lt3A = arith.constant 57 : i32
      %lt3A_199 = arith.cmpi slt, %add3A_198, %lt3A : i32
      %convert_element_type3A = arith.extui %lt3A_199 : i1 to i32
      %cond3A = arith.constant 0 : i32
      %cond3A_200 = arith.cmpi ne, %convert_element_type3A, %cond3A : i32
      scf.if %cond3A_200 {
        %add3A_237 = arith.constant 3 : i32
        %add3A_238 = arith.addi %add3A_189, %add3A_237 : i32
        %mul3A_239 = arith.constant 4560 : i32
        %mul3A_240 = arith.muli %add3A, %mul3A_239 : i32
        %add3A_241 = arith.constant 0 : i32
        %add3A_242 = arith.addi %add3A_241, %mul3A_240 : i32
        %mul3A_243 = arith.constant 80 : i32
        %mul3A_244 = arith.muli %add3A_238, %mul3A_243 : i32
        %add3A_245 = arith.addi %add3A_242, %mul3A_244 : i32
        %dma_start3A_246 = arith.constant 0 : i32
        %dma_start3A_247 = tpu.memref_slice %arg2[%add3A_245, %dma_start3A_246] : memref<145920x128xf32, #tpu.memory_space<hbm>> -> memref<80x128xf32, #tpu.memory_space<hbm>>
        %dma_start3A_248 = arith.constant 0 : i32
        %dma_start3A_249 = tpu.memref_slice %arg2[%add3A_245, %dma_start3A_248] : memref<145920x128xf32, #tpu.memory_space<hbm>> -> memref<80x128xf32, #tpu.memory_space<hbm>>
        tpu.enqueue_dma source(%dma_start3A_249 : memref<80x128xf32, #tpu.memory_space<hbm>>) target(%arg9 : memref<80x128xf32, #tpu.memory_space<vmem>>) target_semaphore(%arg13 : memref<!tpu.dma_semaphore, #tpu.memory_space<semaphore_mem>>)
        %add3A_250 = arith.constant 3 : i32
        %add3A_251 = arith.addi %add3A_189, %add3A_250 : i32
        %dma_start3A_252 = arith.constant 0 : i32
        %dma_start3A_253 = arith.constant 0 : i32
        %dma_start3A_254 = tpu.memref_slice %arg3[%add3A, %dma_start3A_252, %dma_start3A_253] : memref<32x57x80xi32, #tpu.memory_space<hbm>> -> memref<1x57x80xi32, #tpu.memory_space<hbm>>
        %dma_start3A_255 = tpu.memref_squeeze %dma_start3A_254 : memref<1x57x80xi32, #tpu.memory_space<hbm>> -> memref<57x80xi32, #tpu.memory_space<hbm>>
        %dma_start3A_256 = arith.constant 0 : i32
        %dma_start3A_257 = tpu.memref_slice %dma_start3A_255[%add3A_251, %dma_start3A_256] : memref<57x80xi32, #tpu.memory_space<hbm>> -> memref<1x80xi32, #tpu.memory_space<hbm>>
        %dma_start3A_258 = arith.constant 0 : i32
        %dma_start3A_259 = arith.constant 0 : i32
        %dma_start3A_260 = tpu.memref_slice %arg3[%add3A, %dma_start3A_258, %dma_start3A_259] : memref<32x57x80xi32, #tpu.memory_space<hbm>> -> memref<1x57x80xi32, #tpu.memory_space<hbm>>
        %dma_start3A_261 = tpu.memref_squeeze %dma_start3A_260 : memref<1x57x80xi32, #tpu.memory_space<hbm>> -> memref<57x80xi32, #tpu.memory_space<hbm>>
        %dma_start3A_262 = arith.constant 0 : i32
        %dma_start3A_263 = tpu.memref_slice %dma_start3A_261[%add3A_251, %dma_start3A_262] : memref<57x80xi32, #tpu.memory_space<hbm>> -> memref<1x80xi32, #tpu.memory_space<hbm>>
        tpu.enqueue_dma source(%dma_start3A_263 : memref<1x80xi32, #tpu.memory_space<hbm>>) target(%arg6 : memref<1x80xi32, #tpu.memory_space<vmem>>) target_semaphore(%arg16 : memref<!tpu.dma_semaphore, #tpu.memory_space<semaphore_mem>>)
      } else {
      }
      %mul3A_201 = arith.constant 3 : i32
      %mul3A_202 = arith.muli %mul3A_201, %scan3A_84 : i32
      %add3A_203 = arith.constant 1 : i32
      %add3A_204 = arith.addi %mul3A_202, %add3A_203 : i32
      %dma_wait3A_205 = arith.constant 0 : i32
      %dma_wait3A_206 = arith.constant 0 : i32
      %dma_wait3A_207 = tpu.memref_slice %arg7[%dma_wait3A_205, %dma_wait3A_206] : memref<1x80xi32, #tpu.memory_space<vmem>> -> memref<1x80xi32, #tpu.memory_space<vmem>>
      %dma_wait3A_208 = tpu.memref_squeeze %dma_wait3A_207 : memref<1x80xi32, #tpu.memory_space<vmem>> -> memref<80xi32, #tpu.memory_space<vmem>>
      %dma_wait3A_209 = arith.constant 0 : i32
      %dma_wait3A_210 = arith.constant 0 : i32
      %dma_wait3A_211 = tpu.memref_slice %arg12[%dma_wait3A_209, %dma_wait3A_210] : memref<10240x128xf32, #tpu.memory_space<vmem_shared>> -> memref<10240x128xf32, #tpu.memory_space<vmem_shared>>
      tpu.wait_indirect_dma semaphore(%arg20 : memref<!tpu.dma_semaphore, #tpu.memory_space<semaphore_mem>>) src(%arg10 : memref<80x128xf32, #tpu.memory_space<vmem>>) dst(%dma_wait3A_211 : memref<10240x128xf32, #tpu.memory_space<vmem_shared>>)
      %add3A_212 = arith.constant 3 : i32
      %add3A_213 = arith.addi %add3A_204, %add3A_212 : i32
      %lt3A_214 = arith.constant 57 : i32
      %lt3A_215 = arith.cmpi slt, %add3A_213, %lt3A_214 : i32
      %convert_element_type3A_216 = arith.extui %lt3A_215 : i1 to i32
      %cond3A_217 = arith.constant 0 : i32
      %cond3A_218 = arith.cmpi ne, %convert_element_type3A_216, %cond3A_217 : i32
      scf.if %cond3A_218 {
        %add3A_237 = arith.constant 3 : i32
        %add3A_238 = arith.addi %add3A_204, %add3A_237 : i32
        %mul3A_239 = arith.constant 4560 : i32
        %mul3A_240 = arith.muli %add3A, %mul3A_239 : i32
        %add3A_241 = arith.constant 0 : i32
        %add3A_242 = arith.addi %add3A_241, %mul3A_240 : i32
        %mul3A_243 = arith.constant 80 : i32
        %mul3A_244 = arith.muli %add3A_238, %mul3A_243 : i32
        %add3A_245 = arith.addi %add3A_242, %mul3A_244 : i32
        %dma_start3A_246 = arith.constant 0 : i32
        %dma_start3A_247 = tpu.memref_slice %arg2[%add3A_245, %dma_start3A_246] : memref<145920x128xf32, #tpu.memory_space<hbm>> -> memref<80x128xf32, #tpu.memory_space<hbm>>
        %dma_start3A_248 = arith.constant 0 : i32
        %dma_start3A_249 = tpu.memref_slice %arg2[%add3A_245, %dma_start3A_248] : memref<145920x128xf32, #tpu.memory_space<hbm>> -> memref<80x128xf32, #tpu.memory_space<hbm>>
        tpu.enqueue_dma source(%dma_start3A_249 : memref<80x128xf32, #tpu.memory_space<hbm>>) target(%arg10 : memref<80x128xf32, #tpu.memory_space<vmem>>) target_semaphore(%arg14 : memref<!tpu.dma_semaphore, #tpu.memory_space<semaphore_mem>>)
        %add3A_250 = arith.constant 3 : i32
        %add3A_251 = arith.addi %add3A_204, %add3A_250 : i32
        %dma_start3A_252 = arith.constant 0 : i32
        %dma_start3A_253 = arith.constant 0 : i32
        %dma_start3A_254 = tpu.memref_slice %arg3[%add3A, %dma_start3A_252, %dma_start3A_253] : memref<32x57x80xi32, #tpu.memory_space<hbm>> -> memref<1x57x80xi32, #tpu.memory_space<hbm>>
        %dma_start3A_255 = tpu.memref_squeeze %dma_start3A_254 : memref<1x57x80xi32, #tpu.memory_space<hbm>> -> memref<57x80xi32, #tpu.memory_space<hbm>>
        %dma_start3A_256 = arith.constant 0 : i32
        %dma_start3A_257 = tpu.memref_slice %dma_start3A_255[%add3A_251, %dma_start3A_256] : memref<57x80xi32, #tpu.memory_space<hbm>> -> memref<1x80xi32, #tpu.memory_space<hbm>>
        %dma_start3A_258 = arith.constant 0 : i32
        %dma_start3A_259 = arith.constant 0 : i32
        %dma_start3A_260 = tpu.memref_slice %arg3[%add3A, %dma_start3A_258, %dma_start3A_259] : memref<32x57x80xi32, #tpu.memory_space<hbm>> -> memref<1x57x80xi32, #tpu.memory_space<hbm>>
        %dma_start3A_261 = tpu.memref_squeeze %dma_start3A_260 : memref<1x57x80xi32, #tpu.memory_space<hbm>> -> memref<57x80xi32, #tpu.memory_space<hbm>>
        %dma_start3A_262 = arith.constant 0 : i32
        %dma_start3A_263 = tpu.memref_slice %dma_start3A_261[%add3A_251, %dma_start3A_262] : memref<57x80xi32, #tpu.memory_space<hbm>> -> memref<1x80xi32, #tpu.memory_space<hbm>>
        tpu.enqueue_dma source(%dma_start3A_263 : memref<1x80xi32, #tpu.memory_space<hbm>>) target(%arg7 : memref<1x80xi32, #tpu.memory_space<vmem>>) target_semaphore(%arg17 : memref<!tpu.dma_semaphore, #tpu.memory_space<semaphore_mem>>)
      } else {
      }
      %mul3A_219 = arith.constant 3 : i32
      %mul3A_220 = arith.muli %mul3A_219, %scan3A_84 : i32
      %add3A_221 = arith.constant 2 : i32
      %add3A_222 = arith.addi %mul3A_220, %add3A_221 : i32
      %dma_wait3A_223 = arith.constant 0 : i32
      %dma_wait3A_224 = arith.constant 0 : i32
      %dma_wait3A_225 = tpu.memref_slice %arg8[%dma_wait3A_223, %dma_wait3A_224] : memref<1x80xi32, #tpu.memory_space<vmem>> -> memref<1x80xi32, #tpu.memory_space<vmem>>
      %dma_wait3A_226 = tpu.memref_squeeze %dma_wait3A_225 : memref<1x80xi32, #tpu.memory_space<vmem>> -> memref<80xi32, #tpu.memory_space<vmem>>
      %dma_wait3A_227 = arith.constant 0 : i32
      %dma_wait3A_228 = arith.constant 0 : i32
      %dma_wait3A_229 = tpu.memref_slice %arg12[%dma_wait3A_227, %dma_wait3A_228] : memref<10240x128xf32, #tpu.memory_space<vmem_shared>> -> memref<10240x128xf32, #tpu.memory_space<vmem_shared>>
      tpu.wait_indirect_dma semaphore(%arg21 : memref<!tpu.dma_semaphore, #tpu.memory_space<semaphore_mem>>) src(%arg11 : memref<80x128xf32, #tpu.memory_space<vmem>>) dst(%dma_wait3A_229 : memref<10240x128xf32, #tpu.memory_space<vmem_shared>>)
      %add3A_230 = arith.constant 3 : i32
      %add3A_231 = arith.addi %add3A_222, %add3A_230 : i32
      %lt3A_232 = arith.constant 57 : i32
      %lt3A_233 = arith.cmpi slt, %add3A_231, %lt3A_232 : i32
      %convert_element_type3A_234 = arith.extui %lt3A_233 : i1 to i32
      %cond3A_235 = arith.constant 0 : i32
      %cond3A_236 = arith.cmpi ne, %convert_element_type3A_234, %cond3A_235 : i32
      scf.if %cond3A_236 {
        %add3A_237 = arith.constant 3 : i32
        %add3A_238 = arith.addi %add3A_222, %add3A_237 : i32
        %mul3A_239 = arith.constant 4560 : i32
        %mul3A_240 = arith.muli %add3A, %mul3A_239 : i32
        %add3A_241 = arith.constant 0 : i32
        %add3A_242 = arith.addi %add3A_241, %mul3A_240 : i32
        %mul3A_243 = arith.constant 80 : i32
        %mul3A_244 = arith.muli %add3A_238, %mul3A_243 : i32
        %add3A_245 = arith.addi %add3A_242, %mul3A_244 : i32
        %dma_start3A_246 = arith.constant 0 : i32
        %dma_start3A_247 = tpu.memref_slice %arg2[%add3A_245, %dma_start3A_246] : memref<145920x128xf32, #tpu.memory_space<hbm>> -> memref<80x128xf32, #tpu.memory_space<hbm>>
        %dma_start3A_248 = arith.constant 0 : i32
        %dma_start3A_249 = tpu.memref_slice %arg2[%add3A_245, %dma_start3A_248] : memref<145920x128xf32, #tpu.memory_space<hbm>> -> memref<80x128xf32, #tpu.memory_space<hbm>>
        tpu.enqueue_dma source(%dma_start3A_249 : memref<80x128xf32, #tpu.memory_space<hbm>>) target(%arg11 : memref<80x128xf32, #tpu.memory_space<vmem>>) target_semaphore(%arg15 : memref<!tpu.dma_semaphore, #tpu.memory_space<semaphore_mem>>)
        %add3A_250 = arith.constant 3 : i32
        %add3A_251 = arith.addi %add3A_222, %add3A_250 : i32
        %dma_start3A_252 = arith.constant 0 : i32
        %dma_start3A_253 = arith.constant 0 : i32
        %dma_start3A_254 = tpu.memref_slice %arg3[%add3A, %dma_start3A_252, %dma_start3A_253] : memref<32x57x80xi32, #tpu.memory_space<hbm>> -> memref<1x57x80xi32, #tpu.memory_space<hbm>>
        %dma_start3A_255 = tpu.memref_squeeze %dma_start3A_254 : memref<1x57x80xi32, #tpu.memory_space<hbm>> -> memref<57x80xi32, #tpu.memory_space<hbm>>
        %dma_start3A_256 = arith.constant 0 : i32
        %dma_start3A_257 = tpu.memref_slice %dma_start3A_255[%add3A_251, %dma_start3A_256] : memref<57x80xi32, #tpu.memory_space<hbm>> -> memref<1x80xi32, #tpu.memory_space<hbm>>
        %dma_start3A_258 = arith.constant 0 : i32
        %dma_start3A_259 = arith.constant 0 : i32
        %dma_start3A_260 = tpu.memref_slice %arg3[%add3A, %dma_start3A_258, %dma_start3A_259] : memref<32x57x80xi32, #tpu.memory_space<hbm>> -> memref<1x57x80xi32, #tpu.memory_space<hbm>>
        %dma_start3A_261 = tpu.memref_squeeze %dma_start3A_260 : memref<1x57x80xi32, #tpu.memory_space<hbm>> -> memref<57x80xi32, #tpu.memory_space<hbm>>
        %dma_start3A_262 = arith.constant 0 : i32
        %dma_start3A_263 = tpu.memref_slice %dma_start3A_261[%add3A_251, %dma_start3A_262] : memref<57x80xi32, #tpu.memory_space<hbm>> -> memref<1x80xi32, #tpu.memory_space<hbm>>
        tpu.enqueue_dma source(%dma_start3A_263 : memref<1x80xi32, #tpu.memory_space<hbm>>) target(%arg8 : memref<1x80xi32, #tpu.memory_space<vmem>>) target_semaphore(%arg18 : memref<!tpu.dma_semaphore, #tpu.memory_space<semaphore_mem>>)
      } else {
      }
    }
    %scan3A_78 = arith.constant 19 : i32
    %barrier3A_79 = arith.constant 0 : index
    tpu.barrier barrier_id(%barrier3A_79)
    %mul3A_80 = arith.constant 640 : i32
    %mul3A_81 = arith.muli %arg1, %mul3A_80 : i32
    %mul3A_82 = arith.constant 640 : i32
    %mul3A_83 = arith.muli %arg1, %mul3A_82 : i32
    "tpu.region"() ({
      %run_scoped3A = tpu.sem_alloc : memref<!tpu.dma_semaphore, #tpu.memory_space<semaphore_mem>>
      %dma_start3A_84 = arith.constant 0 : i32
      %dma_start3A_85 = tpu.memref_slice %arg5[%arg0, %mul3A_83, %dma_start3A_84] : memref<2x10240x128xf32, #tpu.memory_space<hbm>> -> memref<1x640x128xf32, #tpu.memory_space<hbm>>
      %dma_start3A_86 = tpu.memref_squeeze %dma_start3A_85 : memref<1x640x128xf32, #tpu.memory_space<hbm>> -> memref<640x128xf32, #tpu.memory_space<hbm>>
      %dma_start3A_87 = arith.constant 0 : i32
      %dma_start3A_88 = tpu.memref_slice %arg12[%mul3A_81, %dma_start3A_87] : memref<10240x128xf32, #tpu.memory_space<vmem_shared>> -> memref<640x128xf32, #tpu.memory_space<vmem_shared>>
      tpu.enqueue_dma source(%dma_start3A_88 : memref<640x128xf32, #tpu.memory_space<vmem_shared>>) target(%dma_start3A_86 : memref<640x128xf32, #tpu.memory_space<hbm>>) target_semaphore(%run_scoped3A : memref<!tpu.dma_semaphore, #tpu.memory_space<semaphore_mem>>)
      %dma_wait3A = arith.constant 0 : i32
      %dma_wait3A_89 = tpu.memref_slice %arg5[%arg0, %mul3A_83, %dma_wait3A] : memref<2x10240x128xf32, #tpu.memory_space<hbm>> -> memref<1x640x128xf32, #tpu.memory_space<hbm>>
      %dma_wait3A_90 = tpu.memref_squeeze %dma_wait3A_89 : memref<1x640x128xf32, #tpu.memory_space<hbm>> -> memref<640x128xf32, #tpu.memory_space<hbm>>
      %dma_wait3A_91 = arith.constant 0 : i32
      %dma_wait3A_92 = tpu.memref_slice %arg12[%mul3A_81, %dma_wait3A_91] : memref<10240x128xf32, #tpu.memory_space<vmem_shared>> -> memref<640x128xf32, #tpu.memory_space<vmem_shared>>
      tpu.wait_dma2 semaphore(%run_scoped3A : memref<!tpu.dma_semaphore, #tpu.memory_space<semaphore_mem>>) src(%dma_wait3A_92 : memref<640x128xf32, #tpu.memory_space<vmem_shared>>) dst(%dma_wait3A_90 : memref<640x128xf32, #tpu.memory_space<hbm>>)
      tpu.yield
    }) : () -> ()
    return
  }
}

#map = affine_map<(d0, d1) -> (0, 0)>
#map1 = affine_map<(d0, d1) -> (0, 0, 0)>
module attributes {stable_mosaic.version = 14 : i64} {
  func.func @sc_scatter(%arg0: i32, %arg1: i32, %arg2: memref<174080x128xf32, #tpu.memory_space<hbm>>, %arg3: memref<32x68x80xi32, #tpu.memory_space<hbm>>, %arg4: memref<640x128xf32, #tpu.memory_space<hbm>>, %arg5: memref<2x10240x128xf32, #tpu.memory_space<hbm>>, %arg6: memref<1x80xi32, #tpu.memory_space<vmem>>, %arg7: memref<1x80xi32, #tpu.memory_space<vmem>>, %arg8: memref<1x80xi32, #tpu.memory_space<vmem>>, %arg9: memref<80x128xf32, #tpu.memory_space<vmem>>, %arg10: memref<80x128xf32, #tpu.memory_space<vmem>>, %arg11: memref<80x128xf32, #tpu.memory_space<vmem>>, %arg12: memref<10240x128xf32, #tpu.memory_space<vmem_shared>>, %arg13: memref<!tpu.dma_semaphore, #tpu.memory_space<semaphore_mem>>, %arg14: memref<!tpu.dma_semaphore, #tpu.memory_space<semaphore_mem>>, %arg15: memref<!tpu.dma_semaphore, #tpu.memory_space<semaphore_mem>>, %arg16: memref<!tpu.dma_semaphore, #tpu.memory_space<semaphore_mem>>, %arg17: memref<!tpu.dma_semaphore, #tpu.memory_space<semaphore_mem>>, %arg18: memref<!tpu.dma_semaphore, #tpu.memory_space<semaphore_mem>>, %arg19: memref<!tpu.dma_semaphore, #tpu.memory_space<semaphore_mem>>, %arg20: memref<!tpu.dma_semaphore, #tpu.memory_space<semaphore_mem>>, %arg21: memref<!tpu.dma_semaphore, #tpu.memory_space<semaphore_mem>>) attributes {dimension_semantics = [#tpu.dimension_semantics<core_parallel>, #tpu.dimension_semantics<subcore_parallel>], iteration_bounds = array<i64: 2, 16>, scalar_prefetch = 0 : i64, scratch_operands = 16 : i64, tpu.core_type = #tpu.core_type<sc_vector_subcore>, window_params = [{transform_indices = #map}, {transform_indices = #map1}, {transform_indices = #map}, {transform_indices = #map1}]} {
    %mul3A = arith.constant 2 : i32
    %mul3A_0 = arith.muli %arg1, %mul3A : i32
    %add3A = arith.addi %mul3A_0, %arg0 : i32
    %mul3A_1 = arith.constant 640 : i32
    %mul3A_2 = arith.muli %arg1, %mul3A_1 : i32
    "tpu.region"() ({
      %run_scoped3A_180 = tpu.sem_alloc : memref<!tpu.dma_semaphore, #tpu.memory_space<semaphore_mem>>
      %dma_start3A_181 = arith.constant 0 : i32
      %dma_start3A_182 = tpu.memref_slice %arg12[%mul3A_2, %dma_start3A_181] : memref<10240x128xf32, #tpu.memory_space<vmem_shared>> -> memref<640x128xf32, #tpu.memory_space<vmem_shared>>
      tpu.enqueue_dma source(%arg4 : memref<640x128xf32, #tpu.memory_space<hbm>>) target(%dma_start3A_182 : memref<640x128xf32, #tpu.memory_space<vmem_shared>>) target_semaphore(%run_scoped3A_180 : memref<!tpu.dma_semaphore, #tpu.memory_space<semaphore_mem>>)
      %dma_wait3A_183 = arith.constant 0 : i32
      %dma_wait3A_184 = tpu.memref_slice %arg12[%mul3A_2, %dma_wait3A_183] : memref<10240x128xf32, #tpu.memory_space<vmem_shared>> -> memref<640x128xf32, #tpu.memory_space<vmem_shared>>
      tpu.wait_dma2 semaphore(%run_scoped3A_180 : memref<!tpu.dma_semaphore, #tpu.memory_space<semaphore_mem>>) src(%arg4 : memref<640x128xf32, #tpu.memory_space<hbm>>) dst(%dma_wait3A_184 : memref<640x128xf32, #tpu.memory_space<vmem_shared>>)
      tpu.yield
    }) : () -> ()
    %barrier3A = arith.constant 0 : index
    tpu.barrier barrier_id(%barrier3A)
    %mul3A_3 = arith.constant 5440 : i32
    %mul3A_4 = arith.muli %add3A, %mul3A_3 : i32
    %add3A_5 = arith.constant 0 : i32
    %add3A_6 = arith.addi %add3A_5, %mul3A_4 : i32
    %add3A_7 = arith.constant 0 : i32
    %add3A_8 = arith.addi %add3A_6, %add3A_7 : i32
    %dma_start3A = arith.constant 0 : i32
    %dma_start3A_9 = tpu.memref_slice %arg2[%add3A_8, %dma_start3A] : memref<174080x128xf32, #tpu.memory_space<hbm>> -> memref<80x128xf32, #tpu.memory_space<hbm>>
    %dma_start3A_10 = arith.constant 0 : i32
    %dma_start3A_11 = tpu.memref_slice %arg2[%add3A_8, %dma_start3A_10] : memref<174080x128xf32, #tpu.memory_space<hbm>> -> memref<80x128xf32, #tpu.memory_space<hbm>>
    tpu.enqueue_dma source(%dma_start3A_11 : memref<80x128xf32, #tpu.memory_space<hbm>>) target(%arg9 : memref<80x128xf32, #tpu.memory_space<vmem>>) target_semaphore(%arg13 : memref<!tpu.dma_semaphore, #tpu.memory_space<semaphore_mem>>)
    %dma_start3A_12 = arith.constant 0 : i32
    %dma_start3A_13 = arith.constant 0 : i32
    %dma_start3A_14 = tpu.memref_slice %arg3[%add3A, %dma_start3A_12, %dma_start3A_13] : memref<32x68x80xi32, #tpu.memory_space<hbm>> -> memref<1x68x80xi32, #tpu.memory_space<hbm>>
    %dma_start3A_15 = tpu.memref_squeeze %dma_start3A_14 : memref<1x68x80xi32, #tpu.memory_space<hbm>> -> memref<68x80xi32, #tpu.memory_space<hbm>>
    %dma_start3A_16 = arith.constant 0 : i32
    %dma_start3A_17 = arith.constant 0 : i32
    %dma_start3A_18 = tpu.memref_slice %dma_start3A_15[%dma_start3A_16, %dma_start3A_17] : memref<68x80xi32, #tpu.memory_space<hbm>> -> memref<1x80xi32, #tpu.memory_space<hbm>>
    %dma_start3A_19 = arith.constant 0 : i32
    %dma_start3A_20 = arith.constant 0 : i32
    %dma_start3A_21 = tpu.memref_slice %arg3[%add3A, %dma_start3A_19, %dma_start3A_20] : memref<32x68x80xi32, #tpu.memory_space<hbm>> -> memref<1x68x80xi32, #tpu.memory_space<hbm>>
    %dma_start3A_22 = tpu.memref_squeeze %dma_start3A_21 : memref<1x68x80xi32, #tpu.memory_space<hbm>> -> memref<68x80xi32, #tpu.memory_space<hbm>>
    %dma_start3A_23 = arith.constant 0 : i32
    %dma_start3A_24 = arith.constant 0 : i32
    %dma_start3A_25 = tpu.memref_slice %dma_start3A_22[%dma_start3A_23, %dma_start3A_24] : memref<68x80xi32, #tpu.memory_space<hbm>> -> memref<1x80xi32, #tpu.memory_space<hbm>>
    tpu.enqueue_dma source(%dma_start3A_25 : memref<1x80xi32, #tpu.memory_space<hbm>>) target(%arg6 : memref<1x80xi32, #tpu.memory_space<vmem>>) target_semaphore(%arg16 : memref<!tpu.dma_semaphore, #tpu.memory_space<semaphore_mem>>)
    %mul3A_26 = arith.constant 5440 : i32
    %mul3A_27 = arith.muli %add3A, %mul3A_26 : i32
    %add3A_28 = arith.constant 0 : i32
    %add3A_29 = arith.addi %add3A_28, %mul3A_27 : i32
    %add3A_30 = arith.constant 80 : i32
    %add3A_31 = arith.addi %add3A_29, %add3A_30 : i32
    %dma_start3A_32 = arith.constant 0 : i32
    %dma_start3A_33 = tpu.memref_slice %arg2[%add3A_31, %dma_start3A_32] : memref<174080x128xf32, #tpu.memory_space<hbm>> -> memref<80x128xf32, #tpu.memory_space<hbm>>
    %dma_start3A_34 = arith.constant 0 : i32
    %dma_start3A_35 = tpu.memref_slice %arg2[%add3A_31, %dma_start3A_34] : memref<174080x128xf32, #tpu.memory_space<hbm>> -> memref<80x128xf32, #tpu.memory_space<hbm>>
    tpu.enqueue_dma source(%dma_start3A_35 : memref<80x128xf32, #tpu.memory_space<hbm>>) target(%arg10 : memref<80x128xf32, #tpu.memory_space<vmem>>) target_semaphore(%arg14 : memref<!tpu.dma_semaphore, #tpu.memory_space<semaphore_mem>>)
    %dma_start3A_36 = arith.constant 0 : i32
    %dma_start3A_37 = arith.constant 0 : i32
    %dma_start3A_38 = tpu.memref_slice %arg3[%add3A, %dma_start3A_36, %dma_start3A_37] : memref<32x68x80xi32, #tpu.memory_space<hbm>> -> memref<1x68x80xi32, #tpu.memory_space<hbm>>
    %dma_start3A_39 = tpu.memref_squeeze %dma_start3A_38 : memref<1x68x80xi32, #tpu.memory_space<hbm>> -> memref<68x80xi32, #tpu.memory_space<hbm>>
    %dma_start3A_40 = arith.constant 1 : i32
    %dma_start3A_41 = arith.constant 0 : i32
    %dma_start3A_42 = tpu.memref_slice %dma_start3A_39[%dma_start3A_40, %dma_start3A_41] : memref<68x80xi32, #tpu.memory_space<hbm>> -> memref<1x80xi32, #tpu.memory_space<hbm>>
    %dma_start3A_43 = arith.constant 0 : i32
    %dma_start3A_44 = arith.constant 0 : i32
    %dma_start3A_45 = tpu.memref_slice %arg3[%add3A, %dma_start3A_43, %dma_start3A_44] : memref<32x68x80xi32, #tpu.memory_space<hbm>> -> memref<1x68x80xi32, #tpu.memory_space<hbm>>
    %dma_start3A_46 = tpu.memref_squeeze %dma_start3A_45 : memref<1x68x80xi32, #tpu.memory_space<hbm>> -> memref<68x80xi32, #tpu.memory_space<hbm>>
    %dma_start3A_47 = arith.constant 1 : i32
    %dma_start3A_48 = arith.constant 0 : i32
    %dma_start3A_49 = tpu.memref_slice %dma_start3A_46[%dma_start3A_47, %dma_start3A_48] : memref<68x80xi32, #tpu.memory_space<hbm>> -> memref<1x80xi32, #tpu.memory_space<hbm>>
    tpu.enqueue_dma source(%dma_start3A_49 : memref<1x80xi32, #tpu.memory_space<hbm>>) target(%arg7 : memref<1x80xi32, #tpu.memory_space<vmem>>) target_semaphore(%arg17 : memref<!tpu.dma_semaphore, #tpu.memory_space<semaphore_mem>>)
    %mul3A_50 = arith.constant 5440 : i32
    %mul3A_51 = arith.muli %add3A, %mul3A_50 : i32
    %add3A_52 = arith.constant 0 : i32
    %add3A_53 = arith.addi %add3A_52, %mul3A_51 : i32
    %add3A_54 = arith.constant 160 : i32
    %add3A_55 = arith.addi %add3A_53, %add3A_54 : i32
    %dma_start3A_56 = arith.constant 0 : i32
    %dma_start3A_57 = tpu.memref_slice %arg2[%add3A_55, %dma_start3A_56] : memref<174080x128xf32, #tpu.memory_space<hbm>> -> memref<80x128xf32, #tpu.memory_space<hbm>>
    %dma_start3A_58 = arith.constant 0 : i32
    %dma_start3A_59 = tpu.memref_slice %arg2[%add3A_55, %dma_start3A_58] : memref<174080x128xf32, #tpu.memory_space<hbm>> -> memref<80x128xf32, #tpu.memory_space<hbm>>
    tpu.enqueue_dma source(%dma_start3A_59 : memref<80x128xf32, #tpu.memory_space<hbm>>) target(%arg11 : memref<80x128xf32, #tpu.memory_space<vmem>>) target_semaphore(%arg15 : memref<!tpu.dma_semaphore, #tpu.memory_space<semaphore_mem>>)
    %dma_start3A_60 = arith.constant 0 : i32
    %dma_start3A_61 = arith.constant 0 : i32
    %dma_start3A_62 = tpu.memref_slice %arg3[%add3A, %dma_start3A_60, %dma_start3A_61] : memref<32x68x80xi32, #tpu.memory_space<hbm>> -> memref<1x68x80xi32, #tpu.memory_space<hbm>>
    %dma_start3A_63 = tpu.memref_squeeze %dma_start3A_62 : memref<1x68x80xi32, #tpu.memory_space<hbm>> -> memref<68x80xi32, #tpu.memory_space<hbm>>
    %dma_start3A_64 = arith.constant 2 : i32
    %dma_start3A_65 = arith.constant 0 : i32
    %dma_start3A_66 = tpu.memref_slice %dma_start3A_63[%dma_start3A_64, %dma_start3A_65] : memref<68x80xi32, #tpu.memory_space<hbm>> -> memref<1x80xi32, #tpu.memory_space<hbm>>
    %dma_start3A_67 = arith.constant 0 : i32
    %dma_start3A_68 = arith.constant 0 : i32
    %dma_start3A_69 = tpu.memref_slice %arg3[%add3A, %dma_start3A_67, %dma_start3A_68] : memref<32x68x80xi32, #tpu.memory_space<hbm>> -> memref<1x68x80xi32, #tpu.memory_space<hbm>>
    %dma_start3A_70 = tpu.memref_squeeze %dma_start3A_69 : memref<1x68x80xi32, #tpu.memory_space<hbm>> -> memref<68x80xi32, #tpu.memory_space<hbm>>
    %dma_start3A_71 = arith.constant 2 : i32
    %dma_start3A_72 = arith.constant 0 : i32
    %dma_start3A_73 = tpu.memref_slice %dma_start3A_70[%dma_start3A_71, %dma_start3A_72] : memref<68x80xi32, #tpu.memory_space<hbm>> -> memref<1x80xi32, #tpu.memory_space<hbm>>
    tpu.enqueue_dma source(%dma_start3A_73 : memref<1x80xi32, #tpu.memory_space<hbm>>) target(%arg8 : memref<1x80xi32, #tpu.memory_space<vmem>>) target_semaphore(%arg18 : memref<!tpu.dma_semaphore, #tpu.memory_space<semaphore_mem>>)
    %scan3A = arith.constant 0 : i32
    %scan3A_74 = arith.constant 0 : i32
    %scan3A_75 = arith.constant 22 : i32
    %scan3A_76 = arith.addi %scan3A_74, %scan3A_75 : i32
    %scan3A_77 = arith.constant 1 : i32
    scf.for %scan3A_180 = %scan3A_74 to %scan3A_76 step %scan3A_77  : i32 {
      %mul3A_181 = arith.constant 3 : i32
      %mul3A_182 = arith.muli %mul3A_181, %scan3A_180 : i32
      %add3A_183 = arith.constant 0 : i32
      %add3A_184 = arith.addi %mul3A_182, %add3A_183 : i32
      %mul3A_185 = arith.constant 5440 : i32
      %mul3A_186 = arith.muli %add3A, %mul3A_185 : i32
      %add3A_187 = arith.constant 0 : i32
      %add3A_188 = arith.addi %add3A_187, %mul3A_186 : i32
      %mul3A_189 = arith.constant 80 : i32
      %mul3A_190 = arith.muli %add3A_184, %mul3A_189 : i32
      %add3A_191 = arith.addi %add3A_188, %mul3A_190 : i32
      %dma_wait3A_192 = arith.constant 0 : i32
      %dma_wait3A_193 = tpu.memref_slice %arg2[%add3A_191, %dma_wait3A_192] : memref<174080x128xf32, #tpu.memory_space<hbm>> -> memref<80x128xf32, #tpu.memory_space<hbm>>
      %dma_wait3A_194 = arith.constant 0 : i32
      %dma_wait3A_195 = tpu.memref_slice %arg2[%add3A_191, %dma_wait3A_194] : memref<174080x128xf32, #tpu.memory_space<hbm>> -> memref<80x128xf32, #tpu.memory_space<hbm>>
      tpu.wait_dma2 semaphore(%arg13 : memref<!tpu.dma_semaphore, #tpu.memory_space<semaphore_mem>>) src(%dma_wait3A_195 : memref<80x128xf32, #tpu.memory_space<hbm>>) dst(%arg9 : memref<80x128xf32, #tpu.memory_space<vmem>>)
      %dma_wait3A_196 = arith.constant 0 : i32
      %dma_wait3A_197 = arith.constant 0 : i32
      %dma_wait3A_198 = tpu.memref_slice %arg3[%add3A, %dma_wait3A_196, %dma_wait3A_197] : memref<32x68x80xi32, #tpu.memory_space<hbm>> -> memref<1x68x80xi32, #tpu.memory_space<hbm>>
      %dma_wait3A_199 = tpu.memref_squeeze %dma_wait3A_198 : memref<1x68x80xi32, #tpu.memory_space<hbm>> -> memref<68x80xi32, #tpu.memory_space<hbm>>
      %dma_wait3A_200 = arith.constant 0 : i32
      %dma_wait3A_201 = tpu.memref_slice %dma_wait3A_199[%add3A_184, %dma_wait3A_200] : memref<68x80xi32, #tpu.memory_space<hbm>> -> memref<1x80xi32, #tpu.memory_space<hbm>>
      %dma_wait3A_202 = arith.constant 0 : i32
      %dma_wait3A_203 = arith.constant 0 : i32
      %dma_wait3A_204 = tpu.memref_slice %arg3[%add3A, %dma_wait3A_202, %dma_wait3A_203] : memref<32x68x80xi32, #tpu.memory_space<hbm>> -> memref<1x68x80xi32, #tpu.memory_space<hbm>>
      %dma_wait3A_205 = tpu.memref_squeeze %dma_wait3A_204 : memref<1x68x80xi32, #tpu.memory_space<hbm>> -> memref<68x80xi32, #tpu.memory_space<hbm>>
      %dma_wait3A_206 = arith.constant 0 : i32
      %dma_wait3A_207 = tpu.memref_slice %dma_wait3A_205[%add3A_184, %dma_wait3A_206] : memref<68x80xi32, #tpu.memory_space<hbm>> -> memref<1x80xi32, #tpu.memory_space<hbm>>
      tpu.wait_dma2 semaphore(%arg16 : memref<!tpu.dma_semaphore, #tpu.memory_space<semaphore_mem>>) src(%dma_wait3A_207 : memref<1x80xi32, #tpu.memory_space<hbm>>) dst(%arg6 : memref<1x80xi32, #tpu.memory_space<vmem>>)
      %dma_start3A_208 = arith.constant 0 : i32
      %dma_start3A_209 = arith.constant 0 : i32
      %dma_start3A_210 = tpu.memref_slice %arg6[%dma_start3A_208, %dma_start3A_209] : memref<1x80xi32, #tpu.memory_space<vmem>> -> memref<1x80xi32, #tpu.memory_space<vmem>>
      %dma_start3A_211 = tpu.memref_squeeze %dma_start3A_210 : memref<1x80xi32, #tpu.memory_space<vmem>> -> memref<80xi32, #tpu.memory_space<vmem>>
      %dma_start3A_212 = arith.constant 0 : i32
      %dma_start3A_213 = arith.constant 0 : i32
      %dma_start3A_214 = tpu.memref_slice %arg12[%dma_start3A_212, %dma_start3A_213] : memref<10240x128xf32, #tpu.memory_space<vmem_shared>> -> memref<10240x128xf32, #tpu.memory_space<vmem_shared>>
      tpu.enqueue_indirect_dma source(%arg9 : memref<80x128xf32, #tpu.memory_space<vmem>>) target(%dma_start3A_214 : memref<10240x128xf32, #tpu.memory_space<vmem_shared>>) offsets(%dma_start3A_211 : memref<80xi32, #tpu.memory_space<vmem>>) semaphore(%arg19 : memref<!tpu.dma_semaphore, #tpu.memory_space<semaphore_mem>>) {add = true}
      %mul3A_215 = arith.constant 3 : i32
      %mul3A_216 = arith.muli %mul3A_215, %scan3A_180 : i32
      %add3A_217 = arith.constant 1 : i32
      %add3A_218 = arith.addi %mul3A_216, %add3A_217 : i32
      %mul3A_219 = arith.constant 5440 : i32
      %mul3A_220 = arith.muli %add3A, %mul3A_219 : i32
      %add3A_221 = arith.constant 0 : i32
      %add3A_222 = arith.addi %add3A_221, %mul3A_220 : i32
      %mul3A_223 = arith.constant 80 : i32
      %mul3A_224 = arith.muli %add3A_218, %mul3A_223 : i32
      %add3A_225 = arith.addi %add3A_222, %mul3A_224 : i32
      %dma_wait3A_226 = arith.constant 0 : i32
      %dma_wait3A_227 = tpu.memref_slice %arg2[%add3A_225, %dma_wait3A_226] : memref<174080x128xf32, #tpu.memory_space<hbm>> -> memref<80x128xf32, #tpu.memory_space<hbm>>
      %dma_wait3A_228 = arith.constant 0 : i32
      %dma_wait3A_229 = tpu.memref_slice %arg2[%add3A_225, %dma_wait3A_228] : memref<174080x128xf32, #tpu.memory_space<hbm>> -> memref<80x128xf32, #tpu.memory_space<hbm>>
      tpu.wait_dma2 semaphore(%arg14 : memref<!tpu.dma_semaphore, #tpu.memory_space<semaphore_mem>>) src(%dma_wait3A_229 : memref<80x128xf32, #tpu.memory_space<hbm>>) dst(%arg10 : memref<80x128xf32, #tpu.memory_space<vmem>>)
      %dma_wait3A_230 = arith.constant 0 : i32
      %dma_wait3A_231 = arith.constant 0 : i32
      %dma_wait3A_232 = tpu.memref_slice %arg3[%add3A, %dma_wait3A_230, %dma_wait3A_231] : memref<32x68x80xi32, #tpu.memory_space<hbm>> -> memref<1x68x80xi32, #tpu.memory_space<hbm>>
      %dma_wait3A_233 = tpu.memref_squeeze %dma_wait3A_232 : memref<1x68x80xi32, #tpu.memory_space<hbm>> -> memref<68x80xi32, #tpu.memory_space<hbm>>
      %dma_wait3A_234 = arith.constant 0 : i32
      %dma_wait3A_235 = tpu.memref_slice %dma_wait3A_233[%add3A_218, %dma_wait3A_234] : memref<68x80xi32, #tpu.memory_space<hbm>> -> memref<1x80xi32, #tpu.memory_space<hbm>>
      %dma_wait3A_236 = arith.constant 0 : i32
      %dma_wait3A_237 = arith.constant 0 : i32
      %dma_wait3A_238 = tpu.memref_slice %arg3[%add3A, %dma_wait3A_236, %dma_wait3A_237] : memref<32x68x80xi32, #tpu.memory_space<hbm>> -> memref<1x68x80xi32, #tpu.memory_space<hbm>>
      %dma_wait3A_239 = tpu.memref_squeeze %dma_wait3A_238 : memref<1x68x80xi32, #tpu.memory_space<hbm>> -> memref<68x80xi32, #tpu.memory_space<hbm>>
      %dma_wait3A_240 = arith.constant 0 : i32
      %dma_wait3A_241 = tpu.memref_slice %dma_wait3A_239[%add3A_218, %dma_wait3A_240] : memref<68x80xi32, #tpu.memory_space<hbm>> -> memref<1x80xi32, #tpu.memory_space<hbm>>
      tpu.wait_dma2 semaphore(%arg17 : memref<!tpu.dma_semaphore, #tpu.memory_space<semaphore_mem>>) src(%dma_wait3A_241 : memref<1x80xi32, #tpu.memory_space<hbm>>) dst(%arg7 : memref<1x80xi32, #tpu.memory_space<vmem>>)
      %dma_start3A_242 = arith.constant 0 : i32
      %dma_start3A_243 = arith.constant 0 : i32
      %dma_start3A_244 = tpu.memref_slice %arg7[%dma_start3A_242, %dma_start3A_243] : memref<1x80xi32, #tpu.memory_space<vmem>> -> memref<1x80xi32, #tpu.memory_space<vmem>>
      %dma_start3A_245 = tpu.memref_squeeze %dma_start3A_244 : memref<1x80xi32, #tpu.memory_space<vmem>> -> memref<80xi32, #tpu.memory_space<vmem>>
      %dma_start3A_246 = arith.constant 0 : i32
      %dma_start3A_247 = arith.constant 0 : i32
      %dma_start3A_248 = tpu.memref_slice %arg12[%dma_start3A_246, %dma_start3A_247] : memref<10240x128xf32, #tpu.memory_space<vmem_shared>> -> memref<10240x128xf32, #tpu.memory_space<vmem_shared>>
      tpu.enqueue_indirect_dma source(%arg10 : memref<80x128xf32, #tpu.memory_space<vmem>>) target(%dma_start3A_248 : memref<10240x128xf32, #tpu.memory_space<vmem_shared>>) offsets(%dma_start3A_245 : memref<80xi32, #tpu.memory_space<vmem>>) semaphore(%arg20 : memref<!tpu.dma_semaphore, #tpu.memory_space<semaphore_mem>>) {add = true}
      %mul3A_249 = arith.constant 3 : i32
      %mul3A_250 = arith.muli %mul3A_249, %scan3A_180 : i32
      %add3A_251 = arith.constant 2 : i32
      %add3A_252 = arith.addi %mul3A_250, %add3A_251 : i32
      %mul3A_253 = arith.constant 5440 : i32
      %mul3A_254 = arith.muli %add3A, %mul3A_253 : i32
      %add3A_255 = arith.constant 0 : i32
      %add3A_256 = arith.addi %add3A_255, %mul3A_254 : i32
      %mul3A_257 = arith.constant 80 : i32
      %mul3A_258 = arith.muli %add3A_252, %mul3A_257 : i32
      %add3A_259 = arith.addi %add3A_256, %mul3A_258 : i32
      %dma_wait3A_260 = arith.constant 0 : i32
      %dma_wait3A_261 = tpu.memref_slice %arg2[%add3A_259, %dma_wait3A_260] : memref<174080x128xf32, #tpu.memory_space<hbm>> -> memref<80x128xf32, #tpu.memory_space<hbm>>
      %dma_wait3A_262 = arith.constant 0 : i32
      %dma_wait3A_263 = tpu.memref_slice %arg2[%add3A_259, %dma_wait3A_262] : memref<174080x128xf32, #tpu.memory_space<hbm>> -> memref<80x128xf32, #tpu.memory_space<hbm>>
      tpu.wait_dma2 semaphore(%arg15 : memref<!tpu.dma_semaphore, #tpu.memory_space<semaphore_mem>>) src(%dma_wait3A_263 : memref<80x128xf32, #tpu.memory_space<hbm>>) dst(%arg11 : memref<80x128xf32, #tpu.memory_space<vmem>>)
      %dma_wait3A_264 = arith.constant 0 : i32
      %dma_wait3A_265 = arith.constant 0 : i32
      %dma_wait3A_266 = tpu.memref_slice %arg3[%add3A, %dma_wait3A_264, %dma_wait3A_265] : memref<32x68x80xi32, #tpu.memory_space<hbm>> -> memref<1x68x80xi32, #tpu.memory_space<hbm>>
      %dma_wait3A_267 = tpu.memref_squeeze %dma_wait3A_266 : memref<1x68x80xi32, #tpu.memory_space<hbm>> -> memref<68x80xi32, #tpu.memory_space<hbm>>
      %dma_wait3A_268 = arith.constant 0 : i32
      %dma_wait3A_269 = tpu.memref_slice %dma_wait3A_267[%add3A_252, %dma_wait3A_268] : memref<68x80xi32, #tpu.memory_space<hbm>> -> memref<1x80xi32, #tpu.memory_space<hbm>>
      %dma_wait3A_270 = arith.constant 0 : i32
      %dma_wait3A_271 = arith.constant 0 : i32
      %dma_wait3A_272 = tpu.memref_slice %arg3[%add3A, %dma_wait3A_270, %dma_wait3A_271] : memref<32x68x80xi32, #tpu.memory_space<hbm>> -> memref<1x68x80xi32, #tpu.memory_space<hbm>>
      %dma_wait3A_273 = tpu.memref_squeeze %dma_wait3A_272 : memref<1x68x80xi32, #tpu.memory_space<hbm>> -> memref<68x80xi32, #tpu.memory_space<hbm>>
      %dma_wait3A_274 = arith.constant 0 : i32
      %dma_wait3A_275 = tpu.memref_slice %dma_wait3A_273[%add3A_252, %dma_wait3A_274] : memref<68x80xi32, #tpu.memory_space<hbm>> -> memref<1x80xi32, #tpu.memory_space<hbm>>
      tpu.wait_dma2 semaphore(%arg18 : memref<!tpu.dma_semaphore, #tpu.memory_space<semaphore_mem>>) src(%dma_wait3A_275 : memref<1x80xi32, #tpu.memory_space<hbm>>) dst(%arg8 : memref<1x80xi32, #tpu.memory_space<vmem>>)
      %dma_start3A_276 = arith.constant 0 : i32
      %dma_start3A_277 = arith.constant 0 : i32
      %dma_start3A_278 = tpu.memref_slice %arg8[%dma_start3A_276, %dma_start3A_277] : memref<1x80xi32, #tpu.memory_space<vmem>> -> memref<1x80xi32, #tpu.memory_space<vmem>>
      %dma_start3A_279 = tpu.memref_squeeze %dma_start3A_278 : memref<1x80xi32, #tpu.memory_space<vmem>> -> memref<80xi32, #tpu.memory_space<vmem>>
      %dma_start3A_280 = arith.constant 0 : i32
      %dma_start3A_281 = arith.constant 0 : i32
      %dma_start3A_282 = tpu.memref_slice %arg12[%dma_start3A_280, %dma_start3A_281] : memref<10240x128xf32, #tpu.memory_space<vmem_shared>> -> memref<10240x128xf32, #tpu.memory_space<vmem_shared>>
      tpu.enqueue_indirect_dma source(%arg11 : memref<80x128xf32, #tpu.memory_space<vmem>>) target(%dma_start3A_282 : memref<10240x128xf32, #tpu.memory_space<vmem_shared>>) offsets(%dma_start3A_279 : memref<80xi32, #tpu.memory_space<vmem>>) semaphore(%arg21 : memref<!tpu.dma_semaphore, #tpu.memory_space<semaphore_mem>>) {add = true}
      %mul3A_283 = arith.constant 3 : i32
      %mul3A_284 = arith.muli %mul3A_283, %scan3A_180 : i32
      %add3A_285 = arith.constant 0 : i32
      %add3A_286 = arith.addi %mul3A_284, %add3A_285 : i32
      %dma_wait3A_287 = arith.constant 0 : i32
      %dma_wait3A_288 = arith.constant 0 : i32
      %dma_wait3A_289 = tpu.memref_slice %arg6[%dma_wait3A_287, %dma_wait3A_288] : memref<1x80xi32, #tpu.memory_space<vmem>> -> memref<1x80xi32, #tpu.memory_space<vmem>>
      %dma_wait3A_290 = tpu.memref_squeeze %dma_wait3A_289 : memref<1x80xi32, #tpu.memory_space<vmem>> -> memref<80xi32, #tpu.memory_space<vmem>>
      %dma_wait3A_291 = arith.constant 0 : i32
      %dma_wait3A_292 = arith.constant 0 : i32
      %dma_wait3A_293 = tpu.memref_slice %arg12[%dma_wait3A_291, %dma_wait3A_292] : memref<10240x128xf32, #tpu.memory_space<vmem_shared>> -> memref<10240x128xf32, #tpu.memory_space<vmem_shared>>
      tpu.wait_indirect_dma semaphore(%arg19 : memref<!tpu.dma_semaphore, #tpu.memory_space<semaphore_mem>>) src(%arg9 : memref<80x128xf32, #tpu.memory_space<vmem>>) dst(%dma_wait3A_293 : memref<10240x128xf32, #tpu.memory_space<vmem_shared>>)
      %add3A_294 = arith.constant 3 : i32
      %add3A_295 = arith.addi %add3A_286, %add3A_294 : i32
      %lt3A = arith.constant 66 : i32
      %lt3A_296 = arith.cmpi slt, %add3A_295, %lt3A : i32
      %convert_element_type3A = arith.extui %lt3A_296 : i1 to i32
      %cond3A = arith.constant 0 : i32
      %cond3A_297 = arith.cmpi ne, %convert_element_type3A, %cond3A : i32
      scf.if %cond3A_297 {
        %add3A_334 = arith.constant 3 : i32
        %add3A_335 = arith.addi %add3A_286, %add3A_334 : i32
        %mul3A_336 = arith.constant 5440 : i32
        %mul3A_337 = arith.muli %add3A, %mul3A_336 : i32
        %add3A_338 = arith.constant 0 : i32
        %add3A_339 = arith.addi %add3A_338, %mul3A_337 : i32
        %mul3A_340 = arith.constant 80 : i32
        %mul3A_341 = arith.muli %add3A_335, %mul3A_340 : i32
        %add3A_342 = arith.addi %add3A_339, %mul3A_341 : i32
        %dma_start3A_343 = arith.constant 0 : i32
        %dma_start3A_344 = tpu.memref_slice %arg2[%add3A_342, %dma_start3A_343] : memref<174080x128xf32, #tpu.memory_space<hbm>> -> memref<80x128xf32, #tpu.memory_space<hbm>>
        %dma_start3A_345 = arith.constant 0 : i32
        %dma_start3A_346 = tpu.memref_slice %arg2[%add3A_342, %dma_start3A_345] : memref<174080x128xf32, #tpu.memory_space<hbm>> -> memref<80x128xf32, #tpu.memory_space<hbm>>
        tpu.enqueue_dma source(%dma_start3A_346 : memref<80x128xf32, #tpu.memory_space<hbm>>) target(%arg9 : memref<80x128xf32, #tpu.memory_space<vmem>>) target_semaphore(%arg13 : memref<!tpu.dma_semaphore, #tpu.memory_space<semaphore_mem>>)
        %add3A_347 = arith.constant 3 : i32
        %add3A_348 = arith.addi %add3A_286, %add3A_347 : i32
        %dma_start3A_349 = arith.constant 0 : i32
        %dma_start3A_350 = arith.constant 0 : i32
        %dma_start3A_351 = tpu.memref_slice %arg3[%add3A, %dma_start3A_349, %dma_start3A_350] : memref<32x68x80xi32, #tpu.memory_space<hbm>> -> memref<1x68x80xi32, #tpu.memory_space<hbm>>
        %dma_start3A_352 = tpu.memref_squeeze %dma_start3A_351 : memref<1x68x80xi32, #tpu.memory_space<hbm>> -> memref<68x80xi32, #tpu.memory_space<hbm>>
        %dma_start3A_353 = arith.constant 0 : i32
        %dma_start3A_354 = tpu.memref_slice %dma_start3A_352[%add3A_348, %dma_start3A_353] : memref<68x80xi32, #tpu.memory_space<hbm>> -> memref<1x80xi32, #tpu.memory_space<hbm>>
        %dma_start3A_355 = arith.constant 0 : i32
        %dma_start3A_356 = arith.constant 0 : i32
        %dma_start3A_357 = tpu.memref_slice %arg3[%add3A, %dma_start3A_355, %dma_start3A_356] : memref<32x68x80xi32, #tpu.memory_space<hbm>> -> memref<1x68x80xi32, #tpu.memory_space<hbm>>
        %dma_start3A_358 = tpu.memref_squeeze %dma_start3A_357 : memref<1x68x80xi32, #tpu.memory_space<hbm>> -> memref<68x80xi32, #tpu.memory_space<hbm>>
        %dma_start3A_359 = arith.constant 0 : i32
        %dma_start3A_360 = tpu.memref_slice %dma_start3A_358[%add3A_348, %dma_start3A_359] : memref<68x80xi32, #tpu.memory_space<hbm>> -> memref<1x80xi32, #tpu.memory_space<hbm>>
        tpu.enqueue_dma source(%dma_start3A_360 : memref<1x80xi32, #tpu.memory_space<hbm>>) target(%arg6 : memref<1x80xi32, #tpu.memory_space<vmem>>) target_semaphore(%arg16 : memref<!tpu.dma_semaphore, #tpu.memory_space<semaphore_mem>>)
      } else {
      }
      %mul3A_298 = arith.constant 3 : i32
      %mul3A_299 = arith.muli %mul3A_298, %scan3A_180 : i32
      %add3A_300 = arith.constant 1 : i32
      %add3A_301 = arith.addi %mul3A_299, %add3A_300 : i32
      %dma_wait3A_302 = arith.constant 0 : i32
      %dma_wait3A_303 = arith.constant 0 : i32
      %dma_wait3A_304 = tpu.memref_slice %arg7[%dma_wait3A_302, %dma_wait3A_303] : memref<1x80xi32, #tpu.memory_space<vmem>> -> memref<1x80xi32, #tpu.memory_space<vmem>>
      %dma_wait3A_305 = tpu.memref_squeeze %dma_wait3A_304 : memref<1x80xi32, #tpu.memory_space<vmem>> -> memref<80xi32, #tpu.memory_space<vmem>>
      %dma_wait3A_306 = arith.constant 0 : i32
      %dma_wait3A_307 = arith.constant 0 : i32
      %dma_wait3A_308 = tpu.memref_slice %arg12[%dma_wait3A_306, %dma_wait3A_307] : memref<10240x128xf32, #tpu.memory_space<vmem_shared>> -> memref<10240x128xf32, #tpu.memory_space<vmem_shared>>
      tpu.wait_indirect_dma semaphore(%arg20 : memref<!tpu.dma_semaphore, #tpu.memory_space<semaphore_mem>>) src(%arg10 : memref<80x128xf32, #tpu.memory_space<vmem>>) dst(%dma_wait3A_308 : memref<10240x128xf32, #tpu.memory_space<vmem_shared>>)
      %add3A_309 = arith.constant 3 : i32
      %add3A_310 = arith.addi %add3A_301, %add3A_309 : i32
      %lt3A_311 = arith.constant 66 : i32
      %lt3A_312 = arith.cmpi slt, %add3A_310, %lt3A_311 : i32
      %convert_element_type3A_313 = arith.extui %lt3A_312 : i1 to i32
      %cond3A_314 = arith.constant 0 : i32
      %cond3A_315 = arith.cmpi ne, %convert_element_type3A_313, %cond3A_314 : i32
      scf.if %cond3A_315 {
        %add3A_334 = arith.constant 3 : i32
        %add3A_335 = arith.addi %add3A_301, %add3A_334 : i32
        %mul3A_336 = arith.constant 5440 : i32
        %mul3A_337 = arith.muli %add3A, %mul3A_336 : i32
        %add3A_338 = arith.constant 0 : i32
        %add3A_339 = arith.addi %add3A_338, %mul3A_337 : i32
        %mul3A_340 = arith.constant 80 : i32
        %mul3A_341 = arith.muli %add3A_335, %mul3A_340 : i32
        %add3A_342 = arith.addi %add3A_339, %mul3A_341 : i32
        %dma_start3A_343 = arith.constant 0 : i32
        %dma_start3A_344 = tpu.memref_slice %arg2[%add3A_342, %dma_start3A_343] : memref<174080x128xf32, #tpu.memory_space<hbm>> -> memref<80x128xf32, #tpu.memory_space<hbm>>
        %dma_start3A_345 = arith.constant 0 : i32
        %dma_start3A_346 = tpu.memref_slice %arg2[%add3A_342, %dma_start3A_345] : memref<174080x128xf32, #tpu.memory_space<hbm>> -> memref<80x128xf32, #tpu.memory_space<hbm>>
        tpu.enqueue_dma source(%dma_start3A_346 : memref<80x128xf32, #tpu.memory_space<hbm>>) target(%arg10 : memref<80x128xf32, #tpu.memory_space<vmem>>) target_semaphore(%arg14 : memref<!tpu.dma_semaphore, #tpu.memory_space<semaphore_mem>>)
        %add3A_347 = arith.constant 3 : i32
        %add3A_348 = arith.addi %add3A_301, %add3A_347 : i32
        %dma_start3A_349 = arith.constant 0 : i32
        %dma_start3A_350 = arith.constant 0 : i32
        %dma_start3A_351 = tpu.memref_slice %arg3[%add3A, %dma_start3A_349, %dma_start3A_350] : memref<32x68x80xi32, #tpu.memory_space<hbm>> -> memref<1x68x80xi32, #tpu.memory_space<hbm>>
        %dma_start3A_352 = tpu.memref_squeeze %dma_start3A_351 : memref<1x68x80xi32, #tpu.memory_space<hbm>> -> memref<68x80xi32, #tpu.memory_space<hbm>>
        %dma_start3A_353 = arith.constant 0 : i32
        %dma_start3A_354 = tpu.memref_slice %dma_start3A_352[%add3A_348, %dma_start3A_353] : memref<68x80xi32, #tpu.memory_space<hbm>> -> memref<1x80xi32, #tpu.memory_space<hbm>>
        %dma_start3A_355 = arith.constant 0 : i32
        %dma_start3A_356 = arith.constant 0 : i32
        %dma_start3A_357 = tpu.memref_slice %arg3[%add3A, %dma_start3A_355, %dma_start3A_356] : memref<32x68x80xi32, #tpu.memory_space<hbm>> -> memref<1x68x80xi32, #tpu.memory_space<hbm>>
        %dma_start3A_358 = tpu.memref_squeeze %dma_start3A_357 : memref<1x68x80xi32, #tpu.memory_space<hbm>> -> memref<68x80xi32, #tpu.memory_space<hbm>>
        %dma_start3A_359 = arith.constant 0 : i32
        %dma_start3A_360 = tpu.memref_slice %dma_start3A_358[%add3A_348, %dma_start3A_359] : memref<68x80xi32, #tpu.memory_space<hbm>> -> memref<1x80xi32, #tpu.memory_space<hbm>>
        tpu.enqueue_dma source(%dma_start3A_360 : memref<1x80xi32, #tpu.memory_space<hbm>>) target(%arg7 : memref<1x80xi32, #tpu.memory_space<vmem>>) target_semaphore(%arg17 : memref<!tpu.dma_semaphore, #tpu.memory_space<semaphore_mem>>)
      } else {
      }
      %mul3A_316 = arith.constant 3 : i32
      %mul3A_317 = arith.muli %mul3A_316, %scan3A_180 : i32
      %add3A_318 = arith.constant 2 : i32
      %add3A_319 = arith.addi %mul3A_317, %add3A_318 : i32
      %dma_wait3A_320 = arith.constant 0 : i32
      %dma_wait3A_321 = arith.constant 0 : i32
      %dma_wait3A_322 = tpu.memref_slice %arg8[%dma_wait3A_320, %dma_wait3A_321] : memref<1x80xi32, #tpu.memory_space<vmem>> -> memref<1x80xi32, #tpu.memory_space<vmem>>
      %dma_wait3A_323 = tpu.memref_squeeze %dma_wait3A_322 : memref<1x80xi32, #tpu.memory_space<vmem>> -> memref<80xi32, #tpu.memory_space<vmem>>
      %dma_wait3A_324 = arith.constant 0 : i32
      %dma_wait3A_325 = arith.constant 0 : i32
      %dma_wait3A_326 = tpu.memref_slice %arg12[%dma_wait3A_324, %dma_wait3A_325] : memref<10240x128xf32, #tpu.memory_space<vmem_shared>> -> memref<10240x128xf32, #tpu.memory_space<vmem_shared>>
      tpu.wait_indirect_dma semaphore(%arg21 : memref<!tpu.dma_semaphore, #tpu.memory_space<semaphore_mem>>) src(%arg11 : memref<80x128xf32, #tpu.memory_space<vmem>>) dst(%dma_wait3A_326 : memref<10240x128xf32, #tpu.memory_space<vmem_shared>>)
      %add3A_327 = arith.constant 3 : i32
      %add3A_328 = arith.addi %add3A_319, %add3A_327 : i32
      %lt3A_329 = arith.constant 66 : i32
      %lt3A_330 = arith.cmpi slt, %add3A_328, %lt3A_329 : i32
      %convert_element_type3A_331 = arith.extui %lt3A_330 : i1 to i32
      %cond3A_332 = arith.constant 0 : i32
      %cond3A_333 = arith.cmpi ne, %convert_element_type3A_331, %cond3A_332 : i32
      scf.if %cond3A_333 {
        %add3A_334 = arith.constant 3 : i32
        %add3A_335 = arith.addi %add3A_319, %add3A_334 : i32
        %mul3A_336 = arith.constant 5440 : i32
        %mul3A_337 = arith.muli %add3A, %mul3A_336 : i32
        %add3A_338 = arith.constant 0 : i32
        %add3A_339 = arith.addi %add3A_338, %mul3A_337 : i32
        %mul3A_340 = arith.constant 80 : i32
        %mul3A_341 = arith.muli %add3A_335, %mul3A_340 : i32
        %add3A_342 = arith.addi %add3A_339, %mul3A_341 : i32
        %dma_start3A_343 = arith.constant 0 : i32
        %dma_start3A_344 = tpu.memref_slice %arg2[%add3A_342, %dma_start3A_343] : memref<174080x128xf32, #tpu.memory_space<hbm>> -> memref<80x128xf32, #tpu.memory_space<hbm>>
        %dma_start3A_345 = arith.constant 0 : i32
        %dma_start3A_346 = tpu.memref_slice %arg2[%add3A_342, %dma_start3A_345] : memref<174080x128xf32, #tpu.memory_space<hbm>> -> memref<80x128xf32, #tpu.memory_space<hbm>>
        tpu.enqueue_dma source(%dma_start3A_346 : memref<80x128xf32, #tpu.memory_space<hbm>>) target(%arg11 : memref<80x128xf32, #tpu.memory_space<vmem>>) target_semaphore(%arg15 : memref<!tpu.dma_semaphore, #tpu.memory_space<semaphore_mem>>)
        %add3A_347 = arith.constant 3 : i32
        %add3A_348 = arith.addi %add3A_319, %add3A_347 : i32
        %dma_start3A_349 = arith.constant 0 : i32
        %dma_start3A_350 = arith.constant 0 : i32
        %dma_start3A_351 = tpu.memref_slice %arg3[%add3A, %dma_start3A_349, %dma_start3A_350] : memref<32x68x80xi32, #tpu.memory_space<hbm>> -> memref<1x68x80xi32, #tpu.memory_space<hbm>>
        %dma_start3A_352 = tpu.memref_squeeze %dma_start3A_351 : memref<1x68x80xi32, #tpu.memory_space<hbm>> -> memref<68x80xi32, #tpu.memory_space<hbm>>
        %dma_start3A_353 = arith.constant 0 : i32
        %dma_start3A_354 = tpu.memref_slice %dma_start3A_352[%add3A_348, %dma_start3A_353] : memref<68x80xi32, #tpu.memory_space<hbm>> -> memref<1x80xi32, #tpu.memory_space<hbm>>
        %dma_start3A_355 = arith.constant 0 : i32
        %dma_start3A_356 = arith.constant 0 : i32
        %dma_start3A_357 = tpu.memref_slice %arg3[%add3A, %dma_start3A_355, %dma_start3A_356] : memref<32x68x80xi32, #tpu.memory_space<hbm>> -> memref<1x68x80xi32, #tpu.memory_space<hbm>>
        %dma_start3A_358 = tpu.memref_squeeze %dma_start3A_357 : memref<1x68x80xi32, #tpu.memory_space<hbm>> -> memref<68x80xi32, #tpu.memory_space<hbm>>
        %dma_start3A_359 = arith.constant 0 : i32
        %dma_start3A_360 = tpu.memref_slice %dma_start3A_358[%add3A_348, %dma_start3A_359] : memref<68x80xi32, #tpu.memory_space<hbm>> -> memref<1x80xi32, #tpu.memory_space<hbm>>
        tpu.enqueue_dma source(%dma_start3A_360 : memref<1x80xi32, #tpu.memory_space<hbm>>) target(%arg8 : memref<1x80xi32, #tpu.memory_space<vmem>>) target_semaphore(%arg18 : memref<!tpu.dma_semaphore, #tpu.memory_space<semaphore_mem>>)
      } else {
      }
    }
    %scan3A_78 = arith.constant 22 : i32
    %mul3A_79 = arith.constant 5440 : i32
    %mul3A_80 = arith.muli %add3A, %mul3A_79 : i32
    %add3A_81 = arith.constant 0 : i32
    %add3A_82 = arith.addi %add3A_81, %mul3A_80 : i32
    %add3A_83 = arith.constant 5280 : i32
    %add3A_84 = arith.addi %add3A_82, %add3A_83 : i32
    %dma_start3A_85 = arith.constant 0 : i32
    %dma_start3A_86 = tpu.memref_slice %arg2[%add3A_84, %dma_start3A_85] : memref<174080x128xf32, #tpu.memory_space<hbm>> -> memref<80x128xf32, #tpu.memory_space<hbm>>
    %dma_start3A_87 = arith.constant 0 : i32
    %dma_start3A_88 = tpu.memref_slice %arg2[%add3A_84, %dma_start3A_87] : memref<174080x128xf32, #tpu.memory_space<hbm>> -> memref<80x128xf32, #tpu.memory_space<hbm>>
    tpu.enqueue_dma source(%dma_start3A_88 : memref<80x128xf32, #tpu.memory_space<hbm>>) target(%arg9 : memref<80x128xf32, #tpu.memory_space<vmem>>) target_semaphore(%arg13 : memref<!tpu.dma_semaphore, #tpu.memory_space<semaphore_mem>>)
    %dma_start3A_89 = arith.constant 0 : i32
    %dma_start3A_90 = arith.constant 0 : i32
    %dma_start3A_91 = tpu.memref_slice %arg3[%add3A, %dma_start3A_89, %dma_start3A_90] : memref<32x68x80xi32, #tpu.memory_space<hbm>> -> memref<1x68x80xi32, #tpu.memory_space<hbm>>
    %dma_start3A_92 = tpu.memref_squeeze %dma_start3A_91 : memref<1x68x80xi32, #tpu.memory_space<hbm>> -> memref<68x80xi32, #tpu.memory_space<hbm>>
    %dma_start3A_93 = arith.constant 66 : i32
    %dma_start3A_94 = arith.constant 0 : i32
    %dma_start3A_95 = tpu.memref_slice %dma_start3A_92[%dma_start3A_93, %dma_start3A_94] : memref<68x80xi32, #tpu.memory_space<hbm>> -> memref<1x80xi32, #tpu.memory_space<hbm>>
    %dma_start3A_96 = arith.constant 0 : i32
    %dma_start3A_97 = arith.constant 0 : i32
    %dma_start3A_98 = tpu.memref_slice %arg3[%add3A, %dma_start3A_96, %dma_start3A_97] : memref<32x68x80xi32, #tpu.memory_space<hbm>> -> memref<1x68x80xi32, #tpu.memory_space<hbm>>
    %dma_start3A_99 = tpu.memref_squeeze %dma_start3A_98 : memref<1x68x80xi32, #tpu.memory_space<hbm>> -> memref<68x80xi32, #tpu.memory_space<hbm>>
    %dma_start3A_100 = arith.constant 66 : i32
    %dma_start3A_101 = arith.constant 0 : i32
    %dma_start3A_102 = tpu.memref_slice %dma_start3A_99[%dma_start3A_100, %dma_start3A_101] : memref<68x80xi32, #tpu.memory_space<hbm>> -> memref<1x80xi32, #tpu.memory_space<hbm>>
    tpu.enqueue_dma source(%dma_start3A_102 : memref<1x80xi32, #tpu.memory_space<hbm>>) target(%arg6 : memref<1x80xi32, #tpu.memory_space<vmem>>) target_semaphore(%arg16 : memref<!tpu.dma_semaphore, #tpu.memory_space<semaphore_mem>>)
    %mul3A_103 = arith.constant 5440 : i32
    %mul3A_104 = arith.muli %add3A, %mul3A_103 : i32
    %add3A_105 = arith.constant 0 : i32
    %add3A_106 = arith.addi %add3A_105, %mul3A_104 : i32
    %add3A_107 = arith.constant 5280 : i32
    %add3A_108 = arith.addi %add3A_106, %add3A_107 : i32
    %dma_wait3A = arith.constant 0 : i32
    %dma_wait3A_109 = tpu.memref_slice %arg2[%add3A_108, %dma_wait3A] : memref<174080x128xf32, #tpu.memory_space<hbm>> -> memref<80x128xf32, #tpu.memory_space<hbm>>
    %dma_wait3A_110 = arith.constant 0 : i32
    %dma_wait3A_111 = tpu.memref_slice %arg2[%add3A_108, %dma_wait3A_110] : memref<174080x128xf32, #tpu.memory_space<hbm>> -> memref<80x128xf32, #tpu.memory_space<hbm>>
    tpu.wait_dma2 semaphore(%arg13 : memref<!tpu.dma_semaphore, #tpu.memory_space<semaphore_mem>>) src(%dma_wait3A_111 : memref<80x128xf32, #tpu.memory_space<hbm>>) dst(%arg9 : memref<80x128xf32, #tpu.memory_space<vmem>>)
    %dma_wait3A_112 = arith.constant 0 : i32
    %dma_wait3A_113 = arith.constant 0 : i32
    %dma_wait3A_114 = tpu.memref_slice %arg3[%add3A, %dma_wait3A_112, %dma_wait3A_113] : memref<32x68x80xi32, #tpu.memory_space<hbm>> -> memref<1x68x80xi32, #tpu.memory_space<hbm>>
    %dma_wait3A_115 = tpu.memref_squeeze %dma_wait3A_114 : memref<1x68x80xi32, #tpu.memory_space<hbm>> -> memref<68x80xi32, #tpu.memory_space<hbm>>
    %dma_wait3A_116 = arith.constant 66 : i32
    %dma_wait3A_117 = arith.constant 0 : i32
    %dma_wait3A_118 = tpu.memref_slice %dma_wait3A_115[%dma_wait3A_116, %dma_wait3A_117] : memref<68x80xi32, #tpu.memory_space<hbm>> -> memref<1x80xi32, #tpu.memory_space<hbm>>
    %dma_wait3A_119 = arith.constant 0 : i32
    %dma_wait3A_120 = arith.constant 0 : i32
    %dma_wait3A_121 = tpu.memref_slice %arg3[%add3A, %dma_wait3A_119, %dma_wait3A_120] : memref<32x68x80xi32, #tpu.memory_space<hbm>> -> memref<1x68x80xi32, #tpu.memory_space<hbm>>
    %dma_wait3A_122 = tpu.memref_squeeze %dma_wait3A_121 : memref<1x68x80xi32, #tpu.memory_space<hbm>> -> memref<68x80xi32, #tpu.memory_space<hbm>>
    %dma_wait3A_123 = arith.constant 66 : i32
    %dma_wait3A_124 = arith.constant 0 : i32
    %dma_wait3A_125 = tpu.memref_slice %dma_wait3A_122[%dma_wait3A_123, %dma_wait3A_124] : memref<68x80xi32, #tpu.memory_space<hbm>> -> memref<1x80xi32, #tpu.memory_space<hbm>>
    tpu.wait_dma2 semaphore(%arg16 : memref<!tpu.dma_semaphore, #tpu.memory_space<semaphore_mem>>) src(%dma_wait3A_125 : memref<1x80xi32, #tpu.memory_space<hbm>>) dst(%arg6 : memref<1x80xi32, #tpu.memory_space<vmem>>)
    %run_scoped3A = arith.constant 0 : i32
    "tpu.region"() ({
      %run_scoped3A_180 = tpu.sem_alloc : memref<!tpu.dma_semaphore, #tpu.memory_space<semaphore_mem>>
      %dma_start3A_181 = arith.constant 0 : i32
      %dma_start3A_182 = tpu.memref_slice %arg6[%run_scoped3A, %dma_start3A_181] : memref<1x80xi32, #tpu.memory_space<vmem>> -> memref<1x80xi32, #tpu.memory_space<vmem>>
      %dma_start3A_183 = tpu.memref_squeeze %dma_start3A_182 : memref<1x80xi32, #tpu.memory_space<vmem>> -> memref<80xi32, #tpu.memory_space<vmem>>
      %dma_start3A_184 = arith.constant 0 : i32
      %dma_start3A_185 = arith.constant 0 : i32
      %dma_start3A_186 = tpu.memref_slice %arg12[%dma_start3A_184, %dma_start3A_185] : memref<10240x128xf32, #tpu.memory_space<vmem_shared>> -> memref<10240x128xf32, #tpu.memory_space<vmem_shared>>
      tpu.enqueue_indirect_dma source(%arg9 : memref<80x128xf32, #tpu.memory_space<vmem>>) target(%dma_start3A_186 : memref<10240x128xf32, #tpu.memory_space<vmem_shared>>) offsets(%dma_start3A_183 : memref<80xi32, #tpu.memory_space<vmem>>) semaphore(%run_scoped3A_180 : memref<!tpu.dma_semaphore, #tpu.memory_space<semaphore_mem>>) {add = true}
      %dma_wait3A_187 = arith.constant 0 : i32
      %dma_wait3A_188 = tpu.memref_slice %arg6[%run_scoped3A, %dma_wait3A_187] : memref<1x80xi32, #tpu.memory_space<vmem>> -> memref<1x80xi32, #tpu.memory_space<vmem>>
      %dma_wait3A_189 = tpu.memref_squeeze %dma_wait3A_188 : memref<1x80xi32, #tpu.memory_space<vmem>> -> memref<80xi32, #tpu.memory_space<vmem>>
      %dma_wait3A_190 = arith.constant 0 : i32
      %dma_wait3A_191 = arith.constant 0 : i32
      %dma_wait3A_192 = tpu.memref_slice %arg12[%dma_wait3A_190, %dma_wait3A_191] : memref<10240x128xf32, #tpu.memory_space<vmem_shared>> -> memref<10240x128xf32, #tpu.memory_space<vmem_shared>>
      tpu.wait_indirect_dma semaphore(%run_scoped3A_180 : memref<!tpu.dma_semaphore, #tpu.memory_space<semaphore_mem>>) src(%arg9 : memref<80x128xf32, #tpu.memory_space<vmem>>) dst(%dma_wait3A_192 : memref<10240x128xf32, #tpu.memory_space<vmem_shared>>)
      tpu.yield
    }) : () -> ()
    %mul3A_126 = arith.constant 5440 : i32
    %mul3A_127 = arith.muli %add3A, %mul3A_126 : i32
    %add3A_128 = arith.constant 0 : i32
    %add3A_129 = arith.addi %add3A_128, %mul3A_127 : i32
    %add3A_130 = arith.constant 5360 : i32
    %add3A_131 = arith.addi %add3A_129, %add3A_130 : i32
    %dma_start3A_132 = arith.constant 0 : i32
    %dma_start3A_133 = tpu.memref_slice %arg2[%add3A_131, %dma_start3A_132] : memref<174080x128xf32, #tpu.memory_space<hbm>> -> memref<80x128xf32, #tpu.memory_space<hbm>>
    %dma_start3A_134 = arith.constant 0 : i32
    %dma_start3A_135 = tpu.memref_slice %arg2[%add3A_131, %dma_start3A_134] : memref<174080x128xf32, #tpu.memory_space<hbm>> -> memref<80x128xf32, #tpu.memory_space<hbm>>
    tpu.enqueue_dma source(%dma_start3A_135 : memref<80x128xf32, #tpu.memory_space<hbm>>) target(%arg9 : memref<80x128xf32, #tpu.memory_space<vmem>>) target_semaphore(%arg13 : memref<!tpu.dma_semaphore, #tpu.memory_space<semaphore_mem>>)
    %dma_start3A_136 = arith.constant 0 : i32
    %dma_start3A_137 = arith.constant 0 : i32
    %dma_start3A_138 = tpu.memref_slice %arg3[%add3A, %dma_start3A_136, %dma_start3A_137] : memref<32x68x80xi32, #tpu.memory_space<hbm>> -> memref<1x68x80xi32, #tpu.memory_space<hbm>>
    %dma_start3A_139 = tpu.memref_squeeze %dma_start3A_138 : memref<1x68x80xi32, #tpu.memory_space<hbm>> -> memref<68x80xi32, #tpu.memory_space<hbm>>
    %dma_start3A_140 = arith.constant 67 : i32
    %dma_start3A_141 = arith.constant 0 : i32
    %dma_start3A_142 = tpu.memref_slice %dma_start3A_139[%dma_start3A_140, %dma_start3A_141] : memref<68x80xi32, #tpu.memory_space<hbm>> -> memref<1x80xi32, #tpu.memory_space<hbm>>
    %dma_start3A_143 = arith.constant 0 : i32
    %dma_start3A_144 = arith.constant 0 : i32
    %dma_start3A_145 = tpu.memref_slice %arg3[%add3A, %dma_start3A_143, %dma_start3A_144] : memref<32x68x80xi32, #tpu.memory_space<hbm>> -> memref<1x68x80xi32, #tpu.memory_space<hbm>>
    %dma_start3A_146 = tpu.memref_squeeze %dma_start3A_145 : memref<1x68x80xi32, #tpu.memory_space<hbm>> -> memref<68x80xi32, #tpu.memory_space<hbm>>
    %dma_start3A_147 = arith.constant 67 : i32
    %dma_start3A_148 = arith.constant 0 : i32
    %dma_start3A_149 = tpu.memref_slice %dma_start3A_146[%dma_start3A_147, %dma_start3A_148] : memref<68x80xi32, #tpu.memory_space<hbm>> -> memref<1x80xi32, #tpu.memory_space<hbm>>
    tpu.enqueue_dma source(%dma_start3A_149 : memref<1x80xi32, #tpu.memory_space<hbm>>) target(%arg6 : memref<1x80xi32, #tpu.memory_space<vmem>>) target_semaphore(%arg16 : memref<!tpu.dma_semaphore, #tpu.memory_space<semaphore_mem>>)
    %mul3A_150 = arith.constant 5440 : i32
    %mul3A_151 = arith.muli %add3A, %mul3A_150 : i32
    %add3A_152 = arith.constant 0 : i32
    %add3A_153 = arith.addi %add3A_152, %mul3A_151 : i32
    %add3A_154 = arith.constant 5360 : i32
    %add3A_155 = arith.addi %add3A_153, %add3A_154 : i32
    %dma_wait3A_156 = arith.constant 0 : i32
    %dma_wait3A_157 = tpu.memref_slice %arg2[%add3A_155, %dma_wait3A_156] : memref<174080x128xf32, #tpu.memory_space<hbm>> -> memref<80x128xf32, #tpu.memory_space<hbm>>
    %dma_wait3A_158 = arith.constant 0 : i32
    %dma_wait3A_159 = tpu.memref_slice %arg2[%add3A_155, %dma_wait3A_158] : memref<174080x128xf32, #tpu.memory_space<hbm>> -> memref<80x128xf32, #tpu.memory_space<hbm>>
    tpu.wait_dma2 semaphore(%arg13 : memref<!tpu.dma_semaphore, #tpu.memory_space<semaphore_mem>>) src(%dma_wait3A_159 : memref<80x128xf32, #tpu.memory_space<hbm>>) dst(%arg9 : memref<80x128xf32, #tpu.memory_space<vmem>>)
    %dma_wait3A_160 = arith.constant 0 : i32
    %dma_wait3A_161 = arith.constant 0 : i32
    %dma_wait3A_162 = tpu.memref_slice %arg3[%add3A, %dma_wait3A_160, %dma_wait3A_161] : memref<32x68x80xi32, #tpu.memory_space<hbm>> -> memref<1x68x80xi32, #tpu.memory_space<hbm>>
    %dma_wait3A_163 = tpu.memref_squeeze %dma_wait3A_162 : memref<1x68x80xi32, #tpu.memory_space<hbm>> -> memref<68x80xi32, #tpu.memory_space<hbm>>
    %dma_wait3A_164 = arith.constant 67 : i32
    %dma_wait3A_165 = arith.constant 0 : i32
    %dma_wait3A_166 = tpu.memref_slice %dma_wait3A_163[%dma_wait3A_164, %dma_wait3A_165] : memref<68x80xi32, #tpu.memory_space<hbm>> -> memref<1x80xi32, #tpu.memory_space<hbm>>
    %dma_wait3A_167 = arith.constant 0 : i32
    %dma_wait3A_168 = arith.constant 0 : i32
    %dma_wait3A_169 = tpu.memref_slice %arg3[%add3A, %dma_wait3A_167, %dma_wait3A_168] : memref<32x68x80xi32, #tpu.memory_space<hbm>> -> memref<1x68x80xi32, #tpu.memory_space<hbm>>
    %dma_wait3A_170 = tpu.memref_squeeze %dma_wait3A_169 : memref<1x68x80xi32, #tpu.memory_space<hbm>> -> memref<68x80xi32, #tpu.memory_space<hbm>>
    %dma_wait3A_171 = arith.constant 67 : i32
    %dma_wait3A_172 = arith.constant 0 : i32
    %dma_wait3A_173 = tpu.memref_slice %dma_wait3A_170[%dma_wait3A_171, %dma_wait3A_172] : memref<68x80xi32, #tpu.memory_space<hbm>> -> memref<1x80xi32, #tpu.memory_space<hbm>>
    tpu.wait_dma2 semaphore(%arg16 : memref<!tpu.dma_semaphore, #tpu.memory_space<semaphore_mem>>) src(%dma_wait3A_173 : memref<1x80xi32, #tpu.memory_space<hbm>>) dst(%arg6 : memref<1x80xi32, #tpu.memory_space<vmem>>)
    %run_scoped3A_174 = arith.constant 0 : i32
    "tpu.region"() ({
      %run_scoped3A_180 = tpu.sem_alloc : memref<!tpu.dma_semaphore, #tpu.memory_space<semaphore_mem>>
      %dma_start3A_181 = arith.constant 0 : i32
      %dma_start3A_182 = tpu.memref_slice %arg6[%run_scoped3A_174, %dma_start3A_181] : memref<1x80xi32, #tpu.memory_space<vmem>> -> memref<1x80xi32, #tpu.memory_space<vmem>>
      %dma_start3A_183 = tpu.memref_squeeze %dma_start3A_182 : memref<1x80xi32, #tpu.memory_space<vmem>> -> memref<80xi32, #tpu.memory_space<vmem>>
      %dma_start3A_184 = arith.constant 0 : i32
      %dma_start3A_185 = arith.constant 0 : i32
      %dma_start3A_186 = tpu.memref_slice %arg12[%dma_start3A_184, %dma_start3A_185] : memref<10240x128xf32, #tpu.memory_space<vmem_shared>> -> memref<10240x128xf32, #tpu.memory_space<vmem_shared>>
      tpu.enqueue_indirect_dma source(%arg9 : memref<80x128xf32, #tpu.memory_space<vmem>>) target(%dma_start3A_186 : memref<10240x128xf32, #tpu.memory_space<vmem_shared>>) offsets(%dma_start3A_183 : memref<80xi32, #tpu.memory_space<vmem>>) semaphore(%run_scoped3A_180 : memref<!tpu.dma_semaphore, #tpu.memory_space<semaphore_mem>>) {add = true}
      %dma_wait3A_187 = arith.constant 0 : i32
      %dma_wait3A_188 = tpu.memref_slice %arg6[%run_scoped3A_174, %dma_wait3A_187] : memref<1x80xi32, #tpu.memory_space<vmem>> -> memref<1x80xi32, #tpu.memory_space<vmem>>
      %dma_wait3A_189 = tpu.memref_squeeze %dma_wait3A_188 : memref<1x80xi32, #tpu.memory_space<vmem>> -> memref<80xi32, #tpu.memory_space<vmem>>
      %dma_wait3A_190 = arith.constant 0 : i32
      %dma_wait3A_191 = arith.constant 0 : i32
      %dma_wait3A_192 = tpu.memref_slice %arg12[%dma_wait3A_190, %dma_wait3A_191] : memref<10240x128xf32, #tpu.memory_space<vmem_shared>> -> memref<10240x128xf32, #tpu.memory_space<vmem_shared>>
      tpu.wait_indirect_dma semaphore(%run_scoped3A_180 : memref<!tpu.dma_semaphore, #tpu.memory_space<semaphore_mem>>) src(%arg9 : memref<80x128xf32, #tpu.memory_space<vmem>>) dst(%dma_wait3A_192 : memref<10240x128xf32, #tpu.memory_space<vmem_shared>>)
      tpu.yield
    }) : () -> ()
    %barrier3A_175 = arith.constant 0 : index
    tpu.barrier barrier_id(%barrier3A_175)
    %mul3A_176 = arith.constant 640 : i32
    %mul3A_177 = arith.muli %arg1, %mul3A_176 : i32
    %mul3A_178 = arith.constant 640 : i32
    %mul3A_179 = arith.muli %arg1, %mul3A_178 : i32
    "tpu.region"() ({
      %run_scoped3A_180 = tpu.sem_alloc : memref<!tpu.dma_semaphore, #tpu.memory_space<semaphore_mem>>
      %dma_start3A_181 = arith.constant 0 : i32
      %dma_start3A_182 = tpu.memref_slice %arg5[%arg0, %mul3A_179, %dma_start3A_181] : memref<2x10240x128xf32, #tpu.memory_space<hbm>> -> memref<1x640x128xf32, #tpu.memory_space<hbm>>
      %dma_start3A_183 = tpu.memref_squeeze %dma_start3A_182 : memref<1x640x128xf32, #tpu.memory_space<hbm>> -> memref<640x128xf32, #tpu.memory_space<hbm>>
      %dma_start3A_184 = arith.constant 0 : i32
      %dma_start3A_185 = tpu.memref_slice %arg12[%mul3A_177, %dma_start3A_184] : memref<10240x128xf32, #tpu.memory_space<vmem_shared>> -> memref<640x128xf32, #tpu.memory_space<vmem_shared>>
      tpu.enqueue_dma source(%dma_start3A_185 : memref<640x128xf32, #tpu.memory_space<vmem_shared>>) target(%dma_start3A_183 : memref<640x128xf32, #tpu.memory_space<hbm>>) target_semaphore(%run_scoped3A_180 : memref<!tpu.dma_semaphore, #tpu.memory_space<semaphore_mem>>)
      %dma_wait3A_186 = arith.constant 0 : i32
      %dma_wait3A_187 = tpu.memref_slice %arg5[%arg0, %mul3A_179, %dma_wait3A_186] : memref<2x10240x128xf32, #tpu.memory_space<hbm>> -> memref<1x640x128xf32, #tpu.memory_space<hbm>>
      %dma_wait3A_188 = tpu.memref_squeeze %dma_wait3A_187 : memref<1x640x128xf32, #tpu.memory_space<hbm>> -> memref<640x128xf32, #tpu.memory_space<hbm>>
      %dma_wait3A_189 = arith.constant 0 : i32
      %dma_wait3A_190 = tpu.memref_slice %arg12[%mul3A_177, %dma_wait3A_189] : memref<10240x128xf32, #tpu.memory_space<vmem_shared>> -> memref<640x128xf32, #tpu.memory_space<vmem_shared>>
      tpu.wait_dma2 semaphore(%run_scoped3A_180 : memref<!tpu.dma_semaphore, #tpu.memory_space<semaphore_mem>>) src(%dma_wait3A_190 : memref<640x128xf32, #tpu.memory_space<vmem_shared>>) dst(%dma_wait3A_188 : memref<640x128xf32, #tpu.memory_space<hbm>>)
      tpu.yield
    }) : () -> ()
    return
  }
}

module attributes {stable_mosaic.version = 14 : i64} {
  func.func @_gm_body(%arg0: i32, %arg1: memref<400x474xf32, #tpu.memory_space<vmem>>, %arg2: memref<400x3xf32, #tpu.memory_space<vmem>>, %arg3: memref<474x128xf32, #tpu.memory_space<vmem>>, %arg4: memref<1x128xf32, #tpu.memory_space<vmem>>, %arg5: memref<128x128xf32, #tpu.memory_space<vmem>>, %arg6: memref<1x128xf32, #tpu.memory_space<vmem>>, %arg7: memref<1x128xf32, #tpu.memory_space<vmem>>, %arg8: memref<1x128xf32, #tpu.memory_space<vmem>>, %arg9: memref<128x128xf32, #tpu.memory_space<vmem>>, %arg10: memref<3x128xf32, #tpu.memory_space<vmem>>, %arg11: memref<1x128xf32, #tpu.memory_space<vmem>>, %arg12: memref<128x128xf32, #tpu.memory_space<vmem>>, %arg13: memref<1x128xf32, #tpu.memory_space<vmem>>, %arg14: memref<1x128xf32, #tpu.memory_space<vmem>>, %arg15: memref<1x128xf32, #tpu.memory_space<vmem>>, %arg16: memref<128x128xf32, #tpu.memory_space<vmem>>, %arg17: memref<400x128xf32, #tpu.memory_space<vmem>>, %arg18: memref<400x128xf32, #tpu.memory_space<vmem>>, %arg19: memref<400x128xf32, #tpu.memory_space<vmem>>, %arg20: memref<400x128xf32, #tpu.memory_space<vmem>>) attributes {dimension_semantics = [#tpu.dimension_semantics<arbitrary>], iteration_bounds = array<i64: 25>, scalar_prefetch = 0 : i64, scratch_operands = 0 : i64, tpu.core_type = #tpu.core_type<tc>, window_params = [{transform_indices = @transform_0, window_bounds = array<i64: 400, 474>}, {transform_indices = @transform_1, window_bounds = array<i64: 400, 3>}, {pipeline_mode = #tpu.pipeline_mode<synchronous>, transform_indices = @transform_2, window_bounds = array<i64: 474, 128>}, {pipeline_mode = #tpu.pipeline_mode<synchronous>, transform_indices = @transform_3, window_bounds = array<i64: 1, 128>}, {pipeline_mode = #tpu.pipeline_mode<synchronous>, transform_indices = @transform_4, window_bounds = array<i64: 128, 128>}, {pipeline_mode = #tpu.pipeline_mode<synchronous>, transform_indices = @transform_5, window_bounds = array<i64: 1, 128>}, {pipeline_mode = #tpu.pipeline_mode<synchronous>, transform_indices = @transform_6, window_bounds = array<i64: 1, 128>}, {pipeline_mode = #tpu.pipeline_mode<synchronous>, transform_indices = @transform_7, window_bounds = array<i64: 1, 128>}, {pipeline_mode = #tpu.pipeline_mode<synchronous>, transform_indices = @transform_8, window_bounds = array<i64: 128, 128>}, {pipeline_mode = #tpu.pipeline_mode<synchronous>, transform_indices = @transform_9, window_bounds = array<i64: 3, 128>}, {pipeline_mode = #tpu.pipeline_mode<synchronous>, transform_indices = @transform_10, window_bounds = array<i64: 1, 128>}, {pipeline_mode = #tpu.pipeline_mode<synchronous>, transform_indices = @transform_11, window_bounds = array<i64: 128, 128>}, {pipeline_mode = #tpu.pipeline_mode<synchronous>, transform_indices = @transform_12, window_bounds = array<i64: 1, 128>}, {pipeline_mode = #tpu.pipeline_mode<synchronous>, transform_indices = @transform_13, window_bounds = array<i64: 1, 128>}, {pipeline_mode = #tpu.pipeline_mode<synchronous>, transform_indices = @transform_14, window_bounds = array<i64: 1, 128>}, {pipeline_mode = #tpu.pipeline_mode<synchronous>, transform_indices = @transform_15, window_bounds = array<i64: 128, 128>}, {transform_indices = @transform_16, window_bounds = array<i64: 400, 128>}, {transform_indices = @transform_17, window_bounds = array<i64: 400, 128>}, {transform_indices = @transform_18, window_bounds = array<i64: 400, 128>}, {transform_indices = @transform_19, window_bounds = array<i64: 400, 128>}]} {
    %get3A = arith.constant 0 : index
    %get3A_0 = arith.constant 0 : index
    %get3A_1 = vector.load %arg1[%get3A, %get3A_0] : memref<400x474xf32, #tpu.memory_space<vmem>>, vector<400x474xf32>
    %get3A_2 = arith.constant 0 : index
    %get3A_3 = arith.constant 0 : index
    %get3A_4 = vector.load %arg3[%get3A_2, %get3A_3] : memref<474x128xf32, #tpu.memory_space<vmem>>, vector<474x128xf32>
    %dot_general3A = arith.constant dense<0.000000e+00> : vector<400x128xf32>
    %dot_general3A_5 = tpu.matmul %get3A_1, %get3A_4, %dot_general3A {dimension_numbers = #tpu.dot_dimension_numbers<[1], [0], [0], [1], [0, 0, 1, 1], [], []>, transpose_lhs_hint = false} : vector<400x474xf32>, vector<474x128xf32>, vector<400x128xf32> -> vector<400x128xf32>
    %get3A_6 = arith.constant 0 : index
    %get3A_7 = arith.constant 0 : index
    %get3A_8 = vector.load %arg4[%get3A_6, %get3A_7] : memref<1x128xf32, #tpu.memory_space<vmem>>, vector<1x128xf32>
    %add3A = vector.broadcast %get3A_8 : vector<1x128xf32> to vector<400x128xf32>
    %add3A_9 = arith.addf %dot_general3A_5, %add3A : vector<400x128xf32>
    %logistic3A = arith.negf %add3A_9 : vector<400x128xf32>
    %logistic3A_10 = math.exp %logistic3A : vector<400x128xf32>
    %logistic3A_11 = arith.constant 1.000000e+00 : f32
    %logistic3A_12 = vector.broadcast %logistic3A_11 : f32 to vector<400x128xf32>
    %logistic3A_13 = arith.addf %logistic3A_12, %logistic3A_10 : vector<400x128xf32>
    %logistic3A_14 = arith.divf %logistic3A_12, %logistic3A_13 : vector<400x128xf32>
    %mul3A = arith.mulf %add3A_9, %logistic3A_14 : vector<400x128xf32>
    %get3A_15 = arith.constant 0 : index
    %get3A_16 = arith.constant 0 : index
    %get3A_17 = vector.load %arg5[%get3A_15, %get3A_16] : memref<128x128xf32, #tpu.memory_space<vmem>>, vector<128x128xf32>
    %dot_general3A_18 = arith.constant dense<0.000000e+00> : vector<400x128xf32>
    %dot_general3A_19 = tpu.matmul %mul3A, %get3A_17, %dot_general3A_18 {dimension_numbers = #tpu.dot_dimension_numbers<[1], [0], [0], [1], [0, 0, 1, 1], [], []>, transpose_lhs_hint = false} : vector<400x128xf32>, vector<128x128xf32>, vector<400x128xf32> -> vector<400x128xf32>
    %get3A_20 = arith.constant 0 : index
    %get3A_21 = arith.constant 0 : index
    %get3A_22 = vector.load %arg6[%get3A_20, %get3A_21] : memref<1x128xf32, #tpu.memory_space<vmem>>, vector<1x128xf32>
    %add3A_23 = vector.broadcast %get3A_22 : vector<1x128xf32> to vector<400x128xf32>
    %add3A_24 = arith.addf %dot_general3A_19, %add3A_23 : vector<400x128xf32>
    %get3A_25 = arith.constant 0 : index
    %get3A_26 = arith.constant 0 : index
    %get3A_27 = vector.load %arg7[%get3A_25, %get3A_26] : memref<1x128xf32, #tpu.memory_space<vmem>>, vector<1x128xf32>
    %get3A_28 = arith.constant 0 : index
    %get3A_29 = arith.constant 0 : index
    %get3A_30 = vector.load %arg8[%get3A_28, %get3A_29] : memref<1x128xf32, #tpu.memory_space<vmem>>, vector<1x128xf32>
    %reduce_sum3A = arith.constant dense<0.000000e+00> : vector<400xf32>
    %reduce_sum3A_31 = vector.multi_reduction <add>, %add3A_24, %reduce_sum3A [1] : vector<400x128xf32> to vector<400xf32>
    %broadcast_in_dim3A = vector.shape_cast %reduce_sum3A_31 : vector<400xf32> to vector<400x1xf32>
    %div3A = arith.constant 1.280000e+02 : f32
    %div3A_32 = vector.broadcast %div3A : f32 to vector<400x1xf32>
    %div3A_33 = arith.divf %broadcast_in_dim3A, %div3A_32 : vector<400x1xf32>
    %sub3A = vector.broadcast %div3A_33 : vector<400x1xf32> to vector<400x128xf32>
    %sub3A_34 = arith.subf %add3A_24, %sub3A : vector<400x128xf32>
    %mul3A_35 = arith.mulf %sub3A_34, %sub3A_34 : vector<400x128xf32>
    %reduce_sum3A_36 = arith.constant dense<0.000000e+00> : vector<400xf32>
    %reduce_sum3A_37 = vector.multi_reduction <add>, %mul3A_35, %reduce_sum3A_36 [1] : vector<400x128xf32> to vector<400xf32>
    %broadcast_in_dim3A_38 = vector.shape_cast %reduce_sum3A_37 : vector<400xf32> to vector<400x1xf32>
    %div3A_39 = arith.constant 1.280000e+02 : f32
    %div3A_40 = vector.broadcast %div3A_39 : f32 to vector<400x1xf32>
    %div3A_41 = arith.divf %broadcast_in_dim3A_38, %div3A_40 : vector<400x1xf32>
    %add3A_42 = arith.constant 9.99999974E-6 : f32
    %add3A_43 = vector.broadcast %add3A_42 : f32 to vector<400x1xf32>
    %add3A_44 = arith.addf %div3A_41, %add3A_43 : vector<400x1xf32>
    %rsqrt3A = math.rsqrt %add3A_44 : vector<400x1xf32>
    %mul3A_45 = vector.broadcast %rsqrt3A : vector<400x1xf32> to vector<400x128xf32>
    %mul3A_46 = arith.mulf %sub3A_34, %mul3A_45 : vector<400x128xf32>
    %mul3A_47 = vector.broadcast %get3A_27 : vector<1x128xf32> to vector<400x128xf32>
    %mul3A_48 = arith.mulf %mul3A_46, %mul3A_47 : vector<400x128xf32>
    %add3A_49 = vector.broadcast %get3A_30 : vector<1x128xf32> to vector<400x128xf32>
    %add3A_50 = arith.addf %mul3A_48, %add3A_49 : vector<400x128xf32>
    %swap3A = arith.constant 0 : index
    %swap3A_51 = arith.constant 0 : index
    %swap3A_52 = vector.load %arg17[%swap3A, %swap3A_51] : memref<400x128xf32, #tpu.memory_space<vmem>>, vector<400x128xf32>
    tpu.vector_store %arg17[%swap3A, %swap3A_51], %add3A_50 {strides = array<i32>} : memref<400x128xf32, #tpu.memory_space<vmem>>, vector<400x128xf32>,
    %get3A_53 = arith.constant 0 : index
    %get3A_54 = arith.constant 0 : index
    %get3A_55 = vector.load %arg9[%get3A_53, %get3A_54] : memref<128x128xf32, #tpu.memory_space<vmem>>, vector<128x128xf32>
    %dot_general3A_56 = arith.constant dense<0.000000e+00> : vector<400x128xf32>
    %dot_general3A_57 = tpu.matmul %add3A_50, %get3A_55, %dot_general3A_56 {dimension_numbers = #tpu.dot_dimension_numbers<[1], [0], [0], [1], [0, 0, 1, 1], [], []>, transpose_lhs_hint = false} : vector<400x128xf32>, vector<128x128xf32>, vector<400x128xf32> -> vector<400x128xf32>
    %swap3A_58 = arith.constant 0 : index
    %swap3A_59 = arith.constant 0 : index
    %swap3A_60 = vector.load %arg18[%swap3A_58, %swap3A_59] : memref<400x128xf32, #tpu.memory_space<vmem>>, vector<400x128xf32>
    tpu.vector_store %arg18[%swap3A_58, %swap3A_59], %dot_general3A_57 {strides = array<i32>} : memref<400x128xf32, #tpu.memory_space<vmem>>, vector<400x128xf32>,
    %get3A_61 = arith.constant 0 : index
    %get3A_62 = arith.constant 0 : index
    %get3A_63 = vector.load %arg2[%get3A_61, %get3A_62] : memref<400x3xf32, #tpu.memory_space<vmem>>, vector<400x3xf32>
    %get3A_64 = arith.constant 0 : index
    %get3A_65 = arith.constant 0 : index
    %get3A_66 = vector.load %arg10[%get3A_64, %get3A_65] : memref<3x128xf32, #tpu.memory_space<vmem>>, vector<3x128xf32>
    %dot_general3A_67 = arith.constant dense<0.000000e+00> : vector<400x128xf32>
    %dot_general3A_68 = tpu.matmul %get3A_63, %get3A_66, %dot_general3A_67 {dimension_numbers = #tpu.dot_dimension_numbers<[1], [0], [0], [1], [0, 0, 1, 1], [], []>, transpose_lhs_hint = false} : vector<400x3xf32>, vector<3x128xf32>, vector<400x128xf32> -> vector<400x128xf32>
    %get3A_69 = arith.constant 0 : index
    %get3A_70 = arith.constant 0 : index
    %get3A_71 = vector.load %arg11[%get3A_69, %get3A_70] : memref<1x128xf32, #tpu.memory_space<vmem>>, vector<1x128xf32>
    %add3A_72 = vector.broadcast %get3A_71 : vector<1x128xf32> to vector<400x128xf32>
    %add3A_73 = arith.addf %dot_general3A_68, %add3A_72 : vector<400x128xf32>
    %logistic3A_74 = arith.negf %add3A_73 : vector<400x128xf32>
    %logistic3A_75 = math.exp %logistic3A_74 : vector<400x128xf32>
    %logistic3A_76 = arith.constant 1.000000e+00 : f32
    %logistic3A_77 = vector.broadcast %logistic3A_76 : f32 to vector<400x128xf32>
    %logistic3A_78 = arith.addf %logistic3A_77, %logistic3A_75 : vector<400x128xf32>
    %logistic3A_79 = arith.divf %logistic3A_77, %logistic3A_78 : vector<400x128xf32>
    %mul3A_80 = arith.mulf %add3A_73, %logistic3A_79 : vector<400x128xf32>
    %get3A_81 = arith.constant 0 : index
    %get3A_82 = arith.constant 0 : index
    %get3A_83 = vector.load %arg12[%get3A_81, %get3A_82] : memref<128x128xf32, #tpu.memory_space<vmem>>, vector<128x128xf32>
    %dot_general3A_84 = arith.constant dense<0.000000e+00> : vector<400x128xf32>
    %dot_general3A_85 = tpu.matmul %mul3A_80, %get3A_83, %dot_general3A_84 {dimension_numbers = #tpu.dot_dimension_numbers<[1], [0], [0], [1], [0, 0, 1, 1], [], []>, transpose_lhs_hint = false} : vector<400x128xf32>, vector<128x128xf32>, vector<400x128xf32> -> vector<400x128xf32>
    %get3A_86 = arith.constant 0 : index
    %get3A_87 = arith.constant 0 : index
    %get3A_88 = vector.load %arg13[%get3A_86, %get3A_87] : memref<1x128xf32, #tpu.memory_space<vmem>>, vector<1x128xf32>
    %add3A_89 = vector.broadcast %get3A_88 : vector<1x128xf32> to vector<400x128xf32>
    %add3A_90 = arith.addf %dot_general3A_85, %add3A_89 : vector<400x128xf32>
    %get3A_91 = arith.constant 0 : index
    %get3A_92 = arith.constant 0 : index
    %get3A_93 = vector.load %arg14[%get3A_91, %get3A_92] : memref<1x128xf32, #tpu.memory_space<vmem>>, vector<1x128xf32>
    %get3A_94 = arith.constant 0 : index
    %get3A_95 = arith.constant 0 : index
    %get3A_96 = vector.load %arg15[%get3A_94, %get3A_95] : memref<1x128xf32, #tpu.memory_space<vmem>>, vector<1x128xf32>
    %reduce_sum3A_97 = arith.constant dense<0.000000e+00> : vector<400xf32>
    %reduce_sum3A_98 = vector.multi_reduction <add>, %add3A_90, %reduce_sum3A_97 [1] : vector<400x128xf32> to vector<400xf32>
    %broadcast_in_dim3A_99 = vector.shape_cast %reduce_sum3A_98 : vector<400xf32> to vector<400x1xf32>
    %div3A_100 = arith.constant 1.280000e+02 : f32
    %div3A_101 = vector.broadcast %div3A_100 : f32 to vector<400x1xf32>
    %div3A_102 = arith.divf %broadcast_in_dim3A_99, %div3A_101 : vector<400x1xf32>
    %sub3A_103 = vector.broadcast %div3A_102 : vector<400x1xf32> to vector<400x128xf32>
    %sub3A_104 = arith.subf %add3A_90, %sub3A_103 : vector<400x128xf32>
    %mul3A_105 = arith.mulf %sub3A_104, %sub3A_104 : vector<400x128xf32>
    %reduce_sum3A_106 = arith.constant dense<0.000000e+00> : vector<400xf32>
    %reduce_sum3A_107 = vector.multi_reduction <add>, %mul3A_105, %reduce_sum3A_106 [1] : vector<400x128xf32> to vector<400xf32>
    %broadcast_in_dim3A_108 = vector.shape_cast %reduce_sum3A_107 : vector<400xf32> to vector<400x1xf32>
    %div3A_109 = arith.constant 1.280000e+02 : f32
    %div3A_110 = vector.broadcast %div3A_109 : f32 to vector<400x1xf32>
    %div3A_111 = arith.divf %broadcast_in_dim3A_108, %div3A_110 : vector<400x1xf32>
    %add3A_112 = arith.constant 9.99999974E-6 : f32
    %add3A_113 = vector.broadcast %add3A_112 : f32 to vector<400x1xf32>
    %add3A_114 = arith.addf %div3A_111, %add3A_113 : vector<400x1xf32>
    %rsqrt3A_115 = math.rsqrt %add3A_114 : vector<400x1xf32>
    %mul3A_116 = vector.broadcast %rsqrt3A_115 : vector<400x1xf32> to vector<400x128xf32>
    %mul3A_117 = arith.mulf %sub3A_104, %mul3A_116 : vector<400x128xf32>
    %mul3A_118 = vector.broadcast %get3A_93 : vector<1x128xf32> to vector<400x128xf32>
    %mul3A_119 = arith.mulf %mul3A_117, %mul3A_118 : vector<400x128xf32>
    %add3A_120 = vector.broadcast %get3A_96 : vector<1x128xf32> to vector<400x128xf32>
    %add3A_121 = arith.addf %mul3A_119, %add3A_120 : vector<400x128xf32>
    %swap3A_122 = arith.constant 0 : index
    %swap3A_123 = arith.constant 0 : index
    %swap3A_124 = vector.load %arg19[%swap3A_122, %swap3A_123] : memref<400x128xf32, #tpu.memory_space<vmem>>, vector<400x128xf32>
    tpu.vector_store %arg19[%swap3A_122, %swap3A_123], %add3A_121 {strides = array<i32>} : memref<400x128xf32, #tpu.memory_space<vmem>>, vector<400x128xf32>,
    %get3A_125 = arith.constant 0 : index
    %get3A_126 = arith.constant 0 : index
    %get3A_127 = vector.load %arg16[%get3A_125, %get3A_126] : memref<128x128xf32, #tpu.memory_space<vmem>>, vector<128x128xf32>
    %dot_general3A_128 = arith.constant dense<0.000000e+00> : vector<400x128xf32>
    %dot_general3A_129 = tpu.matmul %add3A_121, %get3A_127, %dot_general3A_128 {dimension_numbers = #tpu.dot_dimension_numbers<[1], [0], [0], [1], [0, 0, 1, 1], [], []>, transpose_lhs_hint = false} : vector<400x128xf32>, vector<128x128xf32>, vector<400x128xf32> -> vector<400x128xf32>
    %swap3A_130 = arith.constant 0 : index
    %swap3A_131 = arith.constant 0 : index
    %swap3A_132 = vector.load %arg20[%swap3A_130, %swap3A_131] : memref<400x128xf32, #tpu.memory_space<vmem>>, vector<400x128xf32>
    tpu.vector_store %arg20[%swap3A_130, %swap3A_131], %dot_general3A_129 {strides = array<i32>} : memref<400x128xf32, #tpu.memory_space<vmem>>, vector<400x128xf32>,
    return
  }
  func.func @transform_0(%arg0: i32) -> (i32, i32) {
    %c0_i32 = arith.constant 0 : i32
    %c0_i32_0 = arith.constant 0 : i32
    return %arg0, %c0_i32 : i32, i32
  }
  func.func @transform_1(%arg0: i32) -> (i32, i32) {
    %c0_i32 = arith.constant 0 : i32
    %c0_i32_0 = arith.constant 0 : i32
    return %arg0, %c0_i32 : i32, i32
  }
  func.func @transform_2(%arg0: i32) -> (i32, i32) {
    %c0_i32 = arith.constant 0 : i32
    %c0_i32_0 = arith.constant 0 : i32
    %c0_i32_1 = arith.constant 0 : i32
    return %c0_i32, %c0_i32_0 : i32, i32
  }
  func.func @transform_3(%arg0: i32) -> (i32, i32) {
    %c0_i32 = arith.constant 0 : i32
    %c0_i32_0 = arith.constant 0 : i32
    %c0_i32_1 = arith.constant 0 : i32
    return %c0_i32, %c0_i32_0 : i32, i32
  }
  func.func @transform_4(%arg0: i32) -> (i32, i32) {
    %c0_i32 = arith.constant 0 : i32
    %c0_i32_0 = arith.constant 0 : i32
    %c0_i32_1 = arith.constant 0 : i32
    return %c0_i32, %c0_i32_0 : i32, i32
  }
  func.func @transform_5(%arg0: i32) -> (i32, i32) {
    %c0_i32 = arith.constant 0 : i32
    %c0_i32_0 = arith.constant 0 : i32
    %c0_i32_1 = arith.constant 0 : i32
    return %c0_i32, %c0_i32_0 : i32, i32
  }
  func.func @transform_6(%arg0: i32) -> (i32, i32) {
    %c0_i32 = arith.constant 0 : i32
    %c0_i32_0 = arith.constant 0 : i32
    %c0_i32_1 = arith.constant 0 : i32
    return %c0_i32, %c0_i32_0 : i32, i32
  }
  func.func @transform_7(%arg0: i32) -> (i32, i32) {
    %c0_i32 = arith.constant 0 : i32
    %c0_i32_0 = arith.constant 0 : i32
    %c0_i32_1 = arith.constant 0 : i32
    return %c0_i32, %c0_i32_0 : i32, i32
  }
  func.func @transform_8(%arg0: i32) -> (i32, i32) {
    %c0_i32 = arith.constant 0 : i32
    %c0_i32_0 = arith.constant 0 : i32
    %c0_i32_1 = arith.constant 0 : i32
    return %c0_i32, %c0_i32_0 : i32, i32
  }
  func.func @transform_9(%arg0: i32) -> (i32, i32) {
    %c0_i32 = arith.constant 0 : i32
    %c0_i32_0 = arith.constant 0 : i32
    %c0_i32_1 = arith.constant 0 : i32
    return %c0_i32, %c0_i32_0 : i32, i32
  }
  func.func @transform_10(%arg0: i32) -> (i32, i32) {
    %c0_i32 = arith.constant 0 : i32
    %c0_i32_0 = arith.constant 0 : i32
    %c0_i32_1 = arith.constant 0 : i32
    return %c0_i32, %c0_i32_0 : i32, i32
  }
  func.func @transform_11(%arg0: i32) -> (i32, i32) {
    %c0_i32 = arith.constant 0 : i32
    %c0_i32_0 = arith.constant 0 : i32
    %c0_i32_1 = arith.constant 0 : i32
    return %c0_i32, %c0_i32_0 : i32, i32
  }
  func.func @transform_12(%arg0: i32) -> (i32, i32) {
    %c0_i32 = arith.constant 0 : i32
    %c0_i32_0 = arith.constant 0 : i32
    %c0_i32_1 = arith.constant 0 : i32
    return %c0_i32, %c0_i32_0 : i32, i32
  }
  func.func @transform_13(%arg0: i32) -> (i32, i32) {
    %c0_i32 = arith.constant 0 : i32
    %c0_i32_0 = arith.constant 0 : i32
    %c0_i32_1 = arith.constant 0 : i32
    return %c0_i32, %c0_i32_0 : i32, i32
  }
  func.func @transform_14(%arg0: i32) -> (i32, i32) {
    %c0_i32 = arith.constant 0 : i32
    %c0_i32_0 = arith.constant 0 : i32
    %c0_i32_1 = arith.constant 0 : i32
    return %c0_i32, %c0_i32_0 : i32, i32
  }
  func.func @transform_15(%arg0: i32) -> (i32, i32) {
    %c0_i32 = arith.constant 0 : i32
    %c0_i32_0 = arith.constant 0 : i32
    %c0_i32_1 = arith.constant 0 : i32
    return %c0_i32, %c0_i32_0 : i32, i32
  }
  func.func @transform_16(%arg0: i32) -> (i32, i32) {
    %c0_i32 = arith.constant 0 : i32
    %c0_i32_0 = arith.constant 0 : i32
    return %arg0, %c0_i32 : i32, i32
  }
  func.func @transform_17(%arg0: i32) -> (i32, i32) {
    %c0_i32 = arith.constant 0 : i32
    %c0_i32_0 = arith.constant 0 : i32
    return %arg0, %c0_i32 : i32, i32
  }
  func.func @transform_18(%arg0: i32) -> (i32, i32) {
    %c0_i32 = arith.constant 0 : i32
    %c0_i32_0 = arith.constant 0 : i32
    return %arg0, %c0_i32 : i32, i32
  }
  func.func @transform_19(%arg0: i32) -> (i32, i32) {
    %c0_i32 = arith.constant 0 : i32
    %c0_i32_0 = arith.constant 0 : i32
    return %arg0, %c0_i32 : i32, i32
  }
}

module attributes {stable_mosaic.version = 14 : i64} {
  func.func @_edge_body(%arg0: i32, %arg1: memref<4x2560xf32, #tpu.memory_space<vmem>>, %arg2: memref<2560x128xf32, #tpu.memory_space<vmem>>, %arg3: memref<4x128xf32, #tpu.memory_space<vmem>>, %arg4: memref<1x128xf32, #tpu.memory_space<vmem>>, %arg5: memref<128x128xf32, #tpu.memory_space<vmem>>, %arg6: memref<1x128xf32, #tpu.memory_space<vmem>>, %arg7: memref<1x128xf32, #tpu.memory_space<vmem>>, %arg8: memref<1x128xf32, #tpu.memory_space<vmem>>, %arg9: memref<128x128xf32, #tpu.memory_space<vmem>>, %arg10: memref<1x128xf32, #tpu.memory_space<vmem>>, %arg11: memref<128x128xf32, #tpu.memory_space<vmem>>, %arg12: memref<1x128xf32, #tpu.memory_space<vmem>>, %arg13: memref<1x128xf32, #tpu.memory_space<vmem>>, %arg14: memref<1x128xf32, #tpu.memory_space<vmem>>, %arg15: memref<2560x128xf32, #tpu.memory_space<vmem>>, %arg16: memref<2560x128xf32, #tpu.memory_space<vmem>>) attributes {dimension_semantics = [#tpu.dimension_semantics<arbitrary>], iteration_bounds = array<i64: 57>, scalar_prefetch = 0 : i64, scratch_operands = 0 : i64, tpu.core_type = #tpu.core_type<tc>, window_params = [{transform_indices = @transform_0, window_bounds = array<i64: 4, 2560>}, {transform_indices = @transform_1, window_bounds = array<i64: 2560, 128>}, {pipeline_mode = #tpu.pipeline_mode<synchronous>, transform_indices = @transform_2, window_bounds = array<i64: 4, 128>}, {pipeline_mode = #tpu.pipeline_mode<synchronous>, transform_indices = @transform_3, window_bounds = array<i64: 1, 128>}, {pipeline_mode = #tpu.pipeline_mode<synchronous>, transform_indices = @transform_4, window_bounds = array<i64: 128, 128>}, {pipeline_mode = #tpu.pipeline_mode<synchronous>, transform_indices = @transform_5, window_bounds = array<i64: 1, 128>}, {pipeline_mode = #tpu.pipeline_mode<synchronous>, transform_indices = @transform_6, window_bounds = array<i64: 1, 128>}, {pipeline_mode = #tpu.pipeline_mode<synchronous>, transform_indices = @transform_7, window_bounds = array<i64: 1, 128>}, {pipeline_mode = #tpu.pipeline_mode<synchronous>, transform_indices = @transform_8, window_bounds = array<i64: 128, 128>}, {pipeline_mode = #tpu.pipeline_mode<synchronous>, transform_indices = @transform_9, window_bounds = array<i64: 1, 128>}, {pipeline_mode = #tpu.pipeline_mode<synchronous>, transform_indices = @transform_10, window_bounds = array<i64: 128, 128>}, {pipeline_mode = #tpu.pipeline_mode<synchronous>, transform_indices = @transform_11, window_bounds = array<i64: 1, 128>}, {pipeline_mode = #tpu.pipeline_mode<synchronous>, transform_indices = @transform_12, window_bounds = array<i64: 1, 128>}, {pipeline_mode = #tpu.pipeline_mode<synchronous>, transform_indices = @transform_13, window_bounds = array<i64: 1, 128>}, {transform_indices = @transform_14, window_bounds = array<i64: 2560, 128>}, {transform_indices = @transform_15, window_bounds = array<i64: 2560, 128>}]} {
    %get3A = arith.constant 0 : index
    %get3A_0 = arith.constant 0 : index
    %get3A_1 = vector.load %arg1[%get3A, %get3A_0] : memref<4x2560xf32, #tpu.memory_space<vmem>>, vector<4x2560xf32>
    %get3A_2 = arith.constant 0 : index
    %get3A_3 = arith.constant 0 : index
    %get3A_4 = vector.load %arg3[%get3A_2, %get3A_3] : memref<4x128xf32, #tpu.memory_space<vmem>>, vector<4x128xf32>
    %dot_general3A = arith.constant dense<0.000000e+00> : vector<2560x128xf32>
    %dot_general3A_5 = tpu.matmul %get3A_1, %get3A_4, %dot_general3A {dimension_numbers = #tpu.dot_dimension_numbers<[0], [0], [1], [1], [0, 1, 1, 1], [], []>, transpose_lhs_hint = false} : vector<4x2560xf32>, vector<4x128xf32>, vector<2560x128xf32> -> vector<2560x128xf32>
    %get3A_6 = arith.constant 0 : index
    %get3A_7 = arith.constant 0 : index
    %get3A_8 = vector.load %arg4[%get3A_6, %get3A_7] : memref<1x128xf32, #tpu.memory_space<vmem>>, vector<1x128xf32>
    %add3A = vector.broadcast %get3A_8 : vector<1x128xf32> to vector<2560x128xf32>
    %add3A_9 = arith.addf %dot_general3A_5, %add3A : vector<2560x128xf32>
    %logistic3A = arith.negf %add3A_9 : vector<2560x128xf32>
    %logistic3A_10 = math.exp %logistic3A : vector<2560x128xf32>
    %logistic3A_11 = arith.constant 1.000000e+00 : f32
    %logistic3A_12 = vector.broadcast %logistic3A_11 : f32 to vector<2560x128xf32>
    %logistic3A_13 = arith.addf %logistic3A_12, %logistic3A_10 : vector<2560x128xf32>
    %logistic3A_14 = arith.divf %logistic3A_12, %logistic3A_13 : vector<2560x128xf32>
    %mul3A = arith.mulf %add3A_9, %logistic3A_14 : vector<2560x128xf32>
    %get3A_15 = arith.constant 0 : index
    %get3A_16 = arith.constant 0 : index
    %get3A_17 = vector.load %arg5[%get3A_15, %get3A_16] : memref<128x128xf32, #tpu.memory_space<vmem>>, vector<128x128xf32>
    %dot_general3A_18 = arith.constant dense<0.000000e+00> : vector<2560x128xf32>
    %dot_general3A_19 = tpu.matmul %mul3A, %get3A_17, %dot_general3A_18 {dimension_numbers = #tpu.dot_dimension_numbers<[1], [0], [0], [1], [0, 0, 1, 1], [], []>, transpose_lhs_hint = false} : vector<2560x128xf32>, vector<128x128xf32>, vector<2560x128xf32> -> vector<2560x128xf32>
    %get3A_20 = arith.constant 0 : index
    %get3A_21 = arith.constant 0 : index
    %get3A_22 = vector.load %arg6[%get3A_20, %get3A_21] : memref<1x128xf32, #tpu.memory_space<vmem>>, vector<1x128xf32>
    %add3A_23 = vector.broadcast %get3A_22 : vector<1x128xf32> to vector<2560x128xf32>
    %add3A_24 = arith.addf %dot_general3A_19, %add3A_23 : vector<2560x128xf32>
    %get3A_25 = arith.constant 0 : index
    %get3A_26 = arith.constant 0 : index
    %get3A_27 = vector.load %arg7[%get3A_25, %get3A_26] : memref<1x128xf32, #tpu.memory_space<vmem>>, vector<1x128xf32>
    %get3A_28 = arith.constant 0 : index
    %get3A_29 = arith.constant 0 : index
    %get3A_30 = vector.load %arg8[%get3A_28, %get3A_29] : memref<1x128xf32, #tpu.memory_space<vmem>>, vector<1x128xf32>
    %reduce_sum3A = arith.constant dense<0.000000e+00> : vector<2560xf32>
    %reduce_sum3A_31 = vector.multi_reduction <add>, %add3A_24, %reduce_sum3A [1] : vector<2560x128xf32> to vector<2560xf32>
    %broadcast_in_dim3A = vector.shape_cast %reduce_sum3A_31 : vector<2560xf32> to vector<2560x1xf32>
    %div3A = arith.constant 1.280000e+02 : f32
    %div3A_32 = vector.broadcast %div3A : f32 to vector<2560x1xf32>
    %div3A_33 = arith.divf %broadcast_in_dim3A, %div3A_32 : vector<2560x1xf32>
    %sub3A = vector.broadcast %div3A_33 : vector<2560x1xf32> to vector<2560x128xf32>
    %sub3A_34 = arith.subf %add3A_24, %sub3A : vector<2560x128xf32>
    %mul3A_35 = arith.mulf %sub3A_34, %sub3A_34 : vector<2560x128xf32>
    %reduce_sum3A_36 = arith.constant dense<0.000000e+00> : vector<2560xf32>
    %reduce_sum3A_37 = vector.multi_reduction <add>, %mul3A_35, %reduce_sum3A_36 [1] : vector<2560x128xf32> to vector<2560xf32>
    %broadcast_in_dim3A_38 = vector.shape_cast %reduce_sum3A_37 : vector<2560xf32> to vector<2560x1xf32>
    %div3A_39 = arith.constant 1.280000e+02 : f32
    %div3A_40 = vector.broadcast %div3A_39 : f32 to vector<2560x1xf32>
    %div3A_41 = arith.divf %broadcast_in_dim3A_38, %div3A_40 : vector<2560x1xf32>
    %add3A_42 = arith.constant 9.99999974E-6 : f32
    %add3A_43 = vector.broadcast %add3A_42 : f32 to vector<2560x1xf32>
    %add3A_44 = arith.addf %div3A_41, %add3A_43 : vector<2560x1xf32>
    %rsqrt3A = math.rsqrt %add3A_44 : vector<2560x1xf32>
    %mul3A_45 = vector.broadcast %rsqrt3A : vector<2560x1xf32> to vector<2560x128xf32>
    %mul3A_46 = arith.mulf %sub3A_34, %mul3A_45 : vector<2560x128xf32>
    %mul3A_47 = vector.broadcast %get3A_27 : vector<1x128xf32> to vector<2560x128xf32>
    %mul3A_48 = arith.mulf %mul3A_46, %mul3A_47 : vector<2560x128xf32>
    %add3A_49 = vector.broadcast %get3A_30 : vector<1x128xf32> to vector<2560x128xf32>
    %add3A_50 = arith.addf %mul3A_48, %add3A_49 : vector<2560x128xf32>
    %get3A_51 = arith.constant 0 : index
    %get3A_52 = arith.constant 0 : index
    %get3A_53 = vector.load %arg9[%get3A_51, %get3A_52] : memref<128x128xf32, #tpu.memory_space<vmem>>, vector<128x128xf32>
    %dot_general3A_54 = arith.constant dense<0.000000e+00> : vector<2560x128xf32>
    %dot_general3A_55 = tpu.matmul %add3A_50, %get3A_53, %dot_general3A_54 {dimension_numbers = #tpu.dot_dimension_numbers<[1], [0], [0], [1], [0, 0, 1, 1], [], []>, transpose_lhs_hint = false} : vector<2560x128xf32>, vector<128x128xf32>, vector<2560x128xf32> -> vector<2560x128xf32>
    %get3A_56 = arith.constant 0 : index
    %get3A_57 = arith.constant 0 : index
    %get3A_58 = vector.load %arg10[%get3A_56, %get3A_57] : memref<1x128xf32, #tpu.memory_space<vmem>>, vector<1x128xf32>
    %add3A_59 = vector.broadcast %get3A_58 : vector<1x128xf32> to vector<2560x128xf32>
    %add3A_60 = arith.addf %dot_general3A_55, %add3A_59 : vector<2560x128xf32>
    %get3A_61 = arith.constant 0 : index
    %get3A_62 = arith.constant 0 : index
    %get3A_63 = vector.load %arg2[%get3A_61, %get3A_62] : memref<2560x128xf32, #tpu.memory_space<vmem>>, vector<2560x128xf32>
    %add3A_64 = arith.addf %add3A_60, %get3A_63 : vector<2560x128xf32>
    %logistic3A_65 = arith.negf %add3A_64 : vector<2560x128xf32>
    %logistic3A_66 = math.exp %logistic3A_65 : vector<2560x128xf32>
    %logistic3A_67 = arith.constant 1.000000e+00 : f32
    %logistic3A_68 = vector.broadcast %logistic3A_67 : f32 to vector<2560x128xf32>
    %logistic3A_69 = arith.addf %logistic3A_68, %logistic3A_66 : vector<2560x128xf32>
    %logistic3A_70 = arith.divf %logistic3A_68, %logistic3A_69 : vector<2560x128xf32>
    %mul3A_71 = arith.mulf %add3A_64, %logistic3A_70 : vector<2560x128xf32>
    %get3A_72 = arith.constant 0 : index
    %get3A_73 = arith.constant 0 : index
    %get3A_74 = vector.load %arg11[%get3A_72, %get3A_73] : memref<128x128xf32, #tpu.memory_space<vmem>>, vector<128x128xf32>
    %dot_general3A_75 = arith.constant dense<0.000000e+00> : vector<2560x128xf32>
    %dot_general3A_76 = tpu.matmul %mul3A_71, %get3A_74, %dot_general3A_75 {dimension_numbers = #tpu.dot_dimension_numbers<[1], [0], [0], [1], [0, 0, 1, 1], [], []>, transpose_lhs_hint = false} : vector<2560x128xf32>, vector<128x128xf32>, vector<2560x128xf32> -> vector<2560x128xf32>
    %get3A_77 = arith.constant 0 : index
    %get3A_78 = arith.constant 0 : index
    %get3A_79 = vector.load %arg12[%get3A_77, %get3A_78] : memref<1x128xf32, #tpu.memory_space<vmem>>, vector<1x128xf32>
    %add3A_80 = vector.broadcast %get3A_79 : vector<1x128xf32> to vector<2560x128xf32>
    %add3A_81 = arith.addf %dot_general3A_76, %add3A_80 : vector<2560x128xf32>
    %get3A_82 = arith.constant 0 : index
    %get3A_83 = arith.constant 0 : index
    %get3A_84 = vector.load %arg13[%get3A_82, %get3A_83] : memref<1x128xf32, #tpu.memory_space<vmem>>, vector<1x128xf32>
    %get3A_85 = arith.constant 0 : index
    %get3A_86 = arith.constant 0 : index
    %get3A_87 = vector.load %arg14[%get3A_85, %get3A_86] : memref<1x128xf32, #tpu.memory_space<vmem>>, vector<1x128xf32>
    %reduce_sum3A_88 = arith.constant dense<0.000000e+00> : vector<2560xf32>
    %reduce_sum3A_89 = vector.multi_reduction <add>, %add3A_81, %reduce_sum3A_88 [1] : vector<2560x128xf32> to vector<2560xf32>
    %broadcast_in_dim3A_90 = vector.shape_cast %reduce_sum3A_89 : vector<2560xf32> to vector<2560x1xf32>
    %div3A_91 = arith.constant 1.280000e+02 : f32
    %div3A_92 = vector.broadcast %div3A_91 : f32 to vector<2560x1xf32>
    %div3A_93 = arith.divf %broadcast_in_dim3A_90, %div3A_92 : vector<2560x1xf32>
    %sub3A_94 = vector.broadcast %div3A_93 : vector<2560x1xf32> to vector<2560x128xf32>
    %sub3A_95 = arith.subf %add3A_81, %sub3A_94 : vector<2560x128xf32>
    %mul3A_96 = arith.mulf %sub3A_95, %sub3A_95 : vector<2560x128xf32>
    %reduce_sum3A_97 = arith.constant dense<0.000000e+00> : vector<2560xf32>
    %reduce_sum3A_98 = vector.multi_reduction <add>, %mul3A_96, %reduce_sum3A_97 [1] : vector<2560x128xf32> to vector<2560xf32>
    %broadcast_in_dim3A_99 = vector.shape_cast %reduce_sum3A_98 : vector<2560xf32> to vector<2560x1xf32>
    %div3A_100 = arith.constant 1.280000e+02 : f32
    %div3A_101 = vector.broadcast %div3A_100 : f32 to vector<2560x1xf32>
    %div3A_102 = arith.divf %broadcast_in_dim3A_99, %div3A_101 : vector<2560x1xf32>
    %add3A_103 = arith.constant 9.99999974E-6 : f32
    %add3A_104 = vector.broadcast %add3A_103 : f32 to vector<2560x1xf32>
    %add3A_105 = arith.addf %div3A_102, %add3A_104 : vector<2560x1xf32>
    %rsqrt3A_106 = math.rsqrt %add3A_105 : vector<2560x1xf32>
    %mul3A_107 = vector.broadcast %rsqrt3A_106 : vector<2560x1xf32> to vector<2560x128xf32>
    %mul3A_108 = arith.mulf %sub3A_95, %mul3A_107 : vector<2560x128xf32>
    %mul3A_109 = vector.broadcast %get3A_84 : vector<1x128xf32> to vector<2560x128xf32>
    %mul3A_110 = arith.mulf %mul3A_108, %mul3A_109 : vector<2560x128xf32>
    %add3A_111 = vector.broadcast %get3A_87 : vector<1x128xf32> to vector<2560x128xf32>
    %add3A_112 = arith.addf %mul3A_110, %add3A_111 : vector<2560x128xf32>
    %swap3A = arith.constant 0 : index
    %swap3A_113 = arith.constant 0 : index
    %swap3A_114 = vector.load %arg16[%swap3A, %swap3A_113] : memref<2560x128xf32, #tpu.memory_space<vmem>>, vector<2560x128xf32>
    tpu.vector_store %arg16[%swap3A, %swap3A_113], %add3A_112 {strides = array<i32>} : memref<2560x128xf32, #tpu.memory_space<vmem>>, vector<2560x128xf32>,
    %add3A_115 = arith.addf %add3A_50, %add3A_112 : vector<2560x128xf32>
    %swap3A_116 = arith.constant 0 : index
    %swap3A_117 = arith.constant 0 : index
    %swap3A_118 = vector.load %arg15[%swap3A_116, %swap3A_117] : memref<2560x128xf32, #tpu.memory_space<vmem>>, vector<2560x128xf32>
    tpu.vector_store %arg15[%swap3A_116, %swap3A_117], %add3A_115 {strides = array<i32>} : memref<2560x128xf32, #tpu.memory_space<vmem>>, vector<2560x128xf32>,
    return
  }
  func.func @transform_0(%arg0: i32) -> (i32, i32) {
    %c0_i32 = arith.constant 0 : i32
    %c0_i32_0 = arith.constant 0 : i32
    return %c0_i32, %arg0 : i32, i32
  }
  func.func @transform_1(%arg0: i32) -> (i32, i32) {
    %c0_i32 = arith.constant 0 : i32
    %c0_i32_0 = arith.constant 0 : i32
    return %arg0, %c0_i32 : i32, i32
  }
  func.func @transform_2(%arg0: i32) -> (i32, i32) {
    %c0_i32 = arith.constant 0 : i32
    %c0_i32_0 = arith.constant 0 : i32
    %c0_i32_1 = arith.constant 0 : i32
    return %c0_i32, %c0_i32_0 : i32, i32
  }
  func.func @transform_3(%arg0: i32) -> (i32, i32) {
    %c0_i32 = arith.constant 0 : i32
    %c0_i32_0 = arith.constant 0 : i32
    %c0_i32_1 = arith.constant 0 : i32
    return %c0_i32, %c0_i32_0 : i32, i32
  }
  func.func @transform_4(%arg0: i32) -> (i32, i32) {
    %c0_i32 = arith.constant 0 : i32
    %c0_i32_0 = arith.constant 0 : i32
    %c0_i32_1 = arith.constant 0 : i32
    return %c0_i32, %c0_i32_0 : i32, i32
  }
  func.func @transform_5(%arg0: i32) -> (i32, i32) {
    %c0_i32 = arith.constant 0 : i32
    %c0_i32_0 = arith.constant 0 : i32
    %c0_i32_1 = arith.constant 0 : i32
    return %c0_i32, %c0_i32_0 : i32, i32
  }
  func.func @transform_6(%arg0: i32) -> (i32, i32) {
    %c0_i32 = arith.constant 0 : i32
    %c0_i32_0 = arith.constant 0 : i32
    %c0_i32_1 = arith.constant 0 : i32
    return %c0_i32, %c0_i32_0 : i32, i32
  }
  func.func @transform_7(%arg0: i32) -> (i32, i32) {
    %c0_i32 = arith.constant 0 : i32
    %c0_i32_0 = arith.constant 0 : i32
    %c0_i32_1 = arith.constant 0 : i32
    return %c0_i32, %c0_i32_0 : i32, i32
  }
  func.func @transform_8(%arg0: i32) -> (i32, i32) {
    %c0_i32 = arith.constant 0 : i32
    %c0_i32_0 = arith.constant 0 : i32
    %c0_i32_1 = arith.constant 0 : i32
    return %c0_i32, %c0_i32_0 : i32, i32
  }
  func.func @transform_9(%arg0: i32) -> (i32, i32) {
    %c0_i32 = arith.constant 0 : i32
    %c0_i32_0 = arith.constant 0 : i32
    %c0_i32_1 = arith.constant 0 : i32
    return %c0_i32, %c0_i32_0 : i32, i32
  }
  func.func @transform_10(%arg0: i32) -> (i32, i32) {
    %c0_i32 = arith.constant 0 : i32
    %c0_i32_0 = arith.constant 0 : i32
    %c0_i32_1 = arith.constant 0 : i32
    return %c0_i32, %c0_i32_0 : i32, i32
  }
  func.func @transform_11(%arg0: i32) -> (i32, i32) {
    %c0_i32 = arith.constant 0 : i32
    %c0_i32_0 = arith.constant 0 : i32
    %c0_i32_1 = arith.constant 0 : i32
    return %c0_i32, %c0_i32_0 : i32, i32
  }
  func.func @transform_12(%arg0: i32) -> (i32, i32) {
    %c0_i32 = arith.constant 0 : i32
    %c0_i32_0 = arith.constant 0 : i32
    %c0_i32_1 = arith.constant 0 : i32
    return %c0_i32, %c0_i32_0 : i32, i32
  }
  func.func @transform_13(%arg0: i32) -> (i32, i32) {
    %c0_i32 = arith.constant 0 : i32
    %c0_i32_0 = arith.constant 0 : i32
    %c0_i32_1 = arith.constant 0 : i32
    return %c0_i32, %c0_i32_0 : i32, i32
  }
  func.func @transform_14(%arg0: i32) -> (i32, i32) {
    %c0_i32 = arith.constant 0 : i32
    %c0_i32_0 = arith.constant 0 : i32
    return %arg0, %c0_i32 : i32, i32
  }
  func.func @transform_15(%arg0: i32) -> (i32, i32) {
    %c0_i32 = arith.constant 0 : i32
    %c0_i32_0 = arith.constant 0 : i32
    return %arg0, %c0_i32 : i32, i32
  }
}

module attributes {stable_mosaic.version = 14 : i64} {
  func.func @_edge_body_b(%arg0: i32, %arg1: memref<4x2560xf32, #tpu.memory_space<vmem>>, %arg2: memref<2560x128xf32, #tpu.memory_space<vmem>>, %arg3: memref<4x128xf32, #tpu.memory_space<vmem>>, %arg4: memref<1x128xf32, #tpu.memory_space<vmem>>, %arg5: memref<128x128xf32, #tpu.memory_space<vmem>>, %arg6: memref<1x128xf32, #tpu.memory_space<vmem>>, %arg7: memref<1x128xf32, #tpu.memory_space<vmem>>, %arg8: memref<1x128xf32, #tpu.memory_space<vmem>>, %arg9: memref<128x128xf32, #tpu.memory_space<vmem>>, %arg10: memref<1x128xf32, #tpu.memory_space<vmem>>, %arg11: memref<128x128xf32, #tpu.memory_space<vmem>>, %arg12: memref<1x128xf32, #tpu.memory_space<vmem>>, %arg13: memref<1x128xf32, #tpu.memory_space<vmem>>, %arg14: memref<1x128xf32, #tpu.memory_space<vmem>>, %arg15: memref<320000x128xf32, #tpu.memory_space<any>>, %arg16: memref<2560x128xf32, #tpu.memory_space<vmem>>, %arg17: memref<2560x128xf32, #tpu.memory_space<vmem>>) attributes {dimension_semantics = [#tpu.dimension_semantics<arbitrary>], iteration_bounds = array<i64: 68>, scalar_prefetch = 0 : i64, scratch_operands = 0 : i64, tpu.core_type = #tpu.core_type<tc>, window_params = [{transform_indices = @transform_0, window_bounds = array<i64: 4, 2560>}, {transform_indices = @transform_1, window_bounds = array<i64: 2560, 128>}, {pipeline_mode = #tpu.pipeline_mode<synchronous>, transform_indices = @transform_2, window_bounds = array<i64: 4, 128>}, {pipeline_mode = #tpu.pipeline_mode<synchronous>, transform_indices = @transform_3, window_bounds = array<i64: 1, 128>}, {pipeline_mode = #tpu.pipeline_mode<synchronous>, transform_indices = @transform_4, window_bounds = array<i64: 128, 128>}, {pipeline_mode = #tpu.pipeline_mode<synchronous>, transform_indices = @transform_5, window_bounds = array<i64: 1, 128>}, {pipeline_mode = #tpu.pipeline_mode<synchronous>, transform_indices = @transform_6, window_bounds = array<i64: 1, 128>}, {pipeline_mode = #tpu.pipeline_mode<synchronous>, transform_indices = @transform_7, window_bounds = array<i64: 1, 128>}, {pipeline_mode = #tpu.pipeline_mode<synchronous>, transform_indices = @transform_8, window_bounds = array<i64: 128, 128>}, {pipeline_mode = #tpu.pipeline_mode<synchronous>, transform_indices = @transform_9, window_bounds = array<i64: 1, 128>}, {pipeline_mode = #tpu.pipeline_mode<synchronous>, transform_indices = @transform_10, window_bounds = array<i64: 128, 128>}, {pipeline_mode = #tpu.pipeline_mode<synchronous>, transform_indices = @transform_11, window_bounds = array<i64: 1, 128>}, {pipeline_mode = #tpu.pipeline_mode<synchronous>, transform_indices = @transform_12, window_bounds = array<i64: 1, 128>}, {pipeline_mode = #tpu.pipeline_mode<synchronous>, transform_indices = @transform_13, window_bounds = array<i64: 1, 128>}, {}, {transform_indices = @transform_15, window_bounds = array<i64: 2560, 128>}, {transform_indices = @transform_16, window_bounds = array<i64: 2560, 128>}]} {
    %get3A = arith.constant 0 : index
    %get3A_0 = arith.constant 0 : index
    %get3A_1 = vector.load %arg1[%get3A, %get3A_0] : memref<4x2560xf32, #tpu.memory_space<vmem>>, vector<4x2560xf32>
    %get3A_2 = arith.constant 0 : index
    %get3A_3 = arith.constant 0 : index
    %get3A_4 = vector.load %arg3[%get3A_2, %get3A_3] : memref<4x128xf32, #tpu.memory_space<vmem>>, vector<4x128xf32>
    %dot_general3A = arith.constant dense<0.000000e+00> : vector<2560x128xf32>
    %dot_general3A_5 = tpu.matmul %get3A_1, %get3A_4, %dot_general3A {dimension_numbers = #tpu.dot_dimension_numbers<[0], [0], [1], [1], [0, 1, 1, 1], [], []>, transpose_lhs_hint = false} : vector<4x2560xf32>, vector<4x128xf32>, vector<2560x128xf32> -> vector<2560x128xf32>
    %get3A_6 = arith.constant 0 : index
    %get3A_7 = arith.constant 0 : index
    %get3A_8 = vector.load %arg4[%get3A_6, %get3A_7] : memref<1x128xf32, #tpu.memory_space<vmem>>, vector<1x128xf32>
    %add3A = vector.broadcast %get3A_8 : vector<1x128xf32> to vector<2560x128xf32>
    %add3A_9 = arith.addf %dot_general3A_5, %add3A : vector<2560x128xf32>
    %logistic3A = arith.negf %add3A_9 : vector<2560x128xf32>
    %logistic3A_10 = math.exp %logistic3A : vector<2560x128xf32>
    %logistic3A_11 = arith.constant 1.000000e+00 : f32
    %logistic3A_12 = vector.broadcast %logistic3A_11 : f32 to vector<2560x128xf32>
    %logistic3A_13 = arith.addf %logistic3A_12, %logistic3A_10 : vector<2560x128xf32>
    %logistic3A_14 = arith.divf %logistic3A_12, %logistic3A_13 : vector<2560x128xf32>
    %mul3A = arith.mulf %add3A_9, %logistic3A_14 : vector<2560x128xf32>
    %get3A_15 = arith.constant 0 : index
    %get3A_16 = arith.constant 0 : index
    %get3A_17 = vector.load %arg5[%get3A_15, %get3A_16] : memref<128x128xf32, #tpu.memory_space<vmem>>, vector<128x128xf32>
    %dot_general3A_18 = arith.constant dense<0.000000e+00> : vector<2560x128xf32>
    %dot_general3A_19 = tpu.matmul %mul3A, %get3A_17, %dot_general3A_18 {dimension_numbers = #tpu.dot_dimension_numbers<[1], [0], [0], [1], [0, 0, 1, 1], [], []>, transpose_lhs_hint = false} : vector<2560x128xf32>, vector<128x128xf32>, vector<2560x128xf32> -> vector<2560x128xf32>
    %get3A_20 = arith.constant 0 : index
    %get3A_21 = arith.constant 0 : index
    %get3A_22 = vector.load %arg6[%get3A_20, %get3A_21] : memref<1x128xf32, #tpu.memory_space<vmem>>, vector<1x128xf32>
    %add3A_23 = vector.broadcast %get3A_22 : vector<1x128xf32> to vector<2560x128xf32>
    %add3A_24 = arith.addf %dot_general3A_19, %add3A_23 : vector<2560x128xf32>
    %get3A_25 = arith.constant 0 : index
    %get3A_26 = arith.constant 0 : index
    %get3A_27 = vector.load %arg7[%get3A_25, %get3A_26] : memref<1x128xf32, #tpu.memory_space<vmem>>, vector<1x128xf32>
    %get3A_28 = arith.constant 0 : index
    %get3A_29 = arith.constant 0 : index
    %get3A_30 = vector.load %arg8[%get3A_28, %get3A_29] : memref<1x128xf32, #tpu.memory_space<vmem>>, vector<1x128xf32>
    %reduce_sum3A = arith.constant dense<0.000000e+00> : vector<2560xf32>
    %reduce_sum3A_31 = vector.multi_reduction <add>, %add3A_24, %reduce_sum3A [1] : vector<2560x128xf32> to vector<2560xf32>
    %broadcast_in_dim3A = vector.shape_cast %reduce_sum3A_31 : vector<2560xf32> to vector<2560x1xf32>
    %div3A = arith.constant 1.280000e+02 : f32
    %div3A_32 = vector.broadcast %div3A : f32 to vector<2560x1xf32>
    %div3A_33 = arith.divf %broadcast_in_dim3A, %div3A_32 : vector<2560x1xf32>
    %sub3A = vector.broadcast %div3A_33 : vector<2560x1xf32> to vector<2560x128xf32>
    %sub3A_34 = arith.subf %add3A_24, %sub3A : vector<2560x128xf32>
    %mul3A_35 = arith.mulf %sub3A_34, %sub3A_34 : vector<2560x128xf32>
    %reduce_sum3A_36 = arith.constant dense<0.000000e+00> : vector<2560xf32>
    %reduce_sum3A_37 = vector.multi_reduction <add>, %mul3A_35, %reduce_sum3A_36 [1] : vector<2560x128xf32> to vector<2560xf32>
    %broadcast_in_dim3A_38 = vector.shape_cast %reduce_sum3A_37 : vector<2560xf32> to vector<2560x1xf32>
    %div3A_39 = arith.constant 1.280000e+02 : f32
    %div3A_40 = vector.broadcast %div3A_39 : f32 to vector<2560x1xf32>
    %div3A_41 = arith.divf %broadcast_in_dim3A_38, %div3A_40 : vector<2560x1xf32>
    %add3A_42 = arith.constant 9.99999974E-6 : f32
    %add3A_43 = vector.broadcast %add3A_42 : f32 to vector<2560x1xf32>
    %add3A_44 = arith.addf %div3A_41, %add3A_43 : vector<2560x1xf32>
    %rsqrt3A = math.rsqrt %add3A_44 : vector<2560x1xf32>
    %mul3A_45 = vector.broadcast %rsqrt3A : vector<2560x1xf32> to vector<2560x128xf32>
    %mul3A_46 = arith.mulf %sub3A_34, %mul3A_45 : vector<2560x128xf32>
    %mul3A_47 = vector.broadcast %get3A_27 : vector<1x128xf32> to vector<2560x128xf32>
    %mul3A_48 = arith.mulf %mul3A_46, %mul3A_47 : vector<2560x128xf32>
    %add3A_49 = vector.broadcast %get3A_30 : vector<1x128xf32> to vector<2560x128xf32>
    %add3A_50 = arith.addf %mul3A_48, %add3A_49 : vector<2560x128xf32>
    %get3A_51 = arith.constant 0 : index
    %get3A_52 = arith.constant 0 : index
    %get3A_53 = vector.load %arg9[%get3A_51, %get3A_52] : memref<128x128xf32, #tpu.memory_space<vmem>>, vector<128x128xf32>
    %dot_general3A_54 = arith.constant dense<0.000000e+00> : vector<2560x128xf32>
    %dot_general3A_55 = tpu.matmul %add3A_50, %get3A_53, %dot_general3A_54 {dimension_numbers = #tpu.dot_dimension_numbers<[1], [0], [0], [1], [0, 0, 1, 1], [], []>, transpose_lhs_hint = false} : vector<2560x128xf32>, vector<128x128xf32>, vector<2560x128xf32> -> vector<2560x128xf32>
    %get3A_56 = arith.constant 0 : index
    %get3A_57 = arith.constant 0 : index
    %get3A_58 = vector.load %arg10[%get3A_56, %get3A_57] : memref<1x128xf32, #tpu.memory_space<vmem>>, vector<1x128xf32>
    %add3A_59 = vector.broadcast %get3A_58 : vector<1x128xf32> to vector<2560x128xf32>
    %add3A_60 = arith.addf %dot_general3A_55, %add3A_59 : vector<2560x128xf32>
    %get3A_61 = arith.constant 0 : index
    %get3A_62 = arith.constant 0 : index
    %get3A_63 = vector.load %arg2[%get3A_61, %get3A_62] : memref<2560x128xf32, #tpu.memory_space<vmem>>, vector<2560x128xf32>
    %add3A_64 = arith.addf %add3A_60, %get3A_63 : vector<2560x128xf32>
    %logistic3A_65 = arith.negf %add3A_64 : vector<2560x128xf32>
    %logistic3A_66 = math.exp %logistic3A_65 : vector<2560x128xf32>
    %logistic3A_67 = arith.constant 1.000000e+00 : f32
    %logistic3A_68 = vector.broadcast %logistic3A_67 : f32 to vector<2560x128xf32>
    %logistic3A_69 = arith.addf %logistic3A_68, %logistic3A_66 : vector<2560x128xf32>
    %logistic3A_70 = arith.divf %logistic3A_68, %logistic3A_69 : vector<2560x128xf32>
    %mul3A_71 = arith.mulf %add3A_64, %logistic3A_70 : vector<2560x128xf32>
    %get3A_72 = arith.constant 0 : index
    %get3A_73 = arith.constant 0 : index
    %get3A_74 = vector.load %arg11[%get3A_72, %get3A_73] : memref<128x128xf32, #tpu.memory_space<vmem>>, vector<128x128xf32>
    %dot_general3A_75 = arith.constant dense<0.000000e+00> : vector<2560x128xf32>
    %dot_general3A_76 = tpu.matmul %mul3A_71, %get3A_74, %dot_general3A_75 {dimension_numbers = #tpu.dot_dimension_numbers<[1], [0], [0], [1], [0, 0, 1, 1], [], []>, transpose_lhs_hint = false} : vector<2560x128xf32>, vector<128x128xf32>, vector<2560x128xf32> -> vector<2560x128xf32>
    %get3A_77 = arith.constant 0 : index
    %get3A_78 = arith.constant 0 : index
    %get3A_79 = vector.load %arg12[%get3A_77, %get3A_78] : memref<1x128xf32, #tpu.memory_space<vmem>>, vector<1x128xf32>
    %add3A_80 = vector.broadcast %get3A_79 : vector<1x128xf32> to vector<2560x128xf32>
    %add3A_81 = arith.addf %dot_general3A_76, %add3A_80 : vector<2560x128xf32>
    %get3A_82 = arith.constant 0 : index
    %get3A_83 = arith.constant 0 : index
    %get3A_84 = vector.load %arg13[%get3A_82, %get3A_83] : memref<1x128xf32, #tpu.memory_space<vmem>>, vector<1x128xf32>
    %get3A_85 = arith.constant 0 : index
    %get3A_86 = arith.constant 0 : index
    %get3A_87 = vector.load %arg14[%get3A_85, %get3A_86] : memref<1x128xf32, #tpu.memory_space<vmem>>, vector<1x128xf32>
    %reduce_sum3A_88 = arith.constant dense<0.000000e+00> : vector<2560xf32>
    %reduce_sum3A_89 = vector.multi_reduction <add>, %add3A_81, %reduce_sum3A_88 [1] : vector<2560x128xf32> to vector<2560xf32>
    %broadcast_in_dim3A_90 = vector.shape_cast %reduce_sum3A_89 : vector<2560xf32> to vector<2560x1xf32>
    %div3A_91 = arith.constant 1.280000e+02 : f32
    %div3A_92 = vector.broadcast %div3A_91 : f32 to vector<2560x1xf32>
    %div3A_93 = arith.divf %broadcast_in_dim3A_90, %div3A_92 : vector<2560x1xf32>
    %sub3A_94 = vector.broadcast %div3A_93 : vector<2560x1xf32> to vector<2560x128xf32>
    %sub3A_95 = arith.subf %add3A_81, %sub3A_94 : vector<2560x128xf32>
    %mul3A_96 = arith.mulf %sub3A_95, %sub3A_95 : vector<2560x128xf32>
    %reduce_sum3A_97 = arith.constant dense<0.000000e+00> : vector<2560xf32>
    %reduce_sum3A_98 = vector.multi_reduction <add>, %mul3A_96, %reduce_sum3A_97 [1] : vector<2560x128xf32> to vector<2560xf32>
    %broadcast_in_dim3A_99 = vector.shape_cast %reduce_sum3A_98 : vector<2560xf32> to vector<2560x1xf32>
    %div3A_100 = arith.constant 1.280000e+02 : f32
    %div3A_101 = vector.broadcast %div3A_100 : f32 to vector<2560x1xf32>
    %div3A_102 = arith.divf %broadcast_in_dim3A_99, %div3A_101 : vector<2560x1xf32>
    %add3A_103 = arith.constant 9.99999974E-6 : f32
    %add3A_104 = vector.broadcast %add3A_103 : f32 to vector<2560x1xf32>
    %add3A_105 = arith.addf %div3A_102, %add3A_104 : vector<2560x1xf32>
    %rsqrt3A_106 = math.rsqrt %add3A_105 : vector<2560x1xf32>
    %mul3A_107 = vector.broadcast %rsqrt3A_106 : vector<2560x1xf32> to vector<2560x128xf32>
    %mul3A_108 = arith.mulf %sub3A_95, %mul3A_107 : vector<2560x128xf32>
    %mul3A_109 = vector.broadcast %get3A_84 : vector<1x128xf32> to vector<2560x128xf32>
    %mul3A_110 = arith.mulf %mul3A_108, %mul3A_109 : vector<2560x128xf32>
    %add3A_111 = vector.broadcast %get3A_87 : vector<1x128xf32> to vector<2560x128xf32>
    %add3A_112 = arith.addf %mul3A_110, %add3A_111 : vector<2560x128xf32>
    %swap3A = arith.constant 0 : index
    %swap3A_113 = arith.constant 0 : index
    %swap3A_114 = vector.load %arg17[%swap3A, %swap3A_113] : memref<2560x128xf32, #tpu.memory_space<vmem>>, vector<2560x128xf32>
    tpu.vector_store %arg17[%swap3A, %swap3A_113], %add3A_112 {strides = array<i32>} : memref<2560x128xf32, #tpu.memory_space<vmem>>, vector<2560x128xf32>,
    %add3A_115 = arith.addf %add3A_50, %add3A_112 : vector<2560x128xf32>
    %swap3A_116 = arith.constant 0 : index
    %swap3A_117 = arith.constant 0 : index
    %swap3A_118 = vector.load %arg16[%swap3A_116, %swap3A_117] : memref<2560x128xf32, #tpu.memory_space<vmem>>, vector<2560x128xf32>
    tpu.vector_store %arg16[%swap3A_116, %swap3A_117], %add3A_115 {strides = array<i32>} : memref<2560x128xf32, #tpu.memory_space<vmem>>, vector<2560x128xf32>,
    return
  }
  func.func @transform_0(%arg0: i32) -> (i32, i32) {
    %add3A = arith.constant 57 : i32
    %add3A_0 = arith.addi %arg0, %add3A : i32
    %c0_i32 = arith.constant 0 : i32
    %c0_i32_1 = arith.constant 0 : i32
    return %c0_i32, %add3A_0 : i32, i32
  }
  func.func @transform_1(%arg0: i32) -> (i32, i32) {
    %c0_i32 = arith.constant 0 : i32
    %c0_i32_0 = arith.constant 0 : i32
    return %arg0, %c0_i32 : i32, i32
  }
  func.func @transform_2(%arg0: i32) -> (i32, i32) {
    %c0_i32 = arith.constant 0 : i32
    %c0_i32_0 = arith.constant 0 : i32
    %c0_i32_1 = arith.constant 0 : i32
    return %c0_i32, %c0_i32_0 : i32, i32
  }
  func.func @transform_3(%arg0: i32) -> (i32, i32) {
    %c0_i32 = arith.constant 0 : i32
    %c0_i32_0 = arith.constant 0 : i32
    %c0_i32_1 = arith.constant 0 : i32
    return %c0_i32, %c0_i32_0 : i32, i32
  }
  func.func @transform_4(%arg0: i32) -> (i32, i32) {
    %c0_i32 = arith.constant 0 : i32
    %c0_i32_0 = arith.constant 0 : i32
    %c0_i32_1 = arith.constant 0 : i32
    return %c0_i32, %c0_i32_0 : i32, i32
  }
  func.func @transform_5(%arg0: i32) -> (i32, i32) {
    %c0_i32 = arith.constant 0 : i32
    %c0_i32_0 = arith.constant 0 : i32
    %c0_i32_1 = arith.constant 0 : i32
    return %c0_i32, %c0_i32_0 : i32, i32
  }
  func.func @transform_6(%arg0: i32) -> (i32, i32) {
    %c0_i32 = arith.constant 0 : i32
    %c0_i32_0 = arith.constant 0 : i32
    %c0_i32_1 = arith.constant 0 : i32
    return %c0_i32, %c0_i32_0 : i32, i32
  }
  func.func @transform_7(%arg0: i32) -> (i32, i32) {
    %c0_i32 = arith.constant 0 : i32
    %c0_i32_0 = arith.constant 0 : i32
    %c0_i32_1 = arith.constant 0 : i32
    return %c0_i32, %c0_i32_0 : i32, i32
  }
  func.func @transform_8(%arg0: i32) -> (i32, i32) {
    %c0_i32 = arith.constant 0 : i32
    %c0_i32_0 = arith.constant 0 : i32
    %c0_i32_1 = arith.constant 0 : i32
    return %c0_i32, %c0_i32_0 : i32, i32
  }
  func.func @transform_9(%arg0: i32) -> (i32, i32) {
    %c0_i32 = arith.constant 0 : i32
    %c0_i32_0 = arith.constant 0 : i32
    %c0_i32_1 = arith.constant 0 : i32
    return %c0_i32, %c0_i32_0 : i32, i32
  }
  func.func @transform_10(%arg0: i32) -> (i32, i32) {
    %c0_i32 = arith.constant 0 : i32
    %c0_i32_0 = arith.constant 0 : i32
    %c0_i32_1 = arith.constant 0 : i32
    return %c0_i32, %c0_i32_0 : i32, i32
  }
  func.func @transform_11(%arg0: i32) -> (i32, i32) {
    %c0_i32 = arith.constant 0 : i32
    %c0_i32_0 = arith.constant 0 : i32
    %c0_i32_1 = arith.constant 0 : i32
    return %c0_i32, %c0_i32_0 : i32, i32
  }
  func.func @transform_12(%arg0: i32) -> (i32, i32) {
    %c0_i32 = arith.constant 0 : i32
    %c0_i32_0 = arith.constant 0 : i32
    %c0_i32_1 = arith.constant 0 : i32
    return %c0_i32, %c0_i32_0 : i32, i32
  }
  func.func @transform_13(%arg0: i32) -> (i32, i32) {
    %c0_i32 = arith.constant 0 : i32
    %c0_i32_0 = arith.constant 0 : i32
    %c0_i32_1 = arith.constant 0 : i32
    return %c0_i32, %c0_i32_0 : i32, i32
  }
  func.func @transform_15(%arg0: i32) -> (i32, i32) {
    %add3A = arith.constant 57 : i32
    %add3A_0 = arith.addi %arg0, %add3A : i32
    %c0_i32 = arith.constant 0 : i32
    %c0_i32_1 = arith.constant 0 : i32
    return %add3A_0, %c0_i32 : i32, i32
  }
  func.func @transform_16(%arg0: i32) -> (i32, i32) {
    %c0_i32 = arith.constant 0 : i32
    %c0_i32_0 = arith.constant 0 : i32
    return %arg0, %c0_i32 : i32, i32
  }
}

module attributes {stable_mosaic.version = 14 : i64} {
  func.func @_gout_body(%arg0: i32, %arg1: memref<400x128xf32, #tpu.memory_space<vmem>>, %arg2: memref<128x128xf32, #tpu.memory_space<vmem>>, %arg3: memref<1x128xf32, #tpu.memory_space<vmem>>, %arg4: memref<128x128xf32, #tpu.memory_space<vmem>>, %arg5: memref<1x128xf32, #tpu.memory_space<vmem>>, %arg6: memref<1x128xf32, #tpu.memory_space<vmem>>, %arg7: memref<1x128xf32, #tpu.memory_space<vmem>>, %arg8: memref<400x128xf32, #tpu.memory_space<vmem>>) attributes {dimension_semantics = [#tpu.dimension_semantics<arbitrary>], iteration_bounds = array<i64: 25>, scalar_prefetch = 0 : i64, scratch_operands = 0 : i64, tpu.core_type = #tpu.core_type<tc>, window_params = [{transform_indices = @transform_0, window_bounds = array<i64: 400, 128>}, {pipeline_mode = #tpu.pipeline_mode<synchronous>, transform_indices = @transform_1, window_bounds = array<i64: 128, 128>}, {pipeline_mode = #tpu.pipeline_mode<synchronous>, transform_indices = @transform_2, window_bounds = array<i64: 1, 128>}, {pipeline_mode = #tpu.pipeline_mode<synchronous>, transform_indices = @transform_3, window_bounds = array<i64: 128, 128>}, {pipeline_mode = #tpu.pipeline_mode<synchronous>, transform_indices = @transform_4, window_bounds = array<i64: 1, 128>}, {pipeline_mode = #tpu.pipeline_mode<synchronous>, transform_indices = @transform_5, window_bounds = array<i64: 1, 128>}, {pipeline_mode = #tpu.pipeline_mode<synchronous>, transform_indices = @transform_6, window_bounds = array<i64: 1, 128>}, {transform_indices = @transform_7, window_bounds = array<i64: 400, 128>}]} {
    %get3A = arith.constant 0 : index
    %get3A_0 = arith.constant 0 : index
    %get3A_1 = vector.load %arg1[%get3A, %get3A_0] : memref<400x128xf32, #tpu.memory_space<vmem>>, vector<400x128xf32>
    %get3A_2 = arith.constant 0 : index
    %get3A_3 = arith.constant 0 : index
    %get3A_4 = vector.load %arg2[%get3A_2, %get3A_3] : memref<128x128xf32, #tpu.memory_space<vmem>>, vector<128x128xf32>
    %dot_general3A = arith.constant dense<0.000000e+00> : vector<400x128xf32>
    %dot_general3A_5 = tpu.matmul %get3A_1, %get3A_4, %dot_general3A {dimension_numbers = #tpu.dot_dimension_numbers<[1], [0], [0], [1], [0, 0, 1, 1], [], []>, transpose_lhs_hint = false} : vector<400x128xf32>, vector<128x128xf32>, vector<400x128xf32> -> vector<400x128xf32>
    %get3A_6 = arith.constant 0 : index
    %get3A_7 = arith.constant 0 : index
    %get3A_8 = vector.load %arg3[%get3A_6, %get3A_7] : memref<1x128xf32, #tpu.memory_space<vmem>>, vector<1x128xf32>
    %add3A = vector.broadcast %get3A_8 : vector<1x128xf32> to vector<400x128xf32>
    %add3A_9 = arith.addf %dot_general3A_5, %add3A : vector<400x128xf32>
    %logistic3A = arith.negf %add3A_9 : vector<400x128xf32>
    %logistic3A_10 = math.exp %logistic3A : vector<400x128xf32>
    %logistic3A_11 = arith.constant 1.000000e+00 : f32
    %logistic3A_12 = vector.broadcast %logistic3A_11 : f32 to vector<400x128xf32>
    %logistic3A_13 = arith.addf %logistic3A_12, %logistic3A_10 : vector<400x128xf32>
    %logistic3A_14 = arith.divf %logistic3A_12, %logistic3A_13 : vector<400x128xf32>
    %mul3A = arith.mulf %add3A_9, %logistic3A_14 : vector<400x128xf32>
    %get3A_15 = arith.constant 0 : index
    %get3A_16 = arith.constant 0 : index
    %get3A_17 = vector.load %arg4[%get3A_15, %get3A_16] : memref<128x128xf32, #tpu.memory_space<vmem>>, vector<128x128xf32>
    %dot_general3A_18 = arith.constant dense<0.000000e+00> : vector<400x128xf32>
    %dot_general3A_19 = tpu.matmul %mul3A, %get3A_17, %dot_general3A_18 {dimension_numbers = #tpu.dot_dimension_numbers<[1], [0], [0], [1], [0, 0, 1, 1], [], []>, transpose_lhs_hint = false} : vector<400x128xf32>, vector<128x128xf32>, vector<400x128xf32> -> vector<400x128xf32>
    %get3A_20 = arith.constant 0 : index
    %get3A_21 = arith.constant 0 : index
    %get3A_22 = vector.load %arg5[%get3A_20, %get3A_21] : memref<1x128xf32, #tpu.memory_space<vmem>>, vector<1x128xf32>
    %add3A_23 = vector.broadcast %get3A_22 : vector<1x128xf32> to vector<400x128xf32>
    %add3A_24 = arith.addf %dot_general3A_19, %add3A_23 : vector<400x128xf32>
    %get3A_25 = arith.constant 0 : index
    %get3A_26 = arith.constant 0 : index
    %get3A_27 = vector.load %arg1[%get3A_25, %get3A_26] : memref<400x128xf32, #tpu.memory_space<vmem>>, vector<400x128xf32>
    %get3A_28 = arith.constant 0 : index
    %get3A_29 = arith.constant 0 : index
    %get3A_30 = vector.load %arg6[%get3A_28, %get3A_29] : memref<1x128xf32, #tpu.memory_space<vmem>>, vector<1x128xf32>
    %get3A_31 = arith.constant 0 : index
    %get3A_32 = arith.constant 0 : index
    %get3A_33 = vector.load %arg7[%get3A_31, %get3A_32] : memref<1x128xf32, #tpu.memory_space<vmem>>, vector<1x128xf32>
    %reduce_sum3A = arith.constant dense<0.000000e+00> : vector<400xf32>
    %reduce_sum3A_34 = vector.multi_reduction <add>, %add3A_24, %reduce_sum3A [1] : vector<400x128xf32> to vector<400xf32>
    %broadcast_in_dim3A = vector.shape_cast %reduce_sum3A_34 : vector<400xf32> to vector<400x1xf32>
    %div3A = arith.constant 1.280000e+02 : f32
    %div3A_35 = vector.broadcast %div3A : f32 to vector<400x1xf32>
    %div3A_36 = arith.divf %broadcast_in_dim3A, %div3A_35 : vector<400x1xf32>
    %sub3A = vector.broadcast %div3A_36 : vector<400x1xf32> to vector<400x128xf32>
    %sub3A_37 = arith.subf %add3A_24, %sub3A : vector<400x128xf32>
    %mul3A_38 = arith.mulf %sub3A_37, %sub3A_37 : vector<400x128xf32>
    %reduce_sum3A_39 = arith.constant dense<0.000000e+00> : vector<400xf32>
    %reduce_sum3A_40 = vector.multi_reduction <add>, %mul3A_38, %reduce_sum3A_39 [1] : vector<400x128xf32> to vector<400xf32>
    %broadcast_in_dim3A_41 = vector.shape_cast %reduce_sum3A_40 : vector<400xf32> to vector<400x1xf32>
    %div3A_42 = arith.constant 1.280000e+02 : f32
    %div3A_43 = vector.broadcast %div3A_42 : f32 to vector<400x1xf32>
    %div3A_44 = arith.divf %broadcast_in_dim3A_41, %div3A_43 : vector<400x1xf32>
    %add3A_45 = arith.constant 9.99999974E-6 : f32
    %add3A_46 = vector.broadcast %add3A_45 : f32 to vector<400x1xf32>
    %add3A_47 = arith.addf %div3A_44, %add3A_46 : vector<400x1xf32>
    %rsqrt3A = math.rsqrt %add3A_47 : vector<400x1xf32>
    %mul3A_48 = vector.broadcast %rsqrt3A : vector<400x1xf32> to vector<400x128xf32>
    %mul3A_49 = arith.mulf %sub3A_37, %mul3A_48 : vector<400x128xf32>
    %mul3A_50 = vector.broadcast %get3A_30 : vector<1x128xf32> to vector<400x128xf32>
    %mul3A_51 = arith.mulf %mul3A_49, %mul3A_50 : vector<400x128xf32>
    %add3A_52 = vector.broadcast %get3A_33 : vector<1x128xf32> to vector<400x128xf32>
    %add3A_53 = arith.addf %mul3A_51, %add3A_52 : vector<400x128xf32>
    %add3A_54 = arith.addf %get3A_27, %add3A_53 : vector<400x128xf32>
    %swap3A = arith.constant 0 : index
    %swap3A_55 = arith.constant 0 : index
    %swap3A_56 = vector.load %arg8[%swap3A, %swap3A_55] : memref<400x128xf32, #tpu.memory_space<vmem>>, vector<400x128xf32>
    tpu.vector_store %arg8[%swap3A, %swap3A_55], %add3A_54 {strides = array<i32>} : memref<400x128xf32, #tpu.memory_space<vmem>>, vector<400x128xf32>,
    return
  }
  func.func @transform_0(%arg0: i32) -> (i32, i32) {
    %c0_i32 = arith.constant 0 : i32
    %c0_i32_0 = arith.constant 0 : i32
    return %arg0, %c0_i32 : i32, i32
  }
  func.func @transform_1(%arg0: i32) -> (i32, i32) {
    %c0_i32 = arith.constant 0 : i32
    %c0_i32_0 = arith.constant 0 : i32
    %c0_i32_1 = arith.constant 0 : i32
    return %c0_i32, %c0_i32_0 : i32, i32
  }
  func.func @transform_2(%arg0: i32) -> (i32, i32) {
    %c0_i32 = arith.constant 0 : i32
    %c0_i32_0 = arith.constant 0 : i32
    %c0_i32_1 = arith.constant 0 : i32
    return %c0_i32, %c0_i32_0 : i32, i32
  }
  func.func @transform_3(%arg0: i32) -> (i32, i32) {
    %c0_i32 = arith.constant 0 : i32
    %c0_i32_0 = arith.constant 0 : i32
    %c0_i32_1 = arith.constant 0 : i32
    return %c0_i32, %c0_i32_0 : i32, i32
  }
  func.func @transform_4(%arg0: i32) -> (i32, i32) {
    %c0_i32 = arith.constant 0 : i32
    %c0_i32_0 = arith.constant 0 : i32
    %c0_i32_1 = arith.constant 0 : i32
    return %c0_i32, %c0_i32_0 : i32, i32
  }
  func.func @transform_5(%arg0: i32) -> (i32, i32) {
    %c0_i32 = arith.constant 0 : i32
    %c0_i32_0 = arith.constant 0 : i32
    %c0_i32_1 = arith.constant 0 : i32
    return %c0_i32, %c0_i32_0 : i32, i32
  }
  func.func @transform_6(%arg0: i32) -> (i32, i32) {
    %c0_i32 = arith.constant 0 : i32
    %c0_i32_0 = arith.constant 0 : i32
    %c0_i32_1 = arith.constant 0 : i32
    return %c0_i32, %c0_i32_0 : i32, i32
  }
  func.func @transform_7(%arg0: i32) -> (i32, i32) {
    %c0_i32 = arith.constant 0 : i32
    %c0_i32_0 = arith.constant 0 : i32
    return %arg0, %c0_i32 : i32, i32
  }
}

module attributes {stable_mosaic.version = 14 : i64} {
  func.func @_node_body(%arg0: i32, %arg1: memref<400x128xf32, #tpu.memory_space<vmem>>, %arg2: memref<1x400x128xf32, #tpu.memory_space<vmem>>, %arg3: memref<1x400x128xf32, #tpu.memory_space<vmem>>, %arg4: memref<1x400x128xf32, #tpu.memory_space<vmem>>, %arg5: memref<1x400x128xf32, #tpu.memory_space<vmem>>, %arg6: memref<128x128xf32, #tpu.memory_space<vmem>>, %arg7: memref<128x128xf32, #tpu.memory_space<vmem>>, %arg8: memref<1x128xf32, #tpu.memory_space<vmem>>, %arg9: memref<128x128xf32, #tpu.memory_space<vmem>>, %arg10: memref<1x128xf32, #tpu.memory_space<vmem>>, %arg11: memref<1x128xf32, #tpu.memory_space<vmem>>, %arg12: memref<1x128xf32, #tpu.memory_space<vmem>>, %arg13: memref<400x128xf32, #tpu.memory_space<vmem>>) attributes {dimension_semantics = [#tpu.dimension_semantics<arbitrary>], iteration_bounds = array<i64: 25>, scalar_prefetch = 0 : i64, scratch_operands = 0 : i64, tpu.core_type = #tpu.core_type<tc>, window_params = [{transform_indices = @transform_0, window_bounds = array<i64: 400, 128>}, {transform_indices = @transform_1, window_bounds = array<i64: 1, 400, 128>}, {transform_indices = @transform_2, window_bounds = array<i64: 1, 400, 128>}, {transform_indices = @transform_3, window_bounds = array<i64: 1, 400, 128>}, {transform_indices = @transform_4, window_bounds = array<i64: 1, 400, 128>}, {pipeline_mode = #tpu.pipeline_mode<synchronous>, transform_indices = @transform_5, window_bounds = array<i64: 128, 128>}, {pipeline_mode = #tpu.pipeline_mode<synchronous>, transform_indices = @transform_6, window_bounds = array<i64: 128, 128>}, {pipeline_mode = #tpu.pipeline_mode<synchronous>, transform_indices = @transform_7, window_bounds = array<i64: 1, 128>}, {pipeline_mode = #tpu.pipeline_mode<synchronous>, transform_indices = @transform_8, window_bounds = array<i64: 128, 128>}, {pipeline_mode = #tpu.pipeline_mode<synchronous>, transform_indices = @transform_9, window_bounds = array<i64: 1, 128>}, {pipeline_mode = #tpu.pipeline_mode<synchronous>, transform_indices = @transform_10, window_bounds = array<i64: 1, 128>}, {pipeline_mode = #tpu.pipeline_mode<synchronous>, transform_indices = @transform_11, window_bounds = array<i64: 1, 128>}, {transform_indices = @transform_12, window_bounds = array<i64: 400, 128>}]} {
    %get3A = arith.constant 0 : index
    %get3A_0 = arith.constant 0 : index
    %get3A_1 = arith.constant 0 : index
    %get3A_2 = vector.load %arg2[%get3A, %get3A_0, %get3A_1] : memref<1x400x128xf32, #tpu.memory_space<vmem>>, vector<1x400x128xf32>
    %get3A_3 = vector.shape_cast %get3A_2 : vector<1x400x128xf32> to vector<400x128xf32>
    %get3A_4 = arith.constant 0 : index
    %get3A_5 = arith.constant 0 : index
    %get3A_6 = arith.constant 0 : index
    %get3A_7 = vector.load %arg3[%get3A_4, %get3A_5, %get3A_6] : memref<1x400x128xf32, #tpu.memory_space<vmem>>, vector<1x400x128xf32>
    %get3A_8 = vector.shape_cast %get3A_7 : vector<1x400x128xf32> to vector<400x128xf32>
    %add3A = arith.addf %get3A_3, %get3A_8 : vector<400x128xf32>
    %get3A_9 = arith.constant 0 : index
    %get3A_10 = arith.constant 0 : index
    %get3A_11 = arith.constant 0 : index
    %get3A_12 = vector.load %arg4[%get3A_9, %get3A_10, %get3A_11] : memref<1x400x128xf32, #tpu.memory_space<vmem>>, vector<1x400x128xf32>
    %get3A_13 = vector.shape_cast %get3A_12 : vector<1x400x128xf32> to vector<400x128xf32>
    %add3A_14 = arith.addf %add3A, %get3A_13 : vector<400x128xf32>
    %get3A_15 = arith.constant 0 : index
    %get3A_16 = arith.constant 0 : index
    %get3A_17 = arith.constant 0 : index
    %get3A_18 = vector.load %arg5[%get3A_15, %get3A_16, %get3A_17] : memref<1x400x128xf32, #tpu.memory_space<vmem>>, vector<1x400x128xf32>
    %get3A_19 = vector.shape_cast %get3A_18 : vector<1x400x128xf32> to vector<400x128xf32>
    %add3A_20 = arith.addf %add3A_14, %get3A_19 : vector<400x128xf32>
    %get3A_21 = arith.constant 0 : index
    %get3A_22 = arith.constant 0 : index
    %get3A_23 = vector.load %arg6[%get3A_21, %get3A_22] : memref<128x128xf32, #tpu.memory_space<vmem>>, vector<128x128xf32>
    %dot_general3A = arith.constant dense<0.000000e+00> : vector<400x128xf32>
    %dot_general3A_24 = tpu.matmul %add3A_20, %get3A_23, %dot_general3A {dimension_numbers = #tpu.dot_dimension_numbers<[1], [0], [0], [1], [0, 0, 1, 1], [], []>, transpose_lhs_hint = false} : vector<400x128xf32>, vector<128x128xf32>, vector<400x128xf32> -> vector<400x128xf32>
    %get3A_25 = arith.constant 0 : index
    %get3A_26 = arith.constant 0 : index
    %get3A_27 = vector.load %arg1[%get3A_25, %get3A_26] : memref<400x128xf32, #tpu.memory_space<vmem>>, vector<400x128xf32>
    %get3A_28 = arith.constant 0 : index
    %get3A_29 = arith.constant 0 : index
    %get3A_30 = vector.load %arg7[%get3A_28, %get3A_29] : memref<128x128xf32, #tpu.memory_space<vmem>>, vector<128x128xf32>
    %dot_general3A_31 = arith.constant dense<0.000000e+00> : vector<400x128xf32>
    %dot_general3A_32 = tpu.matmul %get3A_27, %get3A_30, %dot_general3A_31 {dimension_numbers = #tpu.dot_dimension_numbers<[1], [0], [0], [1], [0, 0, 1, 1], [], []>, transpose_lhs_hint = false} : vector<400x128xf32>, vector<128x128xf32>, vector<400x128xf32> -> vector<400x128xf32>
    %add3A_33 = arith.addf %dot_general3A_24, %dot_general3A_32 : vector<400x128xf32>
    %get3A_34 = arith.constant 0 : index
    %get3A_35 = arith.constant 0 : index
    %get3A_36 = vector.load %arg8[%get3A_34, %get3A_35] : memref<1x128xf32, #tpu.memory_space<vmem>>, vector<1x128xf32>
    %add3A_37 = vector.broadcast %get3A_36 : vector<1x128xf32> to vector<400x128xf32>
    %add3A_38 = arith.addf %add3A_33, %add3A_37 : vector<400x128xf32>
    %logistic3A = arith.negf %add3A_38 : vector<400x128xf32>
    %logistic3A_39 = math.exp %logistic3A : vector<400x128xf32>
    %logistic3A_40 = arith.constant 1.000000e+00 : f32
    %logistic3A_41 = vector.broadcast %logistic3A_40 : f32 to vector<400x128xf32>
    %logistic3A_42 = arith.addf %logistic3A_41, %logistic3A_39 : vector<400x128xf32>
    %logistic3A_43 = arith.divf %logistic3A_41, %logistic3A_42 : vector<400x128xf32>
    %mul3A = arith.mulf %add3A_38, %logistic3A_43 : vector<400x128xf32>
    %get3A_44 = arith.constant 0 : index
    %get3A_45 = arith.constant 0 : index
    %get3A_46 = vector.load %arg9[%get3A_44, %get3A_45] : memref<128x128xf32, #tpu.memory_space<vmem>>, vector<128x128xf32>
    %dot_general3A_47 = arith.constant dense<0.000000e+00> : vector<400x128xf32>
    %dot_general3A_48 = tpu.matmul %mul3A, %get3A_46, %dot_general3A_47 {dimension_numbers = #tpu.dot_dimension_numbers<[1], [0], [0], [1], [0, 0, 1, 1], [], []>, transpose_lhs_hint = false} : vector<400x128xf32>, vector<128x128xf32>, vector<400x128xf32> -> vector<400x128xf32>
    %get3A_49 = arith.constant 0 : index
    %get3A_50 = arith.constant 0 : index
    %get3A_51 = vector.load %arg10[%get3A_49, %get3A_50] : memref<1x128xf32, #tpu.memory_space<vmem>>, vector<1x128xf32>
    %add3A_52 = vector.broadcast %get3A_51 : vector<1x128xf32> to vector<400x128xf32>
    %add3A_53 = arith.addf %dot_general3A_48, %add3A_52 : vector<400x128xf32>
    %get3A_54 = arith.constant 0 : index
    %get3A_55 = arith.constant 0 : index
    %get3A_56 = vector.load %arg11[%get3A_54, %get3A_55] : memref<1x128xf32, #tpu.memory_space<vmem>>, vector<1x128xf32>
    %get3A_57 = arith.constant 0 : index
    %get3A_58 = arith.constant 0 : index
    %get3A_59 = vector.load %arg12[%get3A_57, %get3A_58] : memref<1x128xf32, #tpu.memory_space<vmem>>, vector<1x128xf32>
    %reduce_sum3A = arith.constant dense<0.000000e+00> : vector<400xf32>
    %reduce_sum3A_60 = vector.multi_reduction <add>, %add3A_53, %reduce_sum3A [1] : vector<400x128xf32> to vector<400xf32>
    %broadcast_in_dim3A = vector.shape_cast %reduce_sum3A_60 : vector<400xf32> to vector<400x1xf32>
    %div3A = arith.constant 1.280000e+02 : f32
    %div3A_61 = vector.broadcast %div3A : f32 to vector<400x1xf32>
    %div3A_62 = arith.divf %broadcast_in_dim3A, %div3A_61 : vector<400x1xf32>
    %sub3A = vector.broadcast %div3A_62 : vector<400x1xf32> to vector<400x128xf32>
    %sub3A_63 = arith.subf %add3A_53, %sub3A : vector<400x128xf32>
    %mul3A_64 = arith.mulf %sub3A_63, %sub3A_63 : vector<400x128xf32>
    %reduce_sum3A_65 = arith.constant dense<0.000000e+00> : vector<400xf32>
    %reduce_sum3A_66 = vector.multi_reduction <add>, %mul3A_64, %reduce_sum3A_65 [1] : vector<400x128xf32> to vector<400xf32>
    %broadcast_in_dim3A_67 = vector.shape_cast %reduce_sum3A_66 : vector<400xf32> to vector<400x1xf32>
    %div3A_68 = arith.constant 1.280000e+02 : f32
    %div3A_69 = vector.broadcast %div3A_68 : f32 to vector<400x1xf32>
    %div3A_70 = arith.divf %broadcast_in_dim3A_67, %div3A_69 : vector<400x1xf32>
    %add3A_71 = arith.constant 9.99999974E-6 : f32
    %add3A_72 = vector.broadcast %add3A_71 : f32 to vector<400x1xf32>
    %add3A_73 = arith.addf %div3A_70, %add3A_72 : vector<400x1xf32>
    %rsqrt3A = math.rsqrt %add3A_73 : vector<400x1xf32>
    %mul3A_74 = vector.broadcast %rsqrt3A : vector<400x1xf32> to vector<400x128xf32>
    %mul3A_75 = arith.mulf %sub3A_63, %mul3A_74 : vector<400x128xf32>
    %mul3A_76 = vector.broadcast %get3A_56 : vector<1x128xf32> to vector<400x128xf32>
    %mul3A_77 = arith.mulf %mul3A_75, %mul3A_76 : vector<400x128xf32>
    %add3A_78 = vector.broadcast %get3A_59 : vector<1x128xf32> to vector<400x128xf32>
    %add3A_79 = arith.addf %mul3A_77, %add3A_78 : vector<400x128xf32>
    %get3A_80 = arith.constant 0 : index
    %get3A_81 = arith.constant 0 : index
    %get3A_82 = vector.load %arg1[%get3A_80, %get3A_81] : memref<400x128xf32, #tpu.memory_space<vmem>>, vector<400x128xf32>
    %add3A_83 = arith.addf %get3A_82, %add3A_79 : vector<400x128xf32>
    %swap3A = arith.constant 0 : index
    %swap3A_84 = arith.constant 0 : index
    %swap3A_85 = vector.load %arg13[%swap3A, %swap3A_84] : memref<400x128xf32, #tpu.memory_space<vmem>>, vector<400x128xf32>
    tpu.vector_store %arg13[%swap3A, %swap3A_84], %add3A_83 {strides = array<i32>} : memref<400x128xf32, #tpu.memory_space<vmem>>, vector<400x128xf32>,
    return
  }
  func.func @transform_0(%arg0: i32) -> (i32, i32) {
    %c0_i32 = arith.constant 0 : i32
    %c0_i32_0 = arith.constant 0 : i32
    return %arg0, %c0_i32 : i32, i32
  }
  func.func @transform_1(%arg0: i32) -> (i32, i32, i32) {
    %c0_i32 = arith.constant 0 : i32
    %c0_i32_0 = arith.constant 0 : i32
    %c0_i32_1 = arith.constant 0 : i32
    return %c0_i32, %arg0, %c0_i32_0 : i32, i32, i32
  }
  func.func @transform_2(%arg0: i32) -> (i32, i32, i32) {
    %c1_i32 = arith.constant 1 : i32
    %c0_i32 = arith.constant 0 : i32
    %c0_i32_0 = arith.constant 0 : i32
    return %c1_i32, %arg0, %c0_i32 : i32, i32, i32
  }
  func.func @transform_3(%arg0: i32) -> (i32, i32, i32) {
    %c0_i32 = arith.constant 0 : i32
    %c0_i32_0 = arith.constant 0 : i32
    %c0_i32_1 = arith.constant 0 : i32
    return %c0_i32, %arg0, %c0_i32_0 : i32, i32, i32
  }
  func.func @transform_4(%arg0: i32) -> (i32, i32, i32) {
    %c1_i32 = arith.constant 1 : i32
    %c0_i32 = arith.constant 0 : i32
    %c0_i32_0 = arith.constant 0 : i32
    return %c1_i32, %arg0, %c0_i32 : i32, i32, i32
  }
  func.func @transform_5(%arg0: i32) -> (i32, i32) {
    %c0_i32 = arith.constant 0 : i32
    %c0_i32_0 = arith.constant 0 : i32
    %c0_i32_1 = arith.constant 0 : i32
    return %c0_i32, %c0_i32_0 : i32, i32
  }
  func.func @transform_6(%arg0: i32) -> (i32, i32) {
    %c0_i32 = arith.constant 0 : i32
    %c0_i32_0 = arith.constant 0 : i32
    %c0_i32_1 = arith.constant 0 : i32
    return %c0_i32, %c0_i32_0 : i32, i32
  }
  func.func @transform_7(%arg0: i32) -> (i32, i32) {
    %c0_i32 = arith.constant 0 : i32
    %c0_i32_0 = arith.constant 0 : i32
    %c0_i32_1 = arith.constant 0 : i32
    return %c0_i32, %c0_i32_0 : i32, i32
  }
  func.func @transform_8(%arg0: i32) -> (i32, i32) {
    %c0_i32 = arith.constant 0 : i32
    %c0_i32_0 = arith.constant 0 : i32
    %c0_i32_1 = arith.constant 0 : i32
    return %c0_i32, %c0_i32_0 : i32, i32
  }
  func.func @transform_9(%arg0: i32) -> (i32, i32) {
    %c0_i32 = arith.constant 0 : i32
    %c0_i32_0 = arith.constant 0 : i32
    %c0_i32_1 = arith.constant 0 : i32
    return %c0_i32, %c0_i32_0 : i32, i32
  }
  func.func @transform_10(%arg0: i32) -> (i32, i32) {
    %c0_i32 = arith.constant 0 : i32
    %c0_i32_0 = arith.constant 0 : i32
    %c0_i32_1 = arith.constant 0 : i32
    return %c0_i32, %c0_i32_0 : i32, i32
  }
  func.func @transform_11(%arg0: i32) -> (i32, i32) {
    %c0_i32 = arith.constant 0 : i32
    %c0_i32_0 = arith.constant 0 : i32
    %c0_i32_1 = arith.constant 0 : i32
    return %c0_i32, %c0_i32_0 : i32, i32
  }
  func.func @transform_12(%arg0: i32) -> (i32, i32) {
    %c0_i32 = arith.constant 0 : i32
    %c0_i32_0 = arith.constant 0 : i32
    return %arg0, %c0_i32 : i32, i32
  }
}

</mosaic_0001>

<sc_bundles>
// kernel: kernel.11.cloned.1.call-start
scs
__scs_entry_jumppad:
0x0: {  	(pc) =	sbr.rel $0x88, $3  }
0x1: {  	(tag) =	ssettag $0x0;
	lr =	simm.s32 $0x1  }
0x2: {  	[smem:$0x3F79] =	sst lr;
	_ =	strace $0xD0000000  }
0x3: {  	_ = 	snop  }
0x4: {  	_ = 	snop  }
0x5: {  	_ = 	snop  }
0x6: {  	_ = 	snop  }
0x7: {  	_ = 	snop  }
__scs_overlays_trampoline_lowered:
0x8: {  	[smem:$0x3F88] =	sst s0  }
0x9: {  	[smem:$0x3F89] =	sst s1  }
0xa: {  	[smem:$0x3F8A] =	sst s2  }
0xb: {  	[smem:$0x3F8B] =	sst s3  }
0xc: {  	[smem:$0x3F8C] =	sst s4  }
0xd: {  	[smem:$0x3F8D] =	sst s5  }
0xe: {  	[smem:$0x3F8E] =	sst s6  }
0xf: {  	[smem:$0x3F8F] =	sst s7  }
0x10: {  	[smem:$0x3F90] =	sst s8  }
0x11: {  	[smem:$0x3F91] =	sst s9;
	s0 =	simm.s32 @!p0 $0x0  }
0x12: {  	s1 =	sld [smem:$0x3F77];
	s0 =	simm.s32 @p0 $0x1  }
0x13: {  	[smem:$0x3F92] =	sst s0;
	s0 =	simm.s32 @!p1 $0x0  }
0x14: {  	s2 =	sld [smem:$0x3F76];
	s0 =	simm.s32 @p1 $0x1  }
0x15: {  	[smem:$0x3F93] =	sst s0;
	s0 =	simm.s32 @!p2 $0x0  }
0x16: {  	s3 =	sld [smem:$0x3FDB];
	s0 =	simm.s32 @p2 $0x1  }
0x17: {  	s4 =	simm.s32 $0x1BF5;
	[smem:$0x3F95] =	sst s0  }
0x18: {  	s0 =	sld [smem:$0x3F78];
	_ =	swait.ge [sflag:s4], $0x0  }
0x19: {  	s7 =	sld [smem:$0x3F79]  }
0x1a: {  	s8 =	sadd.s32 $0xFFFFE003, lr  }
0x1b: {  	s9 =	sadd.s32 $0xFFFFFEF7, lr;
	s5 =	simm.s32 $0xFFFFFFFF;
	p2 =	slt.u32 s8, $0xFFFFF086  }
0x1c: {  	p1 =	slt.u32 s9, $0xF7A;
	s5 =	simm.s32 @!p2 $0x0  }
0x1d: {  	s5 =	simm.s32 @p1 $0x1;
	p0 =	seq.s32 s7, s2  }
0x1e: {  	s7 =	smul.u32 @!p0 $0xF7A, s2;
	p2 =	seq.s32 @!p0 s5, $0x0  }
0x1f: {  	s9 =	smul.u32 $0xF7A, s1;
	s8 =	simm.s32 @!p0 $0x1BF5;
	p2 =	por !p2, p0  }
0x20: {  	[sflag:s8] =	ssyncset.s32 @!p0 $0xFFFFF086;
	s6 =	sadd.s32 @!p0 s3, s7;
	s7 =	simm.s32 @!p0 $0x108  }
0x21: {  	s3 =	sadd.s32 s3, s9;
	s6 =	sadd.s32 @!p0 $0x88, s6;
	s7 =	simm.s32 @p2 $0x1082  }
0x22: {  	[simem:s7], [sflag:s8] =	dma.local @!p0 [hbm:s6], $0xF7A  }
0x23: {  	s9 =	sor.u32 $0xD0000000, s2;
	s6 =	simm.s32 $0x108;
	_ =	swait.ge @!p0 [sflag:s8], $0x0  }
0x24: {  	s3 =	sadd.s32 $0x88, s3;
	s6 =	simm.s32 @!p1 $0x1082;
	[sflag:s4] =	ssyncset.s32 $0xFFFFF086  }
0x25: {  	[simem:s6], [sflag:s4] =	dma.local [hbm:s3], $0xF7A  }
0x26: {  	[smem:$0x3F79] =	sst s1;
	(tag) =	ssettag s2;
	_ =	strace s9  }
0x27: {  	s1 =	sld [smem:$0x3F89]  }
0x28: {  	s2 =	sld [smem:$0x3F8A]  }
0x29: {  	s4 =	sld [smem:$0x3F8C]  }
0x2a: {  	p0 =	seq.s32 s5, $0x0;
	s5 =	sld [smem:$0x3F8D]  }
0x2b: {  	s6 =	sld [smem:$0x3F8E]  }
0x2c: {  	s7 =	sld [smem:$0x3F8F]  }
0x2d: {  	s3 =	simm.s32 $0x108;
	s8 =	sld [smem:$0x3F90]  }
0x2e: {  	s3 =	simm.s32 @!p0 $0x1082;
	s9 =	sld [smem:$0x3F91]  }
0x2f: {  	lr =	sadd.s32 s0, s3;
	s0 =	sld [smem:$0x3F88]  }
0x30: {  	s3 =	sld [smem:$0x3F8B]  }
0x31: {  	[smem:$0x3F94] =	sst s10  }
0x32: {  	s10 =	sld [smem:$0x3F92];
	_ =	sdelay $0x3  }
0x33: {  	p0 =	seq.s32 s10, $0x1;
	s10 =	sld [smem:$0x3F94];
	_ =	sdelay $0x3  }
0x34: {  	[smem:$0x3F94] =	sst s10  }
0x35: {  	s10 =	sld [smem:$0x3F93];
	_ =	sdelay $0x3  }
0x36: {  	p1 =	seq.s32 s10, $0x1;
	s10 =	sld [smem:$0x3F94];
	_ =	sdelay $0x3  }
0x37: {  	[smem:$0x3F94] =	sst s10  }
0x38: {  	s10 =	sld [smem:$0x3F95]  }
0x39: {  	_ = 	snop;
	(pc) =	sbr.ind lr, $3  }
0x3a: {  	_ = 	snop  }
0x3b: {  	_ = 	snop  }
0x3c: {  	p2 =	seq.s32 s10, $0x1;
	s10 =	sld [smem:$0x3F94]  }
0x3d: {  	_ =	shalt  }
0x3e: {  	_ =	shalt  }
0x3f: {  	_ =	shalt  }
0x40: {  	_ =	shalt  }
0x41: {  	_ =	shalt  }
0x42: {  	_ =	shalt  }
0x43: {  	_ =	shalt  }
0x44: {  	_ =	shalt  }
0x45: {  	_ =	shalt  }
0x46: {  	_ =	shalt  }
0x47: {  	_ =	shalt  }
0x48: {  	_ =	shalt  }
0x49: {  	_ =	shalt  }
0x4a: {  	_ =	shalt  }
0x4b: {  	_ =	shalt  }
0x4c: {  	_ =	shalt  }
0x4d: {  	_ =	shalt  }
0x4e: {  	_ =	shalt  }
0x4f: {  	_ =	shalt  }
0x50: {  	_ =	shalt  }
0x51: {  	_ =	shalt  }
0x52: {  	_ =	shalt  }
0x53: {  	_ =	shalt  }
0x54: {  	_ =	shalt  }
0x55: {  	_ =	shalt  }
0x56: {  	_ =	shalt  }
0x57: {  	_ =	shalt  }
0x58: {  	_ =	shalt  }
0x59: {  	_ =	shalt  }
0x5a: {  	_ =	shalt  }
0x5b: {  	_ =	shalt  }
0x5c: {  	_ =	shalt  }
0x5d: {  	_ =	shalt  }
0x5e: {  	_ =	shalt  }
0x5f: {  	_ =	shalt  }
0x60: {  	_ =	shalt  }
0x61: {  	_ =	shalt  }
0x62: {  	_ =	shalt  }
0x63: {  	_ =	shalt  }
0x64: {  	_ =	shalt  }
0x65: {  	_ =	shalt  }
0x66: {  	_ =	shalt  }
0x67: {  	_ =	shalt  }
0x68: {  	_ =	shalt  }
0x69: {  	_ =	shalt  }
0x6a: {  	_ =	shalt  }
0x6b: {  	_ =	shalt  }
0x6c: {  	_ =	shalt  }
0x6d: {  	_ =	shalt  }
0x6e: {  	_ =	shalt  }
0x6f: {  	_ =	shalt  }
0x70: {  	_ =	shalt  }
0x71: {  	_ =	shalt  }
0x72: {  	_ =	shalt  }
0x73: {  	_ =	shalt  }
0x74: {  	_ =	shalt  }
0x75: {  	_ =	shalt  }
0x76: {  	_ =	shalt  }
0x77: {  	_ =	shalt  }
0x78: {  	_ =	shalt  }
0x79: {  	_ =	shalt  }
0x7a: {  	_ =	shalt  }
0x7b: {  	_ =	shalt  }
0x7c: {  	_ =	shalt  }
0x7d: {  	_ =	shalt  }
0x7e: {  	_ =	shalt  }
0x7f: {  	_ =	shalt  }
0x80: {  	_ =	shalt  }
0x81: {  	_ =	shalt  }
0x82: {  	_ =	shalt  }
0x83: {  	_ =	shalt  }
0x84: {  	_ =	shalt  }
0x85: {  	_ =	shalt  }
0x86: {  	_ =	shalt  }
0x87: {  	_ =	shalt  }
.Lfunc_end0:
.L_simem_size_0:
called_computation_lowered:
.L_overlay_start_0:
0x88: {  	s2 =	sld [smem:$0x3FD9]  }
0x89: {  	s3 =	sld [smem:$0x3FFE];
	_ =	sdelay $0x1  }
0x8a: {  	s1 =	srdreg.scid  }
0x8b: {  	s0 =	sand.u32 $0x1, s1  }
0x8c: {  	s14 =	sshll.u32 s0, $0xA;
	s2 =	sadd.s32 s3, s2  }
0x8d: {  	s2 =	sadd.s32 s2, s14  }
0x8e: {  	[smem:$0x3FA0] =	sst s2  }
0x8f: {  	_ = 	snop  }
0x90: {  	s2 =	sld [smem:$0x3FD0];
	_ =	sdelay $0x2  }
0x91: {  	s15 =	simm.s32 $0xB;
	s4 =	simm.s32 $0x10  }
0x92: {  	[smem:s4], [sflag:s15] =	dma.local [hbm:s2], $0x1  }
0x93: {  	_ =	swait.eq [sflag:s15], $0x1  }
0x94: {  	[sflag:s15] =	ssyncset.done $0x0  }
0x95: {  	[sflag:s15] =	ssyncadd.s32 $0xFFFFFFFF  }
0x96: {  	s16 =	sld [smem:$0x10];
	(tm) =	ssettm $0x1  }
0x97: {  	s17 =	sld [smem:$0x3FFB];
	_ =	sdelay $0x3  }
0x98: {  	_ =	strace s17  }
0x99: {  	s3 =	sld [smem:$0x3FFC];
	_ =	sdelay $0x3  }
0x9a: {  	_ =	strace s3  }
0x9b: {  	s3 =	sld [smem:$0x3FFD];
	_ =	sdelay $0x3  }
0x9c: {  	_ =	strace s3  }
0x9d: {  	_ =	strace $0x8FFFFFFF  }
0x9e: {  	s18 =	sld [smem:$0x3FDB];
	_ =	sdelay $0x1  }
0x9f: {  	s19 =	simm.s32 $_scs_section_size  }
0xa0: {  	s5 =	simm.s32 $_size__tile_overlayer_lowered;
	s6 =	simm.s32 $_tile_overlayer_lowered  }
0xa1: {  	s22 =	simm.s32 $0x1BFF;
	s21 =	sshll.u32 s6, $0x1;
	s3 =	sadd.s32 s19, s18  }
0xa2: {  	s7 =	simm.s32 $0x0;
	s20 =	sshll.u32 s5, $0x1;
	s5 =	sadd.s32 s21, s3  }
0xa3: {  	[timem:s7], [sflag:s22] =	dma.local [hbm:s5], s20  }
0xa4: {  	_ =	swait.ge [sflag:s22], s20  }
0xa5: {  	s4 =	ssub.s32 $0x0, s20;
	[sflag:s22] =	ssyncset.done $0x0  }
0xa6: {  	[sflag:s22] =	ssyncadd.s32 s4;
	_ =	sdelay $0x1  }
0xa7: {  	s23 =	simm.s32 $0x1B8B  }
0xa8: {  	_ =	swait.ge [sflag:s23], $0x1  }
0xa9: {  	[sflag:s23] =	ssyncset.done $0x0  }
0xaa: {  	s25 =	simm.s32 $0x1B8E;
	s24 =	sld [smem:$0x3FFE];
	[sflag:s23] =	ssyncadd.s32 $0xFFFFFFFF  }
0xab: {  	s26 =	simm.s32 $execute0_lowered;
	[smem:$0x3FD2] =	sst s25  }
0xac: {  	s5 =	sshll.u32 s26, $0x1;
	_ =	strace $0x80000046;
	[dreg:$0x1] =	wrdreg $0xFFFFFFFF  }
0xad: {  	s28 =	simm.s32 $_size_execute0_lowered;
	s3 =	sadd.s32 s3, s5;
	[dreg:$0x0] =	wrdreg $0x0  }
0xae: {  	s5 =	sshll.u32 s28, $0x1;
	[dreg:$0x2] =	wrdreg s3  }
0xaf: {  	[dreg:$0x3] =	wrdreg s5  }
0xb0: {  	[dreg:$0x4] =	wrdreg $0xC0  }
0xb1: {  	_ =	task [dreg:s7], $0x5FFFF  }
0xb2: {  	[dreg:$0x1] =	wrdreg $0xFFFFFFFF  }
0xb3: {  	[dreg:$0x0] =	wrdreg $0x60  }
0xb4: {  	[dreg:$0x2] =	wrdreg s16  }
0xb5: {  	[dreg:$0x3] =	wrdreg s24  }
0xb6: {  	[dreg:$0x4] =	wrdreg $0xA  }
0xb7: {  	_ =	task.clear_ibuf [dreg:s7], $0x5FFFF;
	_ =	strace $0x90000046  }
0xb8: {  	s29 =	simm.s32 $0xA;
	_ =	strace $0x80000048  }
0xb9: {  	_ =	swait.ge [sflag:s29], $0x1  }
0xba: {  	[sflag:s29] =	ssyncadd.s32 $0xFFFFFFFF  }
0xbb: {  	_ =	strace $0x90000048  }
0xbc: {  	_ =	sfence  }
0xbd: {  	s30 =	sld [smem:$0x0];
	_ =	sdelay $0x2  }
0xbe: {  	s31 =	sshll.u32 s1, $0xD;
	s1 =	sshrl.u32 s1, $0x2  }
0xbf: {  	s3 =	sand.u32 $0x4000, s31;
	s1 =	sadd.s32 s1, s30  }
0xc0: {  	s0 =	sor.u32 s3, s0;
	s1 =	sshll.u32 s1, $0x11  }
0xc1: {  	s0 =	sor.u32 s1, s0  }
0xc2: {  	s0 =	sadd.s32 $0x8F2B, s0  }
0xc3: {  	[sflag:s0] =	ssyncadd.remote.s32 $0x1  }
0xc4: {  	_ =	sfence.sel $0xFFFF  }
0xc5: {  	[dreg:$0x0] =	wrdreg $0xFFFFFFFF;
	(pc) =	sbr.abs _section_cstart, $3  }
0xc6: {  	[dreg:$0x1] =	wrdreg $0xFFFFFFFF  }
0xc7: {  	_ =	task.clear_ibuf [dreg:s7], $0x2FFFF;
	_ =	strace $0x9FFFFFFF  }
0xc8: {  	(tm) =	ssettm $0x7FFFFFFF  }
0xc9: {  	_ =	shalt  }
tec
execute0_lowered:
.L_overlay_start_1:
0x0: {  	(tag) =	ssettag $0x1  }
0x1: {  	s2 =	rddreg [dreg:$0x0]  }
0x2: {  	s0 =	rddreg [dreg:$0x1]  }
0x3: {  	s1 =	srdreg.scid;
	s4 =	stileid.u32  }
0x4: {  	s3 =	simm.s32 $0x0;
	s14 =	simm.s32 $0xD;
	s16 =	simm.s32 $0x50  }
0x5: {  	s17 =	simm.s32 $0x4000;
	s18 =	simm.s32 $0xE000;
	s20 =	simm.s32 $0x6800  }
0x6: {  	s24 =	simm.s32 $0x9000;
	s29 =	simm.s32 $0xB800;
	s19 =	simm.s32 $0x2  }
0x7: {  	s21 =	simm.s32 $0x6;
	s23 =	simm.s32 $0x3;
	s28 =	simm.s32 $0x4  }
0x8: {  	s30 =	simm.s32 $0x8;
	s15 =	simm.s32 $0xA;
	s12 =	simm.s32 $0xC  }
0x9: {  	s1 =	sand.u32 $0x1, s1;
	s4 =	sshll.u32 s4, $0x1;
	[smem:$0x7FF] =	sst s3  }
0xa: {  	s22 =	simm.s32 $0x0;
	s6 =	sor.u32 s1, s4;
	_ =	strace $0x80000047  }
0xb: {  	s4 =	sadd.s32 $0x17400, s0;
	s1 =	ssub.s32 $0x2, s1;
	s8 =	smul.u32 $0x8E800, s6  }
0xc: {  	s5 =	sshll.u32 s6, $0xA;
	s25 =	sshrl.u32 s1, $0x1;
	s6 =	smul.u32 $0x11D0, s6  }
0xd: {  	s7 =	sadd.s32 s5, s0;
	s5 =	sadd.s32 $0x65800, s0;
	s0 =	ssub.s32 s1, s25  }
0xe: {  	s25 =	simm.s32 $0x7;
	s26 =	sadd.s32 $0x7400, s7;
	s31 =	sshrl.u32 s8, $0x3  }
0xf: {  	s7 =	sadd.s32 $0xF400, s7;
	s9 =	sadd.s32 $0x50, s6;
	s10 =	sadd.s32 $0xA0, s6  }
0x10: {  	s11 =	sadd.s32 $0xF0, s6;
	s0 =	smax.u32 s0, $0x1;
	[dreg:$0x3] =	wrdreg s26  }
0x11: {  	s8 =	simm.s32 $0xB;
	[dreg:$0x4] =	wrdreg s7;
	s1 =	sadd.s32 s5, s31  }
0x12: {  	[dreg:$0x6] =	wrdreg s0;
	s0 =	simm.s32 $0x1;
	s1 =	sadd.s32 $0x11800, s1  }
0x13: {  	s7 =	simm.s32 $0x9;
	[dreg:$0x5] =	wrdreg s1;
	s1 =	simm.s32 $0x5  }
.LBB2_1:
0x14: {  	[dreg:$0x7] =	wrdreg s22  }
0x15: {  	s13 =	rddreg [dreg:$0x3]  }
0x16: {  	[tilespmem:s3], [sflag:$0xD] =	stream.linear.gather [hbm4b:s13+s3], $0x1C80, $0x38;
	[tilespmem:$0x18000] =	vst v63  }
0x17: {  	_ =	swait.ge [sflag:s14], $0x1C80  }
0x18: {  	[sflag:s14] =	ssyncset.done $0x0  }
0x19: {  	s31 =	simm.s32 $0x2000;
	s26 =	rddreg [dreg:$0x4];
	[sflag:s14] =	ssyncadd.s32 $0xFFFFE380  }
0x1a: {  	[tilespmem:s31], [sflag:$0xD] =	stream.linear.gather [hbm4b:s26+s3], $0x1C80, $0x38;
	[tilespmem:$0x18000] =	vst v63  }
0x1b: {  	_ =	swait.ge [sflag:s14], $0x1C80  }
0x1c: {  	[sflag:s14] =	ssyncset.done $0x0  }
0x1d: {  	[sflag:s14] =	ssyncadd.s32 $0xFFFFE380  }
0x1e: {  	[tilespmem:s17], [sflag:$0x1] =	stream.indirect.gather [hbm4b:s2+s16], $0x80, s3, s16, $0xb8;
	[tilespmem:$0x18000] =	vst v63  }
0x1f: {  	_ = 	snop  }
0x20: {  	[tilespmem:s18], [sflag:$0x5] =	stream.indirect.gather [hbm4b:s4+s16], $0x80, s31, s16, $0xb8;
	[tilespmem:$0x18000] =	vst v63  }
0x21: {  	s22 =	simm.s32 $0x80  }
0x22: {  	[tilespmem:s20], [sflag:$0x2] =	stream.indirect.gather [hbm4b:s2+s16], $0x80, s22, s16, $0xb8;
	[tilespmem:$0x18000] =	vst v63  }
0x23: {  	s26 =	simm.s32 $0x2080;
	s31 =	simm.s32 $0x10800  }
0x24: {  	[tilespmem:s31], [sflag:$0x6] =	stream.indirect.gather [hbm4b:s4+s16], $0x80, s26, s16, $0xb8;
	[tilespmem:$0x18000] =	vst v63  }
0x25: {  	s22 =	simm.s32 $0x100  }
0x26: {  	[tilespmem:s24], [sflag:$0x3] =	stream.indirect.gather [hbm4b:s2+s16], $0x80, s22, s16, $0xb8;
	[tilespmem:$0x18000] =	vst v63  }
0x27: {  	s26 =	simm.s32 $0x2100;
	s31 =	simm.s32 $0x13000  }
0x28: {  	[tilespmem:s31], [sflag:$0x7] =	stream.indirect.gather [hbm4b:s4+s16], $0x80, s26, s16, $0xb8;
	[tilespmem:$0x18000] =	vst v63  }
0x29: {  	s22 =	simm.s32 $0x180  }
0x2a: {  	[tilespmem:s29], [sflag:$0x4] =	stream.indirect.gather [hbm4b:s2+s16], $0x80, s22, s16, $0xb8;
	[tilespmem:$0x18000] =	vst v63  }
0x2b: {  	s14 =	simm.s32 $0x0;
	s26 =	simm.s32 $0x2180;
	s31 =	simm.s32 $0x15800  }
0x2c: {  	[tilespmem:s31], [sflag:$0x8] =	stream.indirect.gather [hbm4b:s4+s16], $0x80, s26, s16, $0xb8;
	[tilespmem:$0x18000] =	vst v63  }
.LBB2_2:
0x2d: {  	_ =	swait.ge [sflag:s0], $0x2800  }
0x2e: {  	[sflag:s0] =	ssyncset.done $0x0  }
0x2f: {  	[sflag:s0] =	ssyncadd.s32 $0xFFFFD800  }
0x30: {  	_ =	swait.ge [sflag:s1], $0x2800  }
0x31: {  	[sflag:s1] =	ssyncset.done $0x0  }
0x32: {  	s22 =	simm.s32 $0x0;
	[sflag:s1] =	ssyncadd.s32 $0xFFFFD800  }
0x33: {  	v6 =	vld [tilespmem:s22+$0xE000]  }
0x34: {  	v11 =	vld [tilespmem:s22+$0xE010]  }
0x35: {  	v5 =	vld [tilespmem:s22+$0xE020]  }
0x36: {  	v4 =	vld [tilespmem:s22+$0xE030]  }
0x37: {  	v3 =	vld [tilespmem:s22+$0xE040]  }
0x38: {  	v2 =	vld [tilespmem:s22+$0xE050]  }
0x39: {  	v1 =	vld [tilespmem:s22+$0xE060]  }
0x3a: {  	v0 =	vld [tilespmem:s22+$0xE070]  }
0x3b: {  	v12 =	vld [tilespmem:s22+$0x4000]  }
0x3c: {  	v13 =	vld [tilespmem:s22+$0x4010]  }
0x3d: {  	v10 =	vld [tilespmem:s22+$0x4020]  }
0x3e: {  	v9 =	vld [tilespmem:s22+$0x4030]  }
0x3f: {  	v8 =	vld [tilespmem:s22+$0x4040]  }
0x40: {  	v7 =	vld [tilespmem:s22+$0x4050];
	v12 =	vadd.f32 v6, v12  }
0x41: {  	s13 =	simm.s32 $0x200;
	v11 =	vadd.f32 v11, v13;
	v6 =	vld [tilespmem:s22+$0x4060]  }
.LBB2_3:
0x42: {  	s26 =	sshra.s32 s13, $0x2;
	p0 =	sne.s32 s13, $0x9E00;
	[tilespmem:s22+$0x4000] =	vst v12;
	v5 =	vadd.f32 v5, v10;
	v10 =	vld [tilespmem:s22+$0x4070]  }
0x43: {  	v12 =	vld [tilespmem:s26+$0xE000];
	[tilespmem:s22+$0x4010] =	vst v11;
	v4 =	vadd.f32 v4, v9  }
0x44: {  	v11 =	vld [tilespmem:s26+$0xE010];
	[tilespmem:s22+$0x4020] =	vst v5;
	v3 =	vadd.f32 v3, v8  }
0x45: {  	v5 =	vld [tilespmem:s26+$0xE020];
	[tilespmem:s22+$0x4030] =	vst v4;
	v2 =	vadd.f32 v2, v7  }
0x46: {  	v4 =	vld [tilespmem:s26+$0xE030];
	[tilespmem:s22+$0x4040] =	vst v3;
	v1 =	vadd.f32 v1, v6  }
0x47: {  	v3 =	vld [tilespmem:s26+$0xE040];
	[tilespmem:s22+$0x4050] =	vst v2;
	v0 =	vadd.f32 v0, v10  }
0x48: {  	v2 =	vld [tilespmem:s26+$0xE050];
	[tilespmem:s22+$0x4060] =	vst v1  }
0x49: {  	v1 =	vld [tilespmem:s26+$0xE060];
	[tilespmem:s22+$0x4070] =	vst v0;
	s22 =	smov.u32 s26  }
0x4a: {  	v0 =	vld [tilespmem:s22+$0xE070]  }
0x4b: {  	v6 =	vld [tilespmem:s22+$0x4000]  }
0x4c: {  	v13 =	vld [tilespmem:s22+$0x4010]  }
.Ltmp0:
0x4d: {  	v10 =	vld [tilespmem:s22+$0x4020];
	(pc) =	sbr.rel @p0 .LBB2_3-.Ltmp0, $4  }
0x4e: {  	v9 =	vld [tilespmem:s22+$0x4030]  }
0x4f: {  	v8 =	vld [tilespmem:s22+$0x4040]  }
0x50: {  	v12 =	vadd.f32 v12, v6;
	v7 =	vld [tilespmem:s22+$0x4050]  }
0x51: {  	s13 =	sadd.s32 $0x200, s13;
	v11 =	vadd.f32 v11, v13;
	v6 =	vld [tilespmem:s22+$0x4060]  }
0x52: {  	[tilespmem:s22+$0x4000] =	vst v12;
	v5 =	vadd.f32 v5, v10;
	v10 =	vld [tilespmem:s22+$0x4070]  }
0x53: {  	[tilespmem:s22+$0x4010] =	vst v11;
	v4 =	vadd.f32 v4, v9  }
0x54: {  	[tilespmem:s22+$0x4020] =	vst v5;
	v3 =	vadd.f32 v3, v8  }
0x55: {  	s13 =	smul.u32 $0x140, s14;
	[tilespmem:s22+$0x4030] =	vst v4;
	v2 =	vadd.f32 v2, v7  }
0x56: {  	[tilespmem:s22+$0x4040] =	vst v3;
	v1 =	vadd.f32 v1, v6  }
0x57: {  	s26 =	sadd.s32 s6, s13;
	[tilespmem:s22+$0x4050] =	vst v2;
	v0 =	vadd.f32 v0, v10  }
0x58: {  	s26 =	sshll.u32 s26, $0x4;
	[tilespmem:s22+$0x4060] =	vst v1  }
0x59: {  	s31 =	simm.s32 $0x0;
	s26 =	sadd.s32 s5, s26;
	[tilespmem:s22+$0x4070] =	vst v0  }
0x5a: {  	[hbm4b:s26+s31] =	stream.linear.scatter [tilespmem:s17], [sflag:$0x9], $0x2800, $0x38;
	[tilespmem:$0x18000] =	vst v63  }
0x5b: {  	_ =	swait.ge [sflag:s19], $0x2800  }
0x5c: {  	[sflag:s19] =	ssyncset.done $0x0  }
0x5d: {  	[sflag:s19] =	ssyncadd.s32 $0xFFFFD800  }
0x5e: {  	_ =	swait.ge [sflag:s21], $0x2800  }
0x5f: {  	[sflag:s21] =	ssyncset.done $0x0  }
0x60: {  	s22 =	simm.s32 $0x0;
	[sflag:s21] =	ssyncadd.s32 $0xFFFFD800  }
0x61: {  	v7 =	vld [tilespmem:s22+$0x10800]  }
0x62: {  	v11 =	vld [tilespmem:s22+$0x10810]  }
0x63: {  	v5 =	vld [tilespmem:s22+$0x10820]  }
0x64: {  	v4 =	vld [tilespmem:s22+$0x10830]  }
0x65: {  	v3 =	vld [tilespmem:s22+$0x10840]  }
0x66: {  	v2 =	vld [tilespmem:s22+$0x10850]  }
0x67: {  	v1 =	vld [tilespmem:s22+$0x10860]  }
0x68: {  	v0 =	vld [tilespmem:s22+$0x10870]  }
0x69: {  	v12 =	vld [tilespmem:s22+$0x6800]  }
0x6a: {  	v13 =	vld [tilespmem:s22+$0x6810]  }
0x6b: {  	v10 =	vld [tilespmem:s22+$0x6820]  }
0x6c: {  	v9 =	vld [tilespmem:s22+$0x6830]  }
0x6d: {  	v8 =	vld [tilespmem:s22+$0x6840]  }
0x6e: {  	v6 =	vld [tilespmem:s22+$0x6850];
	v12 =	vadd.f32 v7, v12  }
0x6f: {  	s26 =	simm.s32 $0x200;
	v11 =	vadd.f32 v11, v13;
	v7 =	vld [tilespmem:s22+$0x6860]  }
.LBB2_5:
0x70: {  	s31 =	sshra.s32 s26, $0x2;
	p0 =	sne.s32 s26, $0x9E00;
	[tilespmem:s22+$0x6800] =	vst v12;
	v5 =	vadd.f32 v5, v10;
	v10 =	vld [tilespmem:s22+$0x6870]  }
0x71: {  	v12 =	vld [tilespmem:s31+$0x10800];
	[tilespmem:s22+$0x6810] =	vst v11;
	v4 =	vadd.f32 v4, v9  }
0x72: {  	v11 =	vld [tilespmem:s31+$0x10810];
	[tilespmem:s22+$0x6820] =	vst v5;
	v3 =	vadd.f32 v3, v8  }
0x73: {  	v5 =	vld [tilespmem:s31+$0x10820];
	[tilespmem:s22+$0x6830] =	vst v4;
	v2 =	vadd.f32 v2, v6  }
0x74: {  	v4 =	vld [tilespmem:s31+$0x10830];
	[tilespmem:s22+$0x6840] =	vst v3;
	v1 =	vadd.f32 v1, v7  }
0x75: {  	v3 =	vld [tilespmem:s31+$0x10840];
	[tilespmem:s22+$0x6850] =	vst v2;
	v0 =	vadd.f32 v0, v10  }
0x76: {  	v2 =	vld [tilespmem:s31+$0x10850];
	[tilespmem:s22+$0x6860] =	vst v1  }
0x77: {  	v1 =	vld [tilespmem:s31+$0x10860];
	[tilespmem:s22+$0x6870] =	vst v0;
	s22 =	smov.u32 s31  }
0x78: {  	v0 =	vld [tilespmem:s22+$0x10870]  }
0x79: {  	v6 =	vld [tilespmem:s22+$0x6800]  }
0x7a: {  	v7 =	vld [tilespmem:s22+$0x6810]  }
.Ltmp1:
0x7b: {  	v10 =	vld [tilespmem:s22+$0x6820];
	(pc) =	sbr.rel @p0 .LBB2_5-.Ltmp1, $4  }
0x7c: {  	v9 =	vld [tilespmem:s22+$0x6830]  }
0x7d: {  	v8 =	vld [tilespmem:s22+$0x6840]  }
0x7e: {  	v12 =	vadd.f32 v12, v6;
	v6 =	vld [tilespmem:s22+$0x6850]  }
0x7f: {  	s26 =	sadd.s32 $0x200, s26;
	v11 =	vadd.f32 v11, v7;
	v7 =	vld [tilespmem:s22+$0x6860]  }
0x80: {  	[tilespmem:s22+$0x6800] =	vst v12;
	v5 =	vadd.f32 v5, v10;
	v10 =	vld [tilespmem:s22+$0x6870]  }
0x81: {  	[tilespmem:s22+$0x6810] =	vst v11;
	v4 =	vadd.f32 v4, v9  }
0x82: {  	[tilespmem:s22+$0x6820] =	vst v5;
	v3 =	vadd.f32 v3, v8  }
0x83: {  	[tilespmem:s22+$0x6830] =	vst v4;
	v2 =	vadd.f32 v2, v6  }
0x84: {  	[tilespmem:s22+$0x6840] =	vst v3;
	v1 =	vadd.f32 v1, v7  }
0x85: {  	s26 =	sadd.s32 s9, s13;
	[tilespmem:s22+$0x6850] =	vst v2;
	v0 =	vadd.f32 v0, v10  }
0x86: {  	s26 =	sshll.u32 s26, $0x4;
	[tilespmem:s22+$0x6860] =	vst v1  }
0x87: {  	s31 =	simm.s32 $0x0;
	s26 =	sadd.s32 s5, s26;
	[tilespmem:s22+$0x6870] =	vst v0  }
0x88: {  	[hbm4b:s26+s31] =	stream.linear.scatter [tilespmem:s20], [sflag:$0xA], $0x2800, $0x38;
	[tilespmem:$0x18000] =	vst v63  }
0x89: {  	_ =	swait.ge [sflag:s23], $0x2800  }
0x8a: {  	[sflag:s23] =	ssyncset.done $0x0  }
0x8b: {  	[sflag:s23] =	ssyncadd.s32 $0xFFFFD800  }
0x8c: {  	_ =	swait.ge [sflag:s25], $0x2800  }
0x8d: {  	[sflag:s25] =	ssyncset.done $0x0  }
0x8e: {  	s22 =	simm.s32 $0x0;
	[sflag:s25] =	ssyncadd.s32 $0xFFFFD800  }
0x8f: {  	v7 =	vld [tilespmem:s22+$0x13000]  }
0x90: {  	v11 =	vld [tilespmem:s22+$0x13010]  }
0x91: {  	v5 =	vld [tilespmem:s22+$0x13020]  }
0x92: {  	v4 =	vld [tilespmem:s22+$0x13030]  }
0x93: {  	v3 =	vld [tilespmem:s22+$0x13040]  }
0x94: {  	v2 =	vld [tilespmem:s22+$0x13050]  }
0x95: {  	v1 =	vld [tilespmem:s22+$0x13060]  }
0x96: {  	v0 =	vld [tilespmem:s22+$0x13070]  }
0x97: {  	v12 =	vld [tilespmem:s22+$0x9000]  }
0x98: {  	v13 =	vld [tilespmem:s22+$0x9010]  }
0x99: {  	v10 =	vld [tilespmem:s22+$0x9020]  }
0x9a: {  	v9 =	vld [tilespmem:s22+$0x9030]  }
0x9b: {  	v8 =	vld [tilespmem:s22+$0x9040]  }
0x9c: {  	v6 =	vld [tilespmem:s22+$0x9050];
	v12 =	vadd.f32 v7, v12  }
0x9d: {  	s26 =	simm.s32 $0x200;
	v11 =	vadd.f32 v11, v13;
	v7 =	vld [tilespmem:s22+$0x9060]  }
.LBB2_7:
0x9e: {  	s31 =	sshra.s32 s26, $0x2;
	p0 =	sne.s32 s26, $0x9E00;
	[tilespmem:s22+$0x9000] =	vst v12;
	v5 =	vadd.f32 v5, v10;
	v10 =	vld [tilespmem:s22+$0x9070]  }
0x9f: {  	v12 =	vld [tilespmem:s31+$0x13000];
	[tilespmem:s22+$0x9010] =	vst v11;
	v4 =	vadd.f32 v4, v9  }
0xa0: {  	v11 =	vld [tilespmem:s31+$0x13010];
	[tilespmem:s22+$0x9020] =	vst v5;
	v3 =	vadd.f32 v3, v8  }
0xa1: {  	v5 =	vld [tilespmem:s31+$0x13020];
	[tilespmem:s22+$0x9030] =	vst v4;
	v2 =	vadd.f32 v2, v6  }
0xa2: {  	v4 =	vld [tilespmem:s31+$0x13030];
	[tilespmem:s22+$0x9040] =	vst v3;
	v1 =	vadd.f32 v1, v7  }
0xa3: {  	v3 =	vld [tilespmem:s31+$0x13040];
	[tilespmem:s22+$0x9050] =	vst v2;
	v0 =	vadd.f32 v0, v10  }
0xa4: {  	v2 =	vld [tilespmem:s31+$0x13050];
	[tilespmem:s22+$0x9060] =	vst v1  }
0xa5: {  	v1 =	vld [tilespmem:s31+$0x13060];
	[tilespmem:s22+$0x9070] =	vst v0;
	s22 =	smov.u32 s31  }
0xa6: {  	v0 =	vld [tilespmem:s22+$0x13070]  }
0xa7: {  	v6 =	vld [tilespmem:s22+$0x9000]  }
0xa8: {  	v7 =	vld [tilespmem:s22+$0x9010]  }
.Ltmp2:
0xa9: {  	v10 =	vld [tilespmem:s22+$0x9020];
	(pc) =	sbr.rel @p0 .LBB2_7-.Ltmp2, $4  }
0xaa: {  	v9 =	vld [tilespmem:s22+$0x9030]  }
0xab: {  	v8 =	vld [tilespmem:s22+$0x9040]  }
0xac: {  	v12 =	vadd.f32 v12, v6;
	v6 =	vld [tilespmem:s22+$0x9050]  }
0xad: {  	s26 =	sadd.s32 $0x200, s26;
	v11 =	vadd.f32 v11, v7;
	v7 =	vld [tilespmem:s22+$0x9060]  }
0xae: {  	[tilespmem:s22+$0x9000] =	vst v12;
	v5 =	vadd.f32 v5, v10;
	v10 =	vld [tilespmem:s22+$0x9070]  }
0xaf: {  	[tilespmem:s22+$0x9010] =	vst v11;
	v4 =	vadd.f32 v4, v9  }
0xb0: {  	[tilespmem:s22+$0x9020] =	vst v5;
	v3 =	vadd.f32 v3, v8  }
0xb1: {  	[tilespmem:s22+$0x9030] =	vst v4;
	v2 =	vadd.f32 v2, v6  }
0xb2: {  	[tilespmem:s22+$0x9040] =	vst v3;
	v1 =	vadd.f32 v1, v7  }
0xb3: {  	s26 =	sadd.s32 s10, s13;
	[tilespmem:s22+$0x9050] =	vst v2;
	v0 =	vadd.f32 v0, v10  }
0xb4: {  	s26 =	sshll.u32 s26, $0x4;
	[tilespmem:s22+$0x9060] =	vst v1  }
0xb5: {  	s31 =	simm.s32 $0x0;
	s26 =	sadd.s32 s5, s26;
	[tilespmem:s22+$0x9070] =	vst v0  }
0xb6: {  	[hbm4b:s26+s31] =	stream.linear.scatter [tilespmem:s24], [sflag:$0xB], $0x2800, $0x38;
	[tilespmem:$0x18000] =	vst v63  }
0xb7: {  	_ =	swait.ge [sflag:s28], $0x2800  }
0xb8: {  	[sflag:s28] =	ssyncset.done $0x0  }
0xb9: {  	[sflag:s28] =	ssyncadd.s32 $0xFFFFD800  }
0xba: {  	_ =	swait.ge [sflag:s30], $0x2800  }
0xbb: {  	[sflag:s30] =	ssyncset.done $0x0  }
0xbc: {  	s22 =	simm.s32 $0x0;
	[sflag:s30] =	ssyncadd.s32 $0xFFFFD800  }
0xbd: {  	v7 =	vld [tilespmem:s22+$0x15800]  }
0xbe: {  	v11 =	vld [tilespmem:s22+$0x15810]  }
0xbf: {  	v5 =	vld [tilespmem:s22+$0x15820]  }
0xc0: {  	v4 =	vld [tilespmem:s22+$0x15830]  }
0xc1: {  	v3 =	vld [tilespmem:s22+$0x15840]  }
0xc2: {  	v2 =	vld [tilespmem:s22+$0x15850]  }
0xc3: {  	v1 =	vld [tilespmem:s22+$0x15860]  }
0xc4: {  	v0 =	vld [tilespmem:s22+$0x15870]  }
0xc5: {  	v12 =	vld [tilespmem:s22+$0xB800]  }
0xc6: {  	v13 =	vld [tilespmem:s22+$0xB810]  }
0xc7: {  	v10 =	vld [tilespmem:s22+$0xB820]  }
0xc8: {  	v9 =	vld [tilespmem:s22+$0xB830]  }
0xc9: {  	v8 =	vld [tilespmem:s22+$0xB840]  }
0xca: {  	v6 =	vld [tilespmem:s22+$0xB850];
	v12 =	vadd.f32 v7, v12  }
0xcb: {  	s26 =	simm.s32 $0x200;
	v11 =	vadd.f32 v11, v13;
	v7 =	vld [tilespmem:s22+$0xB860]  }
.LBB2_9:
0xcc: {  	s31 =	sshra.s32 s26, $0x2;
	p0 =	sne.s32 s26, $0x9E00;
	[tilespmem:s22+$0xB800] =	vst v12;
	v5 =	vadd.f32 v5, v10;
	v10 =	vld [tilespmem:s22+$0xB870]  }
0xcd: {  	v12 =	vld [tilespmem:s31+$0x15800];
	[tilespmem:s22+$0xB810] =	vst v11;
	v4 =	vadd.f32 v4, v9  }
0xce: {  	v11 =	vld [tilespmem:s31+$0x15810];
	[tilespmem:s22+$0xB820] =	vst v5;
	v3 =	vadd.f32 v3, v8  }
0xcf: {  	v5 =	vld [tilespmem:s31+$0x15820];
	[tilespmem:s22+$0xB830] =	vst v4;
	v2 =	vadd.f32 v2, v6  }
0xd0: {  	v4 =	vld [tilespmem:s31+$0x15830];
	[tilespmem:s22+$0xB840] =	vst v3;
	v1 =	vadd.f32 v1, v7  }
0xd1: {  	v3 =	vld [tilespmem:s31+$0x15840];
	[tilespmem:s22+$0xB850] =	vst v2;
	v0 =	vadd.f32 v0, v10  }
0xd2: {  	v2 =	vld [tilespmem:s31+$0x15850];
	[tilespmem:s22+$0xB860] =	vst v1  }
0xd3: {  	v1 =	vld [tilespmem:s31+$0x15860];
	[tilespmem:s22+$0xB870] =	vst v0;
	s22 =	smov.u32 s31  }
0xd4: {  	v0 =	vld [tilespmem:s22+$0x15870]  }
0xd5: {  	v6 =	vld [tilespmem:s22+$0xB800]  }
0xd6: {  	v7 =	vld [tilespmem:s22+$0xB810]  }
.Ltmp3:
0xd7: {  	v10 =	vld [tilespmem:s22+$0xB820];
	(pc) =	sbr.rel @p0 .LBB2_9-.Ltmp3, $4  }
0xd8: {  	v9 =	vld [tilespmem:s22+$0xB830]  }
0xd9: {  	v8 =	vld [tilespmem:s22+$0xB840]  }
0xda: {  	v12 =	vadd.f32 v12, v6;
	v6 =	vld [tilespmem:s22+$0xB850]  }
0xdb: {  	s26 =	sadd.s32 $0x200, s26;
	v11 =	vadd.f32 v11, v7;
	v7 =	vld [tilespmem:s22+$0xB860]  }
0xdc: {  	[tilespmem:s22+$0xB800] =	vst v12;
	v5 =	vadd.f32 v5, v10;
	v63 =	vld [tilespmem:s22+$0xB870]  }
0xdd: {  	[tilespmem:s22+$0xB810] =	vst v11;
	v4 =	vadd.f32 v4, v9  }
0xde: {  	[tilespmem:s22+$0xB820] =	vst v5;
	v3 =	vadd.f32 v3, v8  }
0xdf: {  	[tilespmem:s22+$0xB830] =	vst v4;
	v2 =	vadd.f32 v2, v6  }
0xe0: {  	[tilespmem:s22+$0xB840] =	vst v3;
	v1 =	vadd.f32 v1, v7  }
0xe1: {  	s13 =	sadd.s32 s11, s13;
	[tilespmem:s22+$0xB850] =	vst v2;
	v0 =	vadd.f32 v0, v63  }
0xe2: {  	p0 =	seq.s32 s14, $0xD;
	s13 =	sshll.u32 s13, $0x4;
	[tilespmem:s22+$0xB860] =	vst v1  }
.Ltmp4:
0xe3: {  	s13 =	sadd.s32 s5, s13;
	[tilespmem:s22+$0xB870] =	vst v0;
	(pc) =	sbr.rel @p0 .LBB2_12-.Ltmp4, $4  }
0xe4: {  	[hbm4b:s13+s3] =	stream.linear.scatter [tilespmem:s29], [sflag:$0xC], $0x2800, $0x38;
	[tilespmem:$0x18000] =	vst v63  }
0xe5: {  	_ =	swait.ge [sflag:s7], $0x2800  }
0xe6: {  	[sflag:s7] =	ssyncset.done $0x0  }
0xe7: {  	[sflag:s7] =	ssyncadd.s32 $0xFFFFD800  }
0xe8: {  	s13 =	sshll.u32 s14, $0x9  }
0xe9: {  	s22 =	sadd.s32 $0x200, s13  }
0xea: {  	[tilespmem:s17], [sflag:$0x1] =	stream.indirect.gather [hbm4b:s2+s16], $0x80, s22, s16, $0xb8;
	[tilespmem:$0x18000] =	vst v63  }
0xeb: {  	s31 =	sadd.s32 $0x2200, s13  }
0xec: {  	[tilespmem:s18], [sflag:$0x5] =	stream.indirect.gather [hbm4b:s4+s16], $0x80, s31, s16, $0xb8;
	[tilespmem:$0x18000] =	vst v63  }
0xed: {  	_ =	swait.ge [sflag:s15], $0x2800  }
0xee: {  	[sflag:s15] =	ssyncset.done $0x0  }
0xef: {  	s26 =	sadd.s32 $0x280, s13;
	[sflag:s15] =	ssyncadd.s32 $0xFFFFD800  }
0xf0: {  	[tilespmem:s20], [sflag:$0x2] =	stream.indirect.gather [hbm4b:s2+s16], $0x80, s26, s16, $0xb8;
	[tilespmem:$0x18000] =	vst v63  }
0xf1: {  	s31 =	sadd.s32 $0x2280, s13;
	s26 =	simm.s32 $0x10800  }
0xf2: {  	[tilespmem:s26], [sflag:$0x6] =	stream.indirect.gather [hbm4b:s4+s16], $0x80, s31, s16, $0xb8;
	[tilespmem:$0x18000] =	vst v63  }
0xf3: {  	_ =	swait.ge [sflag:s8], $0x2800  }
0xf4: {  	[sflag:s8] =	ssyncset.done $0x0  }
0xf5: {  	s31 =	sadd.s32 $0x300, s13;
	[sflag:s8] =	ssyncadd.s32 $0xFFFFD800  }
0xf6: {  	[tilespmem:s24], [sflag:$0x3] =	stream.indirect.gather [hbm4b:s2+s16], $0x80, s31, s16, $0xb8;
	[tilespmem:$0x18000] =	vst v63  }
0xf7: {  	s26 =	sadd.s32 $0x2300, s13;
	s31 =	simm.s32 $0x13000  }
0xf8: {  	[tilespmem:s31], [sflag:$0x7] =	stream.indirect.gather [hbm4b:s4+s16], $0x80, s26, s16, $0xb8;
	[tilespmem:$0x18000] =	vst v63  }
0xf9: {  	_ =	swait.ge [sflag:s12], $0x2800  }
.Ltmp5:
0xfa: {  	[sflag:s12] =	ssyncset.done $0x0;
	(pc) =	sbr.rel .LBB2_2-.Ltmp5, $4  }
0xfb: {  	s26 =	sadd.s32 $0x380, s13;
	[sflag:s12] =	ssyncadd.s32 $0xFFFFD800  }
0xfc: {  	[tilespmem:s29], [sflag:$0x4] =	stream.indirect.gather [hbm4b:s2+s16], $0x80, s26, s16, $0xb8;
	[tilespmem:$0x18000] =	vst v63  }
0xfd: {  	s14 =	sadd.s32 $0x1, s14;
	s13 =	sadd.s32 $0x2380, s13;
	s31 =	simm.s32 $0x15800  }
0xfe: {  	[tilespmem:s31], [sflag:$0x8] =	stream.indirect.gather [hbm4b:s4+s16], $0x80, s13, s16, $0xb8;
	[tilespmem:$0x18000] =	vst v63  }
.LBB2_12:
0xff: {  	_ =	swait.ge [sflag:s15], $0x2800  }
0x100: {  	[sflag:s15] =	ssyncset.done $0x0  }
0x101: {  	[sflag:s15] =	ssyncadd.s32 $0xFFFFD800  }
0x102: {  	_ =	swait.ge [sflag:s8], $0x2800  }
0x103: {  	[sflag:s8] =	ssyncset.done $0x0  }
0x104: {  	[sflag:s8] =	ssyncadd.s32 $0xFFFFD800  }
0x105: {  	_ =	swait.ge [sflag:s12], $0x2800  }
0x106: {  	[sflag:s12] =	ssyncset.done $0x0  }
0x107: {  	s13 =	simm.s32 $0x1C00;
	[sflag:s12] =	ssyncadd.s32 $0xFFFFD800  }
0x108: {  	[tilespmem:s17], [sflag:$0x1] =	stream.indirect.gather [hbm4b:s2+s16], $0x80, s13, s16, $0xb8;
	[tilespmem:$0x18000] =	vst v63  }
0x109: {  	s31 =	simm.s32 $0x3C00  }
0x10a: {  	[tilespmem:s18], [sflag:$0x5] =	stream.indirect.gather [hbm4b:s4+s16], $0x80, s31, s16, $0xb8;
	[tilespmem:$0x18000] =	vst v63  }
0x10b: {  	_ =	swait.ge [sflag:s0], $0x2800  }
0x10c: {  	[sflag:s0] =	ssyncset.done $0x0  }
0x10d: {  	[sflag:s0] =	ssyncadd.s32 $0xFFFFD800  }
0x10e: {  	_ =	swait.ge [sflag:s1], $0x2800  }
0x10f: {  	[sflag:s1] =	ssyncset.done $0x0  }
0x110: {  	s13 =	simm.s32 $0x0;
	[sflag:s1] =	ssyncadd.s32 $0xFFFFD800  }
0x111: {  	v7 =	vld [tilespmem:s13+$0xE000]  }
0x112: {  	v11 =	vld [tilespmem:s13+$0xE010]  }
0x113: {  	v5 =	vld [tilespmem:s13+$0xE020]  }
0x114: {  	v4 =	vld [tilespmem:s13+$0xE030]  }
0x115: {  	v3 =	vld [tilespmem:s13+$0xE040]  }
0x116: {  	v2 =	vld [tilespmem:s13+$0xE050]  }
0x117: {  	v1 =	vld [tilespmem:s13+$0xE060]  }
0x118: {  	v0 =	vld [tilespmem:s13+$0xE070]  }
0x119: {  	v12 =	vld [tilespmem:s13+$0x4000]  }
0x11a: {  	v13 =	vld [tilespmem:s13+$0x4010]  }
0x11b: {  	v10 =	vld [tilespmem:s13+$0x4020]  }
0x11c: {  	v9 =	vld [tilespmem:s13+$0x4030]  }
0x11d: {  	v8 =	vld [tilespmem:s13+$0x4040]  }
0x11e: {  	v6 =	vld [tilespmem:s13+$0x4050];
	v12 =	vadd.f32 v7, v12  }
0x11f: {  	s14 =	simm.s32 $0x200;
	v11 =	vadd.f32 v11, v13;
	v7 =	vld [tilespmem:s13+$0x4060]  }
.LBB2_13:
0x120: {  	s22 =	sshra.s32 s14, $0x2;
	p0 =	sne.s32 s14, $0x9E00;
	[tilespmem:s13+$0x4000] =	vst v12;
	v5 =	vadd.f32 v5, v10;
	v10 =	vld [tilespmem:s13+$0x4070]  }
0x121: {  	v12 =	vld [tilespmem:s22+$0xE000];
	[tilespmem:s13+$0x4010] =	vst v11;
	v4 =	vadd.f32 v4, v9  }
0x122: {  	v11 =	vld [tilespmem:s22+$0xE010];
	[tilespmem:s13+$0x4020] =	vst v5;
	v3 =	vadd.f32 v3, v8  }
0x123: {  	v5 =	vld [tilespmem:s22+$0xE020];
	[tilespmem:s13+$0x4030] =	vst v4;
	v2 =	vadd.f32 v2, v6  }
0x124: {  	v4 =	vld [tilespmem:s22+$0xE030];
	[tilespmem:s13+$0x4040] =	vst v3;
	v1 =	vadd.f32 v1, v7  }
0x125: {  	v3 =	vld [tilespmem:s22+$0xE040];
	[tilespmem:s13+$0x4050] =	vst v2;
	v0 =	vadd.f32 v0, v10  }
0x126: {  	v2 =	vld [tilespmem:s22+$0xE050];
	[tilespmem:s13+$0x4060] =	vst v1  }
0x127: {  	v1 =	vld [tilespmem:s22+$0xE060];
	[tilespmem:s13+$0x4070] =	vst v0;
	s13 =	smov.u32 s22  }
0x128: {  	v0 =	vld [tilespmem:s13+$0xE070]  }
0x129: {  	v6 =	vld [tilespmem:s13+$0x4000]  }
0x12a: {  	v7 =	vld [tilespmem:s13+$0x4010]  }
.Ltmp6:
0x12b: {  	v10 =	vld [tilespmem:s13+$0x4020];
	(pc) =	sbr.rel @p0 .LBB2_13-.Ltmp6, $4  }
0x12c: {  	v9 =	vld [tilespmem:s13+$0x4030]  }
0x12d: {  	v8 =	vld [tilespmem:s13+$0x4040]  }
0x12e: {  	v12 =	vadd.f32 v12, v6;
	v6 =	vld [tilespmem:s13+$0x4050]  }
0x12f: {  	s14 =	sadd.s32 $0x200, s14;
	v11 =	vadd.f32 v11, v7;
	v7 =	vld [tilespmem:s13+$0x4060]  }
0x130: {  	[tilespmem:s13+$0x4000] =	vst v12;
	v5 =	vadd.f32 v5, v10;
	v63 =	vld [tilespmem:s13+$0x4070]  }
0x131: {  	[tilespmem:s13+$0x4010] =	vst v11;
	v4 =	vadd.f32 v4, v9  }
0x132: {  	[tilespmem:s13+$0x4020] =	vst v5;
	v3 =	vadd.f32 v3, v8  }
0x133: {  	[tilespmem:s13+$0x4030] =	vst v4;
	v2 =	vadd.f32 v2, v6  }
0x134: {  	[tilespmem:s13+$0x4040] =	vst v3;
	v1 =	vadd.f32 v1, v7  }
0x135: {  	[tilespmem:s13+$0x4050] =	vst v2;
	v0 =	vadd.f32 v0, v63  }
0x136: {  	[tilespmem:s13+$0x4060] =	vst v1  }
0x137: {  	s26 =	rddreg [dreg:$0x5];
	s14 =	simm.s32 $0xD;
	[tilespmem:s13+$0x4070] =	vst v0  }
0x138: {  	[hbm4b:s26+s3] =	stream.linear.scatter [tilespmem:s17], [sflag:$0xD], $0x2800, $0x38;
	[tilespmem:$0x18000] =	vst v63  }
0x139: {  	_ =	swait.ge [sflag:s14], $0x2800  }
0x13a: {  	s22 =	rddreg [dreg:$0x7]  }
0x13b: {  	s31 =	rddreg [dreg:$0x6];
	s22 =	sadd.s32 $0x1, s22  }
0x13c: {  	p0 =	sne.s32 s22, s31  }
.Ltmp7:
0x13d: {  	_ = 	snop;
	(pc) =	sbr.rel @p0 .LBB2_1-.Ltmp7, $3  }
0x13e: {  	_ =	sdelay $0x1  }
0x13f: {  	[sflag:s14] =	ssyncset.done $0x0  }
0x140: {  	[sflag:s14] =	ssyncadd.s32 $0xFFFFD800  }
0x141: {  	_ =	sfence.sel $0x180000  }
0x142: {  	[bflag:$0x0] =	sbarrier.arrive $0xFFFF  }
0x143: {  	_ =	strace $0x90000047  }
0x144: {  	s0 =	stileid.u32;
	[bflag:$0x2] =	sbarrier.arrive $0xFFFF  }
0x145: {  	p0 =	sne.s32 s0, $0x0;
	s0 =	rddreg [dreg:$0x2]  }
0x146: {  	s0 =	sadd.s32 @!p0 $0x100000, s0  }
0x147: {  	[sflag:s0] =	ssyncadd.tile.s32 @!p0 $0x1;
	_ =	shalt  }
.Lfunc_end2:
_tile_overlayer_lowered:
.L_overlay_start_2:
0x148: {  	(tag) =	ssettag $0x2  }
0x149: {  	s0 =	rddreg [dreg:$0x0];
	s2 =	stileid.u32  }
0x14a: {  	s1 =	rddreg [dreg:$0x1];
	p0 =	sne.s32 s2, $0x0  }
0x14b: {  	s3 =	rddreg [dreg:$0x2];
	[bflag:$0x3] =	sbarrier.arrive $0xFFFF;
	s2 =	simm.s32 @!p0 $0x1C0D  }
0x14c: {  	[timem:s3], [sflag:s2] =	dma.local @!p0 [hbm:s0], s1  }
0x14d: {  	s0 =	simm.s32 @!p0 $0xD  }
0x14e: {  	_ =	swait.ge @!p0 [sflag:s0], s1  }
0x14f: {  	s1 =	ssub.s32 @!p0 $0x0, s1;
	[sflag:s0] =	ssyncset.done @!p0 $0x0  }
0x150: {  	[sflag:s0] =	ssyncadd.s32 @!p0 s1  }
0x151: {  	[bflag:$0x3] =	sbarrier.arrive $0xFFFF  }
0x152: {  	_ =	shalt  }

// kernel: kernel.14.cloned.1.call-start
scs
__scs_entry_jumppad:
0x0: {  	(pc) =	sbr.rel $0x88, $3  }
0x1: {  	(tag) =	ssettag $0x0;
	lr =	simm.s32 $0x1  }
0x2: {  	[smem:$0x3F79] =	sst lr;
	_ =	strace $0xD0000000  }
0x3: {  	_ = 	snop  }
0x4: {  	_ = 	snop  }
0x5: {  	_ = 	snop  }
0x6: {  	_ = 	snop  }
0x7: {  	_ = 	snop  }
__scs_overlays_trampoline_lowered:
0x8: {  	[smem:$0x3F88] =	sst s0  }
0x9: {  	[smem:$0x3F89] =	sst s1  }
0xa: {  	[smem:$0x3F8A] =	sst s2  }
0xb: {  	[smem:$0x3F8B] =	sst s3  }
0xc: {  	[smem:$0x3F8C] =	sst s4  }
0xd: {  	[smem:$0x3F8D] =	sst s5  }
0xe: {  	[smem:$0x3F8E] =	sst s6  }
0xf: {  	[smem:$0x3F8F] =	sst s7  }
0x10: {  	[smem:$0x3F90] =	sst s8  }
0x11: {  	[smem:$0x3F91] =	sst s9;
	s0 =	simm.s32 @!p0 $0x0  }
0x12: {  	s1 =	sld [smem:$0x3F77];
	s0 =	simm.s32 @p0 $0x1  }
0x13: {  	[smem:$0x3F92] =	sst s0;
	s0 =	simm.s32 @!p1 $0x0  }
0x14: {  	s2 =	sld [smem:$0x3F76];
	s0 =	simm.s32 @p1 $0x1  }
0x15: {  	[smem:$0x3F93] =	sst s0;
	s0 =	simm.s32 @!p2 $0x0  }
0x16: {  	s3 =	sld [smem:$0x3FDB];
	s0 =	simm.s32 @p2 $0x1  }
0x17: {  	s4 =	simm.s32 $0x1BF5;
	[smem:$0x3F95] =	sst s0  }
0x18: {  	s0 =	sld [smem:$0x3F78];
	_ =	swait.ge [sflag:s4], $0x0  }
0x19: {  	s7 =	sld [smem:$0x3F79]  }
0x1a: {  	s8 =	sadd.s32 $0xFFFFE003, lr  }
0x1b: {  	s9 =	sadd.s32 $0xFFFFFEF7, lr;
	s5 =	simm.s32 $0xFFFFFFFF;
	p2 =	slt.u32 s8, $0xFFFFF086  }
0x1c: {  	p1 =	slt.u32 s9, $0xF7A;
	s5 =	simm.s32 @!p2 $0x0  }
0x1d: {  	s5 =	simm.s32 @p1 $0x1;
	p0 =	seq.s32 s7, s2  }
0x1e: {  	s7 =	smul.u32 @!p0 $0xF7A, s2;
	p2 =	seq.s32 @!p0 s5, $0x0  }
0x1f: {  	s9 =	smul.u32 $0xF7A, s1;
	s8 =	simm.s32 @!p0 $0x1BF5;
	p2 =	por !p2, p0  }
0x20: {  	[sflag:s8] =	ssyncset.s32 @!p0 $0xFFFFF086;
	s6 =	sadd.s32 @!p0 s3, s7;
	s7 =	simm.s32 @!p0 $0x108  }
0x21: {  	s3 =	sadd.s32 s3, s9;
	s6 =	sadd.s32 @!p0 $0x88, s6;
	s7 =	simm.s32 @p2 $0x1082  }
0x22: {  	[simem:s7], [sflag:s8] =	dma.local @!p0 [hbm:s6], $0xF7A  }
0x23: {  	s9 =	sor.u32 $0xD0000000, s2;
	s6 =	simm.s32 $0x108;
	_ =	swait.ge @!p0 [sflag:s8], $0x0  }
0x24: {  	s3 =	sadd.s32 $0x88, s3;
	s6 =	simm.s32 @!p1 $0x1082;
	[sflag:s4] =	ssyncset.s32 $0xFFFFF086  }
0x25: {  	[simem:s6], [sflag:s4] =	dma.local [hbm:s3], $0xF7A  }
0x26: {  	[smem:$0x3F79] =	sst s1;
	(tag) =	ssettag s2;
	_ =	strace s9  }
0x27: {  	s1 =	sld [smem:$0x3F89]  }
0x28: {  	s2 =	sld [smem:$0x3F8A]  }
0x29: {  	s4 =	sld [smem:$0x3F8C]  }
0x2a: {  	p0 =	seq.s32 s5, $0x0;
	s5 =	sld [smem:$0x3F8D]  }
0x2b: {  	s6 =	sld [smem:$0x3F8E]  }
0x2c: {  	s7 =	sld [smem:$0x3F8F]  }
0x2d: {  	s3 =	simm.s32 $0x108;
	s8 =	sld [smem:$0x3F90]  }
0x2e: {  	s3 =	simm.s32 @!p0 $0x1082;
	s9 =	sld [smem:$0x3F91]  }
0x2f: {  	lr =	sadd.s32 s0, s3;
	s0 =	sld [smem:$0x3F88]  }
0x30: {  	s3 =	sld [smem:$0x3F8B]  }
0x31: {  	[smem:$0x3F94] =	sst s10  }
0x32: {  	s10 =	sld [smem:$0x3F92];
	_ =	sdelay $0x3  }
0x33: {  	p0 =	seq.s32 s10, $0x1;
	s10 =	sld [smem:$0x3F94];
	_ =	sdelay $0x3  }
0x34: {  	[smem:$0x3F94] =	sst s10  }
0x35: {  	s10 =	sld [smem:$0x3F93];
	_ =	sdelay $0x3  }
0x36: {  	p1 =	seq.s32 s10, $0x1;
	s10 =	sld [smem:$0x3F94];
	_ =	sdelay $0x3  }
0x37: {  	[smem:$0x3F94] =	sst s10  }
0x38: {  	s10 =	sld [smem:$0x3F95]  }
0x39: {  	_ = 	snop;
	(pc) =	sbr.ind lr, $3  }
0x3a: {  	_ = 	snop  }
0x3b: {  	_ = 	snop  }
0x3c: {  	p2 =	seq.s32 s10, $0x1;
	s10 =	sld [smem:$0x3F94]  }
0x3d: {  	_ =	shalt  }
0x3e: {  	_ =	shalt  }
0x3f: {  	_ =	shalt  }
0x40: {  	_ =	shalt  }
0x41: {  	_ =	shalt  }
0x42: {  	_ =	shalt  }
0x43: {  	_ =	shalt  }
0x44: {  	_ =	shalt  }
0x45: {  	_ =	shalt  }
0x46: {  	_ =	shalt  }
0x47: {  	_ =	shalt  }
0x48: {  	_ =	shalt  }
0x49: {  	_ =	shalt  }
0x4a: {  	_ =	shalt  }
0x4b: {  	_ =	shalt  }
0x4c: {  	_ =	shalt  }
0x4d: {  	_ =	shalt  }
0x4e: {  	_ =	shalt  }
0x4f: {  	_ =	shalt  }
0x50: {  	_ =	shalt  }
0x51: {  	_ =	shalt  }
0x52: {  	_ =	shalt  }
0x53: {  	_ =	shalt  }
0x54: {  	_ =	shalt  }
0x55: {  	_ =	shalt  }
0x56: {  	_ =	shalt  }
0x57: {  	_ =	shalt  }
0x58: {  	_ =	shalt  }
0x59: {  	_ =	shalt  }
0x5a: {  	_ =	shalt  }
0x5b: {  	_ =	shalt  }
0x5c: {  	_ =	shalt  }
0x5d: {  	_ =	shalt  }
0x5e: {  	_ =	shalt  }
0x5f: {  	_ =	shalt  }
0x60: {  	_ =	shalt  }
0x61: {  	_ =	shalt  }
0x62: {  	_ =	shalt  }
0x63: {  	_ =	shalt  }
0x64: {  	_ =	shalt  }
0x65: {  	_ =	shalt  }
0x66: {  	_ =	shalt  }
0x67: {  	_ =	shalt  }
0x68: {  	_ =	shalt  }
0x69: {  	_ =	shalt  }
0x6a: {  	_ =	shalt  }
0x6b: {  	_ =	shalt  }
0x6c: {  	_ =	shalt  }
0x6d: {  	_ =	shalt  }
0x6e: {  	_ =	shalt  }
0x6f: {  	_ =	shalt  }
0x70: {  	_ =	shalt  }
0x71: {  	_ =	shalt  }
0x72: {  	_ =	shalt  }
0x73: {  	_ =	shalt  }
0x74: {  	_ =	shalt  }
0x75: {  	_ =	shalt  }
0x76: {  	_ =	shalt  }
0x77: {  	_ =	shalt  }
0x78: {  	_ =	shalt  }
0x79: {  	_ =	shalt  }
0x7a: {  	_ =	shalt  }
0x7b: {  	_ =	shalt  }
0x7c: {  	_ =	shalt  }
0x7d: {  	_ =	shalt  }
0x7e: {  	_ =	shalt  }
0x7f: {  	_ =	shalt  }
0x80: {  	_ =	shalt  }
0x81: {  	_ =	shalt  }
0x82: {  	_ =	shalt  }
0x83: {  	_ =	shalt  }
0x84: {  	_ =	shalt  }
0x85: {  	_ =	shalt  }
0x86: {  	_ =	shalt  }
0x87: {  	_ =	shalt  }
.Lfunc_end0:
.L_simem_size_0:
called_computation.1_lowered:
.L_overlay_start_0:
0x88: {  	s2 =	sld [smem:$0x3FD9]  }
0x89: {  	s3 =	sld [smem:$0x3FFE];
	_ =	sdelay $0x1  }
0x8a: {  	s1 =	srdreg.scid  }
0x8b: {  	s0 =	sand.u32 $0x1, s1  }
0x8c: {  	s15 =	sshll.u32 s0, $0xA;
	s2 =	sadd.s32 s3, s2  }
0x8d: {  	s2 =	sadd.s32 s2, s15  }
0x8e: {  	[smem:$0x3FA0] =	sst s2  }
0x8f: {  	_ = 	snop  }
0x90: {  	s2 =	sld [smem:$0x3FD0];
	_ =	sdelay $0x2  }
0x91: {  	s16 =	simm.s32 $0xB;
	s4 =	simm.s32 $0x10  }
0x92: {  	[smem:s4], [sflag:s16] =	dma.local [hbm:s2], $0x1  }
0x93: {  	_ =	swait.eq [sflag:s16], $0x1  }
0x94: {  	[sflag:s16] =	ssyncset.done $0x0  }
0x95: {  	[sflag:s16] =	ssyncadd.s32 $0xFFFFFFFF  }
0x96: {  	s17 =	sld [smem:$0x10];
	(tm) =	ssettm $0x1  }
0x97: {  	s18 =	sld [smem:$0x3FFB];
	_ =	sdelay $0x3  }
0x98: {  	_ =	strace s18  }
0x99: {  	s2 =	sld [smem:$0x3FFC];
	_ =	sdelay $0x3  }
0x9a: {  	_ =	strace s2  }
0x9b: {  	s2 =	sld [smem:$0x3FFD];
	_ =	sdelay $0x3  }
0x9c: {  	_ =	strace s2  }
0x9d: {  	_ =	strace $0x8FFFFFFF  }
0x9e: {  	s19 =	sld [smem:$0x3FDB];
	_ =	sdelay $0x1  }
0x9f: {  	s20 =	simm.s32 $_scs_section_size  }
0xa0: {  	s5 =	simm.s32 $_size__tile_overlayer_lowered;
	s6 =	simm.s32 $_tile_overlayer_lowered  }
0xa1: {  	s7 =	simm.s32 $0x1BFF;
	s21 =	sshll.u32 s6, $0x1;
	s4 =	sadd.s32 s20, s19  }
0xa2: {  	s22 =	simm.s32 $0x0;
	s5 =	sshll.u32 s5, $0x1;
	s6 =	sadd.s32 s21, s4  }
0xa3: {  	[timem:s22], [sflag:s7] =	dma.local [hbm:s6], s5  }
0xa4: {  	_ =	swait.ge [sflag:s7], s5  }
0xa5: {  	s5 =	ssub.s32 $0x0, s5;
	[sflag:s7] =	ssyncset.done $0x0  }
0xa6: {  	[sflag:s7] =	ssyncadd.s32 s5;
	_ =	sdelay $0x1  }
0xa7: {  	s23 =	simm.s32 $0x1B8B  }
0xa8: {  	_ =	swait.ge [sflag:s23], $0x1  }
0xa9: {  	[sflag:s23] =	ssyncset.done $0x0  }
0xaa: {  	[sflag:s23] =	ssyncadd.s32 $0xFFFFFFFF  }
0xab: {  	s5 =	sld [smem:$0x0]  }
0xac: {  	s6 =	sand.u32 $0xFFFFFFFE, s1  }
0xad: {  	p0 =	sne.s32 s1, s6  }
0xae: {  	s6 =	sshll.u32 @p0 s6, $0xE  }
0xaf: {  	s6 =	sadd.s32 @p0 $0x11B8D, s6;
	s7 =	sshll.u32 @p0 s5, $0x11  }
0xb0: {  	s6 =	sor.u32 @p0 s7, s6  }
0xb1: {  	[sflag:s6] =	ssyncadd.remote.s32 @p0 $0x1;
	_ =	sdelay $0x1  }
0xb2: {  	s6 =	simm.s32 @p0 $0x1B8D  }
0xb3: {  	_ =	swait.eq @p0 [sflag:s6], $0x1  }
0xb4: {  	[sflag:s6] =	ssyncadd.s32 @p0 $0xFFFFFFFF  }
0xb5: {  	s7 =	sshll.u32 @!p0 s1, $0xE  }
0xb6: {  	s7 =	sor.u32 @!p0 $0x4000, s7;
	s6 =	simm.s32 @!p0 $0x1B8D  }
0xb7: {  	s5 =	sshll.u32 @!p0 s5, $0x11;
	s7 =	sadd.s32 @!p0 $0x11B8D, s7;
	_ =	swait.eq @!p0 [sflag:s6], $0x1  }
0xb8: {  	s5 =	sor.u32 @!p0 s5, s7;
	[sflag:s6] =	ssyncadd.s32 @!p0 $0xFFFFFFFF  }
0xb9: {  	s25 =	simm.s32 $0x1B8E;
	s24 =	sld [smem:$0x3FFE];
	[sflag:s5] =	ssyncadd.remote.s32 @!p0 $0x1  }
0xba: {  	s26 =	simm.s32 $execute0_lowered;
	[smem:$0x3FD2] =	sst s25  }
0xbb: {  	s6 =	sshll.u32 s26, $0x1;
	_ =	strace $0x80000049;
	[dreg:$0x1] =	wrdreg $0xFFFFFFFF  }
0xbc: {  	s28 =	simm.s32 $_size_execute0_lowered;
	s4 =	sadd.s32 s4, s6;
	[dreg:$0x0] =	wrdreg $0x0  }
0xbd: {  	s6 =	sshll.u32 s28, $0x1;
	[dreg:$0x2] =	wrdreg s4  }
0xbe: {  	[dreg:$0x3] =	wrdreg s6  }
0xbf: {  	[dreg:$0x4] =	wrdreg $0xC0  }
0xc0: {  	_ =	task [dreg:s22], $0x5FFFF  }
0xc1: {  	[dreg:$0x1] =	wrdreg $0xFFFFFFFF  }
0xc2: {  	[dreg:$0x0] =	wrdreg $0x60  }
0xc3: {  	[dreg:$0x2] =	wrdreg s17  }
0xc4: {  	[dreg:$0x3] =	wrdreg s24  }
0xc5: {  	[dreg:$0x4] =	wrdreg $0x9  }
0xc6: {  	_ =	task.clear_ibuf [dreg:s22], $0x5FFFF;
	_ =	strace $0x90000049  }
0xc7: {  	s29 =	simm.s32 $0x9;
	_ =	strace $0x8000004B  }
0xc8: {  	_ =	swait.ge [sflag:s29], $0x1  }
0xc9: {  	[sflag:s29] =	ssyncadd.s32 $0xFFFFFFFF  }
0xca: {  	_ =	strace $0x9000004B  }
0xcb: {  	_ =	sfence  }
0xcc: {  	s30 =	sld [smem:$0x0];
	_ =	sdelay $0x2  }
0xcd: {  	s31 =	sshll.u32 s1, $0xD;
	s1 =	sshrl.u32 s1, $0x2  }
0xce: {  	s4 =	sand.u32 $0x4000, s31;
	s1 =	sadd.s32 s1, s30  }
0xcf: {  	s0 =	sor.u32 s4, s0;
	s1 =	sshll.u32 s1, $0x11  }
0xd0: {  	s0 =	sor.u32 s1, s0  }
0xd1: {  	s0 =	sadd.s32 $0x8F2B, s0  }
0xd2: {  	[sflag:s0] =	ssyncadd.remote.s32 $0x1  }
0xd3: {  	_ =	sfence.sel $0xFFFF  }
0xd4: {  	[dreg:$0x0] =	wrdreg $0xFFFFFFFF;
	(pc) =	sbr.abs _section_cstart, $3  }
0xd5: {  	[dreg:$0x1] =	wrdreg $0xFFFFFFFF  }
0xd6: {  	_ =	task.clear_ibuf [dreg:s22], $0x2FFFF;
	_ =	strace $0x9FFFFFFF  }
0xd7: {  	(tm) =	ssettm $0x7FFFFFFF  }
tec
execute0_lowered:
.L_overlay_start_1:
0x0: {  	(tag) =	ssettag $0x1  }
0x1: {  	s2 =	rddreg [dreg:$0x0];
	s0 =	srdreg.scid  }
0x2: {  	s3 =	stileid.u32;
	s1 =	rddreg [dreg:$0x1];
	s15 =	simm.s32 $0x50  }
0x3: {  	s16 =	simm.s32 $0x4800;
	s19 =	simm.s32 $0x7000;
	s23 =	simm.s32 $0x9800  }
0x4: {  	s28 =	simm.s32 $0xC000;
	s30 =	simm.s32 $0x16000;
	s31 =	simm.s32 $0x1  }
0x5: {  	s18 =	simm.s32 $0x6;
	s20 =	simm.s32 $0x3;
	s22 =	simm.s32 $0x7  }
0x6: {  	s24 =	simm.s32 $0x4;
	s29 =	simm.s32 $0x9;
	s14 =	simm.s32 $0xA  }
0x7: {  	s0 =	sand.u32 $0x1, s0;
	s4 =	sshll.u32 s3, $0x1;
	s3 =	simm.s32 $0x0  }
0x8: {  	s13 =	simm.s32 $0x0;
	s5 =	sor.u32 s0, s4;
	[smem:$0x7FF] =	sst s3  }
0x9: {  	s4 =	sadd.s32 $0x17400, s1;
	s0 =	ssub.s32 $0x2, s0;
	s6 =	smul.u32 $0x480, s5  }
0xa: {  	_ =	strace $0x8000004A;
	s5 =	smul.u32 $0x1540, s5;
	s25 =	sshrl.u32 s0, $0x1  }
0xb: {  	s0 =	ssub.s32 s0, s25;
	s7 =	sadd.s32 s6, s1;
	s6 =	sadd.s32 $0x2B1800, s1  }
.Ltmp0:
0xc: {  	s9 =	sadd.s32 $0x50, s5;
	s10 =	sadd.s32 $0xA0, s5;
	(pc) =	sbr.rel .LBB2_1-.Ltmp0, $4  }
0xd: {  	s11 =	sadd.s32 $0xF0, s5;
	s0 =	smax.u32 s0, $0x1;
	s1 =	simm.s32 $0x5  }
0xe: {  	s8 =	sadd.s32 $0x29F800, s7;
	s26 =	sadd.s32 $0x2A8800, s7;
	[dreg:$0x5] =	wrdreg s0  }
0xf: {  	s0 =	simm.s32 $0x2;
	s7 =	simm.s32 $0xB;
	[dreg:$0x3] =	wrdreg s8  }
0x10: {  	[dreg:$0x4] =	wrdreg s26;
	s26 =	simm.s32 $0x8;
	s8 =	simm.s32 $0xC  }
.LBB2_12:
0x11: {  	_ =	swait.ge [sflag:s14], $0x2800  }
0x12: {  	[sflag:s14] =	ssyncset.done $0x0  }
0x13: {  	[sflag:s14] =	ssyncadd.s32 $0xFFFFD800  }
0x14: {  	_ =	swait.ge [sflag:s7], $0x2800  }
0x15: {  	[sflag:s7] =	ssyncset.done $0x0  }
0x16: {  	[sflag:s7] =	ssyncadd.s32 $0xFFFFD800  }
0x17: {  	_ =	swait.ge [sflag:s8], $0x2800  }
0x18: {  	s13 =	rddreg [dreg:$0x6]  }
0x19: {  	s12 =	rddreg [dreg:$0x5];
	s13 =	sadd.s32 $0x1, s13  }
0x1a: {  	p0 =	sne.s32 s13, s12  }
.Ltmp1:
0x1b: {  	_ = 	snop;
	(pc) =	sbr.rel @!p0 .LBB2_13-.Ltmp1, $3  }
0x1c: {  	_ =	sdelay $0x1  }
0x1d: {  	[sflag:s8] =	ssyncset.done $0x0  }
0x1e: {  	[sflag:s8] =	ssyncadd.s32 $0xFFFFD800  }
.LBB2_1:
0x1f: {  	[dreg:$0x6] =	wrdreg s13  }
0x20: {  	s12 =	rddreg [dreg:$0x3];
	s25 =	simm.s32 $0xD  }
0x21: {  	[tilespmem:s3], [sflag:$0xD] =	stream.linear.gather [hbm4b:s12+s3], $0x2200, $0x38;
	[tilespmem:$0x18800] =	vst v63  }
0x22: {  	_ =	swait.ge [sflag:s25], $0x2200  }
0x23: {  	[sflag:s25] =	ssyncset.done $0x0  }
0x24: {  	s17 =	simm.s32 $0x2400;
	s21 =	rddreg [dreg:$0x4];
	[sflag:s25] =	ssyncadd.s32 $0xFFFFDE00  }
0x25: {  	[tilespmem:s17], [sflag:$0xD] =	stream.linear.gather [hbm4b:s21+s3], $0x2200, $0x38;
	[tilespmem:$0x18800] =	vst v63  }
0x26: {  	_ =	swait.ge [sflag:s25], $0x2200  }
0x27: {  	[sflag:s25] =	ssyncset.done $0x0  }
0x28: {  	[sflag:s25] =	ssyncadd.s32 $0xFFFFDE00  }
0x29: {  	[tilespmem:s16], [sflag:$0x1] =	stream.indirect.gather [hbm4b:s2+s15], $0x80, s3, s15, $0xb8;
	[tilespmem:$0x18800] =	vst v63  }
0x2a: {  	s25 =	simm.s32 $0xE800  }
0x2b: {  	[tilespmem:s25], [sflag:$0x5] =	stream.indirect.gather [hbm4b:s4+s15], $0x80, s17, s15, $0xb8;
	[tilespmem:$0x18800] =	vst v63  }
0x2c: {  	s13 =	simm.s32 $0x80  }
0x2d: {  	[tilespmem:s19], [sflag:$0x2] =	stream.indirect.gather [hbm4b:s2+s15], $0x80, s13, s15, $0xb8;
	[tilespmem:$0x18800] =	vst v63  }
0x2e: {  	s21 =	simm.s32 $0x11000;
	s17 =	simm.s32 $0x2480  }
0x2f: {  	[tilespmem:s21], [sflag:$0x6] =	stream.indirect.gather [hbm4b:s4+s15], $0x80, s17, s15, $0xb8;
	[tilespmem:$0x18800] =	vst v63  }
0x30: {  	s25 =	simm.s32 $0x100  }
0x31: {  	[tilespmem:s23], [sflag:$0x3] =	stream.indirect.gather [hbm4b:s2+s15], $0x80, s25, s15, $0xb8;
	[tilespmem:$0x18800] =	vst v63  }
0x32: {  	s13 =	simm.s32 $0x2500;
	s17 =	simm.s32 $0x13800  }
0x33: {  	[tilespmem:s17], [sflag:$0x7] =	stream.indirect.gather [hbm4b:s4+s15], $0x80, s13, s15, $0xb8;
	[tilespmem:$0x18800] =	vst v63  }
0x34: {  	s21 =	simm.s32 $0x180  }
0x35: {  	[tilespmem:s28], [sflag:$0x4] =	stream.indirect.gather [hbm4b:s2+s15], $0x80, s21, s15, $0xb8;
	[tilespmem:$0x18800] =	vst v63  }
0x36: {  	s25 =	simm.s32 $0x2580;
	s13 =	simm.s32 $0x0  }
0x37: {  	[tilespmem:s30], [sflag:$0x8] =	stream.indirect.gather [hbm4b:s4+s15], $0x80, s25, s15, $0xb8;
	[tilespmem:$0x18800] =	vst v63  }
.LBB2_2:
0x38: {  	_ =	swait.ge [sflag:s31], $0x2800  }
0x39: {  	[sflag:s31] =	ssyncset.done $0x0  }
0x3a: {  	[sflag:s31] =	ssyncadd.s32 $0xFFFFD800  }
0x3b: {  	_ =	swait.ge [sflag:s1], $0x2800  }
0x3c: {  	[sflag:s1] =	ssyncset.done $0x0  }
0x3d: {  	s17 =	simm.s32 $0x0;
	[sflag:s1] =	ssyncadd.s32 $0xFFFFD800  }
0x3e: {  	v6 =	vld [tilespmem:s17+$0xE800]  }
0x3f: {  	v11 =	vld [tilespmem:s17+$0xE810]  }
0x40: {  	v5 =	vld [tilespmem:s17+$0xE820]  }
0x41: {  	v4 =	vld [tilespmem:s17+$0xE830]  }
0x42: {  	v3 =	vld [tilespmem:s17+$0xE840]  }
0x43: {  	v2 =	vld [tilespmem:s17+$0xE850]  }
0x44: {  	v1 =	vld [tilespmem:s17+$0xE860]  }
0x45: {  	v0 =	vld [tilespmem:s17+$0xE870]  }
0x46: {  	v12 =	vld [tilespmem:s17+$0x4800]  }
0x47: {  	v13 =	vld [tilespmem:s17+$0x4810]  }
0x48: {  	v10 =	vld [tilespmem:s17+$0x4820]  }
0x49: {  	v9 =	vld [tilespmem:s17+$0x4830]  }
0x4a: {  	v8 =	vld [tilespmem:s17+$0x4840]  }
0x4b: {  	v7 =	vld [tilespmem:s17+$0x4850];
	v12 =	vadd.f32 v6, v12  }
0x4c: {  	s12 =	simm.s32 $0x200;
	v11 =	vadd.f32 v11, v13;
	v6 =	vld [tilespmem:s17+$0x4860]  }
.LBB2_3:
0x4d: {  	s21 =	sshra.s32 s12, $0x2;
	p0 =	sne.s32 s12, $0x9E00;
	[tilespmem:s17+$0x4800] =	vst v12;
	v5 =	vadd.f32 v5, v10;
	v10 =	vld [tilespmem:s17+$0x4870]  }
0x4e: {  	v12 =	vld [tilespmem:s21+$0xE800];
	[tilespmem:s17+$0x4810] =	vst v11;
	v4 =	vadd.f32 v4, v9  }
0x4f: {  	v11 =	vld [tilespmem:s21+$0xE810];
	[tilespmem:s17+$0x4820] =	vst v5;
	v3 =	vadd.f32 v3, v8  }
0x50: {  	v5 =	vld [tilespmem:s21+$0xE820];
	[tilespmem:s17+$0x4830] =	vst v4;
	v2 =	vadd.f32 v2, v7  }
0x51: {  	v4 =	vld [tilespmem:s21+$0xE830];
	[tilespmem:s17+$0x4840] =	vst v3;
	v1 =	vadd.f32 v1, v6  }
0x52: {  	v3 =	vld [tilespmem:s21+$0xE840];
	[tilespmem:s17+$0x4850] =	vst v2;
	v0 =	vadd.f32 v0, v10  }
0x53: {  	v2 =	vld [tilespmem:s21+$0xE850];
	[tilespmem:s17+$0x4860] =	vst v1  }
0x54: {  	v1 =	vld [tilespmem:s21+$0xE860];
	[tilespmem:s17+$0x4870] =	vst v0;
	s17 =	smov.u32 s21  }
0x55: {  	v0 =	vld [tilespmem:s17+$0xE870]  }
0x56: {  	v6 =	vld [tilespmem:s17+$0x4800]  }
0x57: {  	v13 =	vld [tilespmem:s17+$0x4810]  }
.Ltmp2:
0x58: {  	v10 =	vld [tilespmem:s17+$0x4820];
	(pc) =	sbr.rel @p0 .LBB2_3-.Ltmp2, $4  }
0x59: {  	v9 =	vld [tilespmem:s17+$0x4830]  }
0x5a: {  	v8 =	vld [tilespmem:s17+$0x4840]  }
0x5b: {  	v12 =	vadd.f32 v12, v6;
	v7 =	vld [tilespmem:s17+$0x4850]  }
0x5c: {  	s12 =	sadd.s32 $0x200, s12;
	v11 =	vadd.f32 v11, v13;
	v6 =	vld [tilespmem:s17+$0x4860]  }
0x5d: {  	[tilespmem:s17+$0x4800] =	vst v12;
	v5 =	vadd.f32 v5, v10;
	v10 =	vld [tilespmem:s17+$0x4870]  }
0x5e: {  	[tilespmem:s17+$0x4810] =	vst v11;
	v4 =	vadd.f32 v4, v9  }
0x5f: {  	[tilespmem:s17+$0x4820] =	vst v5;
	v3 =	vadd.f32 v3, v8  }
0x60: {  	s12 =	smul.u32 $0x140, s13;
	[tilespmem:s17+$0x4830] =	vst v4;
	v2 =	vadd.f32 v2, v7  }
0x61: {  	[tilespmem:s17+$0x4840] =	vst v3;
	v1 =	vadd.f32 v1, v6  }
0x62: {  	s21 =	sadd.s32 s5, s12;
	[tilespmem:s17+$0x4850] =	vst v2;
	v0 =	vadd.f32 v0, v10  }
0x63: {  	s21 =	sshll.u32 s21, $0x4;
	[tilespmem:s17+$0x4860] =	vst v1  }
0x64: {  	s25 =	simm.s32 $0x0;
	s21 =	sadd.s32 s6, s21;
	[tilespmem:s17+$0x4870] =	vst v0  }
0x65: {  	[hbm4b:s21+s25] =	stream.linear.scatter [tilespmem:s16], [sflag:$0x9], $0x2800, $0x38;
	[tilespmem:$0x18800] =	vst v63  }
0x66: {  	_ =	swait.ge [sflag:s0], $0x2800  }
0x67: {  	[sflag:s0] =	ssyncset.done $0x0  }
0x68: {  	[sflag:s0] =	ssyncadd.s32 $0xFFFFD800  }
0x69: {  	_ =	swait.ge [sflag:s18], $0x2800  }
0x6a: {  	[sflag:s18] =	ssyncset.done $0x0  }
0x6b: {  	s17 =	simm.s32 $0x0;
	[sflag:s18] =	ssyncadd.s32 $0xFFFFD800  }
0x6c: {  	v7 =	vld [tilespmem:s17+$0x11000]  }
0x6d: {  	v11 =	vld [tilespmem:s17+$0x11010]  }
0x6e: {  	v5 =	vld [tilespmem:s17+$0x11020]  }
0x6f: {  	v4 =	vld [tilespmem:s17+$0x11030]  }
0x70: {  	v3 =	vld [tilespmem:s17+$0x11040]  }
0x71: {  	v2 =	vld [tilespmem:s17+$0x11050]  }
0x72: {  	v1 =	vld [tilespmem:s17+$0x11060]  }
0x73: {  	v0 =	vld [tilespmem:s17+$0x11070]  }
0x74: {  	v12 =	vld [tilespmem:s17+$0x7000]  }
0x75: {  	v13 =	vld [tilespmem:s17+$0x7010]  }
0x76: {  	v10 =	vld [tilespmem:s17+$0x7020]  }
0x77: {  	v9 =	vld [tilespmem:s17+$0x7030]  }
0x78: {  	v8 =	vld [tilespmem:s17+$0x7040]  }
0x79: {  	v6 =	vld [tilespmem:s17+$0x7050];
	v12 =	vadd.f32 v7, v12  }
0x7a: {  	s21 =	simm.s32 $0x200;
	v11 =	vadd.f32 v11, v13;
	v7 =	vld [tilespmem:s17+$0x7060]  }
.LBB2_5:
0x7b: {  	s25 =	sshra.s32 s21, $0x2;
	p0 =	sne.s32 s21, $0x9E00;
	[tilespmem:s17+$0x7000] =	vst v12;
	v5 =	vadd.f32 v5, v10;
	v10 =	vld [tilespmem:s17+$0x7070]  }
0x7c: {  	v12 =	vld [tilespmem:s25+$0x11000];
	[tilespmem:s17+$0x7010] =	vst v11;
	v4 =	vadd.f32 v4, v9  }
0x7d: {  	v11 =	vld [tilespmem:s25+$0x11010];
	[tilespmem:s17+$0x7020] =	vst v5;
	v3 =	vadd.f32 v3, v8  }
0x7e: {  	v5 =	vld [tilespmem:s25+$0x11020];
	[tilespmem:s17+$0x7030] =	vst v4;
	v2 =	vadd.f32 v2, v6  }
0x7f: {  	v4 =	vld [tilespmem:s25+$0x11030];
	[tilespmem:s17+$0x7040] =	vst v3;
	v1 =	vadd.f32 v1, v7  }
0x80: {  	v3 =	vld [tilespmem:s25+$0x11040];
	[tilespmem:s17+$0x7050] =	vst v2;
	v0 =	vadd.f32 v0, v10  }
0x81: {  	v2 =	vld [tilespmem:s25+$0x11050];
	[tilespmem:s17+$0x7060] =	vst v1  }
0x82: {  	v1 =	vld [tilespmem:s25+$0x11060];
	[tilespmem:s17+$0x7070] =	vst v0;
	s17 =	smov.u32 s25  }
0x83: {  	v0 =	vld [tilespmem:s17+$0x11070]  }
0x84: {  	v6 =	vld [tilespmem:s17+$0x7000]  }
0x85: {  	v7 =	vld [tilespmem:s17+$0x7010]  }
.Ltmp3:
0x86: {  	v10 =	vld [tilespmem:s17+$0x7020];
	(pc) =	sbr.rel @p0 .LBB2_5-.Ltmp3, $4  }
0x87: {  	v9 =	vld [tilespmem:s17+$0x7030]  }
0x88: {  	v8 =	vld [tilespmem:s17+$0x7040]  }
0x89: {  	v12 =	vadd.f32 v12, v6;
	v6 =	vld [tilespmem:s17+$0x7050]  }
0x8a: {  	s21 =	sadd.s32 $0x200, s21;
	v11 =	vadd.f32 v11, v7;
	v7 =	vld [tilespmem:s17+$0x7060]  }
0x8b: {  	[tilespmem:s17+$0x7000] =	vst v12;
	v5 =	vadd.f32 v5, v10;
	v10 =	vld [tilespmem:s17+$0x7070]  }
0x8c: {  	[tilespmem:s17+$0x7010] =	vst v11;
	v4 =	vadd.f32 v4, v9  }
0x8d: {  	[tilespmem:s17+$0x7020] =	vst v5;
	v3 =	vadd.f32 v3, v8  }
0x8e: {  	[tilespmem:s17+$0x7030] =	vst v4;
	v2 =	vadd.f32 v2, v6  }
0x8f: {  	[tilespmem:s17+$0x7040] =	vst v3;
	v1 =	vadd.f32 v1, v7  }
0x90: {  	s21 =	sadd.s32 s9, s12;
	[tilespmem:s17+$0x7050] =	vst v2;
	v0 =	vadd.f32 v0, v10  }
0x91: {  	s21 =	sshll.u32 s21, $0x4;
	[tilespmem:s17+$0x7060] =	vst v1  }
0x92: {  	s25 =	simm.s32 $0x0;
	s21 =	sadd.s32 s6, s21;
	[tilespmem:s17+$0x7070] =	vst v0  }
0x93: {  	[hbm4b:s21+s25] =	stream.linear.scatter [tilespmem:s19], [sflag:$0xA], $0x2800, $0x38;
	[tilespmem:$0x18800] =	vst v63  }
0x94: {  	_ =	swait.ge [sflag:s20], $0x2800  }
0x95: {  	[sflag:s20] =	ssyncset.done $0x0  }
0x96: {  	[sflag:s20] =	ssyncadd.s32 $0xFFFFD800  }
0x97: {  	_ =	swait.ge [sflag:s22], $0x2800  }
0x98: {  	[sflag:s22] =	ssyncset.done $0x0  }
0x99: {  	s17 =	simm.s32 $0x0;
	[sflag:s22] =	ssyncadd.s32 $0xFFFFD800  }
0x9a: {  	v7 =	vld [tilespmem:s17+$0x13800]  }
0x9b: {  	v11 =	vld [tilespmem:s17+$0x13810]  }
0x9c: {  	v5 =	vld [tilespmem:s17+$0x13820]  }
0x9d: {  	v4 =	vld [tilespmem:s17+$0x13830]  }
0x9e: {  	v3 =	vld [tilespmem:s17+$0x13840]  }
0x9f: {  	v2 =	vld [tilespmem:s17+$0x13850]  }
0xa0: {  	v1 =	vld [tilespmem:s17+$0x13860]  }
0xa1: {  	v0 =	vld [tilespmem:s17+$0x13870]  }
0xa2: {  	v12 =	vld [tilespmem:s17+$0x9800]  }
0xa3: {  	v13 =	vld [tilespmem:s17+$0x9810]  }
0xa4: {  	v10 =	vld [tilespmem:s17+$0x9820]  }
0xa5: {  	v9 =	vld [tilespmem:s17+$0x9830]  }
0xa6: {  	v8 =	vld [tilespmem:s17+$0x9840]  }
0xa7: {  	v6 =	vld [tilespmem:s17+$0x9850];
	v12 =	vadd.f32 v7, v12  }
0xa8: {  	s21 =	simm.s32 $0x200;
	v11 =	vadd.f32 v11, v13;
	v7 =	vld [tilespmem:s17+$0x9860]  }
.LBB2_7:
0xa9: {  	s25 =	sshra.s32 s21, $0x2;
	p0 =	sne.s32 s21, $0x9E00;
	[tilespmem:s17+$0x9800] =	vst v12;
	v5 =	vadd.f32 v5, v10;
	v10 =	vld [tilespmem:s17+$0x9870]  }
0xaa: {  	v12 =	vld [tilespmem:s25+$0x13800];
	[tilespmem:s17+$0x9810] =	vst v11;
	v4 =	vadd.f32 v4, v9  }
0xab: {  	v11 =	vld [tilespmem:s25+$0x13810];
	[tilespmem:s17+$0x9820] =	vst v5;
	v3 =	vadd.f32 v3, v8  }
0xac: {  	v5 =	vld [tilespmem:s25+$0x13820];
	[tilespmem:s17+$0x9830] =	vst v4;
	v2 =	vadd.f32 v2, v6  }
0xad: {  	v4 =	vld [tilespmem:s25+$0x13830];
	[tilespmem:s17+$0x9840] =	vst v3;
	v1 =	vadd.f32 v1, v7  }
0xae: {  	v3 =	vld [tilespmem:s25+$0x13840];
	[tilespmem:s17+$0x9850] =	vst v2;
	v0 =	vadd.f32 v0, v10  }
0xaf: {  	v2 =	vld [tilespmem:s25+$0x13850];
	[tilespmem:s17+$0x9860] =	vst v1  }
0xb0: {  	v1 =	vld [tilespmem:s25+$0x13860];
	[tilespmem:s17+$0x9870] =	vst v0;
	s17 =	smov.u32 s25  }
0xb1: {  	v0 =	vld [tilespmem:s17+$0x13870]  }
0xb2: {  	v6 =	vld [tilespmem:s17+$0x9800]  }
0xb3: {  	v7 =	vld [tilespmem:s17+$0x9810]  }
.Ltmp4:
0xb4: {  	v10 =	vld [tilespmem:s17+$0x9820];
	(pc) =	sbr.rel @p0 .LBB2_7-.Ltmp4, $4  }
0xb5: {  	v9 =	vld [tilespmem:s17+$0x9830]  }
0xb6: {  	v8 =	vld [tilespmem:s17+$0x9840]  }
0xb7: {  	v12 =	vadd.f32 v12, v6;
	v6 =	vld [tilespmem:s17+$0x9850]  }
0xb8: {  	s21 =	sadd.s32 $0x200, s21;
	v11 =	vadd.f32 v11, v7;
	v7 =	vld [tilespmem:s17+$0x9860]  }
0xb9: {  	[tilespmem:s17+$0x9800] =	vst v12;
	v5 =	vadd.f32 v5, v10;
	v10 =	vld [tilespmem:s17+$0x9870]  }
0xba: {  	[tilespmem:s17+$0x9810] =	vst v11;
	v4 =	vadd.f32 v4, v9  }
0xbb: {  	[tilespmem:s17+$0x9820] =	vst v5;
	v3 =	vadd.f32 v3, v8  }
0xbc: {  	[tilespmem:s17+$0x9830] =	vst v4;
	v2 =	vadd.f32 v2, v6  }
0xbd: {  	[tilespmem:s17+$0x9840] =	vst v3;
	v1 =	vadd.f32 v1, v7  }
0xbe: {  	s21 =	sadd.s32 s10, s12;
	[tilespmem:s17+$0x9850] =	vst v2;
	v0 =	vadd.f32 v0, v10  }
0xbf: {  	s21 =	sshll.u32 s21, $0x4;
	[tilespmem:s17+$0x9860] =	vst v1  }
0xc0: {  	s25 =	simm.s32 $0x0;
	s21 =	sadd.s32 s6, s21;
	[tilespmem:s17+$0x9870] =	vst v0  }
0xc1: {  	[hbm4b:s21+s25] =	stream.linear.scatter [tilespmem:s23], [sflag:$0xB], $0x2800, $0x38;
	[tilespmem:$0x18800] =	vst v63  }
0xc2: {  	_ =	swait.ge [sflag:s24], $0x2800  }
0xc3: {  	[sflag:s24] =	ssyncset.done $0x0  }
0xc4: {  	[sflag:s24] =	ssyncadd.s32 $0xFFFFD800  }
0xc5: {  	_ =	swait.ge [sflag:s26], $0x2800  }
0xc6: {  	[sflag:s26] =	ssyncset.done $0x0  }
0xc7: {  	s17 =	simm.s32 $0x0;
	[sflag:s26] =	ssyncadd.s32 $0xFFFFD800  }
0xc8: {  	v7 =	vld [tilespmem:s17+$0x16000]  }
0xc9: {  	v11 =	vld [tilespmem:s17+$0x16010]  }
0xca: {  	v5 =	vld [tilespmem:s17+$0x16020]  }
0xcb: {  	v4 =	vld [tilespmem:s17+$0x16030]  }
0xcc: {  	v3 =	vld [tilespmem:s17+$0x16040]  }
0xcd: {  	v2 =	vld [tilespmem:s17+$0x16050]  }
0xce: {  	v1 =	vld [tilespmem:s17+$0x16060]  }
0xcf: {  	v0 =	vld [tilespmem:s17+$0x16070]  }
0xd0: {  	v12 =	vld [tilespmem:s17+$0xC000]  }
0xd1: {  	v13 =	vld [tilespmem:s17+$0xC010]  }
0xd2: {  	v10 =	vld [tilespmem:s17+$0xC020]  }
0xd3: {  	v9 =	vld [tilespmem:s17+$0xC030]  }
0xd4: {  	v8 =	vld [tilespmem:s17+$0xC040]  }
0xd5: {  	v6 =	vld [tilespmem:s17+$0xC050];
	v12 =	vadd.f32 v7, v12  }
0xd6: {  	s21 =	simm.s32 $0x200;
	v11 =	vadd.f32 v11, v13;
	v7 =	vld [tilespmem:s17+$0xC060]  }
.LBB2_9:
0xd7: {  	s25 =	sshra.s32 s21, $0x2;
	p0 =	sne.s32 s21, $0x9E00;
	[tilespmem:s17+$0xC000] =	vst v12;
	v5 =	vadd.f32 v5, v10;
	v10 =	vld [tilespmem:s17+$0xC070]  }
0xd8: {  	v12 =	vld [tilespmem:s25+$0x16000];
	[tilespmem:s17+$0xC010] =	vst v11;
	v4 =	vadd.f32 v4, v9  }
0xd9: {  	v11 =	vld [tilespmem:s25+$0x16010];
	[tilespmem:s17+$0xC020] =	vst v5;
	v3 =	vadd.f32 v3, v8  }
0xda: {  	v5 =	vld [tilespmem:s25+$0x16020];
	[tilespmem:s17+$0xC030] =	vst v4;
	v2 =	vadd.f32 v2, v6  }
0xdb: {  	v4 =	vld [tilespmem:s25+$0x16030];
	[tilespmem:s17+$0xC040] =	vst v3;
	v1 =	vadd.f32 v1, v7  }
0xdc: {  	v3 =	vld [tilespmem:s25+$0x16040];
	[tilespmem:s17+$0xC050] =	vst v2;
	v0 =	vadd.f32 v0, v10  }
0xdd: {  	v2 =	vld [tilespmem:s25+$0x16050];
	[tilespmem:s17+$0xC060] =	vst v1  }
0xde: {  	v1 =	vld [tilespmem:s25+$0x16060];
	[tilespmem:s17+$0xC070] =	vst v0;
	s17 =	smov.u32 s25  }
0xdf: {  	v0 =	vld [tilespmem:s17+$0x16070]  }
0xe0: {  	v6 =	vld [tilespmem:s17+$0xC000]  }
0xe1: {  	v7 =	vld [tilespmem:s17+$0xC010]  }
.Ltmp5:
0xe2: {  	v10 =	vld [tilespmem:s17+$0xC020];
	(pc) =	sbr.rel @p0 .LBB2_9-.Ltmp5, $4  }
0xe3: {  	v9 =	vld [tilespmem:s17+$0xC030]  }
0xe4: {  	v8 =	vld [tilespmem:s17+$0xC040]  }
0xe5: {  	v12 =	vadd.f32 v12, v6;
	v6 =	vld [tilespmem:s17+$0xC050]  }
0xe6: {  	s21 =	sadd.s32 $0x200, s21;
	v11 =	vadd.f32 v11, v7;
	v7 =	vld [tilespmem:s17+$0xC060]  }
0xe7: {  	[tilespmem:s17+$0xC000] =	vst v12;
	v5 =	vadd.f32 v5, v10;
	v63 =	vld [tilespmem:s17+$0xC070]  }
0xe8: {  	[tilespmem:s17+$0xC010] =	vst v11;
	v4 =	vadd.f32 v4, v9  }
0xe9: {  	[tilespmem:s17+$0xC020] =	vst v5;
	v3 =	vadd.f32 v3, v8  }
0xea: {  	[tilespmem:s17+$0xC030] =	vst v4;
	v2 =	vadd.f32 v2, v6  }
0xeb: {  	[tilespmem:s17+$0xC040] =	vst v3;
	v1 =	vadd.f32 v1, v7  }
0xec: {  	s12 =	sadd.s32 s11, s12;
	[tilespmem:s17+$0xC050] =	vst v2;
	v0 =	vadd.f32 v0, v63  }
0xed: {  	p0 =	seq.s32 s13, $0x10;
	s12 =	sshll.u32 s12, $0x4;
	[tilespmem:s17+$0xC060] =	vst v1  }
.Ltmp6:
0xee: {  	s12 =	sadd.s32 s6, s12;
	[tilespmem:s17+$0xC070] =	vst v0;
	(pc) =	sbr.rel @p0 .LBB2_12-.Ltmp6, $4  }
0xef: {  	[hbm4b:s12+s3] =	stream.linear.scatter [tilespmem:s28], [sflag:$0xC], $0x2800, $0x38;
	[tilespmem:$0x18800] =	vst v63  }
0xf0: {  	_ =	swait.ge [sflag:s29], $0x2800  }
0xf1: {  	[sflag:s29] =	ssyncset.done $0x0  }
0xf2: {  	[sflag:s29] =	ssyncadd.s32 $0xFFFFD800  }
0xf3: {  	s12 =	sshll.u32 s13, $0x9  }
0xf4: {  	s17 =	sadd.s32 $0x200, s12  }
0xf5: {  	[tilespmem:s16], [sflag:$0x1] =	stream.indirect.gather [hbm4b:s2+s15], $0x80, s17, s15, $0xb8;
	[tilespmem:$0x18800] =	vst v63  }
0xf6: {  	s21 =	simm.s32 $0xE800;
	s25 =	sadd.s32 $0x2600, s12  }
0xf7: {  	[tilespmem:s21], [sflag:$0x5] =	stream.indirect.gather [hbm4b:s4+s15], $0x80, s25, s15, $0xb8;
	[tilespmem:$0x18800] =	vst v63  }
0xf8: {  	_ =	swait.ge [sflag:s14], $0x2800  }
0xf9: {  	[sflag:s14] =	ssyncset.done $0x0  }
0xfa: {  	s25 =	sadd.s32 $0x280, s12;
	[sflag:s14] =	ssyncadd.s32 $0xFFFFD800  }
0xfb: {  	[tilespmem:s19], [sflag:$0x2] =	stream.indirect.gather [hbm4b:s2+s15], $0x80, s25, s15, $0xb8;
	[tilespmem:$0x18800] =	vst v63  }
0xfc: {  	s21 =	sadd.s32 $0x2680, s12;
	s25 =	simm.s32 $0x11000  }
0xfd: {  	[tilespmem:s25], [sflag:$0x6] =	stream.indirect.gather [hbm4b:s4+s15], $0x80, s21, s15, $0xb8;
	[tilespmem:$0x18800] =	vst v63  }
0xfe: {  	_ =	swait.ge [sflag:s7], $0x2800  }
0xff: {  	[sflag:s7] =	ssyncset.done $0x0  }
0x100: {  	s25 =	sadd.s32 $0x300, s12;
	[sflag:s7] =	ssyncadd.s32 $0xFFFFD800  }
0x101: {  	[tilespmem:s23], [sflag:$0x3] =	stream.indirect.gather [hbm4b:s2+s15], $0x80, s25, s15, $0xb8;
	[tilespmem:$0x18800] =	vst v63  }
0x102: {  	s21 =	sadd.s32 $0x2700, s12;
	s25 =	simm.s32 $0x13800  }
0x103: {  	[tilespmem:s25], [sflag:$0x7] =	stream.indirect.gather [hbm4b:s4+s15], $0x80, s21, s15, $0xb8;
	[tilespmem:$0x18800] =	vst v63  }
0x104: {  	_ =	swait.ge [sflag:s8], $0x2800  }
.Ltmp7:
0x105: {  	[sflag:s8] =	ssyncset.done $0x0;
	(pc) =	sbr.rel .LBB2_2-.Ltmp7, $4  }
0x106: {  	s25 =	sadd.s32 $0x380, s12;
	[sflag:s8] =	ssyncadd.s32 $0xFFFFD800  }
0x107: {  	[tilespmem:s28], [sflag:$0x4] =	stream.indirect.gather [hbm4b:s2+s15], $0x80, s25, s15, $0xb8;
	[tilespmem:$0x18800] =	vst v63  }
0x108: {  	s13 =	sadd.s32 $0x1, s13;
	s12 =	sadd.s32 $0x2780, s12  }
0x109: {  	[tilespmem:s30], [sflag:$0x8] =	stream.indirect.gather [hbm4b:s4+s15], $0x80, s12, s15, $0xb8;
	[tilespmem:$0x18800] =	vst v63  }
.LBB2_13:
0x10a: {  	_ =	sfence.sel $0x180000  }
0x10b: {  	[bflag:$0x0] =	sbarrier.arrive $0xFFFF  }
0x10c: {  	_ =	strace $0x9000004A  }
0x10d: {  	s0 =	stileid.u32;
	[bflag:$0x2] =	sbarrier.arrive $0xFFFF  }
0x10e: {  	p0 =	sne.s32 s0, $0x0;
	s0 =	rddreg [dreg:$0x2]  }
0x10f: {  	s0 =	sadd.s32 @!p0 $0x100000, s0  }
0x110: {  	[sflag:s0] =	ssyncadd.tile.s32 @!p0 $0x1;
	_ =	shalt  }
.Lfunc_end2:
_tile_overlayer_lowered:
.L_overlay_start_2:
0x111: {  	(tag) =	ssettag $0x2  }
0x112: {  	s0 =	rddreg [dreg:$0x0];
	s2 =	stileid.u32  }
0x113: {  	s1 =	rddreg [dreg:$0x1];
	p0 =	sne.s32 s2, $0x0  }
0x114: {  	s3 =	rddreg [dreg:$0x2];
	[bflag:$0x3] =	sbarrier.arrive $0xFFFF;
	s2 =	simm.s32 @!p0 $0x1C0D  }
0x115: {  	[timem:s3], [sflag:s2] =	dma.local @!p0 [hbm:s0], s1  }
0x116: {  	s0 =	simm.s32 @!p0 $0xD  }
0x117: {  	_ =	swait.ge @!p0 [sflag:s0], s1  }
0x118: {  	s1 =	ssub.s32 @!p0 $0x0, s1;
	[sflag:s0] =	ssyncset.done @!p0 $0x0  }
0x119: {  	[sflag:s0] =	ssyncadd.s32 @!p0 s1  }
0x11a: {  	[bflag:$0x3] =	sbarrier.arrive $0xFFFF  }
0x11b: {  	_ =	shalt  }

// kernel: kernel.17.cloned.1.call-start
scs
__scs_entry_jumppad:
0x0: {  	(pc) =	sbr.rel $0x88, $3  }
0x1: {  	(tag) =	ssettag $0x0;
	lr =	simm.s32 $0x1  }
0x2: {  	[smem:$0x3F79] =	sst lr;
	_ =	strace $0xD0000000  }
0x3: {  	_ = 	snop  }
0x4: {  	_ = 	snop  }
0x5: {  	_ = 	snop  }
0x6: {  	_ = 	snop  }
0x7: {  	_ = 	snop  }
__scs_overlays_trampoline_lowered:
0x8: {  	[smem:$0x3F88] =	sst s0  }
0x9: {  	[smem:$0x3F89] =	sst s1  }
0xa: {  	[smem:$0x3F8A] =	sst s2  }
0xb: {  	[smem:$0x3F8B] =	sst s3  }
0xc: {  	[smem:$0x3F8C] =	sst s4  }
0xd: {  	[smem:$0x3F8D] =	sst s5  }
0xe: {  	[smem:$0x3F8E] =	sst s6  }
0xf: {  	[smem:$0x3F8F] =	sst s7  }
0x10: {  	[smem:$0x3F90] =	sst s8  }
0x11: {  	[smem:$0x3F91] =	sst s9;
	s0 =	simm.s32 @!p0 $0x0  }
0x12: {  	s1 =	sld [smem:$0x3F77];
	s0 =	simm.s32 @p0 $0x1  }
0x13: {  	[smem:$0x3F92] =	sst s0;
	s0 =	simm.s32 @!p1 $0x0  }
0x14: {  	s2 =	sld [smem:$0x3F76];
	s0 =	simm.s32 @p1 $0x1  }
0x15: {  	[smem:$0x3F93] =	sst s0;
	s0 =	simm.s32 @!p2 $0x0  }
0x16: {  	s3 =	sld [smem:$0x3FDB];
	s0 =	simm.s32 @p2 $0x1  }
0x17: {  	s4 =	simm.s32 $0x1BF5;
	[smem:$0x3F95] =	sst s0  }
0x18: {  	s0 =	sld [smem:$0x3F78];
	_ =	swait.ge [sflag:s4], $0x0  }
0x19: {  	s7 =	sld [smem:$0x3F79]  }
0x1a: {  	s8 =	sadd.s32 $0xFFFFE003, lr  }
0x1b: {  	s9 =	sadd.s32 $0xFFFFFEF7, lr;
	s5 =	simm.s32 $0xFFFFFFFF;
	p2 =	slt.u32 s8, $0xFFFFF086  }
0x1c: {  	p1 =	slt.u32 s9, $0xF7A;
	s5 =	simm.s32 @!p2 $0x0  }
0x1d: {  	s5 =	simm.s32 @p1 $0x1;
	p0 =	seq.s32 s7, s2  }
0x1e: {  	s7 =	smul.u32 @!p0 $0xF7A, s2;
	p2 =	seq.s32 @!p0 s5, $0x0  }
0x1f: {  	s9 =	smul.u32 $0xF7A, s1;
	s8 =	simm.s32 @!p0 $0x1BF5;
	p2 =	por !p2, p0  }
0x20: {  	[sflag:s8] =	ssyncset.s32 @!p0 $0xFFFFF086;
	s6 =	sadd.s32 @!p0 s3, s7;
	s7 =	simm.s32 @!p0 $0x108  }
0x21: {  	s3 =	sadd.s32 s3, s9;
	s6 =	sadd.s32 @!p0 $0x88, s6;
	s7 =	simm.s32 @p2 $0x1082  }
0x22: {  	[simem:s7], [sflag:s8] =	dma.local @!p0 [hbm:s6], $0xF7A  }
0x23: {  	s9 =	sor.u32 $0xD0000000, s2;
	s6 =	simm.s32 $0x108;
	_ =	swait.ge @!p0 [sflag:s8], $0x0  }
0x24: {  	s3 =	sadd.s32 $0x88, s3;
	s6 =	simm.s32 @!p1 $0x1082;
	[sflag:s4] =	ssyncset.s32 $0xFFFFF086  }
0x25: {  	[simem:s6], [sflag:s4] =	dma.local [hbm:s3], $0xF7A  }
0x26: {  	[smem:$0x3F79] =	sst s1;
	(tag) =	ssettag s2;
	_ =	strace s9  }
0x27: {  	s1 =	sld [smem:$0x3F89]  }
0x28: {  	s2 =	sld [smem:$0x3F8A]  }
0x29: {  	s4 =	sld [smem:$0x3F8C]  }
0x2a: {  	p0 =	seq.s32 s5, $0x0;
	s5 =	sld [smem:$0x3F8D]  }
0x2b: {  	s6 =	sld [smem:$0x3F8E]  }
0x2c: {  	s7 =	sld [smem:$0x3F8F]  }
0x2d: {  	s3 =	simm.s32 $0x108;
	s8 =	sld [smem:$0x3F90]  }
0x2e: {  	s3 =	simm.s32 @!p0 $0x1082;
	s9 =	sld [smem:$0x3F91]  }
0x2f: {  	lr =	sadd.s32 s0, s3;
	s0 =	sld [smem:$0x3F88]  }
0x30: {  	s3 =	sld [smem:$0x3F8B]  }
0x31: {  	[smem:$0x3F94] =	sst s10  }
0x32: {  	s10 =	sld [smem:$0x3F92];
	_ =	sdelay $0x3  }
0x33: {  	p0 =	seq.s32 s10, $0x1;
	s10 =	sld [smem:$0x3F94];
	_ =	sdelay $0x3  }
0x34: {  	[smem:$0x3F94] =	sst s10  }
0x35: {  	s10 =	sld [smem:$0x3F93];
	_ =	sdelay $0x3  }
0x36: {  	p1 =	seq.s32 s10, $0x1;
	s10 =	sld [smem:$0x3F94];
	_ =	sdelay $0x3  }
0x37: {  	[smem:$0x3F94] =	sst s10  }
0x38: {  	s10 =	sld [smem:$0x3F95]  }
0x39: {  	_ = 	snop;
	(pc) =	sbr.ind lr, $3  }
0x3a: {  	_ = 	snop  }
0x3b: {  	_ = 	snop  }
0x3c: {  	p2 =	seq.s32 s10, $0x1;
	s10 =	sld [smem:$0x3F94]  }
0x3d: {  	_ =	shalt  }
0x3e: {  	_ =	shalt  }
0x3f: {  	_ =	shalt  }
0x40: {  	_ =	shalt  }
0x41: {  	_ =	shalt  }
0x42: {  	_ =	shalt  }
0x43: {  	_ =	shalt  }
0x44: {  	_ =	shalt  }
0x45: {  	_ =	shalt  }
0x46: {  	_ =	shalt  }
0x47: {  	_ =	shalt  }
0x48: {  	_ =	shalt  }
0x49: {  	_ =	shalt  }
0x4a: {  	_ =	shalt  }
0x4b: {  	_ =	shalt  }
0x4c: {  	_ =	shalt  }
0x4d: {  	_ =	shalt  }
0x4e: {  	_ =	shalt  }
0x4f: {  	_ =	shalt  }
0x50: {  	_ =	shalt  }
0x51: {  	_ =	shalt  }
0x52: {  	_ =	shalt  }
0x53: {  	_ =	shalt  }
0x54: {  	_ =	shalt  }
0x55: {  	_ =	shalt  }
0x56: {  	_ =	shalt  }
0x57: {  	_ =	shalt  }
0x58: {  	_ =	shalt  }
0x59: {  	_ =	shalt  }
0x5a: {  	_ =	shalt  }
0x5b: {  	_ =	shalt  }
0x5c: {  	_ =	shalt  }
0x5d: {  	_ =	shalt  }
0x5e: {  	_ =	shalt  }
0x5f: {  	_ =	shalt  }
0x60: {  	_ =	shalt  }
0x61: {  	_ =	shalt  }
0x62: {  	_ =	shalt  }
0x63: {  	_ =	shalt  }
0x64: {  	_ =	shalt  }
0x65: {  	_ =	shalt  }
0x66: {  	_ =	shalt  }
0x67: {  	_ =	shalt  }
0x68: {  	_ =	shalt  }
0x69: {  	_ =	shalt  }
0x6a: {  	_ =	shalt  }
0x6b: {  	_ =	shalt  }
0x6c: {  	_ =	shalt  }
0x6d: {  	_ =	shalt  }
0x6e: {  	_ =	shalt  }
0x6f: {  	_ =	shalt  }
0x70: {  	_ =	shalt  }
0x71: {  	_ =	shalt  }
0x72: {  	_ =	shalt  }
0x73: {  	_ =	shalt  }
0x74: {  	_ =	shalt  }
0x75: {  	_ =	shalt  }
0x76: {  	_ =	shalt  }
0x77: {  	_ =	shalt  }
0x78: {  	_ =	shalt  }
0x79: {  	_ =	shalt  }
0x7a: {  	_ =	shalt  }
0x7b: {  	_ =	shalt  }
0x7c: {  	_ =	shalt  }
0x7d: {  	_ =	shalt  }
0x7e: {  	_ =	shalt  }
0x7f: {  	_ =	shalt  }
0x80: {  	_ =	shalt  }
0x81: {  	_ =	shalt  }
0x82: {  	_ =	shalt  }
0x83: {  	_ =	shalt  }
0x84: {  	_ =	shalt  }
0x85: {  	_ =	shalt  }
0x86: {  	_ =	shalt  }
0x87: {  	_ =	shalt  }
.Lfunc_end0:
.L_simem_size_0:
called_computation.2_lowered:
.L_overlay_start_0:
0x88: {  	s2 =	sld [smem:$0x3FD9]  }
0x89: {  	s3 =	sld [smem:$0x3FFE];
	_ =	sdelay $0x1  }
0x8a: {  	s1 =	srdreg.scid  }
0x8b: {  	s0 =	sand.u32 $0x1, s1  }
0x8c: {  	s17 =	sshll.u32 s0, $0xA;
	s2 =	sadd.s32 s3, s2  }
0x8d: {  	s2 =	sadd.s32 s2, s17  }
0x8e: {  	[smem:$0x3FA0] =	sst s2  }
0x8f: {  	_ = 	snop  }
0x90: {  	(tm) =	ssettm $0x1  }
0x91: {  	s18 =	sld [smem:$0x3FFB];
	_ =	sdelay $0x3  }
0x92: {  	_ =	strace s18  }
0x93: {  	s2 =	sld [smem:$0x3FFC];
	_ =	sdelay $0x3  }
0x94: {  	_ =	strace s2  }
0x95: {  	s2 =	sld [smem:$0x3FFD];
	_ =	sdelay $0x3  }
0x96: {  	_ =	strace s2  }
0x97: {  	_ =	strace $0x8FFFFFFF  }
0x98: {  	s19 =	sld [smem:$0x3FDB];
	_ =	sdelay $0x1  }
0x99: {  	s20 =	simm.s32 $_scs_section_size  }
0x9a: {  	s4 =	simm.s32 $_size__tile_overlayer_lowered;
	s5 =	simm.s32 $_tile_overlayer_lowered  }
0x9b: {  	s6 =	simm.s32 $0x1BFF;
	s21 =	sshll.u32 s5, $0x1;
	s3 =	sadd.s32 s20, s19  }
0x9c: {  	s22 =	simm.s32 $0x0;
	s4 =	sshll.u32 s4, $0x1;
	s5 =	sadd.s32 s21, s3  }
0x9d: {  	[timem:s22], [sflag:s6] =	dma.local [hbm:s5], s4  }
0x9e: {  	_ =	swait.ge [sflag:s6], s4  }
0x9f: {  	s4 =	ssub.s32 $0x0, s4;
	[sflag:s6] =	ssyncset.done $0x0  }
0xa0: {  	[sflag:s6] =	ssyncadd.s32 s4;
	_ =	sdelay $0x1  }
0xa1: {  	s23 =	simm.s32 $0x1B8B  }
0xa2: {  	_ =	swait.ge [sflag:s23], $0x1  }
0xa3: {  	[sflag:s23] =	ssyncset.done $0x0  }
0xa4: {  	[sflag:s23] =	ssyncadd.s32 $0xFFFFFFFF  }
0xa5: {  	s4 =	sld [smem:$0x0]  }
0xa6: {  	s5 =	sand.u32 $0xFFFFFFFE, s1  }
0xa7: {  	p0 =	sne.s32 s1, s5  }
0xa8: {  	s5 =	sshll.u32 @p0 s5, $0xE  }
0xa9: {  	s5 =	sadd.s32 @p0 $0x11B8D, s5;
	s6 =	sshll.u32 @p0 s4, $0x11  }
0xaa: {  	s5 =	sor.u32 @p0 s6, s5  }
0xab: {  	[sflag:s5] =	ssyncadd.remote.s32 @p0 $0x1;
	_ =	sdelay $0x1  }
0xac: {  	s5 =	simm.s32 @p0 $0x1B8D  }
0xad: {  	_ =	swait.eq @p0 [sflag:s5], $0x1  }
0xae: {  	[sflag:s5] =	ssyncadd.s32 @p0 $0xFFFFFFFF  }
0xaf: {  	s6 =	sshll.u32 @!p0 s1, $0xE  }
0xb0: {  	s6 =	sor.u32 @!p0 $0x4000, s6;
	s5 =	simm.s32 @!p0 $0x1B8D  }
0xb1: {  	s4 =	sshll.u32 @!p0 s4, $0x11;
	s6 =	sadd.s32 @!p0 $0x11B8D, s6;
	_ =	swait.eq @!p0 [sflag:s5], $0x1  }
0xb2: {  	s4 =	sor.u32 @!p0 s4, s6;
	[sflag:s5] =	ssyncadd.s32 @!p0 $0xFFFFFFFF  }
0xb3: {  	s25 =	simm.s32 $0x1B8E;
	s24 =	sld [smem:$0x3FFE];
	[sflag:s4] =	ssyncadd.remote.s32 @!p0 $0x1  }
0xb4: {  	s26 =	simm.s32 $execute0_lowered;
	[smem:$0x3FD2] =	sst s25  }
0xb5: {  	s5 =	sshll.u32 s26, $0x1;
	_ =	strace $0x8000004C;
	[dreg:$0x1] =	wrdreg $0xFFFFFFFF  }
0xb6: {  	s28 =	simm.s32 $_size_execute0_lowered;
	s3 =	sadd.s32 s3, s5;
	[dreg:$0x0] =	wrdreg $0x0  }
0xb7: {  	s5 =	sshll.u32 s28, $0x1;
	[dreg:$0x2] =	wrdreg s3  }
0xb8: {  	[dreg:$0x3] =	wrdreg s5  }
0xb9: {  	[dreg:$0x4] =	wrdreg $0xC0  }
0xba: {  	_ =	task [dreg:s22], $0x5FFFF  }
0xbb: {  	[dreg:$0x1] =	wrdreg $0xFFFFFFFF  }
0xbc: {  	[dreg:$0x0] =	wrdreg $0x60  }
0xbd: {  	[dreg:$0x2] =	wrdreg s24  }
0xbe: {  	[dreg:$0x3] =	wrdreg $0x79800  }
0xbf: {  	[dreg:$0x4] =	wrdreg $0xA  }
0xc0: {  	_ =	task.clear_ibuf [dreg:s22], $0x5FFFF;
	_ =	strace $0x9000004C  }
0xc1: {  	s29 =	simm.s32 $0xA;
	_ =	strace $0x8000004E  }
0xc2: {  	_ =	swait.ge [sflag:s29], $0x1  }
0xc3: {  	[sflag:s29] =	ssyncadd.s32 $0xFFFFFFFF  }
0xc4: {  	_ =	strace $0x9000004E  }
0xc5: {  	_ =	sfence  }
0xc6: {  	s30 =	sld [smem:$0x0];
	_ =	sdelay $0x2  }
0xc7: {  	s31 =	sshll.u32 s1, $0xD;
	s1 =	sshrl.u32 s1, $0x2  }
0xc8: {  	s4 =	sand.u32 $0x4000, s31;
	s1 =	sadd.s32 s1, s30  }
0xc9: {  	s0 =	sor.u32 s4, s0;
	s1 =	sshll.u32 s1, $0x11  }
0xca: {  	s0 =	sor.u32 s1, s0  }
0xcb: {  	s0 =	sadd.s32 $0x8F2B, s0  }
0xcc: {  	[sflag:s0] =	ssyncadd.remote.s32 $0x1  }
0xcd: {  	_ =	sfence.sel $0xFFFF  }
0xce: {  	[dreg:$0x0] =	wrdreg $0xFFFFFFFF;
	(pc) =	sbr.abs _section_cstart, $3  }
0xcf: {  	[dreg:$0x1] =	wrdreg $0xFFFFFFFF  }
0xd0: {  	_ =	task.clear_ibuf [dreg:s22], $0x2FFFF;
	_ =	strace $0x9FFFFFFF  }
0xd1: {  	(tm) =	ssettm $0x7FFFFFFF  }
tec
execute0_lowered:
.L_overlay_start_1:
0x0: {  	(tag) =	ssettag $0x1  }
0x1: {  	s0 =	rddreg [dreg:$0x0]  }
0x2: {  	s2 =	rddreg [dreg:$0x1];
	s1 =	srdreg.scid;
	s3 =	simm.s32 $0x0  }
0x3: {  	s13 =	stileid.u32;
	s14 =	simm.s32 $0xA;
	s15 =	simm.s32 $0x180  }
0x4: {  	s16 =	simm.s32 $0x2980;
	s18 =	simm.s32 $0x80;
	s28 =	simm.s32 $0x3  }
0x5: {  	s29 =	simm.s32 $0x6;
	s30 =	simm.s32 $0x7;
	s31 =	simm.s32 $0x8  }
0x6: {  	s1 =	sand.u32 $0x1, s1;
	[smem:$0x7FF] =	sst s3;
	s6 =	smul.u32 $0x14000, s13  }
0x7: {  	s4 =	sshll.u32 s13, $0x1;
	s10 =	sadd.s32 $0x559800, s0;
	s20 =	smul.u32 $0x50000, s13  }
0x8: {  	s8 =	sadd.s32 $0x6C00, s0;
	s11 =	sshll.u32 s13, $0x6;
	s23 =	smul.u32 $0x23A00, s13  }
0x9: {  	s5 =	smul.u32 $0x140000, s1;
	_ =	strace $0x8000004D;
	s4 =	sor.u32 s1, s4  }
0xa: {  	[dreg:$0x3] =	wrdreg s8;
	s19 =	ssub.s32 $0x2, s1;
	s1 =	smul.u32 $0x11D00, s1  }
0xb: {  	s7 =	sshll.u32 s4, $0xA;
	s21 =	sshrl.u32 s19, $0x1;
	s9 =	smul.u32 $0x11D00, s4  }
0xc: {  	s8 =	sshrl.u32 s20, $0x2;
	s4 =	smul.u32 $0x8E800, s4;
	s25 =	sadd.s32 s23, s10  }
0xd: {  	s23 =	simm.s32 $0x4;
	s7 =	sadd.s32 s7, s0;
	s5 =	sadd.s32 s6, s5  }
0xe: {  	s6 =	ssub.s32 s19, s21;
	s12 =	sadd.s32 s8, s2;
	s26 =	sadd.s32 s1, s25  }
0xf: {  	s19 =	simm.s32 $0x5180;
	s21 =	simm.s32 $0x100;
	s25 =	simm.s32 $0x2  }
0x10: {  	s1 =	simm.s32 $0x0;
	s5 =	sshrl.u32 s5, $0x3;
	s22 =	sadd.s32 s10, s9  }
0x11: {  	s4 =	sshrl.u32 s4, $0x3;
	s7 =	sadd.s32 $0xF400, s7;
	s13 =	sshrl.u32 s12, $0x3  }
0x12: {  	s0 =	sadd.s32 s5, s0;
	s5 =	sor.u32 $0x1C0A, s11;
	[dreg:$0x4] =	wrdreg s22  }
.Ltmp0:
0x13: {  	s4 =	sadd.s32 s10, s4;
	s11 =	smax.u32 s6, $0x1;
	(pc) =	sbr.rel .LBB2_1-.Ltmp0, $4  }
0x14: {  	s17 =	sadd.s32 $0x10, s7;
	s20 =	sadd.s32 $0x20, s7;
	s24 =	sadd.s32 $0x500, s4  }
0x15: {  	s22 =	simm.s32 $0x1;
	s4 =	sadd.s32 $0xA00, s4;
	[dreg:$0x5] =	wrdreg s24  }
0x16: {  	s10 =	sadd.s32 $0x65800, s0;
	s0 =	simm.s32 $0x9;
	[dreg:$0x6] =	wrdreg s4  }
0x17: {  	s4 =	sadd.s32 $0x1900, s26;
	s24 =	simm.s32 $0x50;
	s26 =	simm.s32 $0x5  }
.LBB2_4:
0x18: {  	_ =	swait.ge [sflag:s31], $0x2800  }
0x19: {  	[sflag:s31] =	ssyncset.done $0x0  }
0x1a: {  	[sflag:s31] =	ssyncadd.s32 $0xFFFFD800  }
0x1b: {  	_ =	swait.ge [sflag:s0], $0x2800  }
0x1c: {  	s1 =	sadd.s32 $0x1, s1;
	[sflag:s0] =	ssyncset.done $0x0  }
0x1d: {  	p0 =	sne.s32 s1, s11;
	[sflag:s0] =	ssyncadd.s32 $0xFFFFD800  }
.Ltmp1:
0x1e: {  	[bflag:$0x0] =	sbarrier.arrive $0xFFFF;
	(pc) =	sbr.rel @!p0 .LBB2_5-.Ltmp1, $4  }
0x1f: {  	[hbm:s10], [sflag:s5] =	dma.local [spmem:s13], $0x2800  }
0x20: {  	_ =	swait.ge [sflag:s14], $0x2800  }
0x21: {  	[sflag:s14] =	ssyncset.done $0x0  }
0x22: {  	[sflag:s14] =	ssyncadd.s32 $0xFFFFD800  }
.LBB2_1:
0x23: {  	s6 =	rddreg [dreg:$0x3]  }
0x24: {  	[spmem:s13], [sflag:s5] =	dma.local [hbm:s6], $0x2800  }
0x25: {  	_ =	swait.ge [sflag:s14], $0x2800  }
0x26: {  	[sflag:s14] =	ssyncset.done $0x0  }
0x27: {  	[sflag:s14] =	ssyncadd.s32 $0xFFFFD800  }
0x28: {  	[bflag:$0x0] =	sbarrier.arrive $0xFFFF  }
0x29: {  	s8 =	rddreg [dreg:$0x4]  }
0x2a: {  	[tilespmem:s15], [sflag:$0x1] =	stream.linear.gather [hbm4b:s8+s3], $0x2800, $0x38;
	[tilespmem:$0x1B980] =	vst v63  }
0x2b: {  	_ = 	snop  }
0x2c: {  	[tilespmem:s3], [sflag:$0x4] =	stream.linear.gather [hbm4b:s7+s3], $0x80, $0x38;
	[tilespmem:$0x1B980] =	vst v63  }
0x2d: {  	s9 =	rddreg [dreg:$0x5]  }
0x2e: {  	[tilespmem:s16], [sflag:$0x2] =	stream.linear.gather [hbm4b:s9+s3], $0x2800, $0x38;
	[tilespmem:$0x1B980] =	vst v63  }
0x2f: {  	_ = 	snop  }
0x30: {  	[tilespmem:s18], [sflag:$0x5] =	stream.linear.gather [hbm4b:s17+s3], $0x80, $0x38;
	[tilespmem:$0x1B980] =	vst v63  }
0x31: {  	s12 =	rddreg [dreg:$0x6]  }
0x32: {  	[tilespmem:s19], [sflag:$0x3] =	stream.linear.gather [hbm4b:s12+s3], $0x2800, $0x38;
	[tilespmem:$0x1B980] =	vst v63  }
0x33: {  	s6 =	simm.s32 $0x0;
	s12 =	smov.u32 s4  }
0x34: {  	[tilespmem:s21], [sflag:$0x6] =	stream.linear.gather [hbm4b:s20+s3], $0x80, $0x38;
	[tilespmem:$0x1B980] =	vst v63  }
.LBB2_2:
0x35: {  	_ =	swait.ge [sflag:s22], $0x2800  }
0x36: {  	[sflag:s22] =	ssyncset.done $0x0  }
0x37: {  	[sflag:s22] =	ssyncadd.s32 $0xFFFFD800  }
0x38: {  	_ =	swait.ge [sflag:s23], $0x80  }
0x39: {  	[sflag:s23] =	ssyncset.done $0x0  }
0x3a: {  	[sflag:s23] =	ssyncadd.s32 $0xFFFFFF80  }
0x3b: {  	[spmem:s2] =	stream.indirect.scatter.add.f32 [tilespmem:s15], [sflag:$0x7], $0x80, s3, s24, $0xb8;
	[tilespmem:$0x1B980] =	vst v63  }
0x3c: {  	_ =	swait.ge [sflag:s25], $0x2800  }
0x3d: {  	[sflag:s25] =	ssyncset.done $0x0  }
0x3e: {  	[sflag:s25] =	ssyncadd.s32 $0xFFFFD800  }
0x3f: {  	_ =	swait.ge [sflag:s26], $0x80  }
0x40: {  	[sflag:s26] =	ssyncset.done $0x0  }
0x41: {  	[sflag:s26] =	ssyncadd.s32 $0xFFFFFF80  }
0x42: {  	[spmem:s2] =	stream.indirect.scatter.add.f32 [tilespmem:s16], [sflag:$0x8], $0x80, s18, s24, $0xb8;
	[tilespmem:$0x1B980] =	vst v63  }
0x43: {  	_ =	swait.ge [sflag:s28], $0x2800  }
0x44: {  	[sflag:s28] =	ssyncset.done $0x0  }
0x45: {  	[sflag:s28] =	ssyncadd.s32 $0xFFFFD800  }
0x46: {  	_ =	swait.ge [sflag:s29], $0x80  }
0x47: {  	p0 =	seq.s32 s6, $0x360;
	[sflag:s29] =	ssyncset.done $0x0  }
.Ltmp2:
0x48: {  	[sflag:s29] =	ssyncadd.s32 $0xFFFFFF80;
	(pc) =	sbr.rel @p0 .LBB2_4-.Ltmp2, $4  }
0x49: {  	[spmem:s2] =	stream.indirect.scatter.add.f32 [tilespmem:s19], [sflag:$0x9], $0x80, s21, s24, $0xb8;
	[tilespmem:$0x1B980] =	vst v63  }
0x4a: {  	_ =	swait.ge [sflag:s30], $0x2800  }
0x4b: {  	[sflag:s30] =	ssyncset.done $0x0  }
0x4c: {  	[sflag:s30] =	ssyncadd.s32 $0xFFFFD800  }
0x4d: {  	s8 =	sadd.s32 $0xFFFFF600, s12  }
0x4e: {  	[tilespmem:s15], [sflag:$0x1] =	stream.linear.gather [hbm4b:s8+s3], $0x2800, $0x38;
	[tilespmem:$0x1B980] =	vst v63  }
0x4f: {  	s8 =	sadd.s32 s6, s7  }
0x50: {  	s9 =	sadd.s32 $0x30, s8  }
0x51: {  	[tilespmem:s3], [sflag:$0x4] =	stream.linear.gather [hbm4b:s9+s3], $0x80, $0x38;
	[tilespmem:$0x1B980] =	vst v63  }
0x52: {  	_ =	swait.ge [sflag:s31], $0x2800  }
0x53: {  	[sflag:s31] =	ssyncset.done $0x0  }
0x54: {  	s9 =	sadd.s32 $0xFFFFFB00, s12;
	[sflag:s31] =	ssyncadd.s32 $0xFFFFD800  }
0x55: {  	[tilespmem:s16], [sflag:$0x2] =	stream.linear.gather [hbm4b:s9+s3], $0x2800, $0x38;
	[tilespmem:$0x1B980] =	vst v63  }
0x56: {  	s9 =	sadd.s32 $0x40, s8  }
0x57: {  	[tilespmem:s18], [sflag:$0x5] =	stream.linear.gather [hbm4b:s9+s3], $0x80, $0x38;
	[tilespmem:$0x1B980] =	vst v63  }
0x58: {  	_ =	swait.ge [sflag:s0], $0x2800  }
.Ltmp3:
0x59: {  	[sflag:s0] =	ssyncset.done $0x0;
	(pc) =	sbr.rel .LBB2_2-.Ltmp3, $4  }
0x5a: {  	[sflag:s0] =	ssyncadd.s32 $0xFFFFD800  }
0x5b: {  	[tilespmem:s19], [sflag:$0x3] =	stream.linear.gather [hbm4b:s12+s3], $0x2800, $0x38;
	[tilespmem:$0x1B980] =	vst v63  }
0x5c: {  	s6 =	sadd.s32 $0x30, s6;
	s8 =	sadd.s32 $0x50, s8;
	s12 =	sadd.s32 $0xF00, s12  }
0x5d: {  	[tilespmem:s21], [sflag:$0x6] =	stream.linear.gather [hbm4b:s8+s3], $0x80, $0x38;
	[tilespmem:$0x1B980] =	vst v63  }
.LBB2_5:
0x5e: {  	_ =	sfence.sel $0x180000  }
0x5f: {  	[bflag:$0x0] =	sbarrier.arrive $0xFFFF  }
0x60: {  	_ =	strace $0x9000004D  }
0x61: {  	s0 =	stileid.u32;
	[bflag:$0x2] =	sbarrier.arrive $0xFFFF  }
0x62: {  	p0 =	sne.s32 s0, $0x0;
	s0 =	rddreg [dreg:$0x2]  }
0x63: {  	s0 =	sadd.s32 @!p0 $0x100000, s0  }
0x64: {  	[sflag:s0] =	ssyncadd.tile.s32 @!p0 $0x1;
	_ =	shalt  }
.Lfunc_end2:
_tile_overlayer_lowered:
.L_overlay_start_2:
0x65: {  	(tag) =	ssettag $0x2  }
0x66: {  	s0 =	rddreg [dreg:$0x0];
	s2 =	stileid.u32  }
0x67: {  	s1 =	rddreg [dreg:$0x1];
	p0 =	sne.s32 s2, $0x0  }
0x68: {  	s3 =	rddreg [dreg:$0x2];
	[bflag:$0x3] =	sbarrier.arrive $0xFFFF;
	s2 =	simm.s32 @!p0 $0x1C0A  }
0x69: {  	[timem:s3], [sflag:s2] =	dma.local @!p0 [hbm:s0], s1  }
0x6a: {  	s0 =	simm.s32 @!p0 $0xA  }
0x6b: {  	_ =	swait.ge @!p0 [sflag:s0], s1  }
0x6c: {  	s1 =	ssub.s32 @!p0 $0x0, s1;
	[sflag:s0] =	ssyncset.done @!p0 $0x0  }
0x6d: {  	[sflag:s0] =	ssyncadd.s32 @!p0 s1  }
0x6e: {  	[bflag:$0x3] =	sbarrier.arrive $0xFFFF  }
0x6f: {  	_ =	shalt  }

// kernel: kernel.20.cloned.1.call-start
scs
__scs_entry_jumppad:
0x0: {  	(pc) =	sbr.rel $0x88, $3  }
0x1: {  	(tag) =	ssettag $0x0;
	lr =	simm.s32 $0x1  }
0x2: {  	[smem:$0x3F79] =	sst lr;
	_ =	strace $0xD0000000  }
0x3: {  	_ = 	snop  }
0x4: {  	_ = 	snop  }
0x5: {  	_ = 	snop  }
0x6: {  	_ = 	snop  }
0x7: {  	_ = 	snop  }
__scs_overlays_trampoline_lowered:
0x8: {  	[smem:$0x3F88] =	sst s0  }
0x9: {  	[smem:$0x3F89] =	sst s1  }
0xa: {  	[smem:$0x3F8A] =	sst s2  }
0xb: {  	[smem:$0x3F8B] =	sst s3  }
0xc: {  	[smem:$0x3F8C] =	sst s4  }
0xd: {  	[smem:$0x3F8D] =	sst s5  }
0xe: {  	[smem:$0x3F8E] =	sst s6  }
0xf: {  	[smem:$0x3F8F] =	sst s7  }
0x10: {  	[smem:$0x3F90] =	sst s8  }
0x11: {  	[smem:$0x3F91] =	sst s9;
	s0 =	simm.s32 @!p0 $0x0  }
0x12: {  	s1 =	sld [smem:$0x3F77];
	s0 =	simm.s32 @p0 $0x1  }
0x13: {  	[smem:$0x3F92] =	sst s0;
	s0 =	simm.s32 @!p1 $0x0  }
0x14: {  	s2 =	sld [smem:$0x3F76];
	s0 =	simm.s32 @p1 $0x1  }
0x15: {  	[smem:$0x3F93] =	sst s0;
	s0 =	simm.s32 @!p2 $0x0  }
0x16: {  	s3 =	sld [smem:$0x3FDB];
	s0 =	simm.s32 @p2 $0x1  }
0x17: {  	s4 =	simm.s32 $0x1BF5;
	[smem:$0x3F95] =	sst s0  }
0x18: {  	s0 =	sld [smem:$0x3F78];
	_ =	swait.ge [sflag:s4], $0x0  }
0x19: {  	s7 =	sld [smem:$0x3F79]  }
0x1a: {  	s8 =	sadd.s32 $0xFFFFE003, lr  }
0x1b: {  	s9 =	sadd.s32 $0xFFFFFEF7, lr;
	s5 =	simm.s32 $0xFFFFFFFF;
	p2 =	slt.u32 s8, $0xFFFFF086  }
0x1c: {  	p1 =	slt.u32 s9, $0xF7A;
	s5 =	simm.s32 @!p2 $0x0  }
0x1d: {  	s5 =	simm.s32 @p1 $0x1;
	p0 =	seq.s32 s7, s2  }
0x1e: {  	s7 =	smul.u32 @!p0 $0xF7A, s2;
	p2 =	seq.s32 @!p0 s5, $0x0  }
0x1f: {  	s9 =	smul.u32 $0xF7A, s1;
	s8 =	simm.s32 @!p0 $0x1BF5;
	p2 =	por !p2, p0  }
0x20: {  	[sflag:s8] =	ssyncset.s32 @!p0 $0xFFFFF086;
	s6 =	sadd.s32 @!p0 s3, s7;
	s7 =	simm.s32 @!p0 $0x108  }
0x21: {  	s3 =	sadd.s32 s3, s9;
	s6 =	sadd.s32 @!p0 $0x88, s6;
	s7 =	simm.s32 @p2 $0x1082  }
0x22: {  	[simem:s7], [sflag:s8] =	dma.local @!p0 [hbm:s6], $0xF7A  }
0x23: {  	s9 =	sor.u32 $0xD0000000, s2;
	s6 =	simm.s32 $0x108;
	_ =	swait.ge @!p0 [sflag:s8], $0x0  }
0x24: {  	s3 =	sadd.s32 $0x88, s3;
	s6 =	simm.s32 @!p1 $0x1082;
	[sflag:s4] =	ssyncset.s32 $0xFFFFF086  }
0x25: {  	[simem:s6], [sflag:s4] =	dma.local [hbm:s3], $0xF7A  }
0x26: {  	[smem:$0x3F79] =	sst s1;
	(tag) =	ssettag s2;
	_ =	strace s9  }
0x27: {  	s1 =	sld [smem:$0x3F89]  }
0x28: {  	s2 =	sld [smem:$0x3F8A]  }
0x29: {  	s4 =	sld [smem:$0x3F8C]  }
0x2a: {  	p0 =	seq.s32 s5, $0x0;
	s5 =	sld [smem:$0x3F8D]  }
0x2b: {  	s6 =	sld [smem:$0x3F8E]  }
0x2c: {  	s7 =	sld [smem:$0x3F8F]  }
0x2d: {  	s3 =	simm.s32 $0x108;
	s8 =	sld [smem:$0x3F90]  }
0x2e: {  	s3 =	simm.s32 @!p0 $0x1082;
	s9 =	sld [smem:$0x3F91]  }
0x2f: {  	lr =	sadd.s32 s0, s3;
	s0 =	sld [smem:$0x3F88]  }
0x30: {  	s3 =	sld [smem:$0x3F8B]  }
0x31: {  	[smem:$0x3F94] =	sst s10  }
0x32: {  	s10 =	sld [smem:$0x3F92];
	_ =	sdelay $0x3  }
0x33: {  	p0 =	seq.s32 s10, $0x1;
	s10 =	sld [smem:$0x3F94];
	_ =	sdelay $0x3  }
0x34: {  	[smem:$0x3F94] =	sst s10  }
0x35: {  	s10 =	sld [smem:$0x3F93];
	_ =	sdelay $0x3  }
0x36: {  	p1 =	seq.s32 s10, $0x1;
	s10 =	sld [smem:$0x3F94];
	_ =	sdelay $0x3  }
0x37: {  	[smem:$0x3F94] =	sst s10  }
0x38: {  	s10 =	sld [smem:$0x3F95]  }
0x39: {  	_ = 	snop;
	(pc) =	sbr.ind lr, $3  }
0x3a: {  	_ = 	snop  }
0x3b: {  	_ = 	snop  }
0x3c: {  	p2 =	seq.s32 s10, $0x1;
	s10 =	sld [smem:$0x3F94]  }
0x3d: {  	_ =	shalt  }
0x3e: {  	_ =	shalt  }
0x3f: {  	_ =	shalt  }
0x40: {  	_ =	shalt  }
0x41: {  	_ =	shalt  }
0x42: {  	_ =	shalt  }
0x43: {  	_ =	shalt  }
0x44: {  	_ =	shalt  }
0x45: {  	_ =	shalt  }
0x46: {  	_ =	shalt  }
0x47: {  	_ =	shalt  }
0x48: {  	_ =	shalt  }
0x49: {  	_ =	shalt  }
0x4a: {  	_ =	shalt  }
0x4b: {  	_ =	shalt  }
0x4c: {  	_ =	shalt  }
0x4d: {  	_ =	shalt  }
0x4e: {  	_ =	shalt  }
0x4f: {  	_ =	shalt  }
0x50: {  	_ =	shalt  }
0x51: {  	_ =	shalt  }
0x52: {  	_ =	shalt  }
0x53: {  	_ =	shalt  }
0x54: {  	_ =	shalt  }
0x55: {  	_ =	shalt  }
0x56: {  	_ =	shalt  }
0x57: {  	_ =	shalt  }
0x58: {  	_ =	shalt  }
0x59: {  	_ =	shalt  }
0x5a: {  	_ =	shalt  }
0x5b: {  	_ =	shalt  }
0x5c: {  	_ =	shalt  }
0x5d: {  	_ =	shalt  }
0x5e: {  	_ =	shalt  }
0x5f: {  	_ =	shalt  }
0x60: {  	_ =	shalt  }
0x61: {  	_ =	shalt  }
0x62: {  	_ =	shalt  }
0x63: {  	_ =	shalt  }
0x64: {  	_ =	shalt  }
0x65: {  	_ =	shalt  }
0x66: {  	_ =	shalt  }
0x67: {  	_ =	shalt  }
0x68: {  	_ =	shalt  }
0x69: {  	_ =	shalt  }
0x6a: {  	_ =	shalt  }
0x6b: {  	_ =	shalt  }
0x6c: {  	_ =	shalt  }
0x6d: {  	_ =	shalt  }
0x6e: {  	_ =	shalt  }
0x6f: {  	_ =	shalt  }
0x70: {  	_ =	shalt  }
0x71: {  	_ =	shalt  }
0x72: {  	_ =	shalt  }
0x73: {  	_ =	shalt  }
0x74: {  	_ =	shalt  }
0x75: {  	_ =	shalt  }
0x76: {  	_ =	shalt  }
0x77: {  	_ =	shalt  }
0x78: {  	_ =	shalt  }
0x79: {  	_ =	shalt  }
0x7a: {  	_ =	shalt  }
0x7b: {  	_ =	shalt  }
0x7c: {  	_ =	shalt  }
0x7d: {  	_ =	shalt  }
0x7e: {  	_ =	shalt  }
0x7f: {  	_ =	shalt  }
0x80: {  	_ =	shalt  }
0x81: {  	_ =	shalt  }
0x82: {  	_ =	shalt  }
0x83: {  	_ =	shalt  }
0x84: {  	_ =	shalt  }
0x85: {  	_ =	shalt  }
0x86: {  	_ =	shalt  }
0x87: {  	_ =	shalt  }
.Lfunc_end0:
.L_simem_size_0:
called_computation.3_lowered:
.L_overlay_start_0:
0x88: {  	s2 =	sld [smem:$0x3FD9]  }
0x89: {  	s3 =	sld [smem:$0x3FFE];
	_ =	sdelay $0x1  }
0x8a: {  	s1 =	srdreg.scid  }
0x8b: {  	s0 =	sand.u32 $0x1, s1  }
0x8c: {  	s17 =	sshll.u32 s0, $0xA;
	s2 =	sadd.s32 s3, s2  }
0x8d: {  	s2 =	sadd.s32 s2, s17  }
0x8e: {  	[smem:$0x3FA0] =	sst s2  }
0x8f: {  	_ = 	snop  }
0x90: {  	(tm) =	ssettm $0x1  }
0x91: {  	s18 =	sld [smem:$0x3FFB];
	_ =	sdelay $0x3  }
0x92: {  	_ =	strace s18  }
0x93: {  	s2 =	sld [smem:$0x3FFC];
	_ =	sdelay $0x3  }
0x94: {  	_ =	strace s2  }
0x95: {  	s2 =	sld [smem:$0x3FFD];
	_ =	sdelay $0x3  }
0x96: {  	_ =	strace s2  }
0x97: {  	_ =	strace $0x8FFFFFFF  }
0x98: {  	s19 =	sld [smem:$0x3FDB];
	_ =	sdelay $0x1  }
0x99: {  	s20 =	simm.s32 $_scs_section_size  }
0x9a: {  	s4 =	simm.s32 $_size__tile_overlayer_lowered;
	s5 =	simm.s32 $_tile_overlayer_lowered  }
0x9b: {  	s6 =	simm.s32 $0x1BFF;
	s21 =	sshll.u32 s5, $0x1;
	s3 =	sadd.s32 s20, s19  }
0x9c: {  	s22 =	simm.s32 $0x0;
	s4 =	sshll.u32 s4, $0x1;
	s5 =	sadd.s32 s21, s3  }
0x9d: {  	[timem:s22], [sflag:s6] =	dma.local [hbm:s5], s4  }
0x9e: {  	_ =	swait.ge [sflag:s6], s4  }
0x9f: {  	s4 =	ssub.s32 $0x0, s4;
	[sflag:s6] =	ssyncset.done $0x0  }
0xa0: {  	[sflag:s6] =	ssyncadd.s32 s4;
	_ =	sdelay $0x1  }
0xa1: {  	s23 =	simm.s32 $0x1B8B  }
0xa2: {  	_ =	swait.ge [sflag:s23], $0x1  }
0xa3: {  	[sflag:s23] =	ssyncset.done $0x0  }
0xa4: {  	[sflag:s23] =	ssyncadd.s32 $0xFFFFFFFF  }
0xa5: {  	s4 =	sld [smem:$0x0]  }
0xa6: {  	s5 =	sand.u32 $0xFFFFFFFE, s1  }
0xa7: {  	p0 =	sne.s32 s1, s5  }
0xa8: {  	s5 =	sshll.u32 @p0 s5, $0xE  }
0xa9: {  	s5 =	sadd.s32 @p0 $0x11B8D, s5;
	s6 =	sshll.u32 @p0 s4, $0x11  }
0xaa: {  	s5 =	sor.u32 @p0 s6, s5  }
0xab: {  	[sflag:s5] =	ssyncadd.remote.s32 @p0 $0x1;
	_ =	sdelay $0x1  }
0xac: {  	s5 =	simm.s32 @p0 $0x1B8D  }
0xad: {  	_ =	swait.eq @p0 [sflag:s5], $0x1  }
0xae: {  	[sflag:s5] =	ssyncadd.s32 @p0 $0xFFFFFFFF  }
0xaf: {  	s6 =	sshll.u32 @!p0 s1, $0xE  }
0xb0: {  	s6 =	sor.u32 @!p0 $0x4000, s6;
	s5 =	simm.s32 @!p0 $0x1B8D  }
0xb1: {  	s4 =	sshll.u32 @!p0 s4, $0x11;
	s6 =	sadd.s32 @!p0 $0x11B8D, s6;
	_ =	swait.eq @!p0 [sflag:s5], $0x1  }
0xb2: {  	s4 =	sor.u32 @!p0 s4, s6;
	[sflag:s5] =	ssyncadd.s32 @!p0 $0xFFFFFFFF  }
0xb3: {  	s25 =	simm.s32 $0x1B8E;
	s24 =	sld [smem:$0x3FFE];
	[sflag:s4] =	ssyncadd.remote.s32 @!p0 $0x1  }
0xb4: {  	s26 =	simm.s32 $execute0_lowered;
	[smem:$0x3FD2] =	sst s25  }
0xb5: {  	s5 =	sshll.u32 s26, $0x1;
	_ =	strace $0x8000004F;
	[dreg:$0x1] =	wrdreg $0xFFFFFFFF  }
0xb6: {  	s28 =	simm.s32 $_size_execute0_lowered;
	s3 =	sadd.s32 s3, s5;
	[dreg:$0x0] =	wrdreg $0x0  }
0xb7: {  	s5 =	sshll.u32 s28, $0x1;
	[dreg:$0x2] =	wrdreg s3  }
0xb8: {  	[dreg:$0x3] =	wrdreg s5  }
0xb9: {  	[dreg:$0x4] =	wrdreg $0xC0  }
0xba: {  	_ =	task [dreg:s22], $0x5FFFF  }
0xbb: {  	[dreg:$0x1] =	wrdreg $0xFFFFFFFF  }
0xbc: {  	[dreg:$0x0] =	wrdreg $0x60  }
0xbd: {  	[dreg:$0x2] =	wrdreg s24  }
0xbe: {  	[dreg:$0x3] =	wrdreg $0x79800  }
0xbf: {  	[dreg:$0x4] =	wrdreg $0x9  }
0xc0: {  	_ =	task.clear_ibuf [dreg:s22], $0x5FFFF;
	_ =	strace $0x9000004F  }
0xc1: {  	s29 =	simm.s32 $0x9;
	_ =	strace $0x80000051  }
0xc2: {  	_ =	swait.ge [sflag:s29], $0x1  }
0xc3: {  	[sflag:s29] =	ssyncadd.s32 $0xFFFFFFFF  }
0xc4: {  	_ =	strace $0x90000051  }
0xc5: {  	_ =	sfence  }
0xc6: {  	s30 =	sld [smem:$0x0];
	_ =	sdelay $0x2  }
0xc7: {  	s31 =	sshll.u32 s1, $0xD;
	s1 =	sshrl.u32 s1, $0x2  }
0xc8: {  	s4 =	sand.u32 $0x4000, s31;
	s1 =	sadd.s32 s1, s30  }
0xc9: {  	s0 =	sor.u32 s4, s0;
	s1 =	sshll.u32 s1, $0x11  }
0xca: {  	s0 =	sor.u32 s1, s0  }
0xcb: {  	s0 =	sadd.s32 $0x8F2B, s0  }
0xcc: {  	[sflag:s0] =	ssyncadd.remote.s32 $0x1  }
0xcd: {  	_ =	sfence.sel $0xFFFF  }
0xce: {  	[dreg:$0x0] =	wrdreg $0xFFFFFFFF;
	(pc) =	sbr.abs _section_cstart, $3  }
0xcf: {  	[dreg:$0x1] =	wrdreg $0xFFFFFFFF  }
0xd0: {  	_ =	task.clear_ibuf [dreg:s22], $0x2FFFF;
	_ =	strace $0x9FFFFFFF  }
0xd1: {  	(tm) =	ssettm $0x7FFFFFFF  }
tec
execute0_lowered:
.L_overlay_start_1:
0x0: {  	(tag) =	ssettag $0x1  }
0x1: {  	s0 =	srdreg.scid;
	s4 =	rddreg [dreg:$0x0]  }
0x2: {  	s11 =	stileid.u32;
	s2 =	rddreg [dreg:$0x1];
	s3 =	simm.s32 $0x0  }
0x3: {  	s28 =	simm.s32 $0x2;
	s29 =	simm.s32 $0x5;
	s7 =	smul.u32 $0x14000, s11  }
0x4: {  	s30 =	simm.s32 $0x3;
	s31 =	simm.s32 $0x6;
	s18 =	smul.u32 $0x50000, s11  }
0x5: {  	s0 =	sand.u32 $0x1, s0;
	s1 =	sshll.u32 s11, $0x1;
	s22 =	smul.u32 $0x2A800, s11  }
0x6: {  	[smem:$0x7FF] =	sst s3;
	s8 =	sadd.s32 $0x793800, s4;
	s6 =	smul.u32 $0x140000, s0  }
0x7: {  	s1 =	sor.u32 s0, s1;
	s19 =	ssub.s32 $0x2, s0;
	s0 =	smul.u32 $0x15400, s0  }
0x8: {  	s17 =	sadd.s32 $0x6C00, s4;
	s21 =	sshll.u32 s11, $0x6;
	s5 =	smul.u32 $0x480, s1  }
0x9: {  	_ =	strace $0x80000050;
	[dreg:$0x3] =	wrdreg s17;
	s20 =	smul.u32 $0x15400, s1  }
0xa: {  	s17 =	simm.s32 $0x180;
	s10 =	sshrl.u32 s19, $0x1;
	s1 =	smul.u32 $0xAA000, s1  }
0xb: {  	s26 =	sadd.s32 s22, s8;
	s16 =	sadd.s32 s7, s6;
	s6 =	sshrl.u32 s18, $0x2  }
0xc: {  	s13 =	ssub.s32 s19, s10;
	s0 =	sadd.s32 s0, s26;
	s18 =	simm.s32 $0x2980  }
0xd: {  	s26 =	simm.s32 $0x50;
	s9 =	sadd.s32 s5, s4;
	s5 =	sshrl.u32 s16, $0x3  }
0xe: {  	s6 =	sadd.s32 s6, s2;
	s7 =	sadd.s32 s8, s20;
	s1 =	sshrl.u32 s1, $0x3  }
0xf: {  	s13 =	smax.u32 s13, $0x1;
	s16 =	simm.s32 $0xA;
	s20 =	simm.s32 $0x80  }
0x10: {  	s4 =	sadd.s32 s5, s4;
	s5 =	sor.u32 $0x1C0A, s21;
	[dreg:$0x4] =	wrdreg s7  }
0x11: {  	s7 =	sadd.s32 $0x2A8800, s9;
	s1 =	sadd.s32 s8, s1;
	s8 =	sadd.s32 $0x1900, s0  }
0x12: {  	s15 =	sshrl.u32 s6, $0x3;
	s21 =	simm.s32 $0x5180;
	s0 =	simm.s32 $0x8  }
0x13: {  	s6 =	simm.s32 $0x0;
	s23 =	sadd.s32 $0x500, s1;
	s24 =	sadd.s32 $0xA00, s1  }
.Ltmp0:
0x14: {  	s25 =	sadd.s32 $0x14A00, s1;
	[dreg:$0x5] =	wrdreg s23;
	(pc) =	sbr.rel .LBB2_1-.Ltmp0, $4  }
0x15: {  	s1 =	sadd.s32 $0x14F00, s1;
	s12 =	sadd.s32 $0xB5800, s4;
	[dreg:$0x6] =	wrdreg s24  }
0x16: {  	s19 =	sadd.s32 $0x10, s7;
	s22 =	sadd.s32 $0x20, s7;
	[dreg:$0x7] =	wrdreg s25  }
0x17: {  	s4 =	simm.s32 $0x9;
	[dreg:$0x8] =	wrdreg s1;
	s23 =	simm.s32 $0x100  }
0x18: {  	s24 =	simm.s32 $0x1;
	s25 =	simm.s32 $0x4;
	s1 =	simm.s32 $0x7  }
.LBB2_4:
0x19: {  	_ =	swait.ge [sflag:s0], $0x2800  }
0x1a: {  	[sflag:s0] =	ssyncset.done $0x0  }
0x1b: {  	[sflag:s0] =	ssyncadd.s32 $0xFFFFD800  }
0x1c: {  	_ =	swait.ge [sflag:s4], $0x2800  }
0x1d: {  	[sflag:s4] =	ssyncset.done $0x0  }
0x1e: {  	s9 =	rddreg [dreg:$0x7];
	[sflag:s4] =	ssyncadd.s32 $0xFFFFD800  }
0x1f: {  	[tilespmem:s17], [sflag:$0x1] =	stream.linear.gather [hbm4b:s9+s3], $0x2800, $0x38;
	[tilespmem:$0x1B980] =	vst v63  }
0x20: {  	s10 =	sadd.s32 $0x420, s7  }
0x21: {  	[tilespmem:s3], [sflag:$0x4] =	stream.linear.gather [hbm4b:s10+s3], $0x80, $0x38;
	[tilespmem:$0x1B980] =	vst v63  }
0x22: {  	_ =	swait.ge [sflag:s24], $0x2800  }
0x23: {  	[sflag:s24] =	ssyncset.done $0x0  }
0x24: {  	[sflag:s24] =	ssyncadd.s32 $0xFFFFD800  }
0x25: {  	_ =	swait.ge [sflag:s25], $0x80  }
0x26: {  	[sflag:s25] =	ssyncset.done $0x0  }
0x27: {  	[sflag:s25] =	ssyncadd.s32 $0xFFFFFF80  }
0x28: {  	[spmem:s2] =	stream.indirect.scatter.add.f32 [tilespmem:s17], [sflag:$0xA], $0x80, s3, s26, $0xb8;
	[tilespmem:$0x1B980] =	vst v63  }
0x29: {  	_ =	swait.ge [sflag:s16], $0x2800  }
0x2a: {  	[sflag:s16] =	ssyncset.done $0x0  }
0x2b: {  	s11 =	rddreg [dreg:$0x8];
	[sflag:s16] =	ssyncadd.s32 $0xFFFFD800  }
0x2c: {  	[tilespmem:s17], [sflag:$0x1] =	stream.linear.gather [hbm4b:s11+s3], $0x2800, $0x38;
	[tilespmem:$0x1B980] =	vst v63  }
0x2d: {  	s14 =	sadd.s32 $0x430, s7  }
0x2e: {  	[tilespmem:s3], [sflag:$0x4] =	stream.linear.gather [hbm4b:s14+s3], $0x80, $0x38;
	[tilespmem:$0x1B980] =	vst v63  }
0x2f: {  	_ =	swait.ge [sflag:s24], $0x2800  }
0x30: {  	[sflag:s24] =	ssyncset.done $0x0  }
0x31: {  	[sflag:s24] =	ssyncadd.s32 $0xFFFFD800  }
0x32: {  	_ =	swait.ge [sflag:s25], $0x80  }
0x33: {  	[sflag:s25] =	ssyncset.done $0x0  }
0x34: {  	[sflag:s25] =	ssyncadd.s32 $0xFFFFFF80  }
0x35: {  	[spmem:s2] =	stream.indirect.scatter.add.f32 [tilespmem:s17], [sflag:$0xA], $0x80, s3, s26, $0xb8;
	[tilespmem:$0x1B980] =	vst v63  }
0x36: {  	_ =	swait.ge [sflag:s16], $0x2800  }
0x37: {  	s6 =	sadd.s32 $0x1, s6;
	[sflag:s16] =	ssyncset.done $0x0  }
0x38: {  	p0 =	sne.s32 s6, s13;
	[sflag:s16] =	ssyncadd.s32 $0xFFFFD800  }
.Ltmp1:
0x39: {  	[bflag:$0x0] =	sbarrier.arrive $0xFFFF;
	(pc) =	sbr.rel @!p0 .LBB2_5-.Ltmp1, $4  }
0x3a: {  	[hbm:s12], [sflag:s5] =	dma.local [spmem:s15], $0x2800  }
0x3b: {  	_ =	swait.ge [sflag:s16], $0x2800  }
0x3c: {  	[sflag:s16] =	ssyncset.done $0x0  }
0x3d: {  	[sflag:s16] =	ssyncadd.s32 $0xFFFFD800  }
.LBB2_1:
0x3e: {  	s9 =	rddreg [dreg:$0x3]  }
0x3f: {  	[spmem:s15], [sflag:s5] =	dma.local [hbm:s9], $0x2800  }
0x40: {  	_ =	swait.ge [sflag:s16], $0x2800  }
0x41: {  	[sflag:s16] =	ssyncset.done $0x0  }
0x42: {  	[sflag:s16] =	ssyncadd.s32 $0xFFFFD800  }
0x43: {  	[bflag:$0x0] =	sbarrier.arrive $0xFFFF  }
0x44: {  	s10 =	rddreg [dreg:$0x4]  }
0x45: {  	[tilespmem:s17], [sflag:$0x1] =	stream.linear.gather [hbm4b:s10+s3], $0x2800, $0x38;
	[tilespmem:$0x1B980] =	vst v63  }
0x46: {  	_ = 	snop  }
0x47: {  	[tilespmem:s3], [sflag:$0x4] =	stream.linear.gather [hbm4b:s7+s3], $0x80, $0x38;
	[tilespmem:$0x1B980] =	vst v63  }
0x48: {  	s11 =	rddreg [dreg:$0x5]  }
0x49: {  	[tilespmem:s18], [sflag:$0x2] =	stream.linear.gather [hbm4b:s11+s3], $0x2800, $0x38;
	[tilespmem:$0x1B980] =	vst v63  }
0x4a: {  	_ = 	snop  }
0x4b: {  	[tilespmem:s20], [sflag:$0x5] =	stream.linear.gather [hbm4b:s19+s3], $0x80, $0x38;
	[tilespmem:$0x1B980] =	vst v63  }
0x4c: {  	s14 =	rddreg [dreg:$0x6]  }
0x4d: {  	[tilespmem:s21], [sflag:$0x3] =	stream.linear.gather [hbm4b:s14+s3], $0x2800, $0x38;
	[tilespmem:$0x1B980] =	vst v63  }
0x4e: {  	s9 =	simm.s32 $0x0;
	s14 =	smov.u32 s8  }
0x4f: {  	[tilespmem:s23], [sflag:$0x6] =	stream.linear.gather [hbm4b:s22+s3], $0x80, $0x38;
	[tilespmem:$0x1B980] =	vst v63  }
.LBB2_2:
0x50: {  	_ =	swait.ge [sflag:s24], $0x2800  }
0x51: {  	[sflag:s24] =	ssyncset.done $0x0  }
0x52: {  	[sflag:s24] =	ssyncadd.s32 $0xFFFFD800  }
0x53: {  	_ =	swait.ge [sflag:s25], $0x80  }
0x54: {  	[sflag:s25] =	ssyncset.done $0x0  }
0x55: {  	[sflag:s25] =	ssyncadd.s32 $0xFFFFFF80  }
0x56: {  	[spmem:s2] =	stream.indirect.scatter.add.f32 [tilespmem:s17], [sflag:$0x7], $0x80, s3, s26, $0xb8;
	[tilespmem:$0x1B980] =	vst v63  }
0x57: {  	_ =	swait.ge [sflag:s28], $0x2800  }
0x58: {  	[sflag:s28] =	ssyncset.done $0x0  }
0x59: {  	[sflag:s28] =	ssyncadd.s32 $0xFFFFD800  }
0x5a: {  	_ =	swait.ge [sflag:s29], $0x80  }
0x5b: {  	[sflag:s29] =	ssyncset.done $0x0  }
0x5c: {  	[sflag:s29] =	ssyncadd.s32 $0xFFFFFF80  }
0x5d: {  	[spmem:s2] =	stream.indirect.scatter.add.f32 [tilespmem:s18], [sflag:$0x8], $0x80, s20, s26, $0xb8;
	[tilespmem:$0x1B980] =	vst v63  }
0x5e: {  	_ =	swait.ge [sflag:s30], $0x2800  }
0x5f: {  	[sflag:s30] =	ssyncset.done $0x0  }
0x60: {  	[sflag:s30] =	ssyncadd.s32 $0xFFFFD800  }
0x61: {  	_ =	swait.ge [sflag:s31], $0x80  }
0x62: {  	p0 =	seq.s32 s9, $0x3F0;
	[sflag:s31] =	ssyncset.done $0x0  }
.Ltmp2:
0x63: {  	[sflag:s31] =	ssyncadd.s32 $0xFFFFFF80;
	(pc) =	sbr.rel @p0 .LBB2_4-.Ltmp2, $4  }
0x64: {  	[spmem:s2] =	stream.indirect.scatter.add.f32 [tilespmem:s21], [sflag:$0x9], $0x80, s23, s26, $0xb8;
	[tilespmem:$0x1B980] =	vst v63  }
0x65: {  	_ =	swait.ge [sflag:s1], $0x2800  }
0x66: {  	[sflag:s1] =	ssyncset.done $0x0  }
0x67: {  	[sflag:s1] =	ssyncadd.s32 $0xFFFFD800  }
0x68: {  	s10 =	sadd.s32 $0xFFFFF600, s14  }
0x69: {  	[tilespmem:s17], [sflag:$0x1] =	stream.linear.gather [hbm4b:s10+s3], $0x2800, $0x38;
	[tilespmem:$0x1B980] =	vst v63  }
0x6a: {  	s10 =	sadd.s32 s9, s7  }
0x6b: {  	s11 =	sadd.s32 $0x30, s10  }
0x6c: {  	[tilespmem:s3], [sflag:$0x4] =	stream.linear.gather [hbm4b:s11+s3], $0x80, $0x38;
	[tilespmem:$0x1B980] =	vst v63  }
0x6d: {  	_ =	swait.ge [sflag:s0], $0x2800  }
0x6e: {  	[sflag:s0] =	ssyncset.done $0x0  }
0x6f: {  	s11 =	sadd.s32 $0xFFFFFB00, s14;
	[sflag:s0] =	ssyncadd.s32 $0xFFFFD800  }
0x70: {  	[tilespmem:s18], [sflag:$0x2] =	stream.linear.gather [hbm4b:s11+s3], $0x2800, $0x38;
	[tilespmem:$0x1B980] =	vst v63  }
0x71: {  	s11 =	sadd.s32 $0x40, s10  }
0x72: {  	[tilespmem:s20], [sflag:$0x5] =	stream.linear.gather [hbm4b:s11+s3], $0x80, $0x38;
	[tilespmem:$0x1B980] =	vst v63  }
0x73: {  	_ =	swait.ge [sflag:s4], $0x2800  }
.Ltmp3:
0x74: {  	[sflag:s4] =	ssyncset.done $0x0;
	(pc) =	sbr.rel .LBB2_2-.Ltmp3, $4  }
0x75: {  	[sflag:s4] =	ssyncadd.s32 $0xFFFFD800  }
0x76: {  	[tilespmem:s21], [sflag:$0x3] =	stream.linear.gather [hbm4b:s14+s3], $0x2800, $0x38;
	[tilespmem:$0x1B980] =	vst v63  }
0x77: {  	s9 =	sadd.s32 $0x30, s9;
	s10 =	sadd.s32 $0x50, s10;
	s14 =	sadd.s32 $0xF00, s14  }
0x78: {  	[tilespmem:s23], [sflag:$0x6] =	stream.linear.gather [hbm4b:s10+s3], $0x80, $0x38;
	[tilespmem:$0x1B980] =	vst v63  }
.LBB2_5:
0x79: {  	_ =	sfence.sel $0x180000  }
0x7a: {  	[bflag:$0x0] =	sbarrier.arrive $0xFFFF  }
0x7b: {  	_ =	strace $0x90000050  }
0x7c: {  	s0 =	stileid.u32;
	[bflag:$0x2] =	sbarrier.arrive $0xFFFF  }
0x7d: {  	p0 =	sne.s32 s0, $0x0;
	s0 =	rddreg [dreg:$0x2]  }
0x7e: {  	s0 =	sadd.s32 @!p0 $0x100000, s0  }
0x7f: {  	[sflag:s0] =	ssyncadd.tile.s32 @!p0 $0x1;
	_ =	shalt  }
.Lfunc_end2:
_tile_overlayer_lowered:
.L_overlay_start_2:
0x80: {  	(tag) =	ssettag $0x2  }
0x81: {  	s0 =	rddreg [dreg:$0x0];
	s2 =	stileid.u32  }
0x82: {  	s1 =	rddreg [dreg:$0x1];
	p0 =	sne.s32 s2, $0x0  }
0x83: {  	s3 =	rddreg [dreg:$0x2];
	[bflag:$0x3] =	sbarrier.arrive $0xFFFF;
	s2 =	simm.s32 @!p0 $0x1C0A  }
0x84: {  	[timem:s3], [sflag:s2] =	dma.local @!p0 [hbm:s0], s1  }
0x85: {  	s0 =	simm.s32 @!p0 $0xA  }
0x86: {  	_ =	swait.ge @!p0 [sflag:s0], s1  }
0x87: {  	s1 =	ssub.s32 @!p0 $0x0, s1;
	[sflag:s0] =	ssyncset.done @!p0 $0x0  }
0x88: {  	[sflag:s0] =	ssyncadd.s32 @!p0 s1  }
0x89: {  	[bflag:$0x3] =	sbarrier.arrive $0xFFFF  }
0x8a: {  	_ =	shalt  }

</sc_bundles>
